<compile_context>
chip_gen: v7x
topology: tpu7x:2x2x1
jax: 0.10.2.dev20260603
libtpu: 0.0.44.dev20260713+nightly
codegen_flags: <defaults>
</compile_context>

<pallas_src>
import jax
import jax.numpy as jnp
from jax import lax
from jax.experimental import pallas as pl
from jax.experimental.pallas import tpu as pltpu
from jax.experimental.pallas import tpu_sc as plsc

B = 16384
D = 64
N = 100000
CH = 4096
NC = 2
NW = 32


def _sc_gather3_t(users, pos_items, neg_items, ut_t, it_t):
    mesh = plsc.VectorSubcoreMesh(core_axis_name="core", subcore_axis_name="subcore")

    @pl.kernel(
        out_type=[
            jax.ShapeDtypeStruct((D, B), jnp.float32),
            jax.ShapeDtypeStruct((D, B), jnp.float32),
            jax.ShapeDtypeStruct((D, B), jnp.float32),
        ],
        mesh=mesh,
        compiler_params=pltpu.CompilerParams(needs_layout_passes=False),
        scratch_types=[
            pltpu.VMEM((1, N), jnp.float32),
            pltpu.VMEM((CH,), jnp.int32),
            pltpu.VMEM((CH,), jnp.int32),
            pltpu.VMEM((CH,), jnp.float32),
            pltpu.VMEM((CH,), jnp.float32),
            pltpu.SemaphoreType.DMA,
            pltpu.SemaphoreType.DMA,
            pltpu.SemaphoreType.DMA,
        ],
    )
    def k(u_hbm, p_hbm, n_hbm, ut_hbm, it_hbm, ou_hbm, op_hbm, on_hbm,
          row_v, idx0_v, idx1_v, out0_v, out1_v, sem_row, sem_idx, sem_out):
        wid = lax.axis_index("subcore") * NC + lax.axis_index("core")
        idx_bufs = (idx0_v, idx1_v)
        out_bufs = (out0_v, out1_v)
        zeros16 = jnp.zeros((16,), jnp.int32)
        NCHUNK = B // CH

        def load_row(tbl_hbm, d):
            nsub = 8
            sub = 12544
            hs = []
            for s in range(nsub):
                lo = s * sub
                ln = min(sub, N - lo)
                hs.append(
                    pltpu.async_copy(
                        tbl_hbm.at[pl.ds(d, 1), pl.ds(lo, ln)],
                        row_v.at[pl.ds(0, 1), pl.ds(lo, ln)],
                        sem_row,
                    )
                )
            return hs

        d0, d1 = wid, wid + NW
        passes = [
            (ut_hbm, d0, u_hbm, ou_hbm, 0),
            (it_hbm, d0, p_hbm, op_hbm, 1),
            (it_hbm, d0, n_hbm, on_hbm, 1),
            (ut_hbm, d1, u_hbm, ou_hbm, 2),
            (it_hbm, d1, p_hbm, op_hbm, 3),
            (it_hbm, d1, n_hbm, on_hbm, 3),
        ]
        sched = [(pi, c) for pi in range(len(passes)) for c in range(NCHUNK)]

        idx_pending = [None] * len(sched)
        out_pending = [None, None]

        def fire_idx(g):
            pi, c = sched[g]
            idx_hbm = passes[pi][2]
            idx_pending[g] = pltpu.async_copy(
                idx_hbm.at[pl.ds(c * CH, CH)], idx_bufs[g % 2], sem_idx
            )

        row_handles = load_row(passes[0][0], passes[0][1])
        fire_idx(0)

        for g, (pi, c) in enumerate(sched):
            tbl_hbm, d, idx_hbm, out_hbm, tag = passes[pi]
            if g == 0 or (c == 0 and tag != passes[pi - 1][4]):
                for h in row_handles:
                    h.wait()
            if g + 1 < len(sched):
                fire_idx(g + 1)
            idx_pending[g].wait()
            if out_pending[g % 2] is not None:
                out_pending[g % 2].wait()
            ib = idx_bufs[g % 2]
            ob = out_bufs[g % 2]

            @pl.loop(0, CH, step=128)
            def _(j):
                ivs = [ib[pl.ds(j + 16 * t, 16)] for t in range(8)]
                gs = [plsc.load_gather(row_v, [zeros16, iv]) for iv in ivs]
                for t in range(8):
                    ob[pl.ds(j + 16 * t, 16)] = gs[t]

            out_pending[g % 2] = pltpu.async_copy(
                ob, out_hbm.at[d, pl.ds(c * CH, CH)], sem_out
            )
            if g + 1 < len(sched):
                npi, nc = sched[g + 1]
                if nc == 0 and passes[npi][4] != tag:
                    row_handles = load_row(passes[npi][0], passes[npi][1])

        for h in out_pending:
            if h is not None:
                h.wait()

    return k(users, pos_items, neg_items, ut_t, it_t)


def _tc_norm_t(u_t, p_t, n_t):
    blk = 2048

    def body(u_ref, p_ref, n_ref, o_ref):
        uu = u_ref[...]
        pp = p_ref[...]
        nn = n_ref[...]
        o_ref[...] = (
            jnp.sum(uu * uu, axis=0)
            + jnp.sum(pp * pp, axis=0)
            + jnp.sum(nn * nn, axis=0)
        )

    return pl.pallas_call(
        body,
        grid=(B // blk,),
        in_specs=[
            pl.BlockSpec((D, blk), lambda i: (0, i)),
            pl.BlockSpec((D, blk), lambda i: (0, i)),
            pl.BlockSpec((D, blk), lambda i: (0, i)),
        ],
        out_specs=pl.BlockSpec((blk,), lambda i: (i,)),
        out_shape=jax.ShapeDtypeStruct((B,), jnp.float32),
    )(u_t, p_t, n_t)


def kernel(users, pos_items, neg_items, user_table, item_table):
    users = users.astype(jnp.int32)
    pos_items = pos_items.astype(jnp.int32)
    neg_items = neg_items.astype(jnp.int32)
    ut_t = user_table.T
    it_t = item_table.T
    ou_t, op_t, on_t = _sc_gather3_t(users, pos_items, neg_items, ut_t, it_t)
    l2 = _tc_norm_t(ou_t, op_t, on_t)
    return (ou_t.T, op_t.T, on_t.T, l2)

# --- scband reference (transcript-rebuilt; emitter-appended) ---
"""Pipeline reference for scband-mf-369367188129 (READ-ONLY COPY).

The authoritative reference and input builder live on the scoring server;
editing this copy changes nothing except your own understanding.
"""

import jax, jax.numpy as jnp
import numpy as np

N_USERS = 100000
N_ITEMS = 100000
EMBED_DIM = 64
BATCH = 16384


def setup_inputs(seed: int = 0) -> dict:
    key = jax.random.key(seed)
    k1, k2, k3, k4, k5 = jax.random.split(key, 5)
    users = jax.random.randint(k1, (BATCH,), 0, N_USERS, dtype=jnp.int64 if jax.config.jax_enable_x64 else jnp.int32)
    pos_items = jax.random.randint(k2, (BATCH,), 0, N_ITEMS, dtype=jnp.int64 if jax.config.jax_enable_x64 else jnp.int32)
    neg_items = jax.random.randint(k3, (BATCH,), 0, N_ITEMS, dtype=jnp.int64 if jax.config.jax_enable_x64 else jnp.int32)
    # learned parameters sized per init_kwargs, init normal_(std=0.1) like torch
    user_table = jax.random.normal(k4, (N_USERS, EMBED_DIM), dtype=jnp.float32) * 0.1
    item_table = jax.random.normal(k5, (N_ITEMS, EMBED_DIM), dtype=jnp.float32) * 0.1
    return {
        "users": users,
        "pos_items": pos_items,
        "neg_items": neg_items,
        "user_table": user_table,
        "item_table": item_table,
    }


def reference(users, pos_items, neg_items, user_table, item_table):
    # MF.bpr_forward
    users_e = jnp.take(user_table, users, axis=0)
    pos_items_e = jnp.take(item_table, pos_items, axis=0)
    neg_items_e = jnp.take(item_table, neg_items, axis=0)
    # torch.norm(x, p=2, dim=1) ** 2 == sum of squares along dim 1
    l2_norm_sq = (
        jnp.sum(users_e ** 2, axis=1)
        + jnp.sum(pos_items_e ** 2, axis=1)
        + jnp.sum(neg_items_e ** 2, axis=1)
    )
    return (users_e, pos_items_e, neg_items_e, l2_norm_sq)

if __name__ == "__main__":
    import jax
    _d = setup_inputs()
    print(jax.jit(kernel)(*tuple(_d.values())))

</pallas_src>

<mosaic_0001>
#map = affine_map<(d0, d1) -> (0)>
#map1 = affine_map<(d0, d1) -> (0, 0)>
module attributes {stable_mosaic.version = 14 : i64} {
  func.func @k(%arg0: i32, %arg1: i32, %arg2: memref<16384xi32, #tpu.memory_space<hbm>>, %arg3: memref<16384xi32, #tpu.memory_space<hbm>>, %arg4: memref<16384xi32, #tpu.memory_space<hbm>>, %arg5: memref<64x100000xf32, #tpu.memory_space<hbm>>, %arg6: memref<64x100000xf32, #tpu.memory_space<hbm>>, %arg7: memref<64x16384xf32, #tpu.memory_space<hbm>>, %arg8: memref<64x16384xf32, #tpu.memory_space<hbm>>, %arg9: memref<64x16384xf32, #tpu.memory_space<hbm>>, %arg10: memref<1x100000xf32, #tpu.memory_space<vmem>>, %arg11: memref<4096xi32, #tpu.memory_space<vmem>>, %arg12: memref<4096xi32, #tpu.memory_space<vmem>>, %arg13: memref<4096xf32, #tpu.memory_space<vmem>>, %arg14: memref<4096xf32, #tpu.memory_space<vmem>>, %arg15: memref<!tpu.dma_semaphore, #tpu.memory_space<semaphore_mem>>, %arg16: memref<!tpu.dma_semaphore, #tpu.memory_space<semaphore_mem>>, %arg17: memref<!tpu.dma_semaphore, #tpu.memory_space<semaphore_mem>>) attributes {dimension_semantics = [#tpu.dimension_semantics<core_parallel>, #tpu.dimension_semantics<subcore_parallel>], iteration_bounds = array<i64: 2, 16>, scalar_prefetch = 0 : i64, scratch_operands = 8 : i64, tpu.core_type = #tpu.core_type<sc_vector_subcore>, window_params = [{transform_indices = #map}, {transform_indices = #map}, {transform_indices = #map}, {transform_indices = #map1}, {transform_indices = #map1}, {transform_indices = #map1}, {transform_indices = #map1}, {transform_indices = #map1}]} {
    %mul3A = arith.constant 2 : i32
    %mul3A_0 = arith.muli %arg1, %mul3A : i32
    %add3A = arith.addi %mul3A_0, %arg0 : i32
    %broadcast_in_dim3A = arith.constant 0 : i32
    %broadcast_in_dim3A_1 = vector.broadcast %broadcast_in_dim3A : i32 to vector<16xi32>
    %add3A_2 = arith.constant 32 : i32
    %add3A_3 = arith.addi %add3A, %add3A_2 : i32
    %dma_start3A = arith.constant 0 : i32
    %dma_start3A_4 = arith.constant 0 : i32
    %dma_start3A_5 = tpu.memref_slice %arg10[%dma_start3A, %dma_start3A_4] : memref<1x100000xf32, #tpu.memory_space<vmem>> -> memref<1x12544xf32, #tpu.memory_space<vmem>>
    %dma_start3A_6 = arith.constant 0 : i32
    %dma_start3A_7 = tpu.memref_slice %arg5[%add3A, %dma_start3A_6] : memref<64x100000xf32, #tpu.memory_space<hbm>> -> memref<1x12544xf32, #tpu.memory_space<hbm>>
    %dma_start3A_8 = arith.constant 0 : i32
    %dma_start3A_9 = arith.constant 0 : i32
    %dma_start3A_10 = tpu.memref_slice %arg10[%dma_start3A_8, %dma_start3A_9] : memref<1x100000xf32, #tpu.memory_space<vmem>> -> memref<1x12544xf32, #tpu.memory_space<vmem>>
    %dma_start3A_11 = arith.constant 0 : i32
    %dma_start3A_12 = tpu.memref_slice %arg5[%add3A, %dma_start3A_11] : memref<64x100000xf32, #tpu.memory_space<hbm>> -> memref<1x12544xf32, #tpu.memory_space<hbm>>
    tpu.enqueue_dma source(%dma_start3A_12 : memref<1x12544xf32, #tpu.memory_space<hbm>>) target(%dma_start3A_10 : memref<1x12544xf32, #tpu.memory_space<vmem>>) target_semaphore(%arg15 : memref<!tpu.dma_semaphore, #tpu.memory_space<semaphore_mem>>)
    %dma_start3A_13 = arith.constant 0 : i32
    %dma_start3A_14 = arith.constant 12544 : i32
    %dma_start3A_15 = tpu.memref_slice %arg10[%dma_start3A_13, %dma_start3A_14] : memref<1x100000xf32, #tpu.memory_space<vmem>> -> memref<1x12544xf32, #tpu.memory_space<vmem>>
    %dma_start3A_16 = arith.constant 12544 : i32
    %dma_start3A_17 = tpu.memref_slice %arg5[%add3A, %dma_start3A_16] : memref<64x100000xf32, #tpu.memory_space<hbm>> -> memref<1x12544xf32, #tpu.memory_space<hbm>>
    %dma_start3A_18 = arith.constant 0 : i32
    %dma_start3A_19 = arith.constant 12544 : i32
    %dma_start3A_20 = tpu.memref_slice %arg10[%dma_start3A_18, %dma_start3A_19] : memref<1x100000xf32, #tpu.memory_space<vmem>> -> memref<1x12544xf32, #tpu.memory_space<vmem>>
    %dma_start3A_21 = arith.constant 12544 : i32
    %dma_start3A_22 = tpu.memref_slice %arg5[%add3A, %dma_start3A_21] : memref<64x100000xf32, #tpu.memory_space<hbm>> -> memref<1x12544xf32, #tpu.memory_space<hbm>>
    tpu.enqueue_dma source(%dma_start3A_22 : memref<1x12544xf32, #tpu.memory_space<hbm>>) target(%dma_start3A_20 : memref<1x12544xf32, #tpu.memory_space<vmem>>) target_semaphore(%arg15 : memref<!tpu.dma_semaphore, #tpu.memory_space<semaphore_mem>>)
    %dma_start3A_23 = arith.constant 0 : i32
    %dma_start3A_24 = arith.constant 25088 : i32
    %dma_start3A_25 = tpu.memref_slice %arg10[%dma_start3A_23, %dma_start3A_24] : memref<1x100000xf32, #tpu.memory_space<vmem>> -> memref<1x12544xf32, #tpu.memory_space<vmem>>
    %dma_start3A_26 = arith.constant 25088 : i32
    %dma_start3A_27 = tpu.memref_slice %arg5[%add3A, %dma_start3A_26] : memref<64x100000xf32, #tpu.memory_space<hbm>> -> memref<1x12544xf32, #tpu.memory_space<hbm>>
    %dma_start3A_28 = arith.constant 0 : i32
    %dma_start3A_29 = arith.constant 25088 : i32
    %dma_start3A_30 = tpu.memref_slice %arg10[%dma_start3A_28, %dma_start3A_29] : memref<1x100000xf32, #tpu.memory_space<vmem>> -> memref<1x12544xf32, #tpu.memory_space<vmem>>
    %dma_start3A_31 = arith.constant 25088 : i32
    %dma_start3A_32 = tpu.memref_slice %arg5[%add3A, %dma_start3A_31] : memref<64x100000xf32, #tpu.memory_space<hbm>> -> memref<1x12544xf32, #tpu.memory_space<hbm>>
    tpu.enqueue_dma source(%dma_start3A_32 : memref<1x12544xf32, #tpu.memory_space<hbm>>) target(%dma_start3A_30 : memref<1x12544xf32, #tpu.memory_space<vmem>>) target_semaphore(%arg15 : memref<!tpu.dma_semaphore, #tpu.memory_space<semaphore_mem>>)
    %dma_start3A_33 = arith.constant 0 : i32
    %dma_start3A_34 = arith.constant 37632 : i32
    %dma_start3A_35 = tpu.memref_slice %arg10[%dma_start3A_33, %dma_start3A_34] : memref<1x100000xf32, #tpu.memory_space<vmem>> -> memref<1x12544xf32, #tpu.memory_space<vmem>>
    %dma_start3A_36 = arith.constant 37632 : i32
    %dma_start3A_37 = tpu.memref_slice %arg5[%add3A, %dma_start3A_36] : memref<64x100000xf32, #tpu.memory_space<hbm>> -> memref<1x12544xf32, #tpu.memory_space<hbm>>
    %dma_start3A_38 = arith.constant 0 : i32
    %dma_start3A_39 = arith.constant 37632 : i32
    %dma_start3A_40 = tpu.memref_slice %arg10[%dma_start3A_38, %dma_start3A_39] : memref<1x100000xf32, #tpu.memory_space<vmem>> -> memref<1x12544xf32, #tpu.memory_space<vmem>>
    %dma_start3A_41 = arith.constant 37632 : i32
    %dma_start3A_42 = tpu.memref_slice %arg5[%add3A, %dma_start3A_41] : memref<64x100000xf32, #tpu.memory_space<hbm>> -> memref<1x12544xf32, #tpu.memory_space<hbm>>
    tpu.enqueue_dma source(%dma_start3A_42 : memref<1x12544xf32, #tpu.memory_space<hbm>>) target(%dma_start3A_40 : memref<1x12544xf32, #tpu.memory_space<vmem>>) target_semaphore(%arg15 : memref<!tpu.dma_semaphore, #tpu.memory_space<semaphore_mem>>)
    %dma_start3A_43 = arith.constant 0 : i32
    %dma_start3A_44 = arith.constant 50176 : i32
    %dma_start3A_45 = tpu.memref_slice %arg10[%dma_start3A_43, %dma_start3A_44] : memref<1x100000xf32, #tpu.memory_space<vmem>> -> memref<1x12544xf32, #tpu.memory_space<vmem>>
    %dma_start3A_46 = arith.constant 50176 : i32
    %dma_start3A_47 = tpu.memref_slice %arg5[%add3A, %dma_start3A_46] : memref<64x100000xf32, #tpu.memory_space<hbm>> -> memref<1x12544xf32, #tpu.memory_space<hbm>>
    %dma_start3A_48 = arith.constant 0 : i32
    %dma_start3A_49 = arith.constant 50176 : i32
    %dma_start3A_50 = tpu.memref_slice %arg10[%dma_start3A_48, %dma_start3A_49] : memref<1x100000xf32, #tpu.memory_space<vmem>> -> memref<1x12544xf32, #tpu.memory_space<vmem>>
    %dma_start3A_51 = arith.constant 50176 : i32
    %dma_start3A_52 = tpu.memref_slice %arg5[%add3A, %dma_start3A_51] : memref<64x100000xf32, #tpu.memory_space<hbm>> -> memref<1x12544xf32, #tpu.memory_space<hbm>>
    tpu.enqueue_dma source(%dma_start3A_52 : memref<1x12544xf32, #tpu.memory_space<hbm>>) target(%dma_start3A_50 : memref<1x12544xf32, #tpu.memory_space<vmem>>) target_semaphore(%arg15 : memref<!tpu.dma_semaphore, #tpu.memory_space<semaphore_mem>>)
    %dma_start3A_53 = arith.constant 0 : i32
    %dma_start3A_54 = arith.constant 62720 : i32
    %dma_start3A_55 = tpu.memref_slice %arg10[%dma_start3A_53, %dma_start3A_54] : memref<1x100000xf32, #tpu.memory_space<vmem>> -> memref<1x12544xf32, #tpu.memory_space<vmem>>
    %dma_start3A_56 = arith.constant 62720 : i32
    %dma_start3A_57 = tpu.memref_slice %arg5[%add3A, %dma_start3A_56] : memref<64x100000xf32, #tpu.memory_space<hbm>> -> memref<1x12544xf32, #tpu.memory_space<hbm>>
    %dma_start3A_58 = arith.constant 0 : i32
    %dma_start3A_59 = arith.constant 62720 : i32
    %dma_start3A_60 = tpu.memref_slice %arg10[%dma_start3A_58, %dma_start3A_59] : memref<1x100000xf32, #tpu.memory_space<vmem>> -> memref<1x12544xf32, #tpu.memory_space<vmem>>
    %dma_start3A_61 = arith.constant 62720 : i32
    %dma_start3A_62 = tpu.memref_slice %arg5[%add3A, %dma_start3A_61] : memref<64x100000xf32, #tpu.memory_space<hbm>> -> memref<1x12544xf32, #tpu.memory_space<hbm>>
    tpu.enqueue_dma source(%dma_start3A_62 : memref<1x12544xf32, #tpu.memory_space<hbm>>) target(%dma_start3A_60 : memref<1x12544xf32, #tpu.memory_space<vmem>>) target_semaphore(%arg15 : memref<!tpu.dma_semaphore, #tpu.memory_space<semaphore_mem>>)
    %dma_start3A_63 = arith.constant 0 : i32
    %dma_start3A_64 = arith.constant 75264 : i32
    %dma_start3A_65 = tpu.memref_slice %arg10[%dma_start3A_63, %dma_start3A_64] : memref<1x100000xf32, #tpu.memory_space<vmem>> -> memref<1x12544xf32, #tpu.memory_space<vmem>>
    %dma_start3A_66 = arith.constant 75264 : i32
    %dma_start3A_67 = tpu.memref_slice %arg5[%add3A, %dma_start3A_66] : memref<64x100000xf32, #tpu.memory_space<hbm>> -> memref<1x12544xf32, #tpu.memory_space<hbm>>
    %dma_start3A_68 = arith.constant 0 : i32
    %dma_start3A_69 = arith.constant 75264 : i32
    %dma_start3A_70 = tpu.memref_slice %arg10[%dma_start3A_68, %dma_start3A_69] : memref<1x100000xf32, #tpu.memory_space<vmem>> -> memref<1x12544xf32, #tpu.memory_space<vmem>>
    %dma_start3A_71 = arith.constant 75264 : i32
    %dma_start3A_72 = tpu.memref_slice %arg5[%add3A, %dma_start3A_71] : memref<64x100000xf32, #tpu.memory_space<hbm>> -> memref<1x12544xf32, #tpu.memory_space<hbm>>
    tpu.enqueue_dma source(%dma_start3A_72 : memref<1x12544xf32, #tpu.memory_space<hbm>>) target(%dma_start3A_70 : memref<1x12544xf32, #tpu.memory_space<vmem>>) target_semaphore(%arg15 : memref<!tpu.dma_semaphore, #tpu.memory_space<semaphore_mem>>)
    %dma_start3A_73 = arith.constant 0 : i32
    %dma_start3A_74 = arith.constant 87808 : i32
    %dma_start3A_75 = tpu.memref_slice %arg10[%dma_start3A_73, %dma_start3A_74] : memref<1x100000xf32, #tpu.memory_space<vmem>> -> memref<1x12192xf32, #tpu.memory_space<vmem>>
    %dma_start3A_76 = arith.constant 87808 : i32
    %dma_start3A_77 = tpu.memref_slice %arg5[%add3A, %dma_start3A_76] : memref<64x100000xf32, #tpu.memory_space<hbm>> -> memref<1x12192xf32, #tpu.memory_space<hbm>>
    %dma_start3A_78 = arith.constant 0 : i32
    %dma_start3A_79 = arith.constant 87808 : i32
    %dma_start3A_80 = tpu.memref_slice %arg10[%dma_start3A_78, %dma_start3A_79] : memref<1x100000xf32, #tpu.memory_space<vmem>> -> memref<1x12192xf32, #tpu.memory_space<vmem>>
    %dma_start3A_81 = arith.constant 87808 : i32
    %dma_start3A_82 = tpu.memref_slice %arg5[%add3A, %dma_start3A_81] : memref<64x100000xf32, #tpu.memory_space<hbm>> -> memref<1x12192xf32, #tpu.memory_space<hbm>>
    tpu.enqueue_dma source(%dma_start3A_82 : memref<1x12192xf32, #tpu.memory_space<hbm>>) target(%dma_start3A_80 : memref<1x12192xf32, #tpu.memory_space<vmem>>) target_semaphore(%arg15 : memref<!tpu.dma_semaphore, #tpu.memory_space<semaphore_mem>>)
    %dma_start3A_83 = arith.constant 0 : i32
    %dma_start3A_84 = tpu.memref_slice %arg2[%dma_start3A_83] : memref<16384xi32, #tpu.memory_space<hbm>> -> memref<4096xi32, #tpu.memory_space<hbm>>
    %dma_start3A_85 = arith.constant 0 : i32
    %dma_start3A_86 = tpu.memref_slice %arg2[%dma_start3A_85] : memref<16384xi32, #tpu.memory_space<hbm>> -> memref<4096xi32, #tpu.memory_space<hbm>>
    tpu.enqueue_dma source(%dma_start3A_86 : memref<4096xi32, #tpu.memory_space<hbm>>) target(%arg11 : memref<4096xi32, #tpu.memory_space<vmem>>) target_semaphore(%arg16 : memref<!tpu.dma_semaphore, #tpu.memory_space<semaphore_mem>>)
    %dma_wait3A = arith.constant 0 : i32
    %dma_wait3A_87 = arith.constant 0 : i32
    %dma_wait3A_88 = tpu.memref_slice %arg10[%dma_wait3A, %dma_wait3A_87] : memref<1x100000xf32, #tpu.memory_space<vmem>> -> memref<1x12544xf32, #tpu.memory_space<vmem>>
    %dma_wait3A_89 = arith.constant 0 : i32
    %dma_wait3A_90 = tpu.memref_slice %arg5[%add3A, %dma_wait3A_89] : memref<64x100000xf32, #tpu.memory_space<hbm>> -> memref<1x12544xf32, #tpu.memory_space<hbm>>
    %dma_wait3A_91 = arith.constant 0 : i32
    %dma_wait3A_92 = arith.constant 0 : i32
    %dma_wait3A_93 = tpu.memref_slice %arg10[%dma_wait3A_91, %dma_wait3A_92] : memref<1x100000xf32, #tpu.memory_space<vmem>> -> memref<1x12544xf32, #tpu.memory_space<vmem>>
    %dma_wait3A_94 = arith.constant 0 : i32
    %dma_wait3A_95 = tpu.memref_slice %arg5[%add3A, %dma_wait3A_94] : memref<64x100000xf32, #tpu.memory_space<hbm>> -> memref<1x12544xf32, #tpu.memory_space<hbm>>
    tpu.wait_dma2 semaphore(%arg15 : memref<!tpu.dma_semaphore, #tpu.memory_space<semaphore_mem>>) src(%dma_wait3A_95 : memref<1x12544xf32, #tpu.memory_space<hbm>>) dst(%dma_wait3A_93 : memref<1x12544xf32, #tpu.memory_space<vmem>>)
    %dma_wait3A_96 = arith.constant 0 : i32
    %dma_wait3A_97 = arith.constant 12544 : i32
    %dma_wait3A_98 = tpu.memref_slice %arg10[%dma_wait3A_96, %dma_wait3A_97] : memref<1x100000xf32, #tpu.memory_space<vmem>> -> memref<1x12544xf32, #tpu.memory_space<vmem>>
    %dma_wait3A_99 = arith.constant 12544 : i32
    %dma_wait3A_100 = tpu.memref_slice %arg5[%add3A, %dma_wait3A_99] : memref<64x100000xf32, #tpu.memory_space<hbm>> -> memref<1x12544xf32, #tpu.memory_space<hbm>>
    %dma_wait3A_101 = arith.constant 0 : i32
    %dma_wait3A_102 = arith.constant 12544 : i32
    %dma_wait3A_103 = tpu.memref_slice %arg10[%dma_wait3A_101, %dma_wait3A_102] : memref<1x100000xf32, #tpu.memory_space<vmem>> -> memref<1x12544xf32, #tpu.memory_space<vmem>>
    %dma_wait3A_104 = arith.constant 12544 : i32
    %dma_wait3A_105 = tpu.memref_slice %arg5[%add3A, %dma_wait3A_104] : memref<64x100000xf32, #tpu.memory_space<hbm>> -> memref<1x12544xf32, #tpu.memory_space<hbm>>
    tpu.wait_dma2 semaphore(%arg15 : memref<!tpu.dma_semaphore, #tpu.memory_space<semaphore_mem>>) src(%dma_wait3A_105 : memref<1x12544xf32, #tpu.memory_space<hbm>>) dst(%dma_wait3A_103 : memref<1x12544xf32, #tpu.memory_space<vmem>>)
    %dma_wait3A_106 = arith.constant 0 : i32
    %dma_wait3A_107 = arith.constant 25088 : i32
    %dma_wait3A_108 = tpu.memref_slice %arg10[%dma_wait3A_106, %dma_wait3A_107] : memref<1x100000xf32, #tpu.memory_space<vmem>> -> memref<1x12544xf32, #tpu.memory_space<vmem>>
    %dma_wait3A_109 = arith.constant 25088 : i32
    %dma_wait3A_110 = tpu.memref_slice %arg5[%add3A, %dma_wait3A_109] : memref<64x100000xf32, #tpu.memory_space<hbm>> -> memref<1x12544xf32, #tpu.memory_space<hbm>>
    %dma_wait3A_111 = arith.constant 0 : i32
    %dma_wait3A_112 = arith.constant 25088 : i32
    %dma_wait3A_113 = tpu.memref_slice %arg10[%dma_wait3A_111, %dma_wait3A_112] : memref<1x100000xf32, #tpu.memory_space<vmem>> -> memref<1x12544xf32, #tpu.memory_space<vmem>>
    %dma_wait3A_114 = arith.constant 25088 : i32
    %dma_wait3A_115 = tpu.memref_slice %arg5[%add3A, %dma_wait3A_114] : memref<64x100000xf32, #tpu.memory_space<hbm>> -> memref<1x12544xf32, #tpu.memory_space<hbm>>
    tpu.wait_dma2 semaphore(%arg15 : memref<!tpu.dma_semaphore, #tpu.memory_space<semaphore_mem>>) src(%dma_wait3A_115 : memref<1x12544xf32, #tpu.memory_space<hbm>>) dst(%dma_wait3A_113 : memref<1x12544xf32, #tpu.memory_space<vmem>>)
    %dma_wait3A_116 = arith.constant 0 : i32
    %dma_wait3A_117 = arith.constant 37632 : i32
    %dma_wait3A_118 = tpu.memref_slice %arg10[%dma_wait3A_116, %dma_wait3A_117] : memref<1x100000xf32, #tpu.memory_space<vmem>> -> memref<1x12544xf32, #tpu.memory_space<vmem>>
    %dma_wait3A_119 = arith.constant 37632 : i32
    %dma_wait3A_120 = tpu.memref_slice %arg5[%add3A, %dma_wait3A_119] : memref<64x100000xf32, #tpu.memory_space<hbm>> -> memref<1x12544xf32, #tpu.memory_space<hbm>>
    %dma_wait3A_121 = arith.constant 0 : i32
    %dma_wait3A_122 = arith.constant 37632 : i32
    %dma_wait3A_123 = tpu.memref_slice %arg10[%dma_wait3A_121, %dma_wait3A_122] : memref<1x100000xf32, #tpu.memory_space<vmem>> -> memref<1x12544xf32, #tpu.memory_space<vmem>>
    %dma_wait3A_124 = arith.constant 37632 : i32
    %dma_wait3A_125 = tpu.memref_slice %arg5[%add3A, %dma_wait3A_124] : memref<64x100000xf32, #tpu.memory_space<hbm>> -> memref<1x12544xf32, #tpu.memory_space<hbm>>
    tpu.wait_dma2 semaphore(%arg15 : memref<!tpu.dma_semaphore, #tpu.memory_space<semaphore_mem>>) src(%dma_wait3A_125 : memref<1x12544xf32, #tpu.memory_space<hbm>>) dst(%dma_wait3A_123 : memref<1x12544xf32, #tpu.memory_space<vmem>>)
    %dma_wait3A_126 = arith.constant 0 : i32
    %dma_wait3A_127 = arith.constant 50176 : i32
    %dma_wait3A_128 = tpu.memref_slice %arg10[%dma_wait3A_126, %dma_wait3A_127] : memref<1x100000xf32, #tpu.memory_space<vmem>> -> memref<1x12544xf32, #tpu.memory_space<vmem>>
    %dma_wait3A_129 = arith.constant 50176 : i32
    %dma_wait3A_130 = tpu.memref_slice %arg5[%add3A, %dma_wait3A_129] : memref<64x100000xf32, #tpu.memory_space<hbm>> -> memref<1x12544xf32, #tpu.memory_space<hbm>>
    %dma_wait3A_131 = arith.constant 0 : i32
    %dma_wait3A_132 = arith.constant 50176 : i32
    %dma_wait3A_133 = tpu.memref_slice %arg10[%dma_wait3A_131, %dma_wait3A_132] : memref<1x100000xf32, #tpu.memory_space<vmem>> -> memref<1x12544xf32, #tpu.memory_space<vmem>>
    %dma_wait3A_134 = arith.constant 50176 : i32
    %dma_wait3A_135 = tpu.memref_slice %arg5[%add3A, %dma_wait3A_134] : memref<64x100000xf32, #tpu.memory_space<hbm>> -> memref<1x12544xf32, #tpu.memory_space<hbm>>
    tpu.wait_dma2 semaphore(%arg15 : memref<!tpu.dma_semaphore, #tpu.memory_space<semaphore_mem>>) src(%dma_wait3A_135 : memref<1x12544xf32, #tpu.memory_space<hbm>>) dst(%dma_wait3A_133 : memref<1x12544xf32, #tpu.memory_space<vmem>>)
    %dma_wait3A_136 = arith.constant 0 : i32
    %dma_wait3A_137 = arith.constant 62720 : i32
    %dma_wait3A_138 = tpu.memref_slice %arg10[%dma_wait3A_136, %dma_wait3A_137] : memref<1x100000xf32, #tpu.memory_space<vmem>> -> memref<1x12544xf32, #tpu.memory_space<vmem>>
    %dma_wait3A_139 = arith.constant 62720 : i32
    %dma_wait3A_140 = tpu.memref_slice %arg5[%add3A, %dma_wait3A_139] : memref<64x100000xf32, #tpu.memory_space<hbm>> -> memref<1x12544xf32, #tpu.memory_space<hbm>>
    %dma_wait3A_141 = arith.constant 0 : i32
    %dma_wait3A_142 = arith.constant 62720 : i32
    %dma_wait3A_143 = tpu.memref_slice %arg10[%dma_wait3A_141, %dma_wait3A_142] : memref<1x100000xf32, #tpu.memory_space<vmem>> -> memref<1x12544xf32, #tpu.memory_space<vmem>>
    %dma_wait3A_144 = arith.constant 62720 : i32
    %dma_wait3A_145 = tpu.memref_slice %arg5[%add3A, %dma_wait3A_144] : memref<64x100000xf32, #tpu.memory_space<hbm>> -> memref<1x12544xf32, #tpu.memory_space<hbm>>
    tpu.wait_dma2 semaphore(%arg15 : memref<!tpu.dma_semaphore, #tpu.memory_space<semaphore_mem>>) src(%dma_wait3A_145 : memref<1x12544xf32, #tpu.memory_space<hbm>>) dst(%dma_wait3A_143 : memref<1x12544xf32, #tpu.memory_space<vmem>>)
    %dma_wait3A_146 = arith.constant 0 : i32
    %dma_wait3A_147 = arith.constant 75264 : i32
    %dma_wait3A_148 = tpu.memref_slice %arg10[%dma_wait3A_146, %dma_wait3A_147] : memref<1x100000xf32, #tpu.memory_space<vmem>> -> memref<1x12544xf32, #tpu.memory_space<vmem>>
    %dma_wait3A_149 = arith.constant 75264 : i32
    %dma_wait3A_150 = tpu.memref_slice %arg5[%add3A, %dma_wait3A_149] : memref<64x100000xf32, #tpu.memory_space<hbm>> -> memref<1x12544xf32, #tpu.memory_space<hbm>>
    %dma_wait3A_151 = arith.constant 0 : i32
    %dma_wait3A_152 = arith.constant 75264 : i32
    %dma_wait3A_153 = tpu.memref_slice %arg10[%dma_wait3A_151, %dma_wait3A_152] : memref<1x100000xf32, #tpu.memory_space<vmem>> -> memref<1x12544xf32, #tpu.memory_space<vmem>>
    %dma_wait3A_154 = arith.constant 75264 : i32
    %dma_wait3A_155 = tpu.memref_slice %arg5[%add3A, %dma_wait3A_154] : memref<64x100000xf32, #tpu.memory_space<hbm>> -> memref<1x12544xf32, #tpu.memory_space<hbm>>
    tpu.wait_dma2 semaphore(%arg15 : memref<!tpu.dma_semaphore, #tpu.memory_space<semaphore_mem>>) src(%dma_wait3A_155 : memref<1x12544xf32, #tpu.memory_space<hbm>>) dst(%dma_wait3A_153 : memref<1x12544xf32, #tpu.memory_space<vmem>>)
    %dma_wait3A_156 = arith.constant 0 : i32
    %dma_wait3A_157 = arith.constant 87808 : i32
    %dma_wait3A_158 = tpu.memref_slice %arg10[%dma_wait3A_156, %dma_wait3A_157] : memref<1x100000xf32, #tpu.memory_space<vmem>> -> memref<1x12192xf32, #tpu.memory_space<vmem>>
    %dma_wait3A_159 = arith.constant 87808 : i32
    %dma_wait3A_160 = tpu.memref_slice %arg5[%add3A, %dma_wait3A_159] : memref<64x100000xf32, #tpu.memory_space<hbm>> -> memref<1x12192xf32, #tpu.memory_space<hbm>>
    %dma_wait3A_161 = arith.constant 0 : i32
    %dma_wait3A_162 = arith.constant 87808 : i32
    %dma_wait3A_163 = tpu.memref_slice %arg10[%dma_wait3A_161, %dma_wait3A_162] : memref<1x100000xf32, #tpu.memory_space<vmem>> -> memref<1x12192xf32, #tpu.memory_space<vmem>>
    %dma_wait3A_164 = arith.constant 87808 : i32
    %dma_wait3A_165 = tpu.memref_slice %arg5[%add3A, %dma_wait3A_164] : memref<64x100000xf32, #tpu.memory_space<hbm>> -> memref<1x12192xf32, #tpu.memory_space<hbm>>
    tpu.wait_dma2 semaphore(%arg15 : memref<!tpu.dma_semaphore, #tpu.memory_space<semaphore_mem>>) src(%dma_wait3A_165 : memref<1x12192xf32, #tpu.memory_space<hbm>>) dst(%dma_wait3A_163 : memref<1x12192xf32, #tpu.memory_space<vmem>>)
    %dma_start3A_166 = arith.constant 4096 : i32
    %dma_start3A_167 = tpu.memref_slice %arg2[%dma_start3A_166] : memref<16384xi32, #tpu.memory_space<hbm>> -> memref<4096xi32, #tpu.memory_space<hbm>>
    %dma_start3A_168 = arith.constant 4096 : i32
    %dma_start3A_169 = tpu.memref_slice %arg2[%dma_start3A_168] : memref<16384xi32, #tpu.memory_space<hbm>> -> memref<4096xi32, #tpu.memory_space<hbm>>
    tpu.enqueue_dma source(%dma_start3A_169 : memref<4096xi32, #tpu.memory_space<hbm>>) target(%arg12 : memref<4096xi32, #tpu.memory_space<vmem>>) target_semaphore(%arg16 : memref<!tpu.dma_semaphore, #tpu.memory_space<semaphore_mem>>)
    %dma_wait3A_170 = arith.constant 0 : i32
    %dma_wait3A_171 = tpu.memref_slice %arg2[%dma_wait3A_170] : memref<16384xi32, #tpu.memory_space<hbm>> -> memref<4096xi32, #tpu.memory_space<hbm>>
    %dma_wait3A_172 = arith.constant 0 : i32
    %dma_wait3A_173 = tpu.memref_slice %arg2[%dma_wait3A_172] : memref<16384xi32, #tpu.memory_space<hbm>> -> memref<4096xi32, #tpu.memory_space<hbm>>
    tpu.wait_dma2 semaphore(%arg16 : memref<!tpu.dma_semaphore, #tpu.memory_space<semaphore_mem>>) src(%dma_wait3A_173 : memref<4096xi32, #tpu.memory_space<hbm>>) dst(%arg11 : memref<4096xi32, #tpu.memory_space<vmem>>)
    %scan3A = arith.constant 0 : i32
    %scan3A_174 = arith.constant 32 : i32
    %scan3A_175 = arith.addi %scan3A, %scan3A_174 : i32
    %scan3A_176 = arith.constant 1 : i32
    scf.for %scan3A_1241 = %scan3A to %scan3A_175 step %scan3A_176  : i32 {
      %mul3A_1242 = arith.constant 128 : i32
      %mul3A_1243 = arith.muli %scan3A_1241, %mul3A_1242 : i32
      %add3A_1244 = arith.constant 0 : i32
      %add3A_1245 = arith.addi %add3A_1244, %mul3A_1243 : i32
      %add3A_1246 = arith.constant 0 : i32
      %add3A_1247 = arith.addi %add3A_1245, %add3A_1246 : i32
      %get3A = arith.index_cast %add3A_1247 : i32 to index
      %get3A_1248 = tpu.vector_load %arg11[%get3A] {strides = array<i32>} : memref<4096xi32, #tpu.memory_space<vmem>>, vector<16xi32>,
      %add3A_1249 = arith.constant 16 : i32
      %add3A_1250 = arith.addi %add3A_1245, %add3A_1249 : i32
      %get3A_1251 = arith.index_cast %add3A_1250 : i32 to index
      %get3A_1252 = tpu.vector_load %arg11[%get3A_1251] {strides = array<i32>} : memref<4096xi32, #tpu.memory_space<vmem>>, vector<16xi32>,
      %add3A_1253 = arith.constant 32 : i32
      %add3A_1254 = arith.addi %add3A_1245, %add3A_1253 : i32
      %get3A_1255 = arith.index_cast %add3A_1254 : i32 to index
      %get3A_1256 = tpu.vector_load %arg11[%get3A_1255] {strides = array<i32>} : memref<4096xi32, #tpu.memory_space<vmem>>, vector<16xi32>,
      %add3A_1257 = arith.constant 48 : i32
      %add3A_1258 = arith.addi %add3A_1245, %add3A_1257 : i32
      %get3A_1259 = arith.index_cast %add3A_1258 : i32 to index
      %get3A_1260 = tpu.vector_load %arg11[%get3A_1259] {strides = array<i32>} : memref<4096xi32, #tpu.memory_space<vmem>>, vector<16xi32>,
      %add3A_1261 = arith.constant 64 : i32
      %add3A_1262 = arith.addi %add3A_1245, %add3A_1261 : i32
      %get3A_1263 = arith.index_cast %add3A_1262 : i32 to index
      %get3A_1264 = tpu.vector_load %arg11[%get3A_1263] {strides = array<i32>} : memref<4096xi32, #tpu.memory_space<vmem>>, vector<16xi32>,
      %add3A_1265 = arith.constant 80 : i32
      %add3A_1266 = arith.addi %add3A_1245, %add3A_1265 : i32
      %get3A_1267 = arith.index_cast %add3A_1266 : i32 to index
      %get3A_1268 = tpu.vector_load %arg11[%get3A_1267] {strides = array<i32>} : memref<4096xi32, #tpu.memory_space<vmem>>, vector<16xi32>,
      %add3A_1269 = arith.constant 96 : i32
      %add3A_1270 = arith.addi %add3A_1245, %add3A_1269 : i32
      %get3A_1271 = arith.index_cast %add3A_1270 : i32 to index
      %get3A_1272 = tpu.vector_load %arg11[%get3A_1271] {strides = array<i32>} : memref<4096xi32, #tpu.memory_space<vmem>>, vector<16xi32>,
      %add3A_1273 = arith.constant 112 : i32
      %add3A_1274 = arith.addi %add3A_1245, %add3A_1273 : i32
      %get3A_1275 = arith.index_cast %add3A_1274 : i32 to index
      %get3A_1276 = tpu.vector_load %arg11[%get3A_1275] {strides = array<i32>} : memref<4096xi32, #tpu.memory_space<vmem>>, vector<16xi32>,
      %gather3A = tpu.vector_load_idx %arg10[%broadcast_in_dim3A_1, %get3A_1248] : memref<1x100000xf32, #tpu.memory_space<vmem>>[vector<16xi32>, vector<16xi32>], vector<16xf32>,
      %gather3A_1277 = tpu.vector_load_idx %arg10[%broadcast_in_dim3A_1, %get3A_1252] : memref<1x100000xf32, #tpu.memory_space<vmem>>[vector<16xi32>, vector<16xi32>], vector<16xf32>,
      %gather3A_1278 = tpu.vector_load_idx %arg10[%broadcast_in_dim3A_1, %get3A_1256] : memref<1x100000xf32, #tpu.memory_space<vmem>>[vector<16xi32>, vector<16xi32>], vector<16xf32>,
      %gather3A_1279 = tpu.vector_load_idx %arg10[%broadcast_in_dim3A_1, %get3A_1260] : memref<1x100000xf32, #tpu.memory_space<vmem>>[vector<16xi32>, vector<16xi32>], vector<16xf32>,
      %gather3A_1280 = tpu.vector_load_idx %arg10[%broadcast_in_dim3A_1, %get3A_1264] : memref<1x100000xf32, #tpu.memory_space<vmem>>[vector<16xi32>, vector<16xi32>], vector<16xf32>,
      %gather3A_1281 = tpu.vector_load_idx %arg10[%broadcast_in_dim3A_1, %get3A_1268] : memref<1x100000xf32, #tpu.memory_space<vmem>>[vector<16xi32>, vector<16xi32>], vector<16xf32>,
      %gather3A_1282 = tpu.vector_load_idx %arg10[%broadcast_in_dim3A_1, %get3A_1272] : memref<1x100000xf32, #tpu.memory_space<vmem>>[vector<16xi32>, vector<16xi32>], vector<16xf32>,
      %gather3A_1283 = tpu.vector_load_idx %arg10[%broadcast_in_dim3A_1, %get3A_1276] : memref<1x100000xf32, #tpu.memory_space<vmem>>[vector<16xi32>, vector<16xi32>], vector<16xf32>,
      %add3A_1284 = arith.constant 0 : i32
      %add3A_1285 = arith.addi %add3A_1245, %add3A_1284 : i32
      %swap3A = arith.index_cast %add3A_1285 : i32 to index
      %swap3A_1286 = tpu.vector_load %arg13[%swap3A] {strides = array<i32>} : memref<4096xf32, #tpu.memory_space<vmem>>, vector<16xf32>,
      tpu.vector_store %arg13[%swap3A], %gather3A {strides = array<i32>} : memref<4096xf32, #tpu.memory_space<vmem>>, vector<16xf32>,
      %add3A_1287 = arith.constant 16 : i32
      %add3A_1288 = arith.addi %add3A_1245, %add3A_1287 : i32
      %swap3A_1289 = arith.index_cast %add3A_1288 : i32 to index
      %swap3A_1290 = tpu.vector_load %arg13[%swap3A_1289] {strides = array<i32>} : memref<4096xf32, #tpu.memory_space<vmem>>, vector<16xf32>,
      tpu.vector_store %arg13[%swap3A_1289], %gather3A_1277 {strides = array<i32>} : memref<4096xf32, #tpu.memory_space<vmem>>, vector<16xf32>,
      %add3A_1291 = arith.constant 32 : i32
      %add3A_1292 = arith.addi %add3A_1245, %add3A_1291 : i32
      %swap3A_1293 = arith.index_cast %add3A_1292 : i32 to index
      %swap3A_1294 = tpu.vector_load %arg13[%swap3A_1293] {strides = array<i32>} : memref<4096xf32, #tpu.memory_space<vmem>>, vector<16xf32>,
      tpu.vector_store %arg13[%swap3A_1293], %gather3A_1278 {strides = array<i32>} : memref<4096xf32, #tpu.memory_space<vmem>>, vector<16xf32>,
      %add3A_1295 = arith.constant 48 : i32
      %add3A_1296 = arith.addi %add3A_1245, %add3A_1295 : i32
      %swap3A_1297 = arith.index_cast %add3A_1296 : i32 to index
      %swap3A_1298 = tpu.vector_load %arg13[%swap3A_1297] {strides = array<i32>} : memref<4096xf32, #tpu.memory_space<vmem>>, vector<16xf32>,
      tpu.vector_store %arg13[%swap3A_1297], %gather3A_1279 {strides = array<i32>} : memref<4096xf32, #tpu.memory_space<vmem>>, vector<16xf32>,
      %add3A_1299 = arith.constant 64 : i32
      %add3A_1300 = arith.addi %add3A_1245, %add3A_1299 : i32
      %swap3A_1301 = arith.index_cast %add3A_1300 : i32 to index
      %swap3A_1302 = tpu.vector_load %arg13[%swap3A_1301] {strides = array<i32>} : memref<4096xf32, #tpu.memory_space<vmem>>, vector<16xf32>,
      tpu.vector_store %arg13[%swap3A_1301], %gather3A_1280 {strides = array<i32>} : memref<4096xf32, #tpu.memory_space<vmem>>, vector<16xf32>,
      %add3A_1303 = arith.constant 80 : i32
      %add3A_1304 = arith.addi %add3A_1245, %add3A_1303 : i32
      %swap3A_1305 = arith.index_cast %add3A_1304 : i32 to index
      %swap3A_1306 = tpu.vector_load %arg13[%swap3A_1305] {strides = array<i32>} : memref<4096xf32, #tpu.memory_space<vmem>>, vector<16xf32>,
      tpu.vector_store %arg13[%swap3A_1305], %gather3A_1281 {strides = array<i32>} : memref<4096xf32, #tpu.memory_space<vmem>>, vector<16xf32>,
      %add3A_1307 = arith.constant 96 : i32
      %add3A_1308 = arith.addi %add3A_1245, %add3A_1307 : i32
      %swap3A_1309 = arith.index_cast %add3A_1308 : i32 to index
      %swap3A_1310 = tpu.vector_load %arg13[%swap3A_1309] {strides = array<i32>} : memref<4096xf32, #tpu.memory_space<vmem>>, vector<16xf32>,
      tpu.vector_store %arg13[%swap3A_1309], %gather3A_1282 {strides = array<i32>} : memref<4096xf32, #tpu.memory_space<vmem>>, vector<16xf32>,
      %add3A_1311 = arith.constant 112 : i32
      %add3A_1312 = arith.addi %add3A_1245, %add3A_1311 : i32
      %swap3A_1313 = arith.index_cast %add3A_1312 : i32 to index
      %swap3A_1314 = tpu.vector_load %arg13[%swap3A_1313] {strides = array<i32>} : memref<4096xf32, #tpu.memory_space<vmem>>, vector<16xf32>,
      tpu.vector_store %arg13[%swap3A_1313], %gather3A_1283 {strides = array<i32>} : memref<4096xf32, #tpu.memory_space<vmem>>, vector<16xf32>,
    }
    %scan3A_177 = arith.constant 32 : i32
    %dma_start3A_178 = arith.constant 0 : i32
    %dma_start3A_179 = tpu.memref_slice %arg7[%add3A, %dma_start3A_178] : memref<64x16384xf32, #tpu.memory_space<hbm>> -> memref<1x4096xf32, #tpu.memory_space<hbm>>
    %dma_start3A_180 = tpu.memref_squeeze %dma_start3A_179 : memref<1x4096xf32, #tpu.memory_space<hbm>> -> memref<4096xf32, #tpu.memory_space<hbm>>
    %dma_start3A_181 = arith.constant 0 : i32
    %dma_start3A_182 = tpu.memref_slice %arg7[%add3A, %dma_start3A_181] : memref<64x16384xf32, #tpu.memory_space<hbm>> -> memref<1x4096xf32, #tpu.memory_space<hbm>>
    %dma_start3A_183 = tpu.memref_squeeze %dma_start3A_182 : memref<1x4096xf32, #tpu.memory_space<hbm>> -> memref<4096xf32, #tpu.memory_space<hbm>>
    tpu.enqueue_dma source(%arg13 : memref<4096xf32, #tpu.memory_space<vmem>>) target(%dma_start3A_183 : memref<4096xf32, #tpu.memory_space<hbm>>) target_semaphore(%arg17 : memref<!tpu.dma_semaphore, #tpu.memory_space<semaphore_mem>>)
    %dma_start3A_184 = arith.constant 8192 : i32
    %dma_start3A_185 = tpu.memref_slice %arg2[%dma_start3A_184] : memref<16384xi32, #tpu.memory_space<hbm>> -> memref<4096xi32, #tpu.memory_space<hbm>>
    %dma_start3A_186 = arith.constant 8192 : i32
    %dma_start3A_187 = tpu.memref_slice %arg2[%dma_start3A_186] : memref<16384xi32, #tpu.memory_space<hbm>> -> memref<4096xi32, #tpu.memory_space<hbm>>
    tpu.enqueue_dma source(%dma_start3A_187 : memref<4096xi32, #tpu.memory_space<hbm>>) target(%arg11 : memref<4096xi32, #tpu.memory_space<vmem>>) target_semaphore(%arg16 : memref<!tpu.dma_semaphore, #tpu.memory_space<semaphore_mem>>)
    %dma_wait3A_188 = arith.constant 4096 : i32
    %dma_wait3A_189 = tpu.memref_slice %arg2[%dma_wait3A_188] : memref<16384xi32, #tpu.memory_space<hbm>> -> memref<4096xi32, #tpu.memory_space<hbm>>
    %dma_wait3A_190 = arith.constant 4096 : i32
    %dma_wait3A_191 = tpu.memref_slice %arg2[%dma_wait3A_190] : memref<16384xi32, #tpu.memory_space<hbm>> -> memref<4096xi32, #tpu.memory_space<hbm>>
    tpu.wait_dma2 semaphore(%arg16 : memref<!tpu.dma_semaphore, #tpu.memory_space<semaphore_mem>>) src(%dma_wait3A_191 : memref<4096xi32, #tpu.memory_space<hbm>>) dst(%arg12 : memref<4096xi32, #tpu.memory_space<vmem>>)
    %scan3A_192 = arith.constant 0 : i32
    %scan3A_193 = arith.constant 32 : i32
    %scan3A_194 = arith.addi %scan3A_192, %scan3A_193 : i32
    %scan3A_195 = arith.constant 1 : i32
    scf.for %scan3A_1241 = %scan3A_192 to %scan3A_194 step %scan3A_195  : i32 {
      %mul3A_1242 = arith.constant 128 : i32
      %mul3A_1243 = arith.muli %scan3A_1241, %mul3A_1242 : i32
      %add3A_1244 = arith.constant 0 : i32
      %add3A_1245 = arith.addi %add3A_1244, %mul3A_1243 : i32
      %add3A_1246 = arith.constant 0 : i32
      %add3A_1247 = arith.addi %add3A_1245, %add3A_1246 : i32
      %get3A = arith.index_cast %add3A_1247 : i32 to index
      %get3A_1248 = tpu.vector_load %arg12[%get3A] {strides = array<i32>} : memref<4096xi32, #tpu.memory_space<vmem>>, vector<16xi32>,
      %add3A_1249 = arith.constant 16 : i32
      %add3A_1250 = arith.addi %add3A_1245, %add3A_1249 : i32
      %get3A_1251 = arith.index_cast %add3A_1250 : i32 to index
      %get3A_1252 = tpu.vector_load %arg12[%get3A_1251] {strides = array<i32>} : memref<4096xi32, #tpu.memory_space<vmem>>, vector<16xi32>,
      %add3A_1253 = arith.constant 32 : i32
      %add3A_1254 = arith.addi %add3A_1245, %add3A_1253 : i32
      %get3A_1255 = arith.index_cast %add3A_1254 : i32 to index
      %get3A_1256 = tpu.vector_load %arg12[%get3A_1255] {strides = array<i32>} : memref<4096xi32, #tpu.memory_space<vmem>>, vector<16xi32>,
      %add3A_1257 = arith.constant 48 : i32
      %add3A_1258 = arith.addi %add3A_1245, %add3A_1257 : i32
      %get3A_1259 = arith.index_cast %add3A_1258 : i32 to index
      %get3A_1260 = tpu.vector_load %arg12[%get3A_1259] {strides = array<i32>} : memref<4096xi32, #tpu.memory_space<vmem>>, vector<16xi32>,
      %add3A_1261 = arith.constant 64 : i32
      %add3A_1262 = arith.addi %add3A_1245, %add3A_1261 : i32
      %get3A_1263 = arith.index_cast %add3A_1262 : i32 to index
      %get3A_1264 = tpu.vector_load %arg12[%get3A_1263] {strides = array<i32>} : memref<4096xi32, #tpu.memory_space<vmem>>, vector<16xi32>,
      %add3A_1265 = arith.constant 80 : i32
      %add3A_1266 = arith.addi %add3A_1245, %add3A_1265 : i32
      %get3A_1267 = arith.index_cast %add3A_1266 : i32 to index
      %get3A_1268 = tpu.vector_load %arg12[%get3A_1267] {strides = array<i32>} : memref<4096xi32, #tpu.memory_space<vmem>>, vector<16xi32>,
      %add3A_1269 = arith.constant 96 : i32
      %add3A_1270 = arith.addi %add3A_1245, %add3A_1269 : i32
      %get3A_1271 = arith.index_cast %add3A_1270 : i32 to index
      %get3A_1272 = tpu.vector_load %arg12[%get3A_1271] {strides = array<i32>} : memref<4096xi32, #tpu.memory_space<vmem>>, vector<16xi32>,
      %add3A_1273 = arith.constant 112 : i32
      %add3A_1274 = arith.addi %add3A_1245, %add3A_1273 : i32
      %get3A_1275 = arith.index_cast %add3A_1274 : i32 to index
      %get3A_1276 = tpu.vector_load %arg12[%get3A_1275] {strides = array<i32>} : memref<4096xi32, #tpu.memory_space<vmem>>, vector<16xi32>,
      %gather3A = tpu.vector_load_idx %arg10[%broadcast_in_dim3A_1, %get3A_1248] : memref<1x100000xf32, #tpu.memory_space<vmem>>[vector<16xi32>, vector<16xi32>], vector<16xf32>,
      %gather3A_1277 = tpu.vector_load_idx %arg10[%broadcast_in_dim3A_1, %get3A_1252] : memref<1x100000xf32, #tpu.memory_space<vmem>>[vector<16xi32>, vector<16xi32>], vector<16xf32>,
      %gather3A_1278 = tpu.vector_load_idx %arg10[%broadcast_in_dim3A_1, %get3A_1256] : memref<1x100000xf32, #tpu.memory_space<vmem>>[vector<16xi32>, vector<16xi32>], vector<16xf32>,
      %gather3A_1279 = tpu.vector_load_idx %arg10[%broadcast_in_dim3A_1, %get3A_1260] : memref<1x100000xf32, #tpu.memory_space<vmem>>[vector<16xi32>, vector<16xi32>], vector<16xf32>,
      %gather3A_1280 = tpu.vector_load_idx %arg10[%broadcast_in_dim3A_1, %get3A_1264] : memref<1x100000xf32, #tpu.memory_space<vmem>>[vector<16xi32>, vector<16xi32>], vector<16xf32>,
      %gather3A_1281 = tpu.vector_load_idx %arg10[%broadcast_in_dim3A_1, %get3A_1268] : memref<1x100000xf32, #tpu.memory_space<vmem>>[vector<16xi32>, vector<16xi32>], vector<16xf32>,
      %gather3A_1282 = tpu.vector_load_idx %arg10[%broadcast_in_dim3A_1, %get3A_1272] : memref<1x100000xf32, #tpu.memory_space<vmem>>[vector<16xi32>, vector<16xi32>], vector<16xf32>,
      %gather3A_1283 = tpu.vector_load_idx %arg10[%broadcast_in_dim3A_1, %get3A_1276] : memref<1x100000xf32, #tpu.memory_space<vmem>>[vector<16xi32>, vector<16xi32>], vector<16xf32>,
      %add3A_1284 = arith.constant 0 : i32
      %add3A_1285 = arith.addi %add3A_1245, %add3A_1284 : i32
      %swap3A = arith.index_cast %add3A_1285 : i32 to index
      %swap3A_1286 = tpu.vector_load %arg14[%swap3A] {strides = array<i32>} : memref<4096xf32, #tpu.memory_space<vmem>>, vector<16xf32>,
      tpu.vector_store %arg14[%swap3A], %gather3A {strides = array<i32>} : memref<4096xf32, #tpu.memory_space<vmem>>, vector<16xf32>,
      %add3A_1287 = arith.constant 16 : i32
      %add3A_1288 = arith.addi %add3A_1245, %add3A_1287 : i32
      %swap3A_1289 = arith.index_cast %add3A_1288 : i32 to index
      %swap3A_1290 = tpu.vector_load %arg14[%swap3A_1289] {strides = array<i32>} : memref<4096xf32, #tpu.memory_space<vmem>>, vector<16xf32>,
      tpu.vector_store %arg14[%swap3A_1289], %gather3A_1277 {strides = array<i32>} : memref<4096xf32, #tpu.memory_space<vmem>>, vector<16xf32>,
      %add3A_1291 = arith.constant 32 : i32
      %add3A_1292 = arith.addi %add3A_1245, %add3A_1291 : i32
      %swap3A_1293 = arith.index_cast %add3A_1292 : i32 to index
      %swap3A_1294 = tpu.vector_load %arg14[%swap3A_1293] {strides = array<i32>} : memref<4096xf32, #tpu.memory_space<vmem>>, vector<16xf32>,
      tpu.vector_store %arg14[%swap3A_1293], %gather3A_1278 {strides = array<i32>} : memref<4096xf32, #tpu.memory_space<vmem>>, vector<16xf32>,
      %add3A_1295 = arith.constant 48 : i32
      %add3A_1296 = arith.addi %add3A_1245, %add3A_1295 : i32
      %swap3A_1297 = arith.index_cast %add3A_1296 : i32 to index
      %swap3A_1298 = tpu.vector_load %arg14[%swap3A_1297] {strides = array<i32>} : memref<4096xf32, #tpu.memory_space<vmem>>, vector<16xf32>,
      tpu.vector_store %arg14[%swap3A_1297], %gather3A_1279 {strides = array<i32>} : memref<4096xf32, #tpu.memory_space<vmem>>, vector<16xf32>,
      %add3A_1299 = arith.constant 64 : i32
      %add3A_1300 = arith.addi %add3A_1245, %add3A_1299 : i32
      %swap3A_1301 = arith.index_cast %add3A_1300 : i32 to index
      %swap3A_1302 = tpu.vector_load %arg14[%swap3A_1301] {strides = array<i32>} : memref<4096xf32, #tpu.memory_space<vmem>>, vector<16xf32>,
      tpu.vector_store %arg14[%swap3A_1301], %gather3A_1280 {strides = array<i32>} : memref<4096xf32, #tpu.memory_space<vmem>>, vector<16xf32>,
      %add3A_1303 = arith.constant 80 : i32
      %add3A_1304 = arith.addi %add3A_1245, %add3A_1303 : i32
      %swap3A_1305 = arith.index_cast %add3A_1304 : i32 to index
      %swap3A_1306 = tpu.vector_load %arg14[%swap3A_1305] {strides = array<i32>} : memref<4096xf32, #tpu.memory_space<vmem>>, vector<16xf32>,
      tpu.vector_store %arg14[%swap3A_1305], %gather3A_1281 {strides = array<i32>} : memref<4096xf32, #tpu.memory_space<vmem>>, vector<16xf32>,
      %add3A_1307 = arith.constant 96 : i32
      %add3A_1308 = arith.addi %add3A_1245, %add3A_1307 : i32
      %swap3A_1309 = arith.index_cast %add3A_1308 : i32 to index
      %swap3A_1310 = tpu.vector_load %arg14[%swap3A_1309] {strides = array<i32>} : memref<4096xf32, #tpu.memory_space<vmem>>, vector<16xf32>,
      tpu.vector_store %arg14[%swap3A_1309], %gather3A_1282 {strides = array<i32>} : memref<4096xf32, #tpu.memory_space<vmem>>, vector<16xf32>,
      %add3A_1311 = arith.constant 112 : i32
      %add3A_1312 = arith.addi %add3A_1245, %add3A_1311 : i32
      %swap3A_1313 = arith.index_cast %add3A_1312 : i32 to index
      %swap3A_1314 = tpu.vector_load %arg14[%swap3A_1313] {strides = array<i32>} : memref<4096xf32, #tpu.memory_space<vmem>>, vector<16xf32>,
      tpu.vector_store %arg14[%swap3A_1313], %gather3A_1283 {strides = array<i32>} : memref<4096xf32, #tpu.memory_space<vmem>>, vector<16xf32>,
    }
    %scan3A_196 = arith.constant 32 : i32
    %dma_start3A_197 = arith.constant 4096 : i32
    %dma_start3A_198 = tpu.memref_slice %arg7[%add3A, %dma_start3A_197] : memref<64x16384xf32, #tpu.memory_space<hbm>> -> memref<1x4096xf32, #tpu.memory_space<hbm>>
    %dma_start3A_199 = tpu.memref_squeeze %dma_start3A_198 : memref<1x4096xf32, #tpu.memory_space<hbm>> -> memref<4096xf32, #tpu.memory_space<hbm>>
    %dma_start3A_200 = arith.constant 4096 : i32
    %dma_start3A_201 = tpu.memref_slice %arg7[%add3A, %dma_start3A_200] : memref<64x16384xf32, #tpu.memory_space<hbm>> -> memref<1x4096xf32, #tpu.memory_space<hbm>>
    %dma_start3A_202 = tpu.memref_squeeze %dma_start3A_201 : memref<1x4096xf32, #tpu.memory_space<hbm>> -> memref<4096xf32, #tpu.memory_space<hbm>>
    tpu.enqueue_dma source(%arg14 : memref<4096xf32, #tpu.memory_space<vmem>>) target(%dma_start3A_202 : memref<4096xf32, #tpu.memory_space<hbm>>) target_semaphore(%arg17 : memref<!tpu.dma_semaphore, #tpu.memory_space<semaphore_mem>>)
    %dma_start3A_203 = arith.constant 12288 : i32
    %dma_start3A_204 = tpu.memref_slice %arg2[%dma_start3A_203] : memref<16384xi32, #tpu.memory_space<hbm>> -> memref<4096xi32, #tpu.memory_space<hbm>>
    %dma_start3A_205 = arith.constant 12288 : i32
    %dma_start3A_206 = tpu.memref_slice %arg2[%dma_start3A_205] : memref<16384xi32, #tpu.memory_space<hbm>> -> memref<4096xi32, #tpu.memory_space<hbm>>
    tpu.enqueue_dma source(%dma_start3A_206 : memref<4096xi32, #tpu.memory_space<hbm>>) target(%arg12 : memref<4096xi32, #tpu.memory_space<vmem>>) target_semaphore(%arg16 : memref<!tpu.dma_semaphore, #tpu.memory_space<semaphore_mem>>)
    %dma_wait3A_207 = arith.constant 8192 : i32
    %dma_wait3A_208 = tpu.memref_slice %arg2[%dma_wait3A_207] : memref<16384xi32, #tpu.memory_space<hbm>> -> memref<4096xi32, #tpu.memory_space<hbm>>
    %dma_wait3A_209 = arith.constant 8192 : i32
    %dma_wait3A_210 = tpu.memref_slice %arg2[%dma_wait3A_209] : memref<16384xi32, #tpu.memory_space<hbm>> -> memref<4096xi32, #tpu.memory_space<hbm>>
    tpu.wait_dma2 semaphore(%arg16 : memref<!tpu.dma_semaphore, #tpu.memory_space<semaphore_mem>>) src(%dma_wait3A_210 : memref<4096xi32, #tpu.memory_space<hbm>>) dst(%arg11 : memref<4096xi32, #tpu.memory_space<vmem>>)
    %dma_wait3A_211 = arith.constant 0 : i32
    %dma_wait3A_212 = tpu.memref_slice %arg7[%add3A, %dma_wait3A_211] : memref<64x16384xf32, #tpu.memory_space<hbm>> -> memref<1x4096xf32, #tpu.memory_space<hbm>>
    %dma_wait3A_213 = tpu.memref_squeeze %dma_wait3A_212 : memref<1x4096xf32, #tpu.memory_space<hbm>> -> memref<4096xf32, #tpu.memory_space<hbm>>
    %dma_wait3A_214 = arith.constant 0 : i32
    %dma_wait3A_215 = tpu.memref_slice %arg7[%add3A, %dma_wait3A_214] : memref<64x16384xf32, #tpu.memory_space<hbm>> -> memref<1x4096xf32, #tpu.memory_space<hbm>>
    %dma_wait3A_216 = tpu.memref_squeeze %dma_wait3A_215 : memref<1x4096xf32, #tpu.memory_space<hbm>> -> memref<4096xf32, #tpu.memory_space<hbm>>
    tpu.wait_dma2 semaphore(%arg17 : memref<!tpu.dma_semaphore, #tpu.memory_space<semaphore_mem>>) src(%arg13 : memref<4096xf32, #tpu.memory_space<vmem>>) dst(%dma_wait3A_216 : memref<4096xf32, #tpu.memory_space<hbm>>)
    %scan3A_217 = arith.constant 0 : i32
    %scan3A_218 = arith.constant 32 : i32
    %scan3A_219 = arith.addi %scan3A_217, %scan3A_218 : i32
    %scan3A_220 = arith.constant 1 : i32
    scf.for %scan3A_1241 = %scan3A_217 to %scan3A_219 step %scan3A_220  : i32 {
      %mul3A_1242 = arith.constant 128 : i32
      %mul3A_1243 = arith.muli %scan3A_1241, %mul3A_1242 : i32
      %add3A_1244 = arith.constant 0 : i32
      %add3A_1245 = arith.addi %add3A_1244, %mul3A_1243 : i32
      %add3A_1246 = arith.constant 0 : i32
      %add3A_1247 = arith.addi %add3A_1245, %add3A_1246 : i32
      %get3A = arith.index_cast %add3A_1247 : i32 to index
      %get3A_1248 = tpu.vector_load %arg11[%get3A] {strides = array<i32>} : memref<4096xi32, #tpu.memory_space<vmem>>, vector<16xi32>,
      %add3A_1249 = arith.constant 16 : i32
      %add3A_1250 = arith.addi %add3A_1245, %add3A_1249 : i32
      %get3A_1251 = arith.index_cast %add3A_1250 : i32 to index
      %get3A_1252 = tpu.vector_load %arg11[%get3A_1251] {strides = array<i32>} : memref<4096xi32, #tpu.memory_space<vmem>>, vector<16xi32>,
      %add3A_1253 = arith.constant 32 : i32
      %add3A_1254 = arith.addi %add3A_1245, %add3A_1253 : i32
      %get3A_1255 = arith.index_cast %add3A_1254 : i32 to index
      %get3A_1256 = tpu.vector_load %arg11[%get3A_1255] {strides = array<i32>} : memref<4096xi32, #tpu.memory_space<vmem>>, vector<16xi32>,
      %add3A_1257 = arith.constant 48 : i32
      %add3A_1258 = arith.addi %add3A_1245, %add3A_1257 : i32
      %get3A_1259 = arith.index_cast %add3A_1258 : i32 to index
      %get3A_1260 = tpu.vector_load %arg11[%get3A_1259] {strides = array<i32>} : memref<4096xi32, #tpu.memory_space<vmem>>, vector<16xi32>,
      %add3A_1261 = arith.constant 64 : i32
      %add3A_1262 = arith.addi %add3A_1245, %add3A_1261 : i32
      %get3A_1263 = arith.index_cast %add3A_1262 : i32 to index
      %get3A_1264 = tpu.vector_load %arg11[%get3A_1263] {strides = array<i32>} : memref<4096xi32, #tpu.memory_space<vmem>>, vector<16xi32>,
      %add3A_1265 = arith.constant 80 : i32
      %add3A_1266 = arith.addi %add3A_1245, %add3A_1265 : i32
      %get3A_1267 = arith.index_cast %add3A_1266 : i32 to index
      %get3A_1268 = tpu.vector_load %arg11[%get3A_1267] {strides = array<i32>} : memref<4096xi32, #tpu.memory_space<vmem>>, vector<16xi32>,
      %add3A_1269 = arith.constant 96 : i32
      %add3A_1270 = arith.addi %add3A_1245, %add3A_1269 : i32
      %get3A_1271 = arith.index_cast %add3A_1270 : i32 to index
      %get3A_1272 = tpu.vector_load %arg11[%get3A_1271] {strides = array<i32>} : memref<4096xi32, #tpu.memory_space<vmem>>, vector<16xi32>,
      %add3A_1273 = arith.constant 112 : i32
      %add3A_1274 = arith.addi %add3A_1245, %add3A_1273 : i32
      %get3A_1275 = arith.index_cast %add3A_1274 : i32 to index
      %get3A_1276 = tpu.vector_load %arg11[%get3A_1275] {strides = array<i32>} : memref<4096xi32, #tpu.memory_space<vmem>>, vector<16xi32>,
      %gather3A = tpu.vector_load_idx %arg10[%broadcast_in_dim3A_1, %get3A_1248] : memref<1x100000xf32, #tpu.memory_space<vmem>>[vector<16xi32>, vector<16xi32>], vector<16xf32>,
      %gather3A_1277 = tpu.vector_load_idx %arg10[%broadcast_in_dim3A_1, %get3A_1252] : memref<1x100000xf32, #tpu.memory_space<vmem>>[vector<16xi32>, vector<16xi32>], vector<16xf32>,
      %gather3A_1278 = tpu.vector_load_idx %arg10[%broadcast_in_dim3A_1, %get3A_1256] : memref<1x100000xf32, #tpu.memory_space<vmem>>[vector<16xi32>, vector<16xi32>], vector<16xf32>,
      %gather3A_1279 = tpu.vector_load_idx %arg10[%broadcast_in_dim3A_1, %get3A_1260] : memref<1x100000xf32, #tpu.memory_space<vmem>>[vector<16xi32>, vector<16xi32>], vector<16xf32>,
      %gather3A_1280 = tpu.vector_load_idx %arg10[%broadcast_in_dim3A_1, %get3A_1264] : memref<1x100000xf32, #tpu.memory_space<vmem>>[vector<16xi32>, vector<16xi32>], vector<16xf32>,
      %gather3A_1281 = tpu.vector_load_idx %arg10[%broadcast_in_dim3A_1, %get3A_1268] : memref<1x100000xf32, #tpu.memory_space<vmem>>[vector<16xi32>, vector<16xi32>], vector<16xf32>,
      %gather3A_1282 = tpu.vector_load_idx %arg10[%broadcast_in_dim3A_1, %get3A_1272] : memref<1x100000xf32, #tpu.memory_space<vmem>>[vector<16xi32>, vector<16xi32>], vector<16xf32>,
      %gather3A_1283 = tpu.vector_load_idx %arg10[%broadcast_in_dim3A_1, %get3A_1276] : memref<1x100000xf32, #tpu.memory_space<vmem>>[vector<16xi32>, vector<16xi32>], vector<16xf32>,
      %add3A_1284 = arith.constant 0 : i32
      %add3A_1285 = arith.addi %add3A_1245, %add3A_1284 : i32
      %swap3A = arith.index_cast %add3A_1285 : i32 to index
      %swap3A_1286 = tpu.vector_load %arg13[%swap3A] {strides = array<i32>} : memref<4096xf32, #tpu.memory_space<vmem>>, vector<16xf32>,
      tpu.vector_store %arg13[%swap3A], %gather3A {strides = array<i32>} : memref<4096xf32, #tpu.memory_space<vmem>>, vector<16xf32>,
      %add3A_1287 = arith.constant 16 : i32
      %add3A_1288 = arith.addi %add3A_1245, %add3A_1287 : i32
      %swap3A_1289 = arith.index_cast %add3A_1288 : i32 to index
      %swap3A_1290 = tpu.vector_load %arg13[%swap3A_1289] {strides = array<i32>} : memref<4096xf32, #tpu.memory_space<vmem>>, vector<16xf32>,
      tpu.vector_store %arg13[%swap3A_1289], %gather3A_1277 {strides = array<i32>} : memref<4096xf32, #tpu.memory_space<vmem>>, vector<16xf32>,
      %add3A_1291 = arith.constant 32 : i32
      %add3A_1292 = arith.addi %add3A_1245, %add3A_1291 : i32
      %swap3A_1293 = arith.index_cast %add3A_1292 : i32 to index
      %swap3A_1294 = tpu.vector_load %arg13[%swap3A_1293] {strides = array<i32>} : memref<4096xf32, #tpu.memory_space<vmem>>, vector<16xf32>,
      tpu.vector_store %arg13[%swap3A_1293], %gather3A_1278 {strides = array<i32>} : memref<4096xf32, #tpu.memory_space<vmem>>, vector<16xf32>,
      %add3A_1295 = arith.constant 48 : i32
      %add3A_1296 = arith.addi %add3A_1245, %add3A_1295 : i32
      %swap3A_1297 = arith.index_cast %add3A_1296 : i32 to index
      %swap3A_1298 = tpu.vector_load %arg13[%swap3A_1297] {strides = array<i32>} : memref<4096xf32, #tpu.memory_space<vmem>>, vector<16xf32>,
      tpu.vector_store %arg13[%swap3A_1297], %gather3A_1279 {strides = array<i32>} : memref<4096xf32, #tpu.memory_space<vmem>>, vector<16xf32>,
      %add3A_1299 = arith.constant 64 : i32
      %add3A_1300 = arith.addi %add3A_1245, %add3A_1299 : i32
      %swap3A_1301 = arith.index_cast %add3A_1300 : i32 to index
      %swap3A_1302 = tpu.vector_load %arg13[%swap3A_1301] {strides = array<i32>} : memref<4096xf32, #tpu.memory_space<vmem>>, vector<16xf32>,
      tpu.vector_store %arg13[%swap3A_1301], %gather3A_1280 {strides = array<i32>} : memref<4096xf32, #tpu.memory_space<vmem>>, vector<16xf32>,
      %add3A_1303 = arith.constant 80 : i32
      %add3A_1304 = arith.addi %add3A_1245, %add3A_1303 : i32
      %swap3A_1305 = arith.index_cast %add3A_1304 : i32 to index
      %swap3A_1306 = tpu.vector_load %arg13[%swap3A_1305] {strides = array<i32>} : memref<4096xf32, #tpu.memory_space<vmem>>, vector<16xf32>,
      tpu.vector_store %arg13[%swap3A_1305], %gather3A_1281 {strides = array<i32>} : memref<4096xf32, #tpu.memory_space<vmem>>, vector<16xf32>,
      %add3A_1307 = arith.constant 96 : i32
      %add3A_1308 = arith.addi %add3A_1245, %add3A_1307 : i32
      %swap3A_1309 = arith.index_cast %add3A_1308 : i32 to index
      %swap3A_1310 = tpu.vector_load %arg13[%swap3A_1309] {strides = array<i32>} : memref<4096xf32, #tpu.memory_space<vmem>>, vector<16xf32>,
      tpu.vector_store %arg13[%swap3A_1309], %gather3A_1282 {strides = array<i32>} : memref<4096xf32, #tpu.memory_space<vmem>>, vector<16xf32>,
      %add3A_1311 = arith.constant 112 : i32
      %add3A_1312 = arith.addi %add3A_1245, %add3A_1311 : i32
      %swap3A_1313 = arith.index_cast %add3A_1312 : i32 to index
      %swap3A_1314 = tpu.vector_load %arg13[%swap3A_1313] {strides = array<i32>} : memref<4096xf32, #tpu.memory_space<vmem>>, vector<16xf32>,
      tpu.vector_store %arg13[%swap3A_1313], %gather3A_1283 {strides = array<i32>} : memref<4096xf32, #tpu.memory_space<vmem>>, vector<16xf32>,
    }
    %scan3A_221 = arith.constant 32 : i32
    %dma_start3A_222 = arith.constant 8192 : i32
    %dma_start3A_223 = tpu.memref_slice %arg7[%add3A, %dma_start3A_222] : memref<64x16384xf32, #tpu.memory_space<hbm>> -> memref<1x4096xf32, #tpu.memory_space<hbm>>
    %dma_start3A_224 = tpu.memref_squeeze %dma_start3A_223 : memref<1x4096xf32, #tpu.memory_space<hbm>> -> memref<4096xf32, #tpu.memory_space<hbm>>
    %dma_start3A_225 = arith.constant 8192 : i32
    %dma_start3A_226 = tpu.memref_slice %arg7[%add3A, %dma_start3A_225] : memref<64x16384xf32, #tpu.memory_space<hbm>> -> memref<1x4096xf32, #tpu.memory_space<hbm>>
    %dma_start3A_227 = tpu.memref_squeeze %dma_start3A_226 : memref<1x4096xf32, #tpu.memory_space<hbm>> -> memref<4096xf32, #tpu.memory_space<hbm>>
    tpu.enqueue_dma source(%arg13 : memref<4096xf32, #tpu.memory_space<vmem>>) target(%dma_start3A_227 : memref<4096xf32, #tpu.memory_space<hbm>>) target_semaphore(%arg17 : memref<!tpu.dma_semaphore, #tpu.memory_space<semaphore_mem>>)
    %dma_start3A_228 = arith.constant 0 : i32
    %dma_start3A_229 = tpu.memref_slice %arg3[%dma_start3A_228] : memref<16384xi32, #tpu.memory_space<hbm>> -> memref<4096xi32, #tpu.memory_space<hbm>>
    %dma_start3A_230 = arith.constant 0 : i32
    %dma_start3A_231 = tpu.memref_slice %arg3[%dma_start3A_230] : memref<16384xi32, #tpu.memory_space<hbm>> -> memref<4096xi32, #tpu.memory_space<hbm>>
    tpu.enqueue_dma source(%dma_start3A_231 : memref<4096xi32, #tpu.memory_space<hbm>>) target(%arg11 : memref<4096xi32, #tpu.memory_space<vmem>>) target_semaphore(%arg16 : memref<!tpu.dma_semaphore, #tpu.memory_space<semaphore_mem>>)
    %dma_wait3A_232 = arith.constant 12288 : i32
    %dma_wait3A_233 = tpu.memref_slice %arg2[%dma_wait3A_232] : memref<16384xi32, #tpu.memory_space<hbm>> -> memref<4096xi32, #tpu.memory_space<hbm>>
    %dma_wait3A_234 = arith.constant 12288 : i32
    %dma_wait3A_235 = tpu.memref_slice %arg2[%dma_wait3A_234] : memref<16384xi32, #tpu.memory_space<hbm>> -> memref<4096xi32, #tpu.memory_space<hbm>>
    tpu.wait_dma2 semaphore(%arg16 : memref<!tpu.dma_semaphore, #tpu.memory_space<semaphore_mem>>) src(%dma_wait3A_235 : memref<4096xi32, #tpu.memory_space<hbm>>) dst(%arg12 : memref<4096xi32, #tpu.memory_space<vmem>>)
    %dma_wait3A_236 = arith.constant 4096 : i32
    %dma_wait3A_237 = tpu.memref_slice %arg7[%add3A, %dma_wait3A_236] : memref<64x16384xf32, #tpu.memory_space<hbm>> -> memref<1x4096xf32, #tpu.memory_space<hbm>>
    %dma_wait3A_238 = tpu.memref_squeeze %dma_wait3A_237 : memref<1x4096xf32, #tpu.memory_space<hbm>> -> memref<4096xf32, #tpu.memory_space<hbm>>
    %dma_wait3A_239 = arith.constant 4096 : i32
    %dma_wait3A_240 = tpu.memref_slice %arg7[%add3A, %dma_wait3A_239] : memref<64x16384xf32, #tpu.memory_space<hbm>> -> memref<1x4096xf32, #tpu.memory_space<hbm>>
    %dma_wait3A_241 = tpu.memref_squeeze %dma_wait3A_240 : memref<1x4096xf32, #tpu.memory_space<hbm>> -> memref<4096xf32, #tpu.memory_space<hbm>>
    tpu.wait_dma2 semaphore(%arg17 : memref<!tpu.dma_semaphore, #tpu.memory_space<semaphore_mem>>) src(%arg14 : memref<4096xf32, #tpu.memory_space<vmem>>) dst(%dma_wait3A_241 : memref<4096xf32, #tpu.memory_space<hbm>>)
    %scan3A_242 = arith.constant 0 : i32
    %scan3A_243 = arith.constant 32 : i32
    %scan3A_244 = arith.addi %scan3A_242, %scan3A_243 : i32
    %scan3A_245 = arith.constant 1 : i32
    scf.for %scan3A_1241 = %scan3A_242 to %scan3A_244 step %scan3A_245  : i32 {
      %mul3A_1242 = arith.constant 128 : i32
      %mul3A_1243 = arith.muli %scan3A_1241, %mul3A_1242 : i32
      %add3A_1244 = arith.constant 0 : i32
      %add3A_1245 = arith.addi %add3A_1244, %mul3A_1243 : i32
      %add3A_1246 = arith.constant 0 : i32
      %add3A_1247 = arith.addi %add3A_1245, %add3A_1246 : i32
      %get3A = arith.index_cast %add3A_1247 : i32 to index
      %get3A_1248 = tpu.vector_load %arg12[%get3A] {strides = array<i32>} : memref<4096xi32, #tpu.memory_space<vmem>>, vector<16xi32>,
      %add3A_1249 = arith.constant 16 : i32
      %add3A_1250 = arith.addi %add3A_1245, %add3A_1249 : i32
      %get3A_1251 = arith.index_cast %add3A_1250 : i32 to index
      %get3A_1252 = tpu.vector_load %arg12[%get3A_1251] {strides = array<i32>} : memref<4096xi32, #tpu.memory_space<vmem>>, vector<16xi32>,
      %add3A_1253 = arith.constant 32 : i32
      %add3A_1254 = arith.addi %add3A_1245, %add3A_1253 : i32
      %get3A_1255 = arith.index_cast %add3A_1254 : i32 to index
      %get3A_1256 = tpu.vector_load %arg12[%get3A_1255] {strides = array<i32>} : memref<4096xi32, #tpu.memory_space<vmem>>, vector<16xi32>,
      %add3A_1257 = arith.constant 48 : i32
      %add3A_1258 = arith.addi %add3A_1245, %add3A_1257 : i32
      %get3A_1259 = arith.index_cast %add3A_1258 : i32 to index
      %get3A_1260 = tpu.vector_load %arg12[%get3A_1259] {strides = array<i32>} : memref<4096xi32, #tpu.memory_space<vmem>>, vector<16xi32>,
      %add3A_1261 = arith.constant 64 : i32
      %add3A_1262 = arith.addi %add3A_1245, %add3A_1261 : i32
      %get3A_1263 = arith.index_cast %add3A_1262 : i32 to index
      %get3A_1264 = tpu.vector_load %arg12[%get3A_1263] {strides = array<i32>} : memref<4096xi32, #tpu.memory_space<vmem>>, vector<16xi32>,
      %add3A_1265 = arith.constant 80 : i32
      %add3A_1266 = arith.addi %add3A_1245, %add3A_1265 : i32
      %get3A_1267 = arith.index_cast %add3A_1266 : i32 to index
      %get3A_1268 = tpu.vector_load %arg12[%get3A_1267] {strides = array<i32>} : memref<4096xi32, #tpu.memory_space<vmem>>, vector<16xi32>,
      %add3A_1269 = arith.constant 96 : i32
      %add3A_1270 = arith.addi %add3A_1245, %add3A_1269 : i32
      %get3A_1271 = arith.index_cast %add3A_1270 : i32 to index
      %get3A_1272 = tpu.vector_load %arg12[%get3A_1271] {strides = array<i32>} : memref<4096xi32, #tpu.memory_space<vmem>>, vector<16xi32>,
      %add3A_1273 = arith.constant 112 : i32
      %add3A_1274 = arith.addi %add3A_1245, %add3A_1273 : i32
      %get3A_1275 = arith.index_cast %add3A_1274 : i32 to index
      %get3A_1276 = tpu.vector_load %arg12[%get3A_1275] {strides = array<i32>} : memref<4096xi32, #tpu.memory_space<vmem>>, vector<16xi32>,
      %gather3A = tpu.vector_load_idx %arg10[%broadcast_in_dim3A_1, %get3A_1248] : memref<1x100000xf32, #tpu.memory_space<vmem>>[vector<16xi32>, vector<16xi32>], vector<16xf32>,
      %gather3A_1277 = tpu.vector_load_idx %arg10[%broadcast_in_dim3A_1, %get3A_1252] : memref<1x100000xf32, #tpu.memory_space<vmem>>[vector<16xi32>, vector<16xi32>], vector<16xf32>,
      %gather3A_1278 = tpu.vector_load_idx %arg10[%broadcast_in_dim3A_1, %get3A_1256] : memref<1x100000xf32, #tpu.memory_space<vmem>>[vector<16xi32>, vector<16xi32>], vector<16xf32>,
      %gather3A_1279 = tpu.vector_load_idx %arg10[%broadcast_in_dim3A_1, %get3A_1260] : memref<1x100000xf32, #tpu.memory_space<vmem>>[vector<16xi32>, vector<16xi32>], vector<16xf32>,
      %gather3A_1280 = tpu.vector_load_idx %arg10[%broadcast_in_dim3A_1, %get3A_1264] : memref<1x100000xf32, #tpu.memory_space<vmem>>[vector<16xi32>, vector<16xi32>], vector<16xf32>,
      %gather3A_1281 = tpu.vector_load_idx %arg10[%broadcast_in_dim3A_1, %get3A_1268] : memref<1x100000xf32, #tpu.memory_space<vmem>>[vector<16xi32>, vector<16xi32>], vector<16xf32>,
      %gather3A_1282 = tpu.vector_load_idx %arg10[%broadcast_in_dim3A_1, %get3A_1272] : memref<1x100000xf32, #tpu.memory_space<vmem>>[vector<16xi32>, vector<16xi32>], vector<16xf32>,
      %gather3A_1283 = tpu.vector_load_idx %arg10[%broadcast_in_dim3A_1, %get3A_1276] : memref<1x100000xf32, #tpu.memory_space<vmem>>[vector<16xi32>, vector<16xi32>], vector<16xf32>,
      %add3A_1284 = arith.constant 0 : i32
      %add3A_1285 = arith.addi %add3A_1245, %add3A_1284 : i32
      %swap3A = arith.index_cast %add3A_1285 : i32 to index
      %swap3A_1286 = tpu.vector_load %arg14[%swap3A] {strides = array<i32>} : memref<4096xf32, #tpu.memory_space<vmem>>, vector<16xf32>,
      tpu.vector_store %arg14[%swap3A], %gather3A {strides = array<i32>} : memref<4096xf32, #tpu.memory_space<vmem>>, vector<16xf32>,
      %add3A_1287 = arith.constant 16 : i32
      %add3A_1288 = arith.addi %add3A_1245, %add3A_1287 : i32
      %swap3A_1289 = arith.index_cast %add3A_1288 : i32 to index
      %swap3A_1290 = tpu.vector_load %arg14[%swap3A_1289] {strides = array<i32>} : memref<4096xf32, #tpu.memory_space<vmem>>, vector<16xf32>,
      tpu.vector_store %arg14[%swap3A_1289], %gather3A_1277 {strides = array<i32>} : memref<4096xf32, #tpu.memory_space<vmem>>, vector<16xf32>,
      %add3A_1291 = arith.constant 32 : i32
      %add3A_1292 = arith.addi %add3A_1245, %add3A_1291 : i32
      %swap3A_1293 = arith.index_cast %add3A_1292 : i32 to index
      %swap3A_1294 = tpu.vector_load %arg14[%swap3A_1293] {strides = array<i32>} : memref<4096xf32, #tpu.memory_space<vmem>>, vector<16xf32>,
      tpu.vector_store %arg14[%swap3A_1293], %gather3A_1278 {strides = array<i32>} : memref<4096xf32, #tpu.memory_space<vmem>>, vector<16xf32>,
      %add3A_1295 = arith.constant 48 : i32
      %add3A_1296 = arith.addi %add3A_1245, %add3A_1295 : i32
      %swap3A_1297 = arith.index_cast %add3A_1296 : i32 to index
      %swap3A_1298 = tpu.vector_load %arg14[%swap3A_1297] {strides = array<i32>} : memref<4096xf32, #tpu.memory_space<vmem>>, vector<16xf32>,
      tpu.vector_store %arg14[%swap3A_1297], %gather3A_1279 {strides = array<i32>} : memref<4096xf32, #tpu.memory_space<vmem>>, vector<16xf32>,
      %add3A_1299 = arith.constant 64 : i32
      %add3A_1300 = arith.addi %add3A_1245, %add3A_1299 : i32
      %swap3A_1301 = arith.index_cast %add3A_1300 : i32 to index
      %swap3A_1302 = tpu.vector_load %arg14[%swap3A_1301] {strides = array<i32>} : memref<4096xf32, #tpu.memory_space<vmem>>, vector<16xf32>,
      tpu.vector_store %arg14[%swap3A_1301], %gather3A_1280 {strides = array<i32>} : memref<4096xf32, #tpu.memory_space<vmem>>, vector<16xf32>,
      %add3A_1303 = arith.constant 80 : i32
      %add3A_1304 = arith.addi %add3A_1245, %add3A_1303 : i32
      %swap3A_1305 = arith.index_cast %add3A_1304 : i32 to index
      %swap3A_1306 = tpu.vector_load %arg14[%swap3A_1305] {strides = array<i32>} : memref<4096xf32, #tpu.memory_space<vmem>>, vector<16xf32>,
      tpu.vector_store %arg14[%swap3A_1305], %gather3A_1281 {strides = array<i32>} : memref<4096xf32, #tpu.memory_space<vmem>>, vector<16xf32>,
      %add3A_1307 = arith.constant 96 : i32
      %add3A_1308 = arith.addi %add3A_1245, %add3A_1307 : i32
      %swap3A_1309 = arith.index_cast %add3A_1308 : i32 to index
      %swap3A_1310 = tpu.vector_load %arg14[%swap3A_1309] {strides = array<i32>} : memref<4096xf32, #tpu.memory_space<vmem>>, vector<16xf32>,
      tpu.vector_store %arg14[%swap3A_1309], %gather3A_1282 {strides = array<i32>} : memref<4096xf32, #tpu.memory_space<vmem>>, vector<16xf32>,
      %add3A_1311 = arith.constant 112 : i32
      %add3A_1312 = arith.addi %add3A_1245, %add3A_1311 : i32
      %swap3A_1313 = arith.index_cast %add3A_1312 : i32 to index
      %swap3A_1314 = tpu.vector_load %arg14[%swap3A_1313] {strides = array<i32>} : memref<4096xf32, #tpu.memory_space<vmem>>, vector<16xf32>,
      tpu.vector_store %arg14[%swap3A_1313], %gather3A_1283 {strides = array<i32>} : memref<4096xf32, #tpu.memory_space<vmem>>, vector<16xf32>,
    }
    %scan3A_246 = arith.constant 32 : i32
    %dma_start3A_247 = arith.constant 12288 : i32
    %dma_start3A_248 = tpu.memref_slice %arg7[%add3A, %dma_start3A_247] : memref<64x16384xf32, #tpu.memory_space<hbm>> -> memref<1x4096xf32, #tpu.memory_space<hbm>>
    %dma_start3A_249 = tpu.memref_squeeze %dma_start3A_248 : memref<1x4096xf32, #tpu.memory_space<hbm>> -> memref<4096xf32, #tpu.memory_space<hbm>>
    %dma_start3A_250 = arith.constant 12288 : i32
    %dma_start3A_251 = tpu.memref_slice %arg7[%add3A, %dma_start3A_250] : memref<64x16384xf32, #tpu.memory_space<hbm>> -> memref<1x4096xf32, #tpu.memory_space<hbm>>
    %dma_start3A_252 = tpu.memref_squeeze %dma_start3A_251 : memref<1x4096xf32, #tpu.memory_space<hbm>> -> memref<4096xf32, #tpu.memory_space<hbm>>
    tpu.enqueue_dma source(%arg14 : memref<4096xf32, #tpu.memory_space<vmem>>) target(%dma_start3A_252 : memref<4096xf32, #tpu.memory_space<hbm>>) target_semaphore(%arg17 : memref<!tpu.dma_semaphore, #tpu.memory_space<semaphore_mem>>)
    %dma_start3A_253 = arith.constant 0 : i32
    %dma_start3A_254 = arith.constant 0 : i32
    %dma_start3A_255 = tpu.memref_slice %arg10[%dma_start3A_253, %dma_start3A_254] : memref<1x100000xf32, #tpu.memory_space<vmem>> -> memref<1x12544xf32, #tpu.memory_space<vmem>>
    %dma_start3A_256 = arith.constant 0 : i32
    %dma_start3A_257 = tpu.memref_slice %arg6[%add3A, %dma_start3A_256] : memref<64x100000xf32, #tpu.memory_space<hbm>> -> memref<1x12544xf32, #tpu.memory_space<hbm>>
    %dma_start3A_258 = arith.constant 0 : i32
    %dma_start3A_259 = arith.constant 0 : i32
    %dma_start3A_260 = tpu.memref_slice %arg10[%dma_start3A_258, %dma_start3A_259] : memref<1x100000xf32, #tpu.memory_space<vmem>> -> memref<1x12544xf32, #tpu.memory_space<vmem>>
    %dma_start3A_261 = arith.constant 0 : i32
    %dma_start3A_262 = tpu.memref_slice %arg6[%add3A, %dma_start3A_261] : memref<64x100000xf32, #tpu.memory_space<hbm>> -> memref<1x12544xf32, #tpu.memory_space<hbm>>
    tpu.enqueue_dma source(%dma_start3A_262 : memref<1x12544xf32, #tpu.memory_space<hbm>>) target(%dma_start3A_260 : memref<1x12544xf32, #tpu.memory_space<vmem>>) target_semaphore(%arg15 : memref<!tpu.dma_semaphore, #tpu.memory_space<semaphore_mem>>)
    %dma_start3A_263 = arith.constant 0 : i32
    %dma_start3A_264 = arith.constant 12544 : i32
    %dma_start3A_265 = tpu.memref_slice %arg10[%dma_start3A_263, %dma_start3A_264] : memref<1x100000xf32, #tpu.memory_space<vmem>> -> memref<1x12544xf32, #tpu.memory_space<vmem>>
    %dma_start3A_266 = arith.constant 12544 : i32
    %dma_start3A_267 = tpu.memref_slice %arg6[%add3A, %dma_start3A_266] : memref<64x100000xf32, #tpu.memory_space<hbm>> -> memref<1x12544xf32, #tpu.memory_space<hbm>>
    %dma_start3A_268 = arith.constant 0 : i32
    %dma_start3A_269 = arith.constant 12544 : i32
    %dma_start3A_270 = tpu.memref_slice %arg10[%dma_start3A_268, %dma_start3A_269] : memref<1x100000xf32, #tpu.memory_space<vmem>> -> memref<1x12544xf32, #tpu.memory_space<vmem>>
    %dma_start3A_271 = arith.constant 12544 : i32
    %dma_start3A_272 = tpu.memref_slice %arg6[%add3A, %dma_start3A_271] : memref<64x100000xf32, #tpu.memory_space<hbm>> -> memref<1x12544xf32, #tpu.memory_space<hbm>>
    tpu.enqueue_dma source(%dma_start3A_272 : memref<1x12544xf32, #tpu.memory_space<hbm>>) target(%dma_start3A_270 : memref<1x12544xf32, #tpu.memory_space<vmem>>) target_semaphore(%arg15 : memref<!tpu.dma_semaphore, #tpu.memory_space<semaphore_mem>>)
    %dma_start3A_273 = arith.constant 0 : i32
    %dma_start3A_274 = arith.constant 25088 : i32
    %dma_start3A_275 = tpu.memref_slice %arg10[%dma_start3A_273, %dma_start3A_274] : memref<1x100000xf32, #tpu.memory_space<vmem>> -> memref<1x12544xf32, #tpu.memory_space<vmem>>
    %dma_start3A_276 = arith.constant 25088 : i32
    %dma_start3A_277 = tpu.memref_slice %arg6[%add3A, %dma_start3A_276] : memref<64x100000xf32, #tpu.memory_space<hbm>> -> memref<1x12544xf32, #tpu.memory_space<hbm>>
    %dma_start3A_278 = arith.constant 0 : i32
    %dma_start3A_279 = arith.constant 25088 : i32
    %dma_start3A_280 = tpu.memref_slice %arg10[%dma_start3A_278, %dma_start3A_279] : memref<1x100000xf32, #tpu.memory_space<vmem>> -> memref<1x12544xf32, #tpu.memory_space<vmem>>
    %dma_start3A_281 = arith.constant 25088 : i32
    %dma_start3A_282 = tpu.memref_slice %arg6[%add3A, %dma_start3A_281] : memref<64x100000xf32, #tpu.memory_space<hbm>> -> memref<1x12544xf32, #tpu.memory_space<hbm>>
    tpu.enqueue_dma source(%dma_start3A_282 : memref<1x12544xf32, #tpu.memory_space<hbm>>) target(%dma_start3A_280 : memref<1x12544xf32, #tpu.memory_space<vmem>>) target_semaphore(%arg15 : memref<!tpu.dma_semaphore, #tpu.memory_space<semaphore_mem>>)
    %dma_start3A_283 = arith.constant 0 : i32
    %dma_start3A_284 = arith.constant 37632 : i32
    %dma_start3A_285 = tpu.memref_slice %arg10[%dma_start3A_283, %dma_start3A_284] : memref<1x100000xf32, #tpu.memory_space<vmem>> -> memref<1x12544xf32, #tpu.memory_space<vmem>>
    %dma_start3A_286 = arith.constant 37632 : i32
    %dma_start3A_287 = tpu.memref_slice %arg6[%add3A, %dma_start3A_286] : memref<64x100000xf32, #tpu.memory_space<hbm>> -> memref<1x12544xf32, #tpu.memory_space<hbm>>
    %dma_start3A_288 = arith.constant 0 : i32
    %dma_start3A_289 = arith.constant 37632 : i32
    %dma_start3A_290 = tpu.memref_slice %arg10[%dma_start3A_288, %dma_start3A_289] : memref<1x100000xf32, #tpu.memory_space<vmem>> -> memref<1x12544xf32, #tpu.memory_space<vmem>>
    %dma_start3A_291 = arith.constant 37632 : i32
    %dma_start3A_292 = tpu.memref_slice %arg6[%add3A, %dma_start3A_291] : memref<64x100000xf32, #tpu.memory_space<hbm>> -> memref<1x12544xf32, #tpu.memory_space<hbm>>
    tpu.enqueue_dma source(%dma_start3A_292 : memref<1x12544xf32, #tpu.memory_space<hbm>>) target(%dma_start3A_290 : memref<1x12544xf32, #tpu.memory_space<vmem>>) target_semaphore(%arg15 : memref<!tpu.dma_semaphore, #tpu.memory_space<semaphore_mem>>)
    %dma_start3A_293 = arith.constant 0 : i32
    %dma_start3A_294 = arith.constant 50176 : i32
    %dma_start3A_295 = tpu.memref_slice %arg10[%dma_start3A_293, %dma_start3A_294] : memref<1x100000xf32, #tpu.memory_space<vmem>> -> memref<1x12544xf32, #tpu.memory_space<vmem>>
    %dma_start3A_296 = arith.constant 50176 : i32
    %dma_start3A_297 = tpu.memref_slice %arg6[%add3A, %dma_start3A_296] : memref<64x100000xf32, #tpu.memory_space<hbm>> -> memref<1x12544xf32, #tpu.memory_space<hbm>>
    %dma_start3A_298 = arith.constant 0 : i32
    %dma_start3A_299 = arith.constant 50176 : i32
    %dma_start3A_300 = tpu.memref_slice %arg10[%dma_start3A_298, %dma_start3A_299] : memref<1x100000xf32, #tpu.memory_space<vmem>> -> memref<1x12544xf32, #tpu.memory_space<vmem>>
    %dma_start3A_301 = arith.constant 50176 : i32
    %dma_start3A_302 = tpu.memref_slice %arg6[%add3A, %dma_start3A_301] : memref<64x100000xf32, #tpu.memory_space<hbm>> -> memref<1x12544xf32, #tpu.memory_space<hbm>>
    tpu.enqueue_dma source(%dma_start3A_302 : memref<1x12544xf32, #tpu.memory_space<hbm>>) target(%dma_start3A_300 : memref<1x12544xf32, #tpu.memory_space<vmem>>) target_semaphore(%arg15 : memref<!tpu.dma_semaphore, #tpu.memory_space<semaphore_mem>>)
    %dma_start3A_303 = arith.constant 0 : i32
    %dma_start3A_304 = arith.constant 62720 : i32
    %dma_start3A_305 = tpu.memref_slice %arg10[%dma_start3A_303, %dma_start3A_304] : memref<1x100000xf32, #tpu.memory_space<vmem>> -> memref<1x12544xf32, #tpu.memory_space<vmem>>
    %dma_start3A_306 = arith.constant 62720 : i32
    %dma_start3A_307 = tpu.memref_slice %arg6[%add3A, %dma_start3A_306] : memref<64x100000xf32, #tpu.memory_space<hbm>> -> memref<1x12544xf32, #tpu.memory_space<hbm>>
    %dma_start3A_308 = arith.constant 0 : i32
    %dma_start3A_309 = arith.constant 62720 : i32
    %dma_start3A_310 = tpu.memref_slice %arg10[%dma_start3A_308, %dma_start3A_309] : memref<1x100000xf32, #tpu.memory_space<vmem>> -> memref<1x12544xf32, #tpu.memory_space<vmem>>
    %dma_start3A_311 = arith.constant 62720 : i32
    %dma_start3A_312 = tpu.memref_slice %arg6[%add3A, %dma_start3A_311] : memref<64x100000xf32, #tpu.memory_space<hbm>> -> memref<1x12544xf32, #tpu.memory_space<hbm>>
    tpu.enqueue_dma source(%dma_start3A_312 : memref<1x12544xf32, #tpu.memory_space<hbm>>) target(%dma_start3A_310 : memref<1x12544xf32, #tpu.memory_space<vmem>>) target_semaphore(%arg15 : memref<!tpu.dma_semaphore, #tpu.memory_space<semaphore_mem>>)
    %dma_start3A_313 = arith.constant 0 : i32
    %dma_start3A_314 = arith.constant 75264 : i32
    %dma_start3A_315 = tpu.memref_slice %arg10[%dma_start3A_313, %dma_start3A_314] : memref<1x100000xf32, #tpu.memory_space<vmem>> -> memref<1x12544xf32, #tpu.memory_space<vmem>>
    %dma_start3A_316 = arith.constant 75264 : i32
    %dma_start3A_317 = tpu.memref_slice %arg6[%add3A, %dma_start3A_316] : memref<64x100000xf32, #tpu.memory_space<hbm>> -> memref<1x12544xf32, #tpu.memory_space<hbm>>
    %dma_start3A_318 = arith.constant 0 : i32
    %dma_start3A_319 = arith.constant 75264 : i32
    %dma_start3A_320 = tpu.memref_slice %arg10[%dma_start3A_318, %dma_start3A_319] : memref<1x100000xf32, #tpu.memory_space<vmem>> -> memref<1x12544xf32, #tpu.memory_space<vmem>>
    %dma_start3A_321 = arith.constant 75264 : i32
    %dma_start3A_322 = tpu.memref_slice %arg6[%add3A, %dma_start3A_321] : memref<64x100000xf32, #tpu.memory_space<hbm>> -> memref<1x12544xf32, #tpu.memory_space<hbm>>
    tpu.enqueue_dma source(%dma_start3A_322 : memref<1x12544xf32, #tpu.memory_space<hbm>>) target(%dma_start3A_320 : memref<1x12544xf32, #tpu.memory_space<vmem>>) target_semaphore(%arg15 : memref<!tpu.dma_semaphore, #tpu.memory_space<semaphore_mem>>)
    %dma_start3A_323 = arith.constant 0 : i32
    %dma_start3A_324 = arith.constant 87808 : i32
    %dma_start3A_325 = tpu.memref_slice %arg10[%dma_start3A_323, %dma_start3A_324] : memref<1x100000xf32, #tpu.memory_space<vmem>> -> memref<1x12192xf32, #tpu.memory_space<vmem>>
    %dma_start3A_326 = arith.constant 87808 : i32
    %dma_start3A_327 = tpu.memref_slice %arg6[%add3A, %dma_start3A_326] : memref<64x100000xf32, #tpu.memory_space<hbm>> -> memref<1x12192xf32, #tpu.memory_space<hbm>>
    %dma_start3A_328 = arith.constant 0 : i32
    %dma_start3A_329 = arith.constant 87808 : i32
    %dma_start3A_330 = tpu.memref_slice %arg10[%dma_start3A_328, %dma_start3A_329] : memref<1x100000xf32, #tpu.memory_space<vmem>> -> memref<1x12192xf32, #tpu.memory_space<vmem>>
    %dma_start3A_331 = arith.constant 87808 : i32
    %dma_start3A_332 = tpu.memref_slice %arg6[%add3A, %dma_start3A_331] : memref<64x100000xf32, #tpu.memory_space<hbm>> -> memref<1x12192xf32, #tpu.memory_space<hbm>>
    tpu.enqueue_dma source(%dma_start3A_332 : memref<1x12192xf32, #tpu.memory_space<hbm>>) target(%dma_start3A_330 : memref<1x12192xf32, #tpu.memory_space<vmem>>) target_semaphore(%arg15 : memref<!tpu.dma_semaphore, #tpu.memory_space<semaphore_mem>>)
    %dma_wait3A_333 = arith.constant 0 : i32
    %dma_wait3A_334 = arith.constant 0 : i32
    %dma_wait3A_335 = tpu.memref_slice %arg10[%dma_wait3A_333, %dma_wait3A_334] : memref<1x100000xf32, #tpu.memory_space<vmem>> -> memref<1x12544xf32, #tpu.memory_space<vmem>>
    %dma_wait3A_336 = arith.constant 0 : i32
    %dma_wait3A_337 = tpu.memref_slice %arg6[%add3A, %dma_wait3A_336] : memref<64x100000xf32, #tpu.memory_space<hbm>> -> memref<1x12544xf32, #tpu.memory_space<hbm>>
    %dma_wait3A_338 = arith.constant 0 : i32
    %dma_wait3A_339 = arith.constant 0 : i32
    %dma_wait3A_340 = tpu.memref_slice %arg10[%dma_wait3A_338, %dma_wait3A_339] : memref<1x100000xf32, #tpu.memory_space<vmem>> -> memref<1x12544xf32, #tpu.memory_space<vmem>>
    %dma_wait3A_341 = arith.constant 0 : i32
    %dma_wait3A_342 = tpu.memref_slice %arg6[%add3A, %dma_wait3A_341] : memref<64x100000xf32, #tpu.memory_space<hbm>> -> memref<1x12544xf32, #tpu.memory_space<hbm>>
    tpu.wait_dma2 semaphore(%arg15 : memref<!tpu.dma_semaphore, #tpu.memory_space<semaphore_mem>>) src(%dma_wait3A_342 : memref<1x12544xf32, #tpu.memory_space<hbm>>) dst(%dma_wait3A_340 : memref<1x12544xf32, #tpu.memory_space<vmem>>)
    %dma_wait3A_343 = arith.constant 0 : i32
    %dma_wait3A_344 = arith.constant 12544 : i32
    %dma_wait3A_345 = tpu.memref_slice %arg10[%dma_wait3A_343, %dma_wait3A_344] : memref<1x100000xf32, #tpu.memory_space<vmem>> -> memref<1x12544xf32, #tpu.memory_space<vmem>>
    %dma_wait3A_346 = arith.constant 12544 : i32
    %dma_wait3A_347 = tpu.memref_slice %arg6[%add3A, %dma_wait3A_346] : memref<64x100000xf32, #tpu.memory_space<hbm>> -> memref<1x12544xf32, #tpu.memory_space<hbm>>
    %dma_wait3A_348 = arith.constant 0 : i32
    %dma_wait3A_349 = arith.constant 12544 : i32
    %dma_wait3A_350 = tpu.memref_slice %arg10[%dma_wait3A_348, %dma_wait3A_349] : memref<1x100000xf32, #tpu.memory_space<vmem>> -> memref<1x12544xf32, #tpu.memory_space<vmem>>
    %dma_wait3A_351 = arith.constant 12544 : i32
    %dma_wait3A_352 = tpu.memref_slice %arg6[%add3A, %dma_wait3A_351] : memref<64x100000xf32, #tpu.memory_space<hbm>> -> memref<1x12544xf32, #tpu.memory_space<hbm>>
    tpu.wait_dma2 semaphore(%arg15 : memref<!tpu.dma_semaphore, #tpu.memory_space<semaphore_mem>>) src(%dma_wait3A_352 : memref<1x12544xf32, #tpu.memory_space<hbm>>) dst(%dma_wait3A_350 : memref<1x12544xf32, #tpu.memory_space<vmem>>)
    %dma_wait3A_353 = arith.constant 0 : i32
    %dma_wait3A_354 = arith.constant 25088 : i32
    %dma_wait3A_355 = tpu.memref_slice %arg10[%dma_wait3A_353, %dma_wait3A_354] : memref<1x100000xf32, #tpu.memory_space<vmem>> -> memref<1x12544xf32, #tpu.memory_space<vmem>>
    %dma_wait3A_356 = arith.constant 25088 : i32
    %dma_wait3A_357 = tpu.memref_slice %arg6[%add3A, %dma_wait3A_356] : memref<64x100000xf32, #tpu.memory_space<hbm>> -> memref<1x12544xf32, #tpu.memory_space<hbm>>
    %dma_wait3A_358 = arith.constant 0 : i32
    %dma_wait3A_359 = arith.constant 25088 : i32
    %dma_wait3A_360 = tpu.memref_slice %arg10[%dma_wait3A_358, %dma_wait3A_359] : memref<1x100000xf32, #tpu.memory_space<vmem>> -> memref<1x12544xf32, #tpu.memory_space<vmem>>
    %dma_wait3A_361 = arith.constant 25088 : i32
    %dma_wait3A_362 = tpu.memref_slice %arg6[%add3A, %dma_wait3A_361] : memref<64x100000xf32, #tpu.memory_space<hbm>> -> memref<1x12544xf32, #tpu.memory_space<hbm>>
    tpu.wait_dma2 semaphore(%arg15 : memref<!tpu.dma_semaphore, #tpu.memory_space<semaphore_mem>>) src(%dma_wait3A_362 : memref<1x12544xf32, #tpu.memory_space<hbm>>) dst(%dma_wait3A_360 : memref<1x12544xf32, #tpu.memory_space<vmem>>)
    %dma_wait3A_363 = arith.constant 0 : i32
    %dma_wait3A_364 = arith.constant 37632 : i32
    %dma_wait3A_365 = tpu.memref_slice %arg10[%dma_wait3A_363, %dma_wait3A_364] : memref<1x100000xf32, #tpu.memory_space<vmem>> -> memref<1x12544xf32, #tpu.memory_space<vmem>>
    %dma_wait3A_366 = arith.constant 37632 : i32
    %dma_wait3A_367 = tpu.memref_slice %arg6[%add3A, %dma_wait3A_366] : memref<64x100000xf32, #tpu.memory_space<hbm>> -> memref<1x12544xf32, #tpu.memory_space<hbm>>
    %dma_wait3A_368 = arith.constant 0 : i32
    %dma_wait3A_369 = arith.constant 37632 : i32
    %dma_wait3A_370 = tpu.memref_slice %arg10[%dma_wait3A_368, %dma_wait3A_369] : memref<1x100000xf32, #tpu.memory_space<vmem>> -> memref<1x12544xf32, #tpu.memory_space<vmem>>
    %dma_wait3A_371 = arith.constant 37632 : i32
    %dma_wait3A_372 = tpu.memref_slice %arg6[%add3A, %dma_wait3A_371] : memref<64x100000xf32, #tpu.memory_space<hbm>> -> memref<1x12544xf32, #tpu.memory_space<hbm>>
    tpu.wait_dma2 semaphore(%arg15 : memref<!tpu.dma_semaphore, #tpu.memory_space<semaphore_mem>>) src(%dma_wait3A_372 : memref<1x12544xf32, #tpu.memory_space<hbm>>) dst(%dma_wait3A_370 : memref<1x12544xf32, #tpu.memory_space<vmem>>)
    %dma_wait3A_373 = arith.constant 0 : i32
    %dma_wait3A_374 = arith.constant 50176 : i32
    %dma_wait3A_375 = tpu.memref_slice %arg10[%dma_wait3A_373, %dma_wait3A_374] : memref<1x100000xf32, #tpu.memory_space<vmem>> -> memref<1x12544xf32, #tpu.memory_space<vmem>>
    %dma_wait3A_376 = arith.constant 50176 : i32
    %dma_wait3A_377 = tpu.memref_slice %arg6[%add3A, %dma_wait3A_376] : memref<64x100000xf32, #tpu.memory_space<hbm>> -> memref<1x12544xf32, #tpu.memory_space<hbm>>
    %dma_wait3A_378 = arith.constant 0 : i32
    %dma_wait3A_379 = arith.constant 50176 : i32
    %dma_wait3A_380 = tpu.memref_slice %arg10[%dma_wait3A_378, %dma_wait3A_379] : memref<1x100000xf32, #tpu.memory_space<vmem>> -> memref<1x12544xf32, #tpu.memory_space<vmem>>
    %dma_wait3A_381 = arith.constant 50176 : i32
    %dma_wait3A_382 = tpu.memref_slice %arg6[%add3A, %dma_wait3A_381] : memref<64x100000xf32, #tpu.memory_space<hbm>> -> memref<1x12544xf32, #tpu.memory_space<hbm>>
    tpu.wait_dma2 semaphore(%arg15 : memref<!tpu.dma_semaphore, #tpu.memory_space<semaphore_mem>>) src(%dma_wait3A_382 : memref<1x12544xf32, #tpu.memory_space<hbm>>) dst(%dma_wait3A_380 : memref<1x12544xf32, #tpu.memory_space<vmem>>)
    %dma_wait3A_383 = arith.constant 0 : i32
    %dma_wait3A_384 = arith.constant 62720 : i32
    %dma_wait3A_385 = tpu.memref_slice %arg10[%dma_wait3A_383, %dma_wait3A_384] : memref<1x100000xf32, #tpu.memory_space<vmem>> -> memref<1x12544xf32, #tpu.memory_space<vmem>>
    %dma_wait3A_386 = arith.constant 62720 : i32
    %dma_wait3A_387 = tpu.memref_slice %arg6[%add3A, %dma_wait3A_386] : memref<64x100000xf32, #tpu.memory_space<hbm>> -> memref<1x12544xf32, #tpu.memory_space<hbm>>
    %dma_wait3A_388 = arith.constant 0 : i32
    %dma_wait3A_389 = arith.constant 62720 : i32
    %dma_wait3A_390 = tpu.memref_slice %arg10[%dma_wait3A_388, %dma_wait3A_389] : memref<1x100000xf32, #tpu.memory_space<vmem>> -> memref<1x12544xf32, #tpu.memory_space<vmem>>
    %dma_wait3A_391 = arith.constant 62720 : i32
    %dma_wait3A_392 = tpu.memref_slice %arg6[%add3A, %dma_wait3A_391] : memref<64x100000xf32, #tpu.memory_space<hbm>> -> memref<1x12544xf32, #tpu.memory_space<hbm>>
    tpu.wait_dma2 semaphore(%arg15 : memref<!tpu.dma_semaphore, #tpu.memory_space<semaphore_mem>>) src(%dma_wait3A_392 : memref<1x12544xf32, #tpu.memory_space<hbm>>) dst(%dma_wait3A_390 : memref<1x12544xf32, #tpu.memory_space<vmem>>)
    %dma_wait3A_393 = arith.constant 0 : i32
    %dma_wait3A_394 = arith.constant 75264 : i32
    %dma_wait3A_395 = tpu.memref_slice %arg10[%dma_wait3A_393, %dma_wait3A_394] : memref<1x100000xf32, #tpu.memory_space<vmem>> -> memref<1x12544xf32, #tpu.memory_space<vmem>>
    %dma_wait3A_396 = arith.constant 75264 : i32
    %dma_wait3A_397 = tpu.memref_slice %arg6[%add3A, %dma_wait3A_396] : memref<64x100000xf32, #tpu.memory_space<hbm>> -> memref<1x12544xf32, #tpu.memory_space<hbm>>
    %dma_wait3A_398 = arith.constant 0 : i32
    %dma_wait3A_399 = arith.constant 75264 : i32
    %dma_wait3A_400 = tpu.memref_slice %arg10[%dma_wait3A_398, %dma_wait3A_399] : memref<1x100000xf32, #tpu.memory_space<vmem>> -> memref<1x12544xf32, #tpu.memory_space<vmem>>
    %dma_wait3A_401 = arith.constant 75264 : i32
    %dma_wait3A_402 = tpu.memref_slice %arg6[%add3A, %dma_wait3A_401] : memref<64x100000xf32, #tpu.memory_space<hbm>> -> memref<1x12544xf32, #tpu.memory_space<hbm>>
    tpu.wait_dma2 semaphore(%arg15 : memref<!tpu.dma_semaphore, #tpu.memory_space<semaphore_mem>>) src(%dma_wait3A_402 : memref<1x12544xf32, #tpu.memory_space<hbm>>) dst(%dma_wait3A_400 : memref<1x12544xf32, #tpu.memory_space<vmem>>)
    %dma_wait3A_403 = arith.constant 0 : i32
    %dma_wait3A_404 = arith.constant 87808 : i32
    %dma_wait3A_405 = tpu.memref_slice %arg10[%dma_wait3A_403, %dma_wait3A_404] : memref<1x100000xf32, #tpu.memory_space<vmem>> -> memref<1x12192xf32, #tpu.memory_space<vmem>>
    %dma_wait3A_406 = arith.constant 87808 : i32
    %dma_wait3A_407 = tpu.memref_slice %arg6[%add3A, %dma_wait3A_406] : memref<64x100000xf32, #tpu.memory_space<hbm>> -> memref<1x12192xf32, #tpu.memory_space<hbm>>
    %dma_wait3A_408 = arith.constant 0 : i32
    %dma_wait3A_409 = arith.constant 87808 : i32
    %dma_wait3A_410 = tpu.memref_slice %arg10[%dma_wait3A_408, %dma_wait3A_409] : memref<1x100000xf32, #tpu.memory_space<vmem>> -> memref<1x12192xf32, #tpu.memory_space<vmem>>
    %dma_wait3A_411 = arith.constant 87808 : i32
    %dma_wait3A_412 = tpu.memref_slice %arg6[%add3A, %dma_wait3A_411] : memref<64x100000xf32, #tpu.memory_space<hbm>> -> memref<1x12192xf32, #tpu.memory_space<hbm>>
    tpu.wait_dma2 semaphore(%arg15 : memref<!tpu.dma_semaphore, #tpu.memory_space<semaphore_mem>>) src(%dma_wait3A_412 : memref<1x12192xf32, #tpu.memory_space<hbm>>) dst(%dma_wait3A_410 : memref<1x12192xf32, #tpu.memory_space<vmem>>)
    %dma_start3A_413 = arith.constant 4096 : i32
    %dma_start3A_414 = tpu.memref_slice %arg3[%dma_start3A_413] : memref<16384xi32, #tpu.memory_space<hbm>> -> memref<4096xi32, #tpu.memory_space<hbm>>
    %dma_start3A_415 = arith.constant 4096 : i32
    %dma_start3A_416 = tpu.memref_slice %arg3[%dma_start3A_415] : memref<16384xi32, #tpu.memory_space<hbm>> -> memref<4096xi32, #tpu.memory_space<hbm>>
    tpu.enqueue_dma source(%dma_start3A_416 : memref<4096xi32, #tpu.memory_space<hbm>>) target(%arg12 : memref<4096xi32, #tpu.memory_space<vmem>>) target_semaphore(%arg16 : memref<!tpu.dma_semaphore, #tpu.memory_space<semaphore_mem>>)
    %dma_wait3A_417 = arith.constant 0 : i32
    %dma_wait3A_418 = tpu.memref_slice %arg3[%dma_wait3A_417] : memref<16384xi32, #tpu.memory_space<hbm>> -> memref<4096xi32, #tpu.memory_space<hbm>>
    %dma_wait3A_419 = arith.constant 0 : i32
    %dma_wait3A_420 = tpu.memref_slice %arg3[%dma_wait3A_419] : memref<16384xi32, #tpu.memory_space<hbm>> -> memref<4096xi32, #tpu.memory_space<hbm>>
    tpu.wait_dma2 semaphore(%arg16 : memref<!tpu.dma_semaphore, #tpu.memory_space<semaphore_mem>>) src(%dma_wait3A_420 : memref<4096xi32, #tpu.memory_space<hbm>>) dst(%arg11 : memref<4096xi32, #tpu.memory_space<vmem>>)
    %dma_wait3A_421 = arith.constant 8192 : i32
    %dma_wait3A_422 = tpu.memref_slice %arg7[%add3A, %dma_wait3A_421] : memref<64x16384xf32, #tpu.memory_space<hbm>> -> memref<1x4096xf32, #tpu.memory_space<hbm>>
    %dma_wait3A_423 = tpu.memref_squeeze %dma_wait3A_422 : memref<1x4096xf32, #tpu.memory_space<hbm>> -> memref<4096xf32, #tpu.memory_space<hbm>>
    %dma_wait3A_424 = arith.constant 8192 : i32
    %dma_wait3A_425 = tpu.memref_slice %arg7[%add3A, %dma_wait3A_424] : memref<64x16384xf32, #tpu.memory_space<hbm>> -> memref<1x4096xf32, #tpu.memory_space<hbm>>
    %dma_wait3A_426 = tpu.memref_squeeze %dma_wait3A_425 : memref<1x4096xf32, #tpu.memory_space<hbm>> -> memref<4096xf32, #tpu.memory_space<hbm>>
    tpu.wait_dma2 semaphore(%arg17 : memref<!tpu.dma_semaphore, #tpu.memory_space<semaphore_mem>>) src(%arg13 : memref<4096xf32, #tpu.memory_space<vmem>>) dst(%dma_wait3A_426 : memref<4096xf32, #tpu.memory_space<hbm>>)
    %scan3A_427 = arith.constant 0 : i32
    %scan3A_428 = arith.constant 32 : i32
    %scan3A_429 = arith.addi %scan3A_427, %scan3A_428 : i32
    %scan3A_430 = arith.constant 1 : i32
    scf.for %scan3A_1241 = %scan3A_427 to %scan3A_429 step %scan3A_430  : i32 {
      %mul3A_1242 = arith.constant 128 : i32
      %mul3A_1243 = arith.muli %scan3A_1241, %mul3A_1242 : i32
      %add3A_1244 = arith.constant 0 : i32
      %add3A_1245 = arith.addi %add3A_1244, %mul3A_1243 : i32
      %add3A_1246 = arith.constant 0 : i32
      %add3A_1247 = arith.addi %add3A_1245, %add3A_1246 : i32
      %get3A = arith.index_cast %add3A_1247 : i32 to index
      %get3A_1248 = tpu.vector_load %arg11[%get3A] {strides = array<i32>} : memref<4096xi32, #tpu.memory_space<vmem>>, vector<16xi32>,
      %add3A_1249 = arith.constant 16 : i32
      %add3A_1250 = arith.addi %add3A_1245, %add3A_1249 : i32
      %get3A_1251 = arith.index_cast %add3A_1250 : i32 to index
      %get3A_1252 = tpu.vector_load %arg11[%get3A_1251] {strides = array<i32>} : memref<4096xi32, #tpu.memory_space<vmem>>, vector<16xi32>,
      %add3A_1253 = arith.constant 32 : i32
      %add3A_1254 = arith.addi %add3A_1245, %add3A_1253 : i32
      %get3A_1255 = arith.index_cast %add3A_1254 : i32 to index
      %get3A_1256 = tpu.vector_load %arg11[%get3A_1255] {strides = array<i32>} : memref<4096xi32, #tpu.memory_space<vmem>>, vector<16xi32>,
      %add3A_1257 = arith.constant 48 : i32
      %add3A_1258 = arith.addi %add3A_1245, %add3A_1257 : i32
      %get3A_1259 = arith.index_cast %add3A_1258 : i32 to index
      %get3A_1260 = tpu.vector_load %arg11[%get3A_1259] {strides = array<i32>} : memref<4096xi32, #tpu.memory_space<vmem>>, vector<16xi32>,
      %add3A_1261 = arith.constant 64 : i32
      %add3A_1262 = arith.addi %add3A_1245, %add3A_1261 : i32
      %get3A_1263 = arith.index_cast %add3A_1262 : i32 to index
      %get3A_1264 = tpu.vector_load %arg11[%get3A_1263] {strides = array<i32>} : memref<4096xi32, #tpu.memory_space<vmem>>, vector<16xi32>,
      %add3A_1265 = arith.constant 80 : i32
      %add3A_1266 = arith.addi %add3A_1245, %add3A_1265 : i32
      %get3A_1267 = arith.index_cast %add3A_1266 : i32 to index
      %get3A_1268 = tpu.vector_load %arg11[%get3A_1267] {strides = array<i32>} : memref<4096xi32, #tpu.memory_space<vmem>>, vector<16xi32>,
      %add3A_1269 = arith.constant 96 : i32
      %add3A_1270 = arith.addi %add3A_1245, %add3A_1269 : i32
      %get3A_1271 = arith.index_cast %add3A_1270 : i32 to index
      %get3A_1272 = tpu.vector_load %arg11[%get3A_1271] {strides = array<i32>} : memref<4096xi32, #tpu.memory_space<vmem>>, vector<16xi32>,
      %add3A_1273 = arith.constant 112 : i32
      %add3A_1274 = arith.addi %add3A_1245, %add3A_1273 : i32
      %get3A_1275 = arith.index_cast %add3A_1274 : i32 to index
      %get3A_1276 = tpu.vector_load %arg11[%get3A_1275] {strides = array<i32>} : memref<4096xi32, #tpu.memory_space<vmem>>, vector<16xi32>,
      %gather3A = tpu.vector_load_idx %arg10[%broadcast_in_dim3A_1, %get3A_1248] : memref<1x100000xf32, #tpu.memory_space<vmem>>[vector<16xi32>, vector<16xi32>], vector<16xf32>,
      %gather3A_1277 = tpu.vector_load_idx %arg10[%broadcast_in_dim3A_1, %get3A_1252] : memref<1x100000xf32, #tpu.memory_space<vmem>>[vector<16xi32>, vector<16xi32>], vector<16xf32>,
      %gather3A_1278 = tpu.vector_load_idx %arg10[%broadcast_in_dim3A_1, %get3A_1256] : memref<1x100000xf32, #tpu.memory_space<vmem>>[vector<16xi32>, vector<16xi32>], vector<16xf32>,
      %gather3A_1279 = tpu.vector_load_idx %arg10[%broadcast_in_dim3A_1, %get3A_1260] : memref<1x100000xf32, #tpu.memory_space<vmem>>[vector<16xi32>, vector<16xi32>], vector<16xf32>,
      %gather3A_1280 = tpu.vector_load_idx %arg10[%broadcast_in_dim3A_1, %get3A_1264] : memref<1x100000xf32, #tpu.memory_space<vmem>>[vector<16xi32>, vector<16xi32>], vector<16xf32>,
      %gather3A_1281 = tpu.vector_load_idx %arg10[%broadcast_in_dim3A_1, %get3A_1268] : memref<1x100000xf32, #tpu.memory_space<vmem>>[vector<16xi32>, vector<16xi32>], vector<16xf32>,
      %gather3A_1282 = tpu.vector_load_idx %arg10[%broadcast_in_dim3A_1, %get3A_1272] : memref<1x100000xf32, #tpu.memory_space<vmem>>[vector<16xi32>, vector<16xi32>], vector<16xf32>,
      %gather3A_1283 = tpu.vector_load_idx %arg10[%broadcast_in_dim3A_1, %get3A_1276] : memref<1x100000xf32, #tpu.memory_space<vmem>>[vector<16xi32>, vector<16xi32>], vector<16xf32>,
      %add3A_1284 = arith.constant 0 : i32
      %add3A_1285 = arith.addi %add3A_1245, %add3A_1284 : i32
      %swap3A = arith.index_cast %add3A_1285 : i32 to index
      %swap3A_1286 = tpu.vector_load %arg13[%swap3A] {strides = array<i32>} : memref<4096xf32, #tpu.memory_space<vmem>>, vector<16xf32>,
      tpu.vector_store %arg13[%swap3A], %gather3A {strides = array<i32>} : memref<4096xf32, #tpu.memory_space<vmem>>, vector<16xf32>,
      %add3A_1287 = arith.constant 16 : i32
      %add3A_1288 = arith.addi %add3A_1245, %add3A_1287 : i32
      %swap3A_1289 = arith.index_cast %add3A_1288 : i32 to index
      %swap3A_1290 = tpu.vector_load %arg13[%swap3A_1289] {strides = array<i32>} : memref<4096xf32, #tpu.memory_space<vmem>>, vector<16xf32>,
      tpu.vector_store %arg13[%swap3A_1289], %gather3A_1277 {strides = array<i32>} : memref<4096xf32, #tpu.memory_space<vmem>>, vector<16xf32>,
      %add3A_1291 = arith.constant 32 : i32
      %add3A_1292 = arith.addi %add3A_1245, %add3A_1291 : i32
      %swap3A_1293 = arith.index_cast %add3A_1292 : i32 to index
      %swap3A_1294 = tpu.vector_load %arg13[%swap3A_1293] {strides = array<i32>} : memref<4096xf32, #tpu.memory_space<vmem>>, vector<16xf32>,
      tpu.vector_store %arg13[%swap3A_1293], %gather3A_1278 {strides = array<i32>} : memref<4096xf32, #tpu.memory_space<vmem>>, vector<16xf32>,
      %add3A_1295 = arith.constant 48 : i32
      %add3A_1296 = arith.addi %add3A_1245, %add3A_1295 : i32
      %swap3A_1297 = arith.index_cast %add3A_1296 : i32 to index
      %swap3A_1298 = tpu.vector_load %arg13[%swap3A_1297] {strides = array<i32>} : memref<4096xf32, #tpu.memory_space<vmem>>, vector<16xf32>,
      tpu.vector_store %arg13[%swap3A_1297], %gather3A_1279 {strides = array<i32>} : memref<4096xf32, #tpu.memory_space<vmem>>, vector<16xf32>,
      %add3A_1299 = arith.constant 64 : i32
      %add3A_1300 = arith.addi %add3A_1245, %add3A_1299 : i32
      %swap3A_1301 = arith.index_cast %add3A_1300 : i32 to index
      %swap3A_1302 = tpu.vector_load %arg13[%swap3A_1301] {strides = array<i32>} : memref<4096xf32, #tpu.memory_space<vmem>>, vector<16xf32>,
      tpu.vector_store %arg13[%swap3A_1301], %gather3A_1280 {strides = array<i32>} : memref<4096xf32, #tpu.memory_space<vmem>>, vector<16xf32>,
      %add3A_1303 = arith.constant 80 : i32
      %add3A_1304 = arith.addi %add3A_1245, %add3A_1303 : i32
      %swap3A_1305 = arith.index_cast %add3A_1304 : i32 to index
      %swap3A_1306 = tpu.vector_load %arg13[%swap3A_1305] {strides = array<i32>} : memref<4096xf32, #tpu.memory_space<vmem>>, vector<16xf32>,
      tpu.vector_store %arg13[%swap3A_1305], %gather3A_1281 {strides = array<i32>} : memref<4096xf32, #tpu.memory_space<vmem>>, vector<16xf32>,
      %add3A_1307 = arith.constant 96 : i32
      %add3A_1308 = arith.addi %add3A_1245, %add3A_1307 : i32
      %swap3A_1309 = arith.index_cast %add3A_1308 : i32 to index
      %swap3A_1310 = tpu.vector_load %arg13[%swap3A_1309] {strides = array<i32>} : memref<4096xf32, #tpu.memory_space<vmem>>, vector<16xf32>,
      tpu.vector_store %arg13[%swap3A_1309], %gather3A_1282 {strides = array<i32>} : memref<4096xf32, #tpu.memory_space<vmem>>, vector<16xf32>,
      %add3A_1311 = arith.constant 112 : i32
      %add3A_1312 = arith.addi %add3A_1245, %add3A_1311 : i32
      %swap3A_1313 = arith.index_cast %add3A_1312 : i32 to index
      %swap3A_1314 = tpu.vector_load %arg13[%swap3A_1313] {strides = array<i32>} : memref<4096xf32, #tpu.memory_space<vmem>>, vector<16xf32>,
      tpu.vector_store %arg13[%swap3A_1313], %gather3A_1283 {strides = array<i32>} : memref<4096xf32, #tpu.memory_space<vmem>>, vector<16xf32>,
    }
    %scan3A_431 = arith.constant 32 : i32
    %dma_start3A_432 = arith.constant 0 : i32
    %dma_start3A_433 = tpu.memref_slice %arg8[%add3A, %dma_start3A_432] : memref<64x16384xf32, #tpu.memory_space<hbm>> -> memref<1x4096xf32, #tpu.memory_space<hbm>>
    %dma_start3A_434 = tpu.memref_squeeze %dma_start3A_433 : memref<1x4096xf32, #tpu.memory_space<hbm>> -> memref<4096xf32, #tpu.memory_space<hbm>>
    %dma_start3A_435 = arith.constant 0 : i32
    %dma_start3A_436 = tpu.memref_slice %arg8[%add3A, %dma_start3A_435] : memref<64x16384xf32, #tpu.memory_space<hbm>> -> memref<1x4096xf32, #tpu.memory_space<hbm>>
    %dma_start3A_437 = tpu.memref_squeeze %dma_start3A_436 : memref<1x4096xf32, #tpu.memory_space<hbm>> -> memref<4096xf32, #tpu.memory_space<hbm>>
    tpu.enqueue_dma source(%arg13 : memref<4096xf32, #tpu.memory_space<vmem>>) target(%dma_start3A_437 : memref<4096xf32, #tpu.memory_space<hbm>>) target_semaphore(%arg17 : memref<!tpu.dma_semaphore, #tpu.memory_space<semaphore_mem>>)
    %dma_start3A_438 = arith.constant 8192 : i32
    %dma_start3A_439 = tpu.memref_slice %arg3[%dma_start3A_438] : memref<16384xi32, #tpu.memory_space<hbm>> -> memref<4096xi32, #tpu.memory_space<hbm>>
    %dma_start3A_440 = arith.constant 8192 : i32
    %dma_start3A_441 = tpu.memref_slice %arg3[%dma_start3A_440] : memref<16384xi32, #tpu.memory_space<hbm>> -> memref<4096xi32, #tpu.memory_space<hbm>>
    tpu.enqueue_dma source(%dma_start3A_441 : memref<4096xi32, #tpu.memory_space<hbm>>) target(%arg11 : memref<4096xi32, #tpu.memory_space<vmem>>) target_semaphore(%arg16 : memref<!tpu.dma_semaphore, #tpu.memory_space<semaphore_mem>>)
    %dma_wait3A_442 = arith.constant 4096 : i32
    %dma_wait3A_443 = tpu.memref_slice %arg3[%dma_wait3A_442] : memref<16384xi32, #tpu.memory_space<hbm>> -> memref<4096xi32, #tpu.memory_space<hbm>>
    %dma_wait3A_444 = arith.constant 4096 : i32
    %dma_wait3A_445 = tpu.memref_slice %arg3[%dma_wait3A_444] : memref<16384xi32, #tpu.memory_space<hbm>> -> memref<4096xi32, #tpu.memory_space<hbm>>
    tpu.wait_dma2 semaphore(%arg16 : memref<!tpu.dma_semaphore, #tpu.memory_space<semaphore_mem>>) src(%dma_wait3A_445 : memref<4096xi32, #tpu.memory_space<hbm>>) dst(%arg12 : memref<4096xi32, #tpu.memory_space<vmem>>)
    %dma_wait3A_446 = arith.constant 12288 : i32
    %dma_wait3A_447 = tpu.memref_slice %arg7[%add3A, %dma_wait3A_446] : memref<64x16384xf32, #tpu.memory_space<hbm>> -> memref<1x4096xf32, #tpu.memory_space<hbm>>
    %dma_wait3A_448 = tpu.memref_squeeze %dma_wait3A_447 : memref<1x4096xf32, #tpu.memory_space<hbm>> -> memref<4096xf32, #tpu.memory_space<hbm>>
    %dma_wait3A_449 = arith.constant 12288 : i32
    %dma_wait3A_450 = tpu.memref_slice %arg7[%add3A, %dma_wait3A_449] : memref<64x16384xf32, #tpu.memory_space<hbm>> -> memref<1x4096xf32, #tpu.memory_space<hbm>>
    %dma_wait3A_451 = tpu.memref_squeeze %dma_wait3A_450 : memref<1x4096xf32, #tpu.memory_space<hbm>> -> memref<4096xf32, #tpu.memory_space<hbm>>
    tpu.wait_dma2 semaphore(%arg17 : memref<!tpu.dma_semaphore, #tpu.memory_space<semaphore_mem>>) src(%arg14 : memref<4096xf32, #tpu.memory_space<vmem>>) dst(%dma_wait3A_451 : memref<4096xf32, #tpu.memory_space<hbm>>)
    %scan3A_452 = arith.constant 0 : i32
    %scan3A_453 = arith.constant 32 : i32
    %scan3A_454 = arith.addi %scan3A_452, %scan3A_453 : i32
    %scan3A_455 = arith.constant 1 : i32
    scf.for %scan3A_1241 = %scan3A_452 to %scan3A_454 step %scan3A_455  : i32 {
      %mul3A_1242 = arith.constant 128 : i32
      %mul3A_1243 = arith.muli %scan3A_1241, %mul3A_1242 : i32
      %add3A_1244 = arith.constant 0 : i32
      %add3A_1245 = arith.addi %add3A_1244, %mul3A_1243 : i32
      %add3A_1246 = arith.constant 0 : i32
      %add3A_1247 = arith.addi %add3A_1245, %add3A_1246 : i32
      %get3A = arith.index_cast %add3A_1247 : i32 to index
      %get3A_1248 = tpu.vector_load %arg12[%get3A] {strides = array<i32>} : memref<4096xi32, #tpu.memory_space<vmem>>, vector<16xi32>,
      %add3A_1249 = arith.constant 16 : i32
      %add3A_1250 = arith.addi %add3A_1245, %add3A_1249 : i32
      %get3A_1251 = arith.index_cast %add3A_1250 : i32 to index
      %get3A_1252 = tpu.vector_load %arg12[%get3A_1251] {strides = array<i32>} : memref<4096xi32, #tpu.memory_space<vmem>>, vector<16xi32>,
      %add3A_1253 = arith.constant 32 : i32
      %add3A_1254 = arith.addi %add3A_1245, %add3A_1253 : i32
      %get3A_1255 = arith.index_cast %add3A_1254 : i32 to index
      %get3A_1256 = tpu.vector_load %arg12[%get3A_1255] {strides = array<i32>} : memref<4096xi32, #tpu.memory_space<vmem>>, vector<16xi32>,
      %add3A_1257 = arith.constant 48 : i32
      %add3A_1258 = arith.addi %add3A_1245, %add3A_1257 : i32
      %get3A_1259 = arith.index_cast %add3A_1258 : i32 to index
      %get3A_1260 = tpu.vector_load %arg12[%get3A_1259] {strides = array<i32>} : memref<4096xi32, #tpu.memory_space<vmem>>, vector<16xi32>,
      %add3A_1261 = arith.constant 64 : i32
      %add3A_1262 = arith.addi %add3A_1245, %add3A_1261 : i32
      %get3A_1263 = arith.index_cast %add3A_1262 : i32 to index
      %get3A_1264 = tpu.vector_load %arg12[%get3A_1263] {strides = array<i32>} : memref<4096xi32, #tpu.memory_space<vmem>>, vector<16xi32>,
      %add3A_1265 = arith.constant 80 : i32
      %add3A_1266 = arith.addi %add3A_1245, %add3A_1265 : i32
      %get3A_1267 = arith.index_cast %add3A_1266 : i32 to index
      %get3A_1268 = tpu.vector_load %arg12[%get3A_1267] {strides = array<i32>} : memref<4096xi32, #tpu.memory_space<vmem>>, vector<16xi32>,
      %add3A_1269 = arith.constant 96 : i32
      %add3A_1270 = arith.addi %add3A_1245, %add3A_1269 : i32
      %get3A_1271 = arith.index_cast %add3A_1270 : i32 to index
      %get3A_1272 = tpu.vector_load %arg12[%get3A_1271] {strides = array<i32>} : memref<4096xi32, #tpu.memory_space<vmem>>, vector<16xi32>,
      %add3A_1273 = arith.constant 112 : i32
      %add3A_1274 = arith.addi %add3A_1245, %add3A_1273 : i32
      %get3A_1275 = arith.index_cast %add3A_1274 : i32 to index
      %get3A_1276 = tpu.vector_load %arg12[%get3A_1275] {strides = array<i32>} : memref<4096xi32, #tpu.memory_space<vmem>>, vector<16xi32>,
      %gather3A = tpu.vector_load_idx %arg10[%broadcast_in_dim3A_1, %get3A_1248] : memref<1x100000xf32, #tpu.memory_space<vmem>>[vector<16xi32>, vector<16xi32>], vector<16xf32>,
      %gather3A_1277 = tpu.vector_load_idx %arg10[%broadcast_in_dim3A_1, %get3A_1252] : memref<1x100000xf32, #tpu.memory_space<vmem>>[vector<16xi32>, vector<16xi32>], vector<16xf32>,
      %gather3A_1278 = tpu.vector_load_idx %arg10[%broadcast_in_dim3A_1, %get3A_1256] : memref<1x100000xf32, #tpu.memory_space<vmem>>[vector<16xi32>, vector<16xi32>], vector<16xf32>,
      %gather3A_1279 = tpu.vector_load_idx %arg10[%broadcast_in_dim3A_1, %get3A_1260] : memref<1x100000xf32, #tpu.memory_space<vmem>>[vector<16xi32>, vector<16xi32>], vector<16xf32>,
      %gather3A_1280 = tpu.vector_load_idx %arg10[%broadcast_in_dim3A_1, %get3A_1264] : memref<1x100000xf32, #tpu.memory_space<vmem>>[vector<16xi32>, vector<16xi32>], vector<16xf32>,
      %gather3A_1281 = tpu.vector_load_idx %arg10[%broadcast_in_dim3A_1, %get3A_1268] : memref<1x100000xf32, #tpu.memory_space<vmem>>[vector<16xi32>, vector<16xi32>], vector<16xf32>,
      %gather3A_1282 = tpu.vector_load_idx %arg10[%broadcast_in_dim3A_1, %get3A_1272] : memref<1x100000xf32, #tpu.memory_space<vmem>>[vector<16xi32>, vector<16xi32>], vector<16xf32>,
      %gather3A_1283 = tpu.vector_load_idx %arg10[%broadcast_in_dim3A_1, %get3A_1276] : memref<1x100000xf32, #tpu.memory_space<vmem>>[vector<16xi32>, vector<16xi32>], vector<16xf32>,
      %add3A_1284 = arith.constant 0 : i32
      %add3A_1285 = arith.addi %add3A_1245, %add3A_1284 : i32
      %swap3A = arith.index_cast %add3A_1285 : i32 to index
      %swap3A_1286 = tpu.vector_load %arg14[%swap3A] {strides = array<i32>} : memref<4096xf32, #tpu.memory_space<vmem>>, vector<16xf32>,
      tpu.vector_store %arg14[%swap3A], %gather3A {strides = array<i32>} : memref<4096xf32, #tpu.memory_space<vmem>>, vector<16xf32>,
      %add3A_1287 = arith.constant 16 : i32
      %add3A_1288 = arith.addi %add3A_1245, %add3A_1287 : i32
      %swap3A_1289 = arith.index_cast %add3A_1288 : i32 to index
      %swap3A_1290 = tpu.vector_load %arg14[%swap3A_1289] {strides = array<i32>} : memref<4096xf32, #tpu.memory_space<vmem>>, vector<16xf32>,
      tpu.vector_store %arg14[%swap3A_1289], %gather3A_1277 {strides = array<i32>} : memref<4096xf32, #tpu.memory_space<vmem>>, vector<16xf32>,
      %add3A_1291 = arith.constant 32 : i32
      %add3A_1292 = arith.addi %add3A_1245, %add3A_1291 : i32
      %swap3A_1293 = arith.index_cast %add3A_1292 : i32 to index
      %swap3A_1294 = tpu.vector_load %arg14[%swap3A_1293] {strides = array<i32>} : memref<4096xf32, #tpu.memory_space<vmem>>, vector<16xf32>,
      tpu.vector_store %arg14[%swap3A_1293], %gather3A_1278 {strides = array<i32>} : memref<4096xf32, #tpu.memory_space<vmem>>, vector<16xf32>,
      %add3A_1295 = arith.constant 48 : i32
      %add3A_1296 = arith.addi %add3A_1245, %add3A_1295 : i32
      %swap3A_1297 = arith.index_cast %add3A_1296 : i32 to index
      %swap3A_1298 = tpu.vector_load %arg14[%swap3A_1297] {strides = array<i32>} : memref<4096xf32, #tpu.memory_space<vmem>>, vector<16xf32>,
      tpu.vector_store %arg14[%swap3A_1297], %gather3A_1279 {strides = array<i32>} : memref<4096xf32, #tpu.memory_space<vmem>>, vector<16xf32>,
      %add3A_1299 = arith.constant 64 : i32
      %add3A_1300 = arith.addi %add3A_1245, %add3A_1299 : i32
      %swap3A_1301 = arith.index_cast %add3A_1300 : i32 to index
      %swap3A_1302 = tpu.vector_load %arg14[%swap3A_1301] {strides = array<i32>} : memref<4096xf32, #tpu.memory_space<vmem>>, vector<16xf32>,
      tpu.vector_store %arg14[%swap3A_1301], %gather3A_1280 {strides = array<i32>} : memref<4096xf32, #tpu.memory_space<vmem>>, vector<16xf32>,
      %add3A_1303 = arith.constant 80 : i32
      %add3A_1304 = arith.addi %add3A_1245, %add3A_1303 : i32
      %swap3A_1305 = arith.index_cast %add3A_1304 : i32 to index
      %swap3A_1306 = tpu.vector_load %arg14[%swap3A_1305] {strides = array<i32>} : memref<4096xf32, #tpu.memory_space<vmem>>, vector<16xf32>,
      tpu.vector_store %arg14[%swap3A_1305], %gather3A_1281 {strides = array<i32>} : memref<4096xf32, #tpu.memory_space<vmem>>, vector<16xf32>,
      %add3A_1307 = arith.constant 96 : i32
      %add3A_1308 = arith.addi %add3A_1245, %add3A_1307 : i32
      %swap3A_1309 = arith.index_cast %add3A_1308 : i32 to index
      %swap3A_1310 = tpu.vector_load %arg14[%swap3A_1309] {strides = array<i32>} : memref<4096xf32, #tpu.memory_space<vmem>>, vector<16xf32>,
      tpu.vector_store %arg14[%swap3A_1309], %gather3A_1282 {strides = array<i32>} : memref<4096xf32, #tpu.memory_space<vmem>>, vector<16xf32>,
      %add3A_1311 = arith.constant 112 : i32
      %add3A_1312 = arith.addi %add3A_1245, %add3A_1311 : i32
      %swap3A_1313 = arith.index_cast %add3A_1312 : i32 to index
      %swap3A_1314 = tpu.vector_load %arg14[%swap3A_1313] {strides = array<i32>} : memref<4096xf32, #tpu.memory_space<vmem>>, vector<16xf32>,
      tpu.vector_store %arg14[%swap3A_1313], %gather3A_1283 {strides = array<i32>} : memref<4096xf32, #tpu.memory_space<vmem>>, vector<16xf32>,
    }
    %scan3A_456 = arith.constant 32 : i32
    %dma_start3A_457 = arith.constant 4096 : i32
    %dma_start3A_458 = tpu.memref_slice %arg8[%add3A, %dma_start3A_457] : memref<64x16384xf32, #tpu.memory_space<hbm>> -> memref<1x4096xf32, #tpu.memory_space<hbm>>
    %dma_start3A_459 = tpu.memref_squeeze %dma_start3A_458 : memref<1x4096xf32, #tpu.memory_space<hbm>> -> memref<4096xf32, #tpu.memory_space<hbm>>
    %dma_start3A_460 = arith.constant 4096 : i32
    %dma_start3A_461 = tpu.memref_slice %arg8[%add3A, %dma_start3A_460] : memref<64x16384xf32, #tpu.memory_space<hbm>> -> memref<1x4096xf32, #tpu.memory_space<hbm>>
    %dma_start3A_462 = tpu.memref_squeeze %dma_start3A_461 : memref<1x4096xf32, #tpu.memory_space<hbm>> -> memref<4096xf32, #tpu.memory_space<hbm>>
    tpu.enqueue_dma source(%arg14 : memref<4096xf32, #tpu.memory_space<vmem>>) target(%dma_start3A_462 : memref<4096xf32, #tpu.memory_space<hbm>>) target_semaphore(%arg17 : memref<!tpu.dma_semaphore, #tpu.memory_space<semaphore_mem>>)
    %dma_start3A_463 = arith.constant 12288 : i32
    %dma_start3A_464 = tpu.memref_slice %arg3[%dma_start3A_463] : memref<16384xi32, #tpu.memory_space<hbm>> -> memref<4096xi32, #tpu.memory_space<hbm>>
    %dma_start3A_465 = arith.constant 12288 : i32
    %dma_start3A_466 = tpu.memref_slice %arg3[%dma_start3A_465] : memref<16384xi32, #tpu.memory_space<hbm>> -> memref<4096xi32, #tpu.memory_space<hbm>>
    tpu.enqueue_dma source(%dma_start3A_466 : memref<4096xi32, #tpu.memory_space<hbm>>) target(%arg12 : memref<4096xi32, #tpu.memory_space<vmem>>) target_semaphore(%arg16 : memref<!tpu.dma_semaphore, #tpu.memory_space<semaphore_mem>>)
    %dma_wait3A_467 = arith.constant 8192 : i32
    %dma_wait3A_468 = tpu.memref_slice %arg3[%dma_wait3A_467] : memref<16384xi32, #tpu.memory_space<hbm>> -> memref<4096xi32, #tpu.memory_space<hbm>>
    %dma_wait3A_469 = arith.constant 8192 : i32
    %dma_wait3A_470 = tpu.memref_slice %arg3[%dma_wait3A_469] : memref<16384xi32, #tpu.memory_space<hbm>> -> memref<4096xi32, #tpu.memory_space<hbm>>
    tpu.wait_dma2 semaphore(%arg16 : memref<!tpu.dma_semaphore, #tpu.memory_space<semaphore_mem>>) src(%dma_wait3A_470 : memref<4096xi32, #tpu.memory_space<hbm>>) dst(%arg11 : memref<4096xi32, #tpu.memory_space<vmem>>)
    %dma_wait3A_471 = arith.constant 0 : i32
    %dma_wait3A_472 = tpu.memref_slice %arg8[%add3A, %dma_wait3A_471] : memref<64x16384xf32, #tpu.memory_space<hbm>> -> memref<1x4096xf32, #tpu.memory_space<hbm>>
    %dma_wait3A_473 = tpu.memref_squeeze %dma_wait3A_472 : memref<1x4096xf32, #tpu.memory_space<hbm>> -> memref<4096xf32, #tpu.memory_space<hbm>>
    %dma_wait3A_474 = arith.constant 0 : i32
    %dma_wait3A_475 = tpu.memref_slice %arg8[%add3A, %dma_wait3A_474] : memref<64x16384xf32, #tpu.memory_space<hbm>> -> memref<1x4096xf32, #tpu.memory_space<hbm>>
    %dma_wait3A_476 = tpu.memref_squeeze %dma_wait3A_475 : memref<1x4096xf32, #tpu.memory_space<hbm>> -> memref<4096xf32, #tpu.memory_space<hbm>>
    tpu.wait_dma2 semaphore(%arg17 : memref<!tpu.dma_semaphore, #tpu.memory_space<semaphore_mem>>) src(%arg13 : memref<4096xf32, #tpu.memory_space<vmem>>) dst(%dma_wait3A_476 : memref<4096xf32, #tpu.memory_space<hbm>>)
    %scan3A_477 = arith.constant 0 : i32
    %scan3A_478 = arith.constant 32 : i32
    %scan3A_479 = arith.addi %scan3A_477, %scan3A_478 : i32
    %scan3A_480 = arith.constant 1 : i32
    scf.for %scan3A_1241 = %scan3A_477 to %scan3A_479 step %scan3A_480  : i32 {
      %mul3A_1242 = arith.constant 128 : i32
      %mul3A_1243 = arith.muli %scan3A_1241, %mul3A_1242 : i32
      %add3A_1244 = arith.constant 0 : i32
      %add3A_1245 = arith.addi %add3A_1244, %mul3A_1243 : i32
      %add3A_1246 = arith.constant 0 : i32
      %add3A_1247 = arith.addi %add3A_1245, %add3A_1246 : i32
      %get3A = arith.index_cast %add3A_1247 : i32 to index
      %get3A_1248 = tpu.vector_load %arg11[%get3A] {strides = array<i32>} : memref<4096xi32, #tpu.memory_space<vmem>>, vector<16xi32>,
      %add3A_1249 = arith.constant 16 : i32
      %add3A_1250 = arith.addi %add3A_1245, %add3A_1249 : i32
      %get3A_1251 = arith.index_cast %add3A_1250 : i32 to index
      %get3A_1252 = tpu.vector_load %arg11[%get3A_1251] {strides = array<i32>} : memref<4096xi32, #tpu.memory_space<vmem>>, vector<16xi32>,
      %add3A_1253 = arith.constant 32 : i32
      %add3A_1254 = arith.addi %add3A_1245, %add3A_1253 : i32
      %get3A_1255 = arith.index_cast %add3A_1254 : i32 to index
      %get3A_1256 = tpu.vector_load %arg11[%get3A_1255] {strides = array<i32>} : memref<4096xi32, #tpu.memory_space<vmem>>, vector<16xi32>,
      %add3A_1257 = arith.constant 48 : i32
      %add3A_1258 = arith.addi %add3A_1245, %add3A_1257 : i32
      %get3A_1259 = arith.index_cast %add3A_1258 : i32 to index
      %get3A_1260 = tpu.vector_load %arg11[%get3A_1259] {strides = array<i32>} : memref<4096xi32, #tpu.memory_space<vmem>>, vector<16xi32>,
      %add3A_1261 = arith.constant 64 : i32
      %add3A_1262 = arith.addi %add3A_1245, %add3A_1261 : i32
      %get3A_1263 = arith.index_cast %add3A_1262 : i32 to index
      %get3A_1264 = tpu.vector_load %arg11[%get3A_1263] {strides = array<i32>} : memref<4096xi32, #tpu.memory_space<vmem>>, vector<16xi32>,
      %add3A_1265 = arith.constant 80 : i32
      %add3A_1266 = arith.addi %add3A_1245, %add3A_1265 : i32
      %get3A_1267 = arith.index_cast %add3A_1266 : i32 to index
      %get3A_1268 = tpu.vector_load %arg11[%get3A_1267] {strides = array<i32>} : memref<4096xi32, #tpu.memory_space<vmem>>, vector<16xi32>,
      %add3A_1269 = arith.constant 96 : i32
      %add3A_1270 = arith.addi %add3A_1245, %add3A_1269 : i32
      %get3A_1271 = arith.index_cast %add3A_1270 : i32 to index
      %get3A_1272 = tpu.vector_load %arg11[%get3A_1271] {strides = array<i32>} : memref<4096xi32, #tpu.memory_space<vmem>>, vector<16xi32>,
      %add3A_1273 = arith.constant 112 : i32
      %add3A_1274 = arith.addi %add3A_1245, %add3A_1273 : i32
      %get3A_1275 = arith.index_cast %add3A_1274 : i32 to index
      %get3A_1276 = tpu.vector_load %arg11[%get3A_1275] {strides = array<i32>} : memref<4096xi32, #tpu.memory_space<vmem>>, vector<16xi32>,
      %gather3A = tpu.vector_load_idx %arg10[%broadcast_in_dim3A_1, %get3A_1248] : memref<1x100000xf32, #tpu.memory_space<vmem>>[vector<16xi32>, vector<16xi32>], vector<16xf32>,
      %gather3A_1277 = tpu.vector_load_idx %arg10[%broadcast_in_dim3A_1, %get3A_1252] : memref<1x100000xf32, #tpu.memory_space<vmem>>[vector<16xi32>, vector<16xi32>], vector<16xf32>,
      %gather3A_1278 = tpu.vector_load_idx %arg10[%broadcast_in_dim3A_1, %get3A_1256] : memref<1x100000xf32, #tpu.memory_space<vmem>>[vector<16xi32>, vector<16xi32>], vector<16xf32>,
      %gather3A_1279 = tpu.vector_load_idx %arg10[%broadcast_in_dim3A_1, %get3A_1260] : memref<1x100000xf32, #tpu.memory_space<vmem>>[vector<16xi32>, vector<16xi32>], vector<16xf32>,
      %gather3A_1280 = tpu.vector_load_idx %arg10[%broadcast_in_dim3A_1, %get3A_1264] : memref<1x100000xf32, #tpu.memory_space<vmem>>[vector<16xi32>, vector<16xi32>], vector<16xf32>,
      %gather3A_1281 = tpu.vector_load_idx %arg10[%broadcast_in_dim3A_1, %get3A_1268] : memref<1x100000xf32, #tpu.memory_space<vmem>>[vector<16xi32>, vector<16xi32>], vector<16xf32>,
      %gather3A_1282 = tpu.vector_load_idx %arg10[%broadcast_in_dim3A_1, %get3A_1272] : memref<1x100000xf32, #tpu.memory_space<vmem>>[vector<16xi32>, vector<16xi32>], vector<16xf32>,
      %gather3A_1283 = tpu.vector_load_idx %arg10[%broadcast_in_dim3A_1, %get3A_1276] : memref<1x100000xf32, #tpu.memory_space<vmem>>[vector<16xi32>, vector<16xi32>], vector<16xf32>,
      %add3A_1284 = arith.constant 0 : i32
      %add3A_1285 = arith.addi %add3A_1245, %add3A_1284 : i32
      %swap3A = arith.index_cast %add3A_1285 : i32 to index
      %swap3A_1286 = tpu.vector_load %arg13[%swap3A] {strides = array<i32>} : memref<4096xf32, #tpu.memory_space<vmem>>, vector<16xf32>,
      tpu.vector_store %arg13[%swap3A], %gather3A {strides = array<i32>} : memref<4096xf32, #tpu.memory_space<vmem>>, vector<16xf32>,
      %add3A_1287 = arith.constant 16 : i32
      %add3A_1288 = arith.addi %add3A_1245, %add3A_1287 : i32
      %swap3A_1289 = arith.index_cast %add3A_1288 : i32 to index
      %swap3A_1290 = tpu.vector_load %arg13[%swap3A_1289] {strides = array<i32>} : memref<4096xf32, #tpu.memory_space<vmem>>, vector<16xf32>,
      tpu.vector_store %arg13[%swap3A_1289], %gather3A_1277 {strides = array<i32>} : memref<4096xf32, #tpu.memory_space<vmem>>, vector<16xf32>,
      %add3A_1291 = arith.constant 32 : i32
      %add3A_1292 = arith.addi %add3A_1245, %add3A_1291 : i32
      %swap3A_1293 = arith.index_cast %add3A_1292 : i32 to index
      %swap3A_1294 = tpu.vector_load %arg13[%swap3A_1293] {strides = array<i32>} : memref<4096xf32, #tpu.memory_space<vmem>>, vector<16xf32>,
      tpu.vector_store %arg13[%swap3A_1293], %gather3A_1278 {strides = array<i32>} : memref<4096xf32, #tpu.memory_space<vmem>>, vector<16xf32>,
      %add3A_1295 = arith.constant 48 : i32
      %add3A_1296 = arith.addi %add3A_1245, %add3A_1295 : i32
      %swap3A_1297 = arith.index_cast %add3A_1296 : i32 to index
      %swap3A_1298 = tpu.vector_load %arg13[%swap3A_1297] {strides = array<i32>} : memref<4096xf32, #tpu.memory_space<vmem>>, vector<16xf32>,
      tpu.vector_store %arg13[%swap3A_1297], %gather3A_1279 {strides = array<i32>} : memref<4096xf32, #tpu.memory_space<vmem>>, vector<16xf32>,
      %add3A_1299 = arith.constant 64 : i32
      %add3A_1300 = arith.addi %add3A_1245, %add3A_1299 : i32
      %swap3A_1301 = arith.index_cast %add3A_1300 : i32 to index
      %swap3A_1302 = tpu.vector_load %arg13[%swap3A_1301] {strides = array<i32>} : memref<4096xf32, #tpu.memory_space<vmem>>, vector<16xf32>,
      tpu.vector_store %arg13[%swap3A_1301], %gather3A_1280 {strides = array<i32>} : memref<4096xf32, #tpu.memory_space<vmem>>, vector<16xf32>,
      %add3A_1303 = arith.constant 80 : i32
      %add3A_1304 = arith.addi %add3A_1245, %add3A_1303 : i32
      %swap3A_1305 = arith.index_cast %add3A_1304 : i32 to index
      %swap3A_1306 = tpu.vector_load %arg13[%swap3A_1305] {strides = array<i32>} : memref<4096xf32, #tpu.memory_space<vmem>>, vector<16xf32>,
      tpu.vector_store %arg13[%swap3A_1305], %gather3A_1281 {strides = array<i32>} : memref<4096xf32, #tpu.memory_space<vmem>>, vector<16xf32>,
      %add3A_1307 = arith.constant 96 : i32
      %add3A_1308 = arith.addi %add3A_1245, %add3A_1307 : i32
      %swap3A_1309 = arith.index_cast %add3A_1308 : i32 to index
      %swap3A_1310 = tpu.vector_load %arg13[%swap3A_1309] {strides = array<i32>} : memref<4096xf32, #tpu.memory_space<vmem>>, vector<16xf32>,
      tpu.vector_store %arg13[%swap3A_1309], %gather3A_1282 {strides = array<i32>} : memref<4096xf32, #tpu.memory_space<vmem>>, vector<16xf32>,
      %add3A_1311 = arith.constant 112 : i32
      %add3A_1312 = arith.addi %add3A_1245, %add3A_1311 : i32
      %swap3A_1313 = arith.index_cast %add3A_1312 : i32 to index
      %swap3A_1314 = tpu.vector_load %arg13[%swap3A_1313] {strides = array<i32>} : memref<4096xf32, #tpu.memory_space<vmem>>, vector<16xf32>,
      tpu.vector_store %arg13[%swap3A_1313], %gather3A_1283 {strides = array<i32>} : memref<4096xf32, #tpu.memory_space<vmem>>, vector<16xf32>,
    }
    %scan3A_481 = arith.constant 32 : i32
    %dma_start3A_482 = arith.constant 8192 : i32
    %dma_start3A_483 = tpu.memref_slice %arg8[%add3A, %dma_start3A_482] : memref<64x16384xf32, #tpu.memory_space<hbm>> -> memref<1x4096xf32, #tpu.memory_space<hbm>>
    %dma_start3A_484 = tpu.memref_squeeze %dma_start3A_483 : memref<1x4096xf32, #tpu.memory_space<hbm>> -> memref<4096xf32, #tpu.memory_space<hbm>>
    %dma_start3A_485 = arith.constant 8192 : i32
    %dma_start3A_486 = tpu.memref_slice %arg8[%add3A, %dma_start3A_485] : memref<64x16384xf32, #tpu.memory_space<hbm>> -> memref<1x4096xf32, #tpu.memory_space<hbm>>
    %dma_start3A_487 = tpu.memref_squeeze %dma_start3A_486 : memref<1x4096xf32, #tpu.memory_space<hbm>> -> memref<4096xf32, #tpu.memory_space<hbm>>
    tpu.enqueue_dma source(%arg13 : memref<4096xf32, #tpu.memory_space<vmem>>) target(%dma_start3A_487 : memref<4096xf32, #tpu.memory_space<hbm>>) target_semaphore(%arg17 : memref<!tpu.dma_semaphore, #tpu.memory_space<semaphore_mem>>)
    %dma_start3A_488 = arith.constant 0 : i32
    %dma_start3A_489 = tpu.memref_slice %arg4[%dma_start3A_488] : memref<16384xi32, #tpu.memory_space<hbm>> -> memref<4096xi32, #tpu.memory_space<hbm>>
    %dma_start3A_490 = arith.constant 0 : i32
    %dma_start3A_491 = tpu.memref_slice %arg4[%dma_start3A_490] : memref<16384xi32, #tpu.memory_space<hbm>> -> memref<4096xi32, #tpu.memory_space<hbm>>
    tpu.enqueue_dma source(%dma_start3A_491 : memref<4096xi32, #tpu.memory_space<hbm>>) target(%arg11 : memref<4096xi32, #tpu.memory_space<vmem>>) target_semaphore(%arg16 : memref<!tpu.dma_semaphore, #tpu.memory_space<semaphore_mem>>)
    %dma_wait3A_492 = arith.constant 12288 : i32
    %dma_wait3A_493 = tpu.memref_slice %arg3[%dma_wait3A_492] : memref<16384xi32, #tpu.memory_space<hbm>> -> memref<4096xi32, #tpu.memory_space<hbm>>
    %dma_wait3A_494 = arith.constant 12288 : i32
    %dma_wait3A_495 = tpu.memref_slice %arg3[%dma_wait3A_494] : memref<16384xi32, #tpu.memory_space<hbm>> -> memref<4096xi32, #tpu.memory_space<hbm>>
    tpu.wait_dma2 semaphore(%arg16 : memref<!tpu.dma_semaphore, #tpu.memory_space<semaphore_mem>>) src(%dma_wait3A_495 : memref<4096xi32, #tpu.memory_space<hbm>>) dst(%arg12 : memref<4096xi32, #tpu.memory_space<vmem>>)
    %dma_wait3A_496 = arith.constant 4096 : i32
    %dma_wait3A_497 = tpu.memref_slice %arg8[%add3A, %dma_wait3A_496] : memref<64x16384xf32, #tpu.memory_space<hbm>> -> memref<1x4096xf32, #tpu.memory_space<hbm>>
    %dma_wait3A_498 = tpu.memref_squeeze %dma_wait3A_497 : memref<1x4096xf32, #tpu.memory_space<hbm>> -> memref<4096xf32, #tpu.memory_space<hbm>>
    %dma_wait3A_499 = arith.constant 4096 : i32
    %dma_wait3A_500 = tpu.memref_slice %arg8[%add3A, %dma_wait3A_499] : memref<64x16384xf32, #tpu.memory_space<hbm>> -> memref<1x4096xf32, #tpu.memory_space<hbm>>
    %dma_wait3A_501 = tpu.memref_squeeze %dma_wait3A_500 : memref<1x4096xf32, #tpu.memory_space<hbm>> -> memref<4096xf32, #tpu.memory_space<hbm>>
    tpu.wait_dma2 semaphore(%arg17 : memref<!tpu.dma_semaphore, #tpu.memory_space<semaphore_mem>>) src(%arg14 : memref<4096xf32, #tpu.memory_space<vmem>>) dst(%dma_wait3A_501 : memref<4096xf32, #tpu.memory_space<hbm>>)
    %scan3A_502 = arith.constant 0 : i32
    %scan3A_503 = arith.constant 32 : i32
    %scan3A_504 = arith.addi %scan3A_502, %scan3A_503 : i32
    %scan3A_505 = arith.constant 1 : i32
    scf.for %scan3A_1241 = %scan3A_502 to %scan3A_504 step %scan3A_505  : i32 {
      %mul3A_1242 = arith.constant 128 : i32
      %mul3A_1243 = arith.muli %scan3A_1241, %mul3A_1242 : i32
      %add3A_1244 = arith.constant 0 : i32
      %add3A_1245 = arith.addi %add3A_1244, %mul3A_1243 : i32
      %add3A_1246 = arith.constant 0 : i32
      %add3A_1247 = arith.addi %add3A_1245, %add3A_1246 : i32
      %get3A = arith.index_cast %add3A_1247 : i32 to index
      %get3A_1248 = tpu.vector_load %arg12[%get3A] {strides = array<i32>} : memref<4096xi32, #tpu.memory_space<vmem>>, vector<16xi32>,
      %add3A_1249 = arith.constant 16 : i32
      %add3A_1250 = arith.addi %add3A_1245, %add3A_1249 : i32
      %get3A_1251 = arith.index_cast %add3A_1250 : i32 to index
      %get3A_1252 = tpu.vector_load %arg12[%get3A_1251] {strides = array<i32>} : memref<4096xi32, #tpu.memory_space<vmem>>, vector<16xi32>,
      %add3A_1253 = arith.constant 32 : i32
      %add3A_1254 = arith.addi %add3A_1245, %add3A_1253 : i32
      %get3A_1255 = arith.index_cast %add3A_1254 : i32 to index
      %get3A_1256 = tpu.vector_load %arg12[%get3A_1255] {strides = array<i32>} : memref<4096xi32, #tpu.memory_space<vmem>>, vector<16xi32>,
      %add3A_1257 = arith.constant 48 : i32
      %add3A_1258 = arith.addi %add3A_1245, %add3A_1257 : i32
      %get3A_1259 = arith.index_cast %add3A_1258 : i32 to index
      %get3A_1260 = tpu.vector_load %arg12[%get3A_1259] {strides = array<i32>} : memref<4096xi32, #tpu.memory_space<vmem>>, vector<16xi32>,
      %add3A_1261 = arith.constant 64 : i32
      %add3A_1262 = arith.addi %add3A_1245, %add3A_1261 : i32
      %get3A_1263 = arith.index_cast %add3A_1262 : i32 to index
      %get3A_1264 = tpu.vector_load %arg12[%get3A_1263] {strides = array<i32>} : memref<4096xi32, #tpu.memory_space<vmem>>, vector<16xi32>,
      %add3A_1265 = arith.constant 80 : i32
      %add3A_1266 = arith.addi %add3A_1245, %add3A_1265 : i32
      %get3A_1267 = arith.index_cast %add3A_1266 : i32 to index
      %get3A_1268 = tpu.vector_load %arg12[%get3A_1267] {strides = array<i32>} : memref<4096xi32, #tpu.memory_space<vmem>>, vector<16xi32>,
      %add3A_1269 = arith.constant 96 : i32
      %add3A_1270 = arith.addi %add3A_1245, %add3A_1269 : i32
      %get3A_1271 = arith.index_cast %add3A_1270 : i32 to index
      %get3A_1272 = tpu.vector_load %arg12[%get3A_1271] {strides = array<i32>} : memref<4096xi32, #tpu.memory_space<vmem>>, vector<16xi32>,
      %add3A_1273 = arith.constant 112 : i32
      %add3A_1274 = arith.addi %add3A_1245, %add3A_1273 : i32
      %get3A_1275 = arith.index_cast %add3A_1274 : i32 to index
      %get3A_1276 = tpu.vector_load %arg12[%get3A_1275] {strides = array<i32>} : memref<4096xi32, #tpu.memory_space<vmem>>, vector<16xi32>,
      %gather3A = tpu.vector_load_idx %arg10[%broadcast_in_dim3A_1, %get3A_1248] : memref<1x100000xf32, #tpu.memory_space<vmem>>[vector<16xi32>, vector<16xi32>], vector<16xf32>,
      %gather3A_1277 = tpu.vector_load_idx %arg10[%broadcast_in_dim3A_1, %get3A_1252] : memref<1x100000xf32, #tpu.memory_space<vmem>>[vector<16xi32>, vector<16xi32>], vector<16xf32>,
      %gather3A_1278 = tpu.vector_load_idx %arg10[%broadcast_in_dim3A_1, %get3A_1256] : memref<1x100000xf32, #tpu.memory_space<vmem>>[vector<16xi32>, vector<16xi32>], vector<16xf32>,
      %gather3A_1279 = tpu.vector_load_idx %arg10[%broadcast_in_dim3A_1, %get3A_1260] : memref<1x100000xf32, #tpu.memory_space<vmem>>[vector<16xi32>, vector<16xi32>], vector<16xf32>,
      %gather3A_1280 = tpu.vector_load_idx %arg10[%broadcast_in_dim3A_1, %get3A_1264] : memref<1x100000xf32, #tpu.memory_space<vmem>>[vector<16xi32>, vector<16xi32>], vector<16xf32>,
      %gather3A_1281 = tpu.vector_load_idx %arg10[%broadcast_in_dim3A_1, %get3A_1268] : memref<1x100000xf32, #tpu.memory_space<vmem>>[vector<16xi32>, vector<16xi32>], vector<16xf32>,
      %gather3A_1282 = tpu.vector_load_idx %arg10[%broadcast_in_dim3A_1, %get3A_1272] : memref<1x100000xf32, #tpu.memory_space<vmem>>[vector<16xi32>, vector<16xi32>], vector<16xf32>,
      %gather3A_1283 = tpu.vector_load_idx %arg10[%broadcast_in_dim3A_1, %get3A_1276] : memref<1x100000xf32, #tpu.memory_space<vmem>>[vector<16xi32>, vector<16xi32>], vector<16xf32>,
      %add3A_1284 = arith.constant 0 : i32
      %add3A_1285 = arith.addi %add3A_1245, %add3A_1284 : i32
      %swap3A = arith.index_cast %add3A_1285 : i32 to index
      %swap3A_1286 = tpu.vector_load %arg14[%swap3A] {strides = array<i32>} : memref<4096xf32, #tpu.memory_space<vmem>>, vector<16xf32>,
      tpu.vector_store %arg14[%swap3A], %gather3A {strides = array<i32>} : memref<4096xf32, #tpu.memory_space<vmem>>, vector<16xf32>,
      %add3A_1287 = arith.constant 16 : i32
      %add3A_1288 = arith.addi %add3A_1245, %add3A_1287 : i32
      %swap3A_1289 = arith.index_cast %add3A_1288 : i32 to index
      %swap3A_1290 = tpu.vector_load %arg14[%swap3A_1289] {strides = array<i32>} : memref<4096xf32, #tpu.memory_space<vmem>>, vector<16xf32>,
      tpu.vector_store %arg14[%swap3A_1289], %gather3A_1277 {strides = array<i32>} : memref<4096xf32, #tpu.memory_space<vmem>>, vector<16xf32>,
      %add3A_1291 = arith.constant 32 : i32
      %add3A_1292 = arith.addi %add3A_1245, %add3A_1291 : i32
      %swap3A_1293 = arith.index_cast %add3A_1292 : i32 to index
      %swap3A_1294 = tpu.vector_load %arg14[%swap3A_1293] {strides = array<i32>} : memref<4096xf32, #tpu.memory_space<vmem>>, vector<16xf32>,
      tpu.vector_store %arg14[%swap3A_1293], %gather3A_1278 {strides = array<i32>} : memref<4096xf32, #tpu.memory_space<vmem>>, vector<16xf32>,
      %add3A_1295 = arith.constant 48 : i32
      %add3A_1296 = arith.addi %add3A_1245, %add3A_1295 : i32
      %swap3A_1297 = arith.index_cast %add3A_1296 : i32 to index
      %swap3A_1298 = tpu.vector_load %arg14[%swap3A_1297] {strides = array<i32>} : memref<4096xf32, #tpu.memory_space<vmem>>, vector<16xf32>,
      tpu.vector_store %arg14[%swap3A_1297], %gather3A_1279 {strides = array<i32>} : memref<4096xf32, #tpu.memory_space<vmem>>, vector<16xf32>,
      %add3A_1299 = arith.constant 64 : i32
      %add3A_1300 = arith.addi %add3A_1245, %add3A_1299 : i32
      %swap3A_1301 = arith.index_cast %add3A_1300 : i32 to index
      %swap3A_1302 = tpu.vector_load %arg14[%swap3A_1301] {strides = array<i32>} : memref<4096xf32, #tpu.memory_space<vmem>>, vector<16xf32>,
      tpu.vector_store %arg14[%swap3A_1301], %gather3A_1280 {strides = array<i32>} : memref<4096xf32, #tpu.memory_space<vmem>>, vector<16xf32>,
      %add3A_1303 = arith.constant 80 : i32
      %add3A_1304 = arith.addi %add3A_1245, %add3A_1303 : i32
      %swap3A_1305 = arith.index_cast %add3A_1304 : i32 to index
      %swap3A_1306 = tpu.vector_load %arg14[%swap3A_1305] {strides = array<i32>} : memref<4096xf32, #tpu.memory_space<vmem>>, vector<16xf32>,
      tpu.vector_store %arg14[%swap3A_1305], %gather3A_1281 {strides = array<i32>} : memref<4096xf32, #tpu.memory_space<vmem>>, vector<16xf32>,
      %add3A_1307 = arith.constant 96 : i32
      %add3A_1308 = arith.addi %add3A_1245, %add3A_1307 : i32
      %swap3A_1309 = arith.index_cast %add3A_1308 : i32 to index
      %swap3A_1310 = tpu.vector_load %arg14[%swap3A_1309] {strides = array<i32>} : memref<4096xf32, #tpu.memory_space<vmem>>, vector<16xf32>,
      tpu.vector_store %arg14[%swap3A_1309], %gather3A_1282 {strides = array<i32>} : memref<4096xf32, #tpu.memory_space<vmem>>, vector<16xf32>,
      %add3A_1311 = arith.constant 112 : i32
      %add3A_1312 = arith.addi %add3A_1245, %add3A_1311 : i32
      %swap3A_1313 = arith.index_cast %add3A_1312 : i32 to index
      %swap3A_1314 = tpu.vector_load %arg14[%swap3A_1313] {strides = array<i32>} : memref<4096xf32, #tpu.memory_space<vmem>>, vector<16xf32>,
      tpu.vector_store %arg14[%swap3A_1313], %gather3A_1283 {strides = array<i32>} : memref<4096xf32, #tpu.memory_space<vmem>>, vector<16xf32>,
    }
    %scan3A_506 = arith.constant 32 : i32
    %dma_start3A_507 = arith.constant 12288 : i32
    %dma_start3A_508 = tpu.memref_slice %arg8[%add3A, %dma_start3A_507] : memref<64x16384xf32, #tpu.memory_space<hbm>> -> memref<1x4096xf32, #tpu.memory_space<hbm>>
    %dma_start3A_509 = tpu.memref_squeeze %dma_start3A_508 : memref<1x4096xf32, #tpu.memory_space<hbm>> -> memref<4096xf32, #tpu.memory_space<hbm>>
    %dma_start3A_510 = arith.constant 12288 : i32
    %dma_start3A_511 = tpu.memref_slice %arg8[%add3A, %dma_start3A_510] : memref<64x16384xf32, #tpu.memory_space<hbm>> -> memref<1x4096xf32, #tpu.memory_space<hbm>>
    %dma_start3A_512 = tpu.memref_squeeze %dma_start3A_511 : memref<1x4096xf32, #tpu.memory_space<hbm>> -> memref<4096xf32, #tpu.memory_space<hbm>>
    tpu.enqueue_dma source(%arg14 : memref<4096xf32, #tpu.memory_space<vmem>>) target(%dma_start3A_512 : memref<4096xf32, #tpu.memory_space<hbm>>) target_semaphore(%arg17 : memref<!tpu.dma_semaphore, #tpu.memory_space<semaphore_mem>>)
    %dma_start3A_513 = arith.constant 4096 : i32
    %dma_start3A_514 = tpu.memref_slice %arg4[%dma_start3A_513] : memref<16384xi32, #tpu.memory_space<hbm>> -> memref<4096xi32, #tpu.memory_space<hbm>>
    %dma_start3A_515 = arith.constant 4096 : i32
    %dma_start3A_516 = tpu.memref_slice %arg4[%dma_start3A_515] : memref<16384xi32, #tpu.memory_space<hbm>> -> memref<4096xi32, #tpu.memory_space<hbm>>
    tpu.enqueue_dma source(%dma_start3A_516 : memref<4096xi32, #tpu.memory_space<hbm>>) target(%arg12 : memref<4096xi32, #tpu.memory_space<vmem>>) target_semaphore(%arg16 : memref<!tpu.dma_semaphore, #tpu.memory_space<semaphore_mem>>)
    %dma_wait3A_517 = arith.constant 0 : i32
    %dma_wait3A_518 = tpu.memref_slice %arg4[%dma_wait3A_517] : memref<16384xi32, #tpu.memory_space<hbm>> -> memref<4096xi32, #tpu.memory_space<hbm>>
    %dma_wait3A_519 = arith.constant 0 : i32
    %dma_wait3A_520 = tpu.memref_slice %arg4[%dma_wait3A_519] : memref<16384xi32, #tpu.memory_space<hbm>> -> memref<4096xi32, #tpu.memory_space<hbm>>
    tpu.wait_dma2 semaphore(%arg16 : memref<!tpu.dma_semaphore, #tpu.memory_space<semaphore_mem>>) src(%dma_wait3A_520 : memref<4096xi32, #tpu.memory_space<hbm>>) dst(%arg11 : memref<4096xi32, #tpu.memory_space<vmem>>)
    %dma_wait3A_521 = arith.constant 8192 : i32
    %dma_wait3A_522 = tpu.memref_slice %arg8[%add3A, %dma_wait3A_521] : memref<64x16384xf32, #tpu.memory_space<hbm>> -> memref<1x4096xf32, #tpu.memory_space<hbm>>
    %dma_wait3A_523 = tpu.memref_squeeze %dma_wait3A_522 : memref<1x4096xf32, #tpu.memory_space<hbm>> -> memref<4096xf32, #tpu.memory_space<hbm>>
    %dma_wait3A_524 = arith.constant 8192 : i32
    %dma_wait3A_525 = tpu.memref_slice %arg8[%add3A, %dma_wait3A_524] : memref<64x16384xf32, #tpu.memory_space<hbm>> -> memref<1x4096xf32, #tpu.memory_space<hbm>>
    %dma_wait3A_526 = tpu.memref_squeeze %dma_wait3A_525 : memref<1x4096xf32, #tpu.memory_space<hbm>> -> memref<4096xf32, #tpu.memory_space<hbm>>
    tpu.wait_dma2 semaphore(%arg17 : memref<!tpu.dma_semaphore, #tpu.memory_space<semaphore_mem>>) src(%arg13 : memref<4096xf32, #tpu.memory_space<vmem>>) dst(%dma_wait3A_526 : memref<4096xf32, #tpu.memory_space<hbm>>)
    %scan3A_527 = arith.constant 0 : i32
    %scan3A_528 = arith.constant 32 : i32
    %scan3A_529 = arith.addi %scan3A_527, %scan3A_528 : i32
    %scan3A_530 = arith.constant 1 : i32
    scf.for %scan3A_1241 = %scan3A_527 to %scan3A_529 step %scan3A_530  : i32 {
      %mul3A_1242 = arith.constant 128 : i32
      %mul3A_1243 = arith.muli %scan3A_1241, %mul3A_1242 : i32
      %add3A_1244 = arith.constant 0 : i32
      %add3A_1245 = arith.addi %add3A_1244, %mul3A_1243 : i32
      %add3A_1246 = arith.constant 0 : i32
      %add3A_1247 = arith.addi %add3A_1245, %add3A_1246 : i32
      %get3A = arith.index_cast %add3A_1247 : i32 to index
      %get3A_1248 = tpu.vector_load %arg11[%get3A] {strides = array<i32>} : memref<4096xi32, #tpu.memory_space<vmem>>, vector<16xi32>,
      %add3A_1249 = arith.constant 16 : i32
      %add3A_1250 = arith.addi %add3A_1245, %add3A_1249 : i32
      %get3A_1251 = arith.index_cast %add3A_1250 : i32 to index
      %get3A_1252 = tpu.vector_load %arg11[%get3A_1251] {strides = array<i32>} : memref<4096xi32, #tpu.memory_space<vmem>>, vector<16xi32>,
      %add3A_1253 = arith.constant 32 : i32
      %add3A_1254 = arith.addi %add3A_1245, %add3A_1253 : i32
      %get3A_1255 = arith.index_cast %add3A_1254 : i32 to index
      %get3A_1256 = tpu.vector_load %arg11[%get3A_1255] {strides = array<i32>} : memref<4096xi32, #tpu.memory_space<vmem>>, vector<16xi32>,
      %add3A_1257 = arith.constant 48 : i32
      %add3A_1258 = arith.addi %add3A_1245, %add3A_1257 : i32
      %get3A_1259 = arith.index_cast %add3A_1258 : i32 to index
      %get3A_1260 = tpu.vector_load %arg11[%get3A_1259] {strides = array<i32>} : memref<4096xi32, #tpu.memory_space<vmem>>, vector<16xi32>,
      %add3A_1261 = arith.constant 64 : i32
      %add3A_1262 = arith.addi %add3A_1245, %add3A_1261 : i32
      %get3A_1263 = arith.index_cast %add3A_1262 : i32 to index
      %get3A_1264 = tpu.vector_load %arg11[%get3A_1263] {strides = array<i32>} : memref<4096xi32, #tpu.memory_space<vmem>>, vector<16xi32>,
      %add3A_1265 = arith.constant 80 : i32
      %add3A_1266 = arith.addi %add3A_1245, %add3A_1265 : i32
      %get3A_1267 = arith.index_cast %add3A_1266 : i32 to index
      %get3A_1268 = tpu.vector_load %arg11[%get3A_1267] {strides = array<i32>} : memref<4096xi32, #tpu.memory_space<vmem>>, vector<16xi32>,
      %add3A_1269 = arith.constant 96 : i32
      %add3A_1270 = arith.addi %add3A_1245, %add3A_1269 : i32
      %get3A_1271 = arith.index_cast %add3A_1270 : i32 to index
      %get3A_1272 = tpu.vector_load %arg11[%get3A_1271] {strides = array<i32>} : memref<4096xi32, #tpu.memory_space<vmem>>, vector<16xi32>,
      %add3A_1273 = arith.constant 112 : i32
      %add3A_1274 = arith.addi %add3A_1245, %add3A_1273 : i32
      %get3A_1275 = arith.index_cast %add3A_1274 : i32 to index
      %get3A_1276 = tpu.vector_load %arg11[%get3A_1275] {strides = array<i32>} : memref<4096xi32, #tpu.memory_space<vmem>>, vector<16xi32>,
      %gather3A = tpu.vector_load_idx %arg10[%broadcast_in_dim3A_1, %get3A_1248] : memref<1x100000xf32, #tpu.memory_space<vmem>>[vector<16xi32>, vector<16xi32>], vector<16xf32>,
      %gather3A_1277 = tpu.vector_load_idx %arg10[%broadcast_in_dim3A_1, %get3A_1252] : memref<1x100000xf32, #tpu.memory_space<vmem>>[vector<16xi32>, vector<16xi32>], vector<16xf32>,
      %gather3A_1278 = tpu.vector_load_idx %arg10[%broadcast_in_dim3A_1, %get3A_1256] : memref<1x100000xf32, #tpu.memory_space<vmem>>[vector<16xi32>, vector<16xi32>], vector<16xf32>,
      %gather3A_1279 = tpu.vector_load_idx %arg10[%broadcast_in_dim3A_1, %get3A_1260] : memref<1x100000xf32, #tpu.memory_space<vmem>>[vector<16xi32>, vector<16xi32>], vector<16xf32>,
      %gather3A_1280 = tpu.vector_load_idx %arg10[%broadcast_in_dim3A_1, %get3A_1264] : memref<1x100000xf32, #tpu.memory_space<vmem>>[vector<16xi32>, vector<16xi32>], vector<16xf32>,
      %gather3A_1281 = tpu.vector_load_idx %arg10[%broadcast_in_dim3A_1, %get3A_1268] : memref<1x100000xf32, #tpu.memory_space<vmem>>[vector<16xi32>, vector<16xi32>], vector<16xf32>,
      %gather3A_1282 = tpu.vector_load_idx %arg10[%broadcast_in_dim3A_1, %get3A_1272] : memref<1x100000xf32, #tpu.memory_space<vmem>>[vector<16xi32>, vector<16xi32>], vector<16xf32>,
      %gather3A_1283 = tpu.vector_load_idx %arg10[%broadcast_in_dim3A_1, %get3A_1276] : memref<1x100000xf32, #tpu.memory_space<vmem>>[vector<16xi32>, vector<16xi32>], vector<16xf32>,
      %add3A_1284 = arith.constant 0 : i32
      %add3A_1285 = arith.addi %add3A_1245, %add3A_1284 : i32
      %swap3A = arith.index_cast %add3A_1285 : i32 to index
      %swap3A_1286 = tpu.vector_load %arg13[%swap3A] {strides = array<i32>} : memref<4096xf32, #tpu.memory_space<vmem>>, vector<16xf32>,
      tpu.vector_store %arg13[%swap3A], %gather3A {strides = array<i32>} : memref<4096xf32, #tpu.memory_space<vmem>>, vector<16xf32>,
      %add3A_1287 = arith.constant 16 : i32
      %add3A_1288 = arith.addi %add3A_1245, %add3A_1287 : i32
      %swap3A_1289 = arith.index_cast %add3A_1288 : i32 to index
      %swap3A_1290 = tpu.vector_load %arg13[%swap3A_1289] {strides = array<i32>} : memref<4096xf32, #tpu.memory_space<vmem>>, vector<16xf32>,
      tpu.vector_store %arg13[%swap3A_1289], %gather3A_1277 {strides = array<i32>} : memref<4096xf32, #tpu.memory_space<vmem>>, vector<16xf32>,
      %add3A_1291 = arith.constant 32 : i32
      %add3A_1292 = arith.addi %add3A_1245, %add3A_1291 : i32
      %swap3A_1293 = arith.index_cast %add3A_1292 : i32 to index
      %swap3A_1294 = tpu.vector_load %arg13[%swap3A_1293] {strides = array<i32>} : memref<4096xf32, #tpu.memory_space<vmem>>, vector<16xf32>,
      tpu.vector_store %arg13[%swap3A_1293], %gather3A_1278 {strides = array<i32>} : memref<4096xf32, #tpu.memory_space<vmem>>, vector<16xf32>,
      %add3A_1295 = arith.constant 48 : i32
      %add3A_1296 = arith.addi %add3A_1245, %add3A_1295 : i32
      %swap3A_1297 = arith.index_cast %add3A_1296 : i32 to index
      %swap3A_1298 = tpu.vector_load %arg13[%swap3A_1297] {strides = array<i32>} : memref<4096xf32, #tpu.memory_space<vmem>>, vector<16xf32>,
      tpu.vector_store %arg13[%swap3A_1297], %gather3A_1279 {strides = array<i32>} : memref<4096xf32, #tpu.memory_space<vmem>>, vector<16xf32>,
      %add3A_1299 = arith.constant 64 : i32
      %add3A_1300 = arith.addi %add3A_1245, %add3A_1299 : i32
      %swap3A_1301 = arith.index_cast %add3A_1300 : i32 to index
      %swap3A_1302 = tpu.vector_load %arg13[%swap3A_1301] {strides = array<i32>} : memref<4096xf32, #tpu.memory_space<vmem>>, vector<16xf32>,
      tpu.vector_store %arg13[%swap3A_1301], %gather3A_1280 {strides = array<i32>} : memref<4096xf32, #tpu.memory_space<vmem>>, vector<16xf32>,
      %add3A_1303 = arith.constant 80 : i32
      %add3A_1304 = arith.addi %add3A_1245, %add3A_1303 : i32
      %swap3A_1305 = arith.index_cast %add3A_1304 : i32 to index
      %swap3A_1306 = tpu.vector_load %arg13[%swap3A_1305] {strides = array<i32>} : memref<4096xf32, #tpu.memory_space<vmem>>, vector<16xf32>,
      tpu.vector_store %arg13[%swap3A_1305], %gather3A_1281 {strides = array<i32>} : memref<4096xf32, #tpu.memory_space<vmem>>, vector<16xf32>,
      %add3A_1307 = arith.constant 96 : i32
      %add3A_1308 = arith.addi %add3A_1245, %add3A_1307 : i32
      %swap3A_1309 = arith.index_cast %add3A_1308 : i32 to index
      %swap3A_1310 = tpu.vector_load %arg13[%swap3A_1309] {strides = array<i32>} : memref<4096xf32, #tpu.memory_space<vmem>>, vector<16xf32>,
      tpu.vector_store %arg13[%swap3A_1309], %gather3A_1282 {strides = array<i32>} : memref<4096xf32, #tpu.memory_space<vmem>>, vector<16xf32>,
      %add3A_1311 = arith.constant 112 : i32
      %add3A_1312 = arith.addi %add3A_1245, %add3A_1311 : i32
      %swap3A_1313 = arith.index_cast %add3A_1312 : i32 to index
      %swap3A_1314 = tpu.vector_load %arg13[%swap3A_1313] {strides = array<i32>} : memref<4096xf32, #tpu.memory_space<vmem>>, vector<16xf32>,
      tpu.vector_store %arg13[%swap3A_1313], %gather3A_1283 {strides = array<i32>} : memref<4096xf32, #tpu.memory_space<vmem>>, vector<16xf32>,
    }
    %scan3A_531 = arith.constant 32 : i32
    %dma_start3A_532 = arith.constant 0 : i32
    %dma_start3A_533 = tpu.memref_slice %arg9[%add3A, %dma_start3A_532] : memref<64x16384xf32, #tpu.memory_space<hbm>> -> memref<1x4096xf32, #tpu.memory_space<hbm>>
    %dma_start3A_534 = tpu.memref_squeeze %dma_start3A_533 : memref<1x4096xf32, #tpu.memory_space<hbm>> -> memref<4096xf32, #tpu.memory_space<hbm>>
    %dma_start3A_535 = arith.constant 0 : i32
    %dma_start3A_536 = tpu.memref_slice %arg9[%add3A, %dma_start3A_535] : memref<64x16384xf32, #tpu.memory_space<hbm>> -> memref<1x4096xf32, #tpu.memory_space<hbm>>
    %dma_start3A_537 = tpu.memref_squeeze %dma_start3A_536 : memref<1x4096xf32, #tpu.memory_space<hbm>> -> memref<4096xf32, #tpu.memory_space<hbm>>
    tpu.enqueue_dma source(%arg13 : memref<4096xf32, #tpu.memory_space<vmem>>) target(%dma_start3A_537 : memref<4096xf32, #tpu.memory_space<hbm>>) target_semaphore(%arg17 : memref<!tpu.dma_semaphore, #tpu.memory_space<semaphore_mem>>)
    %dma_start3A_538 = arith.constant 8192 : i32
    %dma_start3A_539 = tpu.memref_slice %arg4[%dma_start3A_538] : memref<16384xi32, #tpu.memory_space<hbm>> -> memref<4096xi32, #tpu.memory_space<hbm>>
    %dma_start3A_540 = arith.constant 8192 : i32
    %dma_start3A_541 = tpu.memref_slice %arg4[%dma_start3A_540] : memref<16384xi32, #tpu.memory_space<hbm>> -> memref<4096xi32, #tpu.memory_space<hbm>>
    tpu.enqueue_dma source(%dma_start3A_541 : memref<4096xi32, #tpu.memory_space<hbm>>) target(%arg11 : memref<4096xi32, #tpu.memory_space<vmem>>) target_semaphore(%arg16 : memref<!tpu.dma_semaphore, #tpu.memory_space<semaphore_mem>>)
    %dma_wait3A_542 = arith.constant 4096 : i32
    %dma_wait3A_543 = tpu.memref_slice %arg4[%dma_wait3A_542] : memref<16384xi32, #tpu.memory_space<hbm>> -> memref<4096xi32, #tpu.memory_space<hbm>>
    %dma_wait3A_544 = arith.constant 4096 : i32
    %dma_wait3A_545 = tpu.memref_slice %arg4[%dma_wait3A_544] : memref<16384xi32, #tpu.memory_space<hbm>> -> memref<4096xi32, #tpu.memory_space<hbm>>
    tpu.wait_dma2 semaphore(%arg16 : memref<!tpu.dma_semaphore, #tpu.memory_space<semaphore_mem>>) src(%dma_wait3A_545 : memref<4096xi32, #tpu.memory_space<hbm>>) dst(%arg12 : memref<4096xi32, #tpu.memory_space<vmem>>)
    %dma_wait3A_546 = arith.constant 12288 : i32
    %dma_wait3A_547 = tpu.memref_slice %arg8[%add3A, %dma_wait3A_546] : memref<64x16384xf32, #tpu.memory_space<hbm>> -> memref<1x4096xf32, #tpu.memory_space<hbm>>
    %dma_wait3A_548 = tpu.memref_squeeze %dma_wait3A_547 : memref<1x4096xf32, #tpu.memory_space<hbm>> -> memref<4096xf32, #tpu.memory_space<hbm>>
    %dma_wait3A_549 = arith.constant 12288 : i32
    %dma_wait3A_550 = tpu.memref_slice %arg8[%add3A, %dma_wait3A_549] : memref<64x16384xf32, #tpu.memory_space<hbm>> -> memref<1x4096xf32, #tpu.memory_space<hbm>>
    %dma_wait3A_551 = tpu.memref_squeeze %dma_wait3A_550 : memref<1x4096xf32, #tpu.memory_space<hbm>> -> memref<4096xf32, #tpu.memory_space<hbm>>
    tpu.wait_dma2 semaphore(%arg17 : memref<!tpu.dma_semaphore, #tpu.memory_space<semaphore_mem>>) src(%arg14 : memref<4096xf32, #tpu.memory_space<vmem>>) dst(%dma_wait3A_551 : memref<4096xf32, #tpu.memory_space<hbm>>)
    %scan3A_552 = arith.constant 0 : i32
    %scan3A_553 = arith.constant 32 : i32
    %scan3A_554 = arith.addi %scan3A_552, %scan3A_553 : i32
    %scan3A_555 = arith.constant 1 : i32
    scf.for %scan3A_1241 = %scan3A_552 to %scan3A_554 step %scan3A_555  : i32 {
      %mul3A_1242 = arith.constant 128 : i32
      %mul3A_1243 = arith.muli %scan3A_1241, %mul3A_1242 : i32
      %add3A_1244 = arith.constant 0 : i32
      %add3A_1245 = arith.addi %add3A_1244, %mul3A_1243 : i32
      %add3A_1246 = arith.constant 0 : i32
      %add3A_1247 = arith.addi %add3A_1245, %add3A_1246 : i32
      %get3A = arith.index_cast %add3A_1247 : i32 to index
      %get3A_1248 = tpu.vector_load %arg12[%get3A] {strides = array<i32>} : memref<4096xi32, #tpu.memory_space<vmem>>, vector<16xi32>,
      %add3A_1249 = arith.constant 16 : i32
      %add3A_1250 = arith.addi %add3A_1245, %add3A_1249 : i32
      %get3A_1251 = arith.index_cast %add3A_1250 : i32 to index
      %get3A_1252 = tpu.vector_load %arg12[%get3A_1251] {strides = array<i32>} : memref<4096xi32, #tpu.memory_space<vmem>>, vector<16xi32>,
      %add3A_1253 = arith.constant 32 : i32
      %add3A_1254 = arith.addi %add3A_1245, %add3A_1253 : i32
      %get3A_1255 = arith.index_cast %add3A_1254 : i32 to index
      %get3A_1256 = tpu.vector_load %arg12[%get3A_1255] {strides = array<i32>} : memref<4096xi32, #tpu.memory_space<vmem>>, vector<16xi32>,
      %add3A_1257 = arith.constant 48 : i32
      %add3A_1258 = arith.addi %add3A_1245, %add3A_1257 : i32
      %get3A_1259 = arith.index_cast %add3A_1258 : i32 to index
      %get3A_1260 = tpu.vector_load %arg12[%get3A_1259] {strides = array<i32>} : memref<4096xi32, #tpu.memory_space<vmem>>, vector<16xi32>,
      %add3A_1261 = arith.constant 64 : i32
      %add3A_1262 = arith.addi %add3A_1245, %add3A_1261 : i32
      %get3A_1263 = arith.index_cast %add3A_1262 : i32 to index
      %get3A_1264 = tpu.vector_load %arg12[%get3A_1263] {strides = array<i32>} : memref<4096xi32, #tpu.memory_space<vmem>>, vector<16xi32>,
      %add3A_1265 = arith.constant 80 : i32
      %add3A_1266 = arith.addi %add3A_1245, %add3A_1265 : i32
      %get3A_1267 = arith.index_cast %add3A_1266 : i32 to index
      %get3A_1268 = tpu.vector_load %arg12[%get3A_1267] {strides = array<i32>} : memref<4096xi32, #tpu.memory_space<vmem>>, vector<16xi32>,
      %add3A_1269 = arith.constant 96 : i32
      %add3A_1270 = arith.addi %add3A_1245, %add3A_1269 : i32
      %get3A_1271 = arith.index_cast %add3A_1270 : i32 to index
      %get3A_1272 = tpu.vector_load %arg12[%get3A_1271] {strides = array<i32>} : memref<4096xi32, #tpu.memory_space<vmem>>, vector<16xi32>,
      %add3A_1273 = arith.constant 112 : i32
      %add3A_1274 = arith.addi %add3A_1245, %add3A_1273 : i32
      %get3A_1275 = arith.index_cast %add3A_1274 : i32 to index
      %get3A_1276 = tpu.vector_load %arg12[%get3A_1275] {strides = array<i32>} : memref<4096xi32, #tpu.memory_space<vmem>>, vector<16xi32>,
      %gather3A = tpu.vector_load_idx %arg10[%broadcast_in_dim3A_1, %get3A_1248] : memref<1x100000xf32, #tpu.memory_space<vmem>>[vector<16xi32>, vector<16xi32>], vector<16xf32>,
      %gather3A_1277 = tpu.vector_load_idx %arg10[%broadcast_in_dim3A_1, %get3A_1252] : memref<1x100000xf32, #tpu.memory_space<vmem>>[vector<16xi32>, vector<16xi32>], vector<16xf32>,
      %gather3A_1278 = tpu.vector_load_idx %arg10[%broadcast_in_dim3A_1, %get3A_1256] : memref<1x100000xf32, #tpu.memory_space<vmem>>[vector<16xi32>, vector<16xi32>], vector<16xf32>,
      %gather3A_1279 = tpu.vector_load_idx %arg10[%broadcast_in_dim3A_1, %get3A_1260] : memref<1x100000xf32, #tpu.memory_space<vmem>>[vector<16xi32>, vector<16xi32>], vector<16xf32>,
      %gather3A_1280 = tpu.vector_load_idx %arg10[%broadcast_in_dim3A_1, %get3A_1264] : memref<1x100000xf32, #tpu.memory_space<vmem>>[vector<16xi32>, vector<16xi32>], vector<16xf32>,
      %gather3A_1281 = tpu.vector_load_idx %arg10[%broadcast_in_dim3A_1, %get3A_1268] : memref<1x100000xf32, #tpu.memory_space<vmem>>[vector<16xi32>, vector<16xi32>], vector<16xf32>,
      %gather3A_1282 = tpu.vector_load_idx %arg10[%broadcast_in_dim3A_1, %get3A_1272] : memref<1x100000xf32, #tpu.memory_space<vmem>>[vector<16xi32>, vector<16xi32>], vector<16xf32>,
      %gather3A_1283 = tpu.vector_load_idx %arg10[%broadcast_in_dim3A_1, %get3A_1276] : memref<1x100000xf32, #tpu.memory_space<vmem>>[vector<16xi32>, vector<16xi32>], vector<16xf32>,
      %add3A_1284 = arith.constant 0 : i32
      %add3A_1285 = arith.addi %add3A_1245, %add3A_1284 : i32
      %swap3A = arith.index_cast %add3A_1285 : i32 to index
      %swap3A_1286 = tpu.vector_load %arg14[%swap3A] {strides = array<i32>} : memref<4096xf32, #tpu.memory_space<vmem>>, vector<16xf32>,
      tpu.vector_store %arg14[%swap3A], %gather3A {strides = array<i32>} : memref<4096xf32, #tpu.memory_space<vmem>>, vector<16xf32>,
      %add3A_1287 = arith.constant 16 : i32
      %add3A_1288 = arith.addi %add3A_1245, %add3A_1287 : i32
      %swap3A_1289 = arith.index_cast %add3A_1288 : i32 to index
      %swap3A_1290 = tpu.vector_load %arg14[%swap3A_1289] {strides = array<i32>} : memref<4096xf32, #tpu.memory_space<vmem>>, vector<16xf32>,
      tpu.vector_store %arg14[%swap3A_1289], %gather3A_1277 {strides = array<i32>} : memref<4096xf32, #tpu.memory_space<vmem>>, vector<16xf32>,
      %add3A_1291 = arith.constant 32 : i32
      %add3A_1292 = arith.addi %add3A_1245, %add3A_1291 : i32
      %swap3A_1293 = arith.index_cast %add3A_1292 : i32 to index
      %swap3A_1294 = tpu.vector_load %arg14[%swap3A_1293] {strides = array<i32>} : memref<4096xf32, #tpu.memory_space<vmem>>, vector<16xf32>,
      tpu.vector_store %arg14[%swap3A_1293], %gather3A_1278 {strides = array<i32>} : memref<4096xf32, #tpu.memory_space<vmem>>, vector<16xf32>,
      %add3A_1295 = arith.constant 48 : i32
      %add3A_1296 = arith.addi %add3A_1245, %add3A_1295 : i32
      %swap3A_1297 = arith.index_cast %add3A_1296 : i32 to index
      %swap3A_1298 = tpu.vector_load %arg14[%swap3A_1297] {strides = array<i32>} : memref<4096xf32, #tpu.memory_space<vmem>>, vector<16xf32>,
      tpu.vector_store %arg14[%swap3A_1297], %gather3A_1279 {strides = array<i32>} : memref<4096xf32, #tpu.memory_space<vmem>>, vector<16xf32>,
      %add3A_1299 = arith.constant 64 : i32
      %add3A_1300 = arith.addi %add3A_1245, %add3A_1299 : i32
      %swap3A_1301 = arith.index_cast %add3A_1300 : i32 to index
      %swap3A_1302 = tpu.vector_load %arg14[%swap3A_1301] {strides = array<i32>} : memref<4096xf32, #tpu.memory_space<vmem>>, vector<16xf32>,
      tpu.vector_store %arg14[%swap3A_1301], %gather3A_1280 {strides = array<i32>} : memref<4096xf32, #tpu.memory_space<vmem>>, vector<16xf32>,
      %add3A_1303 = arith.constant 80 : i32
      %add3A_1304 = arith.addi %add3A_1245, %add3A_1303 : i32
      %swap3A_1305 = arith.index_cast %add3A_1304 : i32 to index
      %swap3A_1306 = tpu.vector_load %arg14[%swap3A_1305] {strides = array<i32>} : memref<4096xf32, #tpu.memory_space<vmem>>, vector<16xf32>,
      tpu.vector_store %arg14[%swap3A_1305], %gather3A_1281 {strides = array<i32>} : memref<4096xf32, #tpu.memory_space<vmem>>, vector<16xf32>,
      %add3A_1307 = arith.constant 96 : i32
      %add3A_1308 = arith.addi %add3A_1245, %add3A_1307 : i32
      %swap3A_1309 = arith.index_cast %add3A_1308 : i32 to index
      %swap3A_1310 = tpu.vector_load %arg14[%swap3A_1309] {strides = array<i32>} : memref<4096xf32, #tpu.memory_space<vmem>>, vector<16xf32>,
      tpu.vector_store %arg14[%swap3A_1309], %gather3A_1282 {strides = array<i32>} : memref<4096xf32, #tpu.memory_space<vmem>>, vector<16xf32>,
      %add3A_1311 = arith.constant 112 : i32
      %add3A_1312 = arith.addi %add3A_1245, %add3A_1311 : i32
      %swap3A_1313 = arith.index_cast %add3A_1312 : i32 to index
      %swap3A_1314 = tpu.vector_load %arg14[%swap3A_1313] {strides = array<i32>} : memref<4096xf32, #tpu.memory_space<vmem>>, vector<16xf32>,
      tpu.vector_store %arg14[%swap3A_1313], %gather3A_1283 {strides = array<i32>} : memref<4096xf32, #tpu.memory_space<vmem>>, vector<16xf32>,
    }
    %scan3A_556 = arith.constant 32 : i32
    %dma_start3A_557 = arith.constant 4096 : i32
    %dma_start3A_558 = tpu.memref_slice %arg9[%add3A, %dma_start3A_557] : memref<64x16384xf32, #tpu.memory_space<hbm>> -> memref<1x4096xf32, #tpu.memory_space<hbm>>
    %dma_start3A_559 = tpu.memref_squeeze %dma_start3A_558 : memref<1x4096xf32, #tpu.memory_space<hbm>> -> memref<4096xf32, #tpu.memory_space<hbm>>
    %dma_start3A_560 = arith.constant 4096 : i32
    %dma_start3A_561 = tpu.memref_slice %arg9[%add3A, %dma_start3A_560] : memref<64x16384xf32, #tpu.memory_space<hbm>> -> memref<1x4096xf32, #tpu.memory_space<hbm>>
    %dma_start3A_562 = tpu.memref_squeeze %dma_start3A_561 : memref<1x4096xf32, #tpu.memory_space<hbm>> -> memref<4096xf32, #tpu.memory_space<hbm>>
    tpu.enqueue_dma source(%arg14 : memref<4096xf32, #tpu.memory_space<vmem>>) target(%dma_start3A_562 : memref<4096xf32, #tpu.memory_space<hbm>>) target_semaphore(%arg17 : memref<!tpu.dma_semaphore, #tpu.memory_space<semaphore_mem>>)
    %dma_start3A_563 = arith.constant 12288 : i32
    %dma_start3A_564 = tpu.memref_slice %arg4[%dma_start3A_563] : memref<16384xi32, #tpu.memory_space<hbm>> -> memref<4096xi32, #tpu.memory_space<hbm>>
    %dma_start3A_565 = arith.constant 12288 : i32
    %dma_start3A_566 = tpu.memref_slice %arg4[%dma_start3A_565] : memref<16384xi32, #tpu.memory_space<hbm>> -> memref<4096xi32, #tpu.memory_space<hbm>>
    tpu.enqueue_dma source(%dma_start3A_566 : memref<4096xi32, #tpu.memory_space<hbm>>) target(%arg12 : memref<4096xi32, #tpu.memory_space<vmem>>) target_semaphore(%arg16 : memref<!tpu.dma_semaphore, #tpu.memory_space<semaphore_mem>>)
    %dma_wait3A_567 = arith.constant 8192 : i32
    %dma_wait3A_568 = tpu.memref_slice %arg4[%dma_wait3A_567] : memref<16384xi32, #tpu.memory_space<hbm>> -> memref<4096xi32, #tpu.memory_space<hbm>>
    %dma_wait3A_569 = arith.constant 8192 : i32
    %dma_wait3A_570 = tpu.memref_slice %arg4[%dma_wait3A_569] : memref<16384xi32, #tpu.memory_space<hbm>> -> memref<4096xi32, #tpu.memory_space<hbm>>
    tpu.wait_dma2 semaphore(%arg16 : memref<!tpu.dma_semaphore, #tpu.memory_space<semaphore_mem>>) src(%dma_wait3A_570 : memref<4096xi32, #tpu.memory_space<hbm>>) dst(%arg11 : memref<4096xi32, #tpu.memory_space<vmem>>)
    %dma_wait3A_571 = arith.constant 0 : i32
    %dma_wait3A_572 = tpu.memref_slice %arg9[%add3A, %dma_wait3A_571] : memref<64x16384xf32, #tpu.memory_space<hbm>> -> memref<1x4096xf32, #tpu.memory_space<hbm>>
    %dma_wait3A_573 = tpu.memref_squeeze %dma_wait3A_572 : memref<1x4096xf32, #tpu.memory_space<hbm>> -> memref<4096xf32, #tpu.memory_space<hbm>>
    %dma_wait3A_574 = arith.constant 0 : i32
    %dma_wait3A_575 = tpu.memref_slice %arg9[%add3A, %dma_wait3A_574] : memref<64x16384xf32, #tpu.memory_space<hbm>> -> memref<1x4096xf32, #tpu.memory_space<hbm>>
    %dma_wait3A_576 = tpu.memref_squeeze %dma_wait3A_575 : memref<1x4096xf32, #tpu.memory_space<hbm>> -> memref<4096xf32, #tpu.memory_space<hbm>>
    tpu.wait_dma2 semaphore(%arg17 : memref<!tpu.dma_semaphore, #tpu.memory_space<semaphore_mem>>) src(%arg13 : memref<4096xf32, #tpu.memory_space<vmem>>) dst(%dma_wait3A_576 : memref<4096xf32, #tpu.memory_space<hbm>>)
    %scan3A_577 = arith.constant 0 : i32
    %scan3A_578 = arith.constant 32 : i32
    %scan3A_579 = arith.addi %scan3A_577, %scan3A_578 : i32
    %scan3A_580 = arith.constant 1 : i32
    scf.for %scan3A_1241 = %scan3A_577 to %scan3A_579 step %scan3A_580  : i32 {
      %mul3A_1242 = arith.constant 128 : i32
      %mul3A_1243 = arith.muli %scan3A_1241, %mul3A_1242 : i32
      %add3A_1244 = arith.constant 0 : i32
      %add3A_1245 = arith.addi %add3A_1244, %mul3A_1243 : i32
      %add3A_1246 = arith.constant 0 : i32
      %add3A_1247 = arith.addi %add3A_1245, %add3A_1246 : i32
      %get3A = arith.index_cast %add3A_1247 : i32 to index
      %get3A_1248 = tpu.vector_load %arg11[%get3A] {strides = array<i32>} : memref<4096xi32, #tpu.memory_space<vmem>>, vector<16xi32>,
      %add3A_1249 = arith.constant 16 : i32
      %add3A_1250 = arith.addi %add3A_1245, %add3A_1249 : i32
      %get3A_1251 = arith.index_cast %add3A_1250 : i32 to index
      %get3A_1252 = tpu.vector_load %arg11[%get3A_1251] {strides = array<i32>} : memref<4096xi32, #tpu.memory_space<vmem>>, vector<16xi32>,
      %add3A_1253 = arith.constant 32 : i32
      %add3A_1254 = arith.addi %add3A_1245, %add3A_1253 : i32
      %get3A_1255 = arith.index_cast %add3A_1254 : i32 to index
      %get3A_1256 = tpu.vector_load %arg11[%get3A_1255] {strides = array<i32>} : memref<4096xi32, #tpu.memory_space<vmem>>, vector<16xi32>,
      %add3A_1257 = arith.constant 48 : i32
      %add3A_1258 = arith.addi %add3A_1245, %add3A_1257 : i32
      %get3A_1259 = arith.index_cast %add3A_1258 : i32 to index
      %get3A_1260 = tpu.vector_load %arg11[%get3A_1259] {strides = array<i32>} : memref<4096xi32, #tpu.memory_space<vmem>>, vector<16xi32>,
      %add3A_1261 = arith.constant 64 : i32
      %add3A_1262 = arith.addi %add3A_1245, %add3A_1261 : i32
      %get3A_1263 = arith.index_cast %add3A_1262 : i32 to index
      %get3A_1264 = tpu.vector_load %arg11[%get3A_1263] {strides = array<i32>} : memref<4096xi32, #tpu.memory_space<vmem>>, vector<16xi32>,
      %add3A_1265 = arith.constant 80 : i32
      %add3A_1266 = arith.addi %add3A_1245, %add3A_1265 : i32
      %get3A_1267 = arith.index_cast %add3A_1266 : i32 to index
      %get3A_1268 = tpu.vector_load %arg11[%get3A_1267] {strides = array<i32>} : memref<4096xi32, #tpu.memory_space<vmem>>, vector<16xi32>,
      %add3A_1269 = arith.constant 96 : i32
      %add3A_1270 = arith.addi %add3A_1245, %add3A_1269 : i32
      %get3A_1271 = arith.index_cast %add3A_1270 : i32 to index
      %get3A_1272 = tpu.vector_load %arg11[%get3A_1271] {strides = array<i32>} : memref<4096xi32, #tpu.memory_space<vmem>>, vector<16xi32>,
      %add3A_1273 = arith.constant 112 : i32
      %add3A_1274 = arith.addi %add3A_1245, %add3A_1273 : i32
      %get3A_1275 = arith.index_cast %add3A_1274 : i32 to index
      %get3A_1276 = tpu.vector_load %arg11[%get3A_1275] {strides = array<i32>} : memref<4096xi32, #tpu.memory_space<vmem>>, vector<16xi32>,
      %gather3A = tpu.vector_load_idx %arg10[%broadcast_in_dim3A_1, %get3A_1248] : memref<1x100000xf32, #tpu.memory_space<vmem>>[vector<16xi32>, vector<16xi32>], vector<16xf32>,
      %gather3A_1277 = tpu.vector_load_idx %arg10[%broadcast_in_dim3A_1, %get3A_1252] : memref<1x100000xf32, #tpu.memory_space<vmem>>[vector<16xi32>, vector<16xi32>], vector<16xf32>,
      %gather3A_1278 = tpu.vector_load_idx %arg10[%broadcast_in_dim3A_1, %get3A_1256] : memref<1x100000xf32, #tpu.memory_space<vmem>>[vector<16xi32>, vector<16xi32>], vector<16xf32>,
      %gather3A_1279 = tpu.vector_load_idx %arg10[%broadcast_in_dim3A_1, %get3A_1260] : memref<1x100000xf32, #tpu.memory_space<vmem>>[vector<16xi32>, vector<16xi32>], vector<16xf32>,
      %gather3A_1280 = tpu.vector_load_idx %arg10[%broadcast_in_dim3A_1, %get3A_1264] : memref<1x100000xf32, #tpu.memory_space<vmem>>[vector<16xi32>, vector<16xi32>], vector<16xf32>,
      %gather3A_1281 = tpu.vector_load_idx %arg10[%broadcast_in_dim3A_1, %get3A_1268] : memref<1x100000xf32, #tpu.memory_space<vmem>>[vector<16xi32>, vector<16xi32>], vector<16xf32>,
      %gather3A_1282 = tpu.vector_load_idx %arg10[%broadcast_in_dim3A_1, %get3A_1272] : memref<1x100000xf32, #tpu.memory_space<vmem>>[vector<16xi32>, vector<16xi32>], vector<16xf32>,
      %gather3A_1283 = tpu.vector_load_idx %arg10[%broadcast_in_dim3A_1, %get3A_1276] : memref<1x100000xf32, #tpu.memory_space<vmem>>[vector<16xi32>, vector<16xi32>], vector<16xf32>,
      %add3A_1284 = arith.constant 0 : i32
      %add3A_1285 = arith.addi %add3A_1245, %add3A_1284 : i32
      %swap3A = arith.index_cast %add3A_1285 : i32 to index
      %swap3A_1286 = tpu.vector_load %arg13[%swap3A] {strides = array<i32>} : memref<4096xf32, #tpu.memory_space<vmem>>, vector<16xf32>,
      tpu.vector_store %arg13[%swap3A], %gather3A {strides = array<i32>} : memref<4096xf32, #tpu.memory_space<vmem>>, vector<16xf32>,
      %add3A_1287 = arith.constant 16 : i32
      %add3A_1288 = arith.addi %add3A_1245, %add3A_1287 : i32
      %swap3A_1289 = arith.index_cast %add3A_1288 : i32 to index
      %swap3A_1290 = tpu.vector_load %arg13[%swap3A_1289] {strides = array<i32>} : memref<4096xf32, #tpu.memory_space<vmem>>, vector<16xf32>,
      tpu.vector_store %arg13[%swap3A_1289], %gather3A_1277 {strides = array<i32>} : memref<4096xf32, #tpu.memory_space<vmem>>, vector<16xf32>,
      %add3A_1291 = arith.constant 32 : i32
      %add3A_1292 = arith.addi %add3A_1245, %add3A_1291 : i32
      %swap3A_1293 = arith.index_cast %add3A_1292 : i32 to index
      %swap3A_1294 = tpu.vector_load %arg13[%swap3A_1293] {strides = array<i32>} : memref<4096xf32, #tpu.memory_space<vmem>>, vector<16xf32>,
      tpu.vector_store %arg13[%swap3A_1293], %gather3A_1278 {strides = array<i32>} : memref<4096xf32, #tpu.memory_space<vmem>>, vector<16xf32>,
      %add3A_1295 = arith.constant 48 : i32
      %add3A_1296 = arith.addi %add3A_1245, %add3A_1295 : i32
      %swap3A_1297 = arith.index_cast %add3A_1296 : i32 to index
      %swap3A_1298 = tpu.vector_load %arg13[%swap3A_1297] {strides = array<i32>} : memref<4096xf32, #tpu.memory_space<vmem>>, vector<16xf32>,
      tpu.vector_store %arg13[%swap3A_1297], %gather3A_1279 {strides = array<i32>} : memref<4096xf32, #tpu.memory_space<vmem>>, vector<16xf32>,
      %add3A_1299 = arith.constant 64 : i32
      %add3A_1300 = arith.addi %add3A_1245, %add3A_1299 : i32
      %swap3A_1301 = arith.index_cast %add3A_1300 : i32 to index
      %swap3A_1302 = tpu.vector_load %arg13[%swap3A_1301] {strides = array<i32>} : memref<4096xf32, #tpu.memory_space<vmem>>, vector<16xf32>,
      tpu.vector_store %arg13[%swap3A_1301], %gather3A_1280 {strides = array<i32>} : memref<4096xf32, #tpu.memory_space<vmem>>, vector<16xf32>,
      %add3A_1303 = arith.constant 80 : i32
      %add3A_1304 = arith.addi %add3A_1245, %add3A_1303 : i32
      %swap3A_1305 = arith.index_cast %add3A_1304 : i32 to index
      %swap3A_1306 = tpu.vector_load %arg13[%swap3A_1305] {strides = array<i32>} : memref<4096xf32, #tpu.memory_space<vmem>>, vector<16xf32>,
      tpu.vector_store %arg13[%swap3A_1305], %gather3A_1281 {strides = array<i32>} : memref<4096xf32, #tpu.memory_space<vmem>>, vector<16xf32>,
      %add3A_1307 = arith.constant 96 : i32
      %add3A_1308 = arith.addi %add3A_1245, %add3A_1307 : i32
      %swap3A_1309 = arith.index_cast %add3A_1308 : i32 to index
      %swap3A_1310 = tpu.vector_load %arg13[%swap3A_1309] {strides = array<i32>} : memref<4096xf32, #tpu.memory_space<vmem>>, vector<16xf32>,
      tpu.vector_store %arg13[%swap3A_1309], %gather3A_1282 {strides = array<i32>} : memref<4096xf32, #tpu.memory_space<vmem>>, vector<16xf32>,
      %add3A_1311 = arith.constant 112 : i32
      %add3A_1312 = arith.addi %add3A_1245, %add3A_1311 : i32
      %swap3A_1313 = arith.index_cast %add3A_1312 : i32 to index
      %swap3A_1314 = tpu.vector_load %arg13[%swap3A_1313] {strides = array<i32>} : memref<4096xf32, #tpu.memory_space<vmem>>, vector<16xf32>,
      tpu.vector_store %arg13[%swap3A_1313], %gather3A_1283 {strides = array<i32>} : memref<4096xf32, #tpu.memory_space<vmem>>, vector<16xf32>,
    }
    %scan3A_581 = arith.constant 32 : i32
    %dma_start3A_582 = arith.constant 8192 : i32
    %dma_start3A_583 = tpu.memref_slice %arg9[%add3A, %dma_start3A_582] : memref<64x16384xf32, #tpu.memory_space<hbm>> -> memref<1x4096xf32, #tpu.memory_space<hbm>>
    %dma_start3A_584 = tpu.memref_squeeze %dma_start3A_583 : memref<1x4096xf32, #tpu.memory_space<hbm>> -> memref<4096xf32, #tpu.memory_space<hbm>>
    %dma_start3A_585 = arith.constant 8192 : i32
    %dma_start3A_586 = tpu.memref_slice %arg9[%add3A, %dma_start3A_585] : memref<64x16384xf32, #tpu.memory_space<hbm>> -> memref<1x4096xf32, #tpu.memory_space<hbm>>
    %dma_start3A_587 = tpu.memref_squeeze %dma_start3A_586 : memref<1x4096xf32, #tpu.memory_space<hbm>> -> memref<4096xf32, #tpu.memory_space<hbm>>
    tpu.enqueue_dma source(%arg13 : memref<4096xf32, #tpu.memory_space<vmem>>) target(%dma_start3A_587 : memref<4096xf32, #tpu.memory_space<hbm>>) target_semaphore(%arg17 : memref<!tpu.dma_semaphore, #tpu.memory_space<semaphore_mem>>)
    %dma_start3A_588 = arith.constant 0 : i32
    %dma_start3A_589 = tpu.memref_slice %arg2[%dma_start3A_588] : memref<16384xi32, #tpu.memory_space<hbm>> -> memref<4096xi32, #tpu.memory_space<hbm>>
    %dma_start3A_590 = arith.constant 0 : i32
    %dma_start3A_591 = tpu.memref_slice %arg2[%dma_start3A_590] : memref<16384xi32, #tpu.memory_space<hbm>> -> memref<4096xi32, #tpu.memory_space<hbm>>
    tpu.enqueue_dma source(%dma_start3A_591 : memref<4096xi32, #tpu.memory_space<hbm>>) target(%arg11 : memref<4096xi32, #tpu.memory_space<vmem>>) target_semaphore(%arg16 : memref<!tpu.dma_semaphore, #tpu.memory_space<semaphore_mem>>)
    %dma_wait3A_592 = arith.constant 12288 : i32
    %dma_wait3A_593 = tpu.memref_slice %arg4[%dma_wait3A_592] : memref<16384xi32, #tpu.memory_space<hbm>> -> memref<4096xi32, #tpu.memory_space<hbm>>
    %dma_wait3A_594 = arith.constant 12288 : i32
    %dma_wait3A_595 = tpu.memref_slice %arg4[%dma_wait3A_594] : memref<16384xi32, #tpu.memory_space<hbm>> -> memref<4096xi32, #tpu.memory_space<hbm>>
    tpu.wait_dma2 semaphore(%arg16 : memref<!tpu.dma_semaphore, #tpu.memory_space<semaphore_mem>>) src(%dma_wait3A_595 : memref<4096xi32, #tpu.memory_space<hbm>>) dst(%arg12 : memref<4096xi32, #tpu.memory_space<vmem>>)
    %dma_wait3A_596 = arith.constant 4096 : i32
    %dma_wait3A_597 = tpu.memref_slice %arg9[%add3A, %dma_wait3A_596] : memref<64x16384xf32, #tpu.memory_space<hbm>> -> memref<1x4096xf32, #tpu.memory_space<hbm>>
    %dma_wait3A_598 = tpu.memref_squeeze %dma_wait3A_597 : memref<1x4096xf32, #tpu.memory_space<hbm>> -> memref<4096xf32, #tpu.memory_space<hbm>>
    %dma_wait3A_599 = arith.constant 4096 : i32
    %dma_wait3A_600 = tpu.memref_slice %arg9[%add3A, %dma_wait3A_599] : memref<64x16384xf32, #tpu.memory_space<hbm>> -> memref<1x4096xf32, #tpu.memory_space<hbm>>
    %dma_wait3A_601 = tpu.memref_squeeze %dma_wait3A_600 : memref<1x4096xf32, #tpu.memory_space<hbm>> -> memref<4096xf32, #tpu.memory_space<hbm>>
    tpu.wait_dma2 semaphore(%arg17 : memref<!tpu.dma_semaphore, #tpu.memory_space<semaphore_mem>>) src(%arg14 : memref<4096xf32, #tpu.memory_space<vmem>>) dst(%dma_wait3A_601 : memref<4096xf32, #tpu.memory_space<hbm>>)
    %scan3A_602 = arith.constant 0 : i32
    %scan3A_603 = arith.constant 32 : i32
    %scan3A_604 = arith.addi %scan3A_602, %scan3A_603 : i32
    %scan3A_605 = arith.constant 1 : i32
    scf.for %scan3A_1241 = %scan3A_602 to %scan3A_604 step %scan3A_605  : i32 {
      %mul3A_1242 = arith.constant 128 : i32
      %mul3A_1243 = arith.muli %scan3A_1241, %mul3A_1242 : i32
      %add3A_1244 = arith.constant 0 : i32
      %add3A_1245 = arith.addi %add3A_1244, %mul3A_1243 : i32
      %add3A_1246 = arith.constant 0 : i32
      %add3A_1247 = arith.addi %add3A_1245, %add3A_1246 : i32
      %get3A = arith.index_cast %add3A_1247 : i32 to index
      %get3A_1248 = tpu.vector_load %arg12[%get3A] {strides = array<i32>} : memref<4096xi32, #tpu.memory_space<vmem>>, vector<16xi32>,
      %add3A_1249 = arith.constant 16 : i32
      %add3A_1250 = arith.addi %add3A_1245, %add3A_1249 : i32
      %get3A_1251 = arith.index_cast %add3A_1250 : i32 to index
      %get3A_1252 = tpu.vector_load %arg12[%get3A_1251] {strides = array<i32>} : memref<4096xi32, #tpu.memory_space<vmem>>, vector<16xi32>,
      %add3A_1253 = arith.constant 32 : i32
      %add3A_1254 = arith.addi %add3A_1245, %add3A_1253 : i32
      %get3A_1255 = arith.index_cast %add3A_1254 : i32 to index
      %get3A_1256 = tpu.vector_load %arg12[%get3A_1255] {strides = array<i32>} : memref<4096xi32, #tpu.memory_space<vmem>>, vector<16xi32>,
      %add3A_1257 = arith.constant 48 : i32
      %add3A_1258 = arith.addi %add3A_1245, %add3A_1257 : i32
      %get3A_1259 = arith.index_cast %add3A_1258 : i32 to index
      %get3A_1260 = tpu.vector_load %arg12[%get3A_1259] {strides = array<i32>} : memref<4096xi32, #tpu.memory_space<vmem>>, vector<16xi32>,
      %add3A_1261 = arith.constant 64 : i32
      %add3A_1262 = arith.addi %add3A_1245, %add3A_1261 : i32
      %get3A_1263 = arith.index_cast %add3A_1262 : i32 to index
      %get3A_1264 = tpu.vector_load %arg12[%get3A_1263] {strides = array<i32>} : memref<4096xi32, #tpu.memory_space<vmem>>, vector<16xi32>,
      %add3A_1265 = arith.constant 80 : i32
      %add3A_1266 = arith.addi %add3A_1245, %add3A_1265 : i32
      %get3A_1267 = arith.index_cast %add3A_1266 : i32 to index
      %get3A_1268 = tpu.vector_load %arg12[%get3A_1267] {strides = array<i32>} : memref<4096xi32, #tpu.memory_space<vmem>>, vector<16xi32>,
      %add3A_1269 = arith.constant 96 : i32
      %add3A_1270 = arith.addi %add3A_1245, %add3A_1269 : i32
      %get3A_1271 = arith.index_cast %add3A_1270 : i32 to index
      %get3A_1272 = tpu.vector_load %arg12[%get3A_1271] {strides = array<i32>} : memref<4096xi32, #tpu.memory_space<vmem>>, vector<16xi32>,
      %add3A_1273 = arith.constant 112 : i32
      %add3A_1274 = arith.addi %add3A_1245, %add3A_1273 : i32
      %get3A_1275 = arith.index_cast %add3A_1274 : i32 to index
      %get3A_1276 = tpu.vector_load %arg12[%get3A_1275] {strides = array<i32>} : memref<4096xi32, #tpu.memory_space<vmem>>, vector<16xi32>,
      %gather3A = tpu.vector_load_idx %arg10[%broadcast_in_dim3A_1, %get3A_1248] : memref<1x100000xf32, #tpu.memory_space<vmem>>[vector<16xi32>, vector<16xi32>], vector<16xf32>,
      %gather3A_1277 = tpu.vector_load_idx %arg10[%broadcast_in_dim3A_1, %get3A_1252] : memref<1x100000xf32, #tpu.memory_space<vmem>>[vector<16xi32>, vector<16xi32>], vector<16xf32>,
      %gather3A_1278 = tpu.vector_load_idx %arg10[%broadcast_in_dim3A_1, %get3A_1256] : memref<1x100000xf32, #tpu.memory_space<vmem>>[vector<16xi32>, vector<16xi32>], vector<16xf32>,
      %gather3A_1279 = tpu.vector_load_idx %arg10[%broadcast_in_dim3A_1, %get3A_1260] : memref<1x100000xf32, #tpu.memory_space<vmem>>[vector<16xi32>, vector<16xi32>], vector<16xf32>,
      %gather3A_1280 = tpu.vector_load_idx %arg10[%broadcast_in_dim3A_1, %get3A_1264] : memref<1x100000xf32, #tpu.memory_space<vmem>>[vector<16xi32>, vector<16xi32>], vector<16xf32>,
      %gather3A_1281 = tpu.vector_load_idx %arg10[%broadcast_in_dim3A_1, %get3A_1268] : memref<1x100000xf32, #tpu.memory_space<vmem>>[vector<16xi32>, vector<16xi32>], vector<16xf32>,
      %gather3A_1282 = tpu.vector_load_idx %arg10[%broadcast_in_dim3A_1, %get3A_1272] : memref<1x100000xf32, #tpu.memory_space<vmem>>[vector<16xi32>, vector<16xi32>], vector<16xf32>,
      %gather3A_1283 = tpu.vector_load_idx %arg10[%broadcast_in_dim3A_1, %get3A_1276] : memref<1x100000xf32, #tpu.memory_space<vmem>>[vector<16xi32>, vector<16xi32>], vector<16xf32>,
      %add3A_1284 = arith.constant 0 : i32
      %add3A_1285 = arith.addi %add3A_1245, %add3A_1284 : i32
      %swap3A = arith.index_cast %add3A_1285 : i32 to index
      %swap3A_1286 = tpu.vector_load %arg14[%swap3A] {strides = array<i32>} : memref<4096xf32, #tpu.memory_space<vmem>>, vector<16xf32>,
      tpu.vector_store %arg14[%swap3A], %gather3A {strides = array<i32>} : memref<4096xf32, #tpu.memory_space<vmem>>, vector<16xf32>,
      %add3A_1287 = arith.constant 16 : i32
      %add3A_1288 = arith.addi %add3A_1245, %add3A_1287 : i32
      %swap3A_1289 = arith.index_cast %add3A_1288 : i32 to index
      %swap3A_1290 = tpu.vector_load %arg14[%swap3A_1289] {strides = array<i32>} : memref<4096xf32, #tpu.memory_space<vmem>>, vector<16xf32>,
      tpu.vector_store %arg14[%swap3A_1289], %gather3A_1277 {strides = array<i32>} : memref<4096xf32, #tpu.memory_space<vmem>>, vector<16xf32>,
      %add3A_1291 = arith.constant 32 : i32
      %add3A_1292 = arith.addi %add3A_1245, %add3A_1291 : i32
      %swap3A_1293 = arith.index_cast %add3A_1292 : i32 to index
      %swap3A_1294 = tpu.vector_load %arg14[%swap3A_1293] {strides = array<i32>} : memref<4096xf32, #tpu.memory_space<vmem>>, vector<16xf32>,
      tpu.vector_store %arg14[%swap3A_1293], %gather3A_1278 {strides = array<i32>} : memref<4096xf32, #tpu.memory_space<vmem>>, vector<16xf32>,
      %add3A_1295 = arith.constant 48 : i32
      %add3A_1296 = arith.addi %add3A_1245, %add3A_1295 : i32
      %swap3A_1297 = arith.index_cast %add3A_1296 : i32 to index
      %swap3A_1298 = tpu.vector_load %arg14[%swap3A_1297] {strides = array<i32>} : memref<4096xf32, #tpu.memory_space<vmem>>, vector<16xf32>,
      tpu.vector_store %arg14[%swap3A_1297], %gather3A_1279 {strides = array<i32>} : memref<4096xf32, #tpu.memory_space<vmem>>, vector<16xf32>,
      %add3A_1299 = arith.constant 64 : i32
      %add3A_1300 = arith.addi %add3A_1245, %add3A_1299 : i32
      %swap3A_1301 = arith.index_cast %add3A_1300 : i32 to index
      %swap3A_1302 = tpu.vector_load %arg14[%swap3A_1301] {strides = array<i32>} : memref<4096xf32, #tpu.memory_space<vmem>>, vector<16xf32>,
      tpu.vector_store %arg14[%swap3A_1301], %gather3A_1280 {strides = array<i32>} : memref<4096xf32, #tpu.memory_space<vmem>>, vector<16xf32>,
      %add3A_1303 = arith.constant 80 : i32
      %add3A_1304 = arith.addi %add3A_1245, %add3A_1303 : i32
      %swap3A_1305 = arith.index_cast %add3A_1304 : i32 to index
      %swap3A_1306 = tpu.vector_load %arg14[%swap3A_1305] {strides = array<i32>} : memref<4096xf32, #tpu.memory_space<vmem>>, vector<16xf32>,
      tpu.vector_store %arg14[%swap3A_1305], %gather3A_1281 {strides = array<i32>} : memref<4096xf32, #tpu.memory_space<vmem>>, vector<16xf32>,
      %add3A_1307 = arith.constant 96 : i32
      %add3A_1308 = arith.addi %add3A_1245, %add3A_1307 : i32
      %swap3A_1309 = arith.index_cast %add3A_1308 : i32 to index
      %swap3A_1310 = tpu.vector_load %arg14[%swap3A_1309] {strides = array<i32>} : memref<4096xf32, #tpu.memory_space<vmem>>, vector<16xf32>,
      tpu.vector_store %arg14[%swap3A_1309], %gather3A_1282 {strides = array<i32>} : memref<4096xf32, #tpu.memory_space<vmem>>, vector<16xf32>,
      %add3A_1311 = arith.constant 112 : i32
      %add3A_1312 = arith.addi %add3A_1245, %add3A_1311 : i32
      %swap3A_1313 = arith.index_cast %add3A_1312 : i32 to index
      %swap3A_1314 = tpu.vector_load %arg14[%swap3A_1313] {strides = array<i32>} : memref<4096xf32, #tpu.memory_space<vmem>>, vector<16xf32>,
      tpu.vector_store %arg14[%swap3A_1313], %gather3A_1283 {strides = array<i32>} : memref<4096xf32, #tpu.memory_space<vmem>>, vector<16xf32>,
    }
    %scan3A_606 = arith.constant 32 : i32
    %dma_start3A_607 = arith.constant 12288 : i32
    %dma_start3A_608 = tpu.memref_slice %arg9[%add3A, %dma_start3A_607] : memref<64x16384xf32, #tpu.memory_space<hbm>> -> memref<1x4096xf32, #tpu.memory_space<hbm>>
    %dma_start3A_609 = tpu.memref_squeeze %dma_start3A_608 : memref<1x4096xf32, #tpu.memory_space<hbm>> -> memref<4096xf32, #tpu.memory_space<hbm>>
    %dma_start3A_610 = arith.constant 12288 : i32
    %dma_start3A_611 = tpu.memref_slice %arg9[%add3A, %dma_start3A_610] : memref<64x16384xf32, #tpu.memory_space<hbm>> -> memref<1x4096xf32, #tpu.memory_space<hbm>>
    %dma_start3A_612 = tpu.memref_squeeze %dma_start3A_611 : memref<1x4096xf32, #tpu.memory_space<hbm>> -> memref<4096xf32, #tpu.memory_space<hbm>>
    tpu.enqueue_dma source(%arg14 : memref<4096xf32, #tpu.memory_space<vmem>>) target(%dma_start3A_612 : memref<4096xf32, #tpu.memory_space<hbm>>) target_semaphore(%arg17 : memref<!tpu.dma_semaphore, #tpu.memory_space<semaphore_mem>>)
    %dma_start3A_613 = arith.constant 0 : i32
    %dma_start3A_614 = arith.constant 0 : i32
    %dma_start3A_615 = tpu.memref_slice %arg10[%dma_start3A_613, %dma_start3A_614] : memref<1x100000xf32, #tpu.memory_space<vmem>> -> memref<1x12544xf32, #tpu.memory_space<vmem>>
    %dma_start3A_616 = arith.constant 0 : i32
    %dma_start3A_617 = tpu.memref_slice %arg5[%add3A_3, %dma_start3A_616] : memref<64x100000xf32, #tpu.memory_space<hbm>> -> memref<1x12544xf32, #tpu.memory_space<hbm>>
    %dma_start3A_618 = arith.constant 0 : i32
    %dma_start3A_619 = arith.constant 0 : i32
    %dma_start3A_620 = tpu.memref_slice %arg10[%dma_start3A_618, %dma_start3A_619] : memref<1x100000xf32, #tpu.memory_space<vmem>> -> memref<1x12544xf32, #tpu.memory_space<vmem>>
    %dma_start3A_621 = arith.constant 0 : i32
    %dma_start3A_622 = tpu.memref_slice %arg5[%add3A_3, %dma_start3A_621] : memref<64x100000xf32, #tpu.memory_space<hbm>> -> memref<1x12544xf32, #tpu.memory_space<hbm>>
    tpu.enqueue_dma source(%dma_start3A_622 : memref<1x12544xf32, #tpu.memory_space<hbm>>) target(%dma_start3A_620 : memref<1x12544xf32, #tpu.memory_space<vmem>>) target_semaphore(%arg15 : memref<!tpu.dma_semaphore, #tpu.memory_space<semaphore_mem>>)
    %dma_start3A_623 = arith.constant 0 : i32
    %dma_start3A_624 = arith.constant 12544 : i32
    %dma_start3A_625 = tpu.memref_slice %arg10[%dma_start3A_623, %dma_start3A_624] : memref<1x100000xf32, #tpu.memory_space<vmem>> -> memref<1x12544xf32, #tpu.memory_space<vmem>>
    %dma_start3A_626 = arith.constant 12544 : i32
    %dma_start3A_627 = tpu.memref_slice %arg5[%add3A_3, %dma_start3A_626] : memref<64x100000xf32, #tpu.memory_space<hbm>> -> memref<1x12544xf32, #tpu.memory_space<hbm>>
    %dma_start3A_628 = arith.constant 0 : i32
    %dma_start3A_629 = arith.constant 12544 : i32
    %dma_start3A_630 = tpu.memref_slice %arg10[%dma_start3A_628, %dma_start3A_629] : memref<1x100000xf32, #tpu.memory_space<vmem>> -> memref<1x12544xf32, #tpu.memory_space<vmem>>
    %dma_start3A_631 = arith.constant 12544 : i32
    %dma_start3A_632 = tpu.memref_slice %arg5[%add3A_3, %dma_start3A_631] : memref<64x100000xf32, #tpu.memory_space<hbm>> -> memref<1x12544xf32, #tpu.memory_space<hbm>>
    tpu.enqueue_dma source(%dma_start3A_632 : memref<1x12544xf32, #tpu.memory_space<hbm>>) target(%dma_start3A_630 : memref<1x12544xf32, #tpu.memory_space<vmem>>) target_semaphore(%arg15 : memref<!tpu.dma_semaphore, #tpu.memory_space<semaphore_mem>>)
    %dma_start3A_633 = arith.constant 0 : i32
    %dma_start3A_634 = arith.constant 25088 : i32
    %dma_start3A_635 = tpu.memref_slice %arg10[%dma_start3A_633, %dma_start3A_634] : memref<1x100000xf32, #tpu.memory_space<vmem>> -> memref<1x12544xf32, #tpu.memory_space<vmem>>
    %dma_start3A_636 = arith.constant 25088 : i32
    %dma_start3A_637 = tpu.memref_slice %arg5[%add3A_3, %dma_start3A_636] : memref<64x100000xf32, #tpu.memory_space<hbm>> -> memref<1x12544xf32, #tpu.memory_space<hbm>>
    %dma_start3A_638 = arith.constant 0 : i32
    %dma_start3A_639 = arith.constant 25088 : i32
    %dma_start3A_640 = tpu.memref_slice %arg10[%dma_start3A_638, %dma_start3A_639] : memref<1x100000xf32, #tpu.memory_space<vmem>> -> memref<1x12544xf32, #tpu.memory_space<vmem>>
    %dma_start3A_641 = arith.constant 25088 : i32
    %dma_start3A_642 = tpu.memref_slice %arg5[%add3A_3, %dma_start3A_641] : memref<64x100000xf32, #tpu.memory_space<hbm>> -> memref<1x12544xf32, #tpu.memory_space<hbm>>
    tpu.enqueue_dma source(%dma_start3A_642 : memref<1x12544xf32, #tpu.memory_space<hbm>>) target(%dma_start3A_640 : memref<1x12544xf32, #tpu.memory_space<vmem>>) target_semaphore(%arg15 : memref<!tpu.dma_semaphore, #tpu.memory_space<semaphore_mem>>)
    %dma_start3A_643 = arith.constant 0 : i32
    %dma_start3A_644 = arith.constant 37632 : i32
    %dma_start3A_645 = tpu.memref_slice %arg10[%dma_start3A_643, %dma_start3A_644] : memref<1x100000xf32, #tpu.memory_space<vmem>> -> memref<1x12544xf32, #tpu.memory_space<vmem>>
    %dma_start3A_646 = arith.constant 37632 : i32
    %dma_start3A_647 = tpu.memref_slice %arg5[%add3A_3, %dma_start3A_646] : memref<64x100000xf32, #tpu.memory_space<hbm>> -> memref<1x12544xf32, #tpu.memory_space<hbm>>
    %dma_start3A_648 = arith.constant 0 : i32
    %dma_start3A_649 = arith.constant 37632 : i32
    %dma_start3A_650 = tpu.memref_slice %arg10[%dma_start3A_648, %dma_start3A_649] : memref<1x100000xf32, #tpu.memory_space<vmem>> -> memref<1x12544xf32, #tpu.memory_space<vmem>>
    %dma_start3A_651 = arith.constant 37632 : i32
    %dma_start3A_652 = tpu.memref_slice %arg5[%add3A_3, %dma_start3A_651] : memref<64x100000xf32, #tpu.memory_space<hbm>> -> memref<1x12544xf32, #tpu.memory_space<hbm>>
    tpu.enqueue_dma source(%dma_start3A_652 : memref<1x12544xf32, #tpu.memory_space<hbm>>) target(%dma_start3A_650 : memref<1x12544xf32, #tpu.memory_space<vmem>>) target_semaphore(%arg15 : memref<!tpu.dma_semaphore, #tpu.memory_space<semaphore_mem>>)
    %dma_start3A_653 = arith.constant 0 : i32
    %dma_start3A_654 = arith.constant 50176 : i32
    %dma_start3A_655 = tpu.memref_slice %arg10[%dma_start3A_653, %dma_start3A_654] : memref<1x100000xf32, #tpu.memory_space<vmem>> -> memref<1x12544xf32, #tpu.memory_space<vmem>>
    %dma_start3A_656 = arith.constant 50176 : i32
    %dma_start3A_657 = tpu.memref_slice %arg5[%add3A_3, %dma_start3A_656] : memref<64x100000xf32, #tpu.memory_space<hbm>> -> memref<1x12544xf32, #tpu.memory_space<hbm>>
    %dma_start3A_658 = arith.constant 0 : i32
    %dma_start3A_659 = arith.constant 50176 : i32
    %dma_start3A_660 = tpu.memref_slice %arg10[%dma_start3A_658, %dma_start3A_659] : memref<1x100000xf32, #tpu.memory_space<vmem>> -> memref<1x12544xf32, #tpu.memory_space<vmem>>
    %dma_start3A_661 = arith.constant 50176 : i32
    %dma_start3A_662 = tpu.memref_slice %arg5[%add3A_3, %dma_start3A_661] : memref<64x100000xf32, #tpu.memory_space<hbm>> -> memref<1x12544xf32, #tpu.memory_space<hbm>>
    tpu.enqueue_dma source(%dma_start3A_662 : memref<1x12544xf32, #tpu.memory_space<hbm>>) target(%dma_start3A_660 : memref<1x12544xf32, #tpu.memory_space<vmem>>) target_semaphore(%arg15 : memref<!tpu.dma_semaphore, #tpu.memory_space<semaphore_mem>>)
    %dma_start3A_663 = arith.constant 0 : i32
    %dma_start3A_664 = arith.constant 62720 : i32
    %dma_start3A_665 = tpu.memref_slice %arg10[%dma_start3A_663, %dma_start3A_664] : memref<1x100000xf32, #tpu.memory_space<vmem>> -> memref<1x12544xf32, #tpu.memory_space<vmem>>
    %dma_start3A_666 = arith.constant 62720 : i32
    %dma_start3A_667 = tpu.memref_slice %arg5[%add3A_3, %dma_start3A_666] : memref<64x100000xf32, #tpu.memory_space<hbm>> -> memref<1x12544xf32, #tpu.memory_space<hbm>>
    %dma_start3A_668 = arith.constant 0 : i32
    %dma_start3A_669 = arith.constant 62720 : i32
    %dma_start3A_670 = tpu.memref_slice %arg10[%dma_start3A_668, %dma_start3A_669] : memref<1x100000xf32, #tpu.memory_space<vmem>> -> memref<1x12544xf32, #tpu.memory_space<vmem>>
    %dma_start3A_671 = arith.constant 62720 : i32
    %dma_start3A_672 = tpu.memref_slice %arg5[%add3A_3, %dma_start3A_671] : memref<64x100000xf32, #tpu.memory_space<hbm>> -> memref<1x12544xf32, #tpu.memory_space<hbm>>
    tpu.enqueue_dma source(%dma_start3A_672 : memref<1x12544xf32, #tpu.memory_space<hbm>>) target(%dma_start3A_670 : memref<1x12544xf32, #tpu.memory_space<vmem>>) target_semaphore(%arg15 : memref<!tpu.dma_semaphore, #tpu.memory_space<semaphore_mem>>)
    %dma_start3A_673 = arith.constant 0 : i32
    %dma_start3A_674 = arith.constant 75264 : i32
    %dma_start3A_675 = tpu.memref_slice %arg10[%dma_start3A_673, %dma_start3A_674] : memref<1x100000xf32, #tpu.memory_space<vmem>> -> memref<1x12544xf32, #tpu.memory_space<vmem>>
    %dma_start3A_676 = arith.constant 75264 : i32
    %dma_start3A_677 = tpu.memref_slice %arg5[%add3A_3, %dma_start3A_676] : memref<64x100000xf32, #tpu.memory_space<hbm>> -> memref<1x12544xf32, #tpu.memory_space<hbm>>
    %dma_start3A_678 = arith.constant 0 : i32
    %dma_start3A_679 = arith.constant 75264 : i32
    %dma_start3A_680 = tpu.memref_slice %arg10[%dma_start3A_678, %dma_start3A_679] : memref<1x100000xf32, #tpu.memory_space<vmem>> -> memref<1x12544xf32, #tpu.memory_space<vmem>>
    %dma_start3A_681 = arith.constant 75264 : i32
    %dma_start3A_682 = tpu.memref_slice %arg5[%add3A_3, %dma_start3A_681] : memref<64x100000xf32, #tpu.memory_space<hbm>> -> memref<1x12544xf32, #tpu.memory_space<hbm>>
    tpu.enqueue_dma source(%dma_start3A_682 : memref<1x12544xf32, #tpu.memory_space<hbm>>) target(%dma_start3A_680 : memref<1x12544xf32, #tpu.memory_space<vmem>>) target_semaphore(%arg15 : memref<!tpu.dma_semaphore, #tpu.memory_space<semaphore_mem>>)
    %dma_start3A_683 = arith.constant 0 : i32
    %dma_start3A_684 = arith.constant 87808 : i32
    %dma_start3A_685 = tpu.memref_slice %arg10[%dma_start3A_683, %dma_start3A_684] : memref<1x100000xf32, #tpu.memory_space<vmem>> -> memref<1x12192xf32, #tpu.memory_space<vmem>>
    %dma_start3A_686 = arith.constant 87808 : i32
    %dma_start3A_687 = tpu.memref_slice %arg5[%add3A_3, %dma_start3A_686] : memref<64x100000xf32, #tpu.memory_space<hbm>> -> memref<1x12192xf32, #tpu.memory_space<hbm>>
    %dma_start3A_688 = arith.constant 0 : i32
    %dma_start3A_689 = arith.constant 87808 : i32
    %dma_start3A_690 = tpu.memref_slice %arg10[%dma_start3A_688, %dma_start3A_689] : memref<1x100000xf32, #tpu.memory_space<vmem>> -> memref<1x12192xf32, #tpu.memory_space<vmem>>
    %dma_start3A_691 = arith.constant 87808 : i32
    %dma_start3A_692 = tpu.memref_slice %arg5[%add3A_3, %dma_start3A_691] : memref<64x100000xf32, #tpu.memory_space<hbm>> -> memref<1x12192xf32, #tpu.memory_space<hbm>>
    tpu.enqueue_dma source(%dma_start3A_692 : memref<1x12192xf32, #tpu.memory_space<hbm>>) target(%dma_start3A_690 : memref<1x12192xf32, #tpu.memory_space<vmem>>) target_semaphore(%arg15 : memref<!tpu.dma_semaphore, #tpu.memory_space<semaphore_mem>>)
    %dma_wait3A_693 = arith.constant 0 : i32
    %dma_wait3A_694 = arith.constant 0 : i32
    %dma_wait3A_695 = tpu.memref_slice %arg10[%dma_wait3A_693, %dma_wait3A_694] : memref<1x100000xf32, #tpu.memory_space<vmem>> -> memref<1x12544xf32, #tpu.memory_space<vmem>>
    %dma_wait3A_696 = arith.constant 0 : i32
    %dma_wait3A_697 = tpu.memref_slice %arg5[%add3A_3, %dma_wait3A_696] : memref<64x100000xf32, #tpu.memory_space<hbm>> -> memref<1x12544xf32, #tpu.memory_space<hbm>>
    %dma_wait3A_698 = arith.constant 0 : i32
    %dma_wait3A_699 = arith.constant 0 : i32
    %dma_wait3A_700 = tpu.memref_slice %arg10[%dma_wait3A_698, %dma_wait3A_699] : memref<1x100000xf32, #tpu.memory_space<vmem>> -> memref<1x12544xf32, #tpu.memory_space<vmem>>
    %dma_wait3A_701 = arith.constant 0 : i32
    %dma_wait3A_702 = tpu.memref_slice %arg5[%add3A_3, %dma_wait3A_701] : memref<64x100000xf32, #tpu.memory_space<hbm>> -> memref<1x12544xf32, #tpu.memory_space<hbm>>
    tpu.wait_dma2 semaphore(%arg15 : memref<!tpu.dma_semaphore, #tpu.memory_space<semaphore_mem>>) src(%dma_wait3A_702 : memref<1x12544xf32, #tpu.memory_space<hbm>>) dst(%dma_wait3A_700 : memref<1x12544xf32, #tpu.memory_space<vmem>>)
    %dma_wait3A_703 = arith.constant 0 : i32
    %dma_wait3A_704 = arith.constant 12544 : i32
    %dma_wait3A_705 = tpu.memref_slice %arg10[%dma_wait3A_703, %dma_wait3A_704] : memref<1x100000xf32, #tpu.memory_space<vmem>> -> memref<1x12544xf32, #tpu.memory_space<vmem>>
    %dma_wait3A_706 = arith.constant 12544 : i32
    %dma_wait3A_707 = tpu.memref_slice %arg5[%add3A_3, %dma_wait3A_706] : memref<64x100000xf32, #tpu.memory_space<hbm>> -> memref<1x12544xf32, #tpu.memory_space<hbm>>
    %dma_wait3A_708 = arith.constant 0 : i32
    %dma_wait3A_709 = arith.constant 12544 : i32
    %dma_wait3A_710 = tpu.memref_slice %arg10[%dma_wait3A_708, %dma_wait3A_709] : memref<1x100000xf32, #tpu.memory_space<vmem>> -> memref<1x12544xf32, #tpu.memory_space<vmem>>
    %dma_wait3A_711 = arith.constant 12544 : i32
    %dma_wait3A_712 = tpu.memref_slice %arg5[%add3A_3, %dma_wait3A_711] : memref<64x100000xf32, #tpu.memory_space<hbm>> -> memref<1x12544xf32, #tpu.memory_space<hbm>>
    tpu.wait_dma2 semaphore(%arg15 : memref<!tpu.dma_semaphore, #tpu.memory_space<semaphore_mem>>) src(%dma_wait3A_712 : memref<1x12544xf32, #tpu.memory_space<hbm>>) dst(%dma_wait3A_710 : memref<1x12544xf32, #tpu.memory_space<vmem>>)
    %dma_wait3A_713 = arith.constant 0 : i32
    %dma_wait3A_714 = arith.constant 25088 : i32
    %dma_wait3A_715 = tpu.memref_slice %arg10[%dma_wait3A_713, %dma_wait3A_714] : memref<1x100000xf32, #tpu.memory_space<vmem>> -> memref<1x12544xf32, #tpu.memory_space<vmem>>
    %dma_wait3A_716 = arith.constant 25088 : i32
    %dma_wait3A_717 = tpu.memref_slice %arg5[%add3A_3, %dma_wait3A_716] : memref<64x100000xf32, #tpu.memory_space<hbm>> -> memref<1x12544xf32, #tpu.memory_space<hbm>>
    %dma_wait3A_718 = arith.constant 0 : i32
    %dma_wait3A_719 = arith.constant 25088 : i32
    %dma_wait3A_720 = tpu.memref_slice %arg10[%dma_wait3A_718, %dma_wait3A_719] : memref<1x100000xf32, #tpu.memory_space<vmem>> -> memref<1x12544xf32, #tpu.memory_space<vmem>>
    %dma_wait3A_721 = arith.constant 25088 : i32
    %dma_wait3A_722 = tpu.memref_slice %arg5[%add3A_3, %dma_wait3A_721] : memref<64x100000xf32, #tpu.memory_space<hbm>> -> memref<1x12544xf32, #tpu.memory_space<hbm>>
    tpu.wait_dma2 semaphore(%arg15 : memref<!tpu.dma_semaphore, #tpu.memory_space<semaphore_mem>>) src(%dma_wait3A_722 : memref<1x12544xf32, #tpu.memory_space<hbm>>) dst(%dma_wait3A_720 : memref<1x12544xf32, #tpu.memory_space<vmem>>)
    %dma_wait3A_723 = arith.constant 0 : i32
    %dma_wait3A_724 = arith.constant 37632 : i32
    %dma_wait3A_725 = tpu.memref_slice %arg10[%dma_wait3A_723, %dma_wait3A_724] : memref<1x100000xf32, #tpu.memory_space<vmem>> -> memref<1x12544xf32, #tpu.memory_space<vmem>>
    %dma_wait3A_726 = arith.constant 37632 : i32
    %dma_wait3A_727 = tpu.memref_slice %arg5[%add3A_3, %dma_wait3A_726] : memref<64x100000xf32, #tpu.memory_space<hbm>> -> memref<1x12544xf32, #tpu.memory_space<hbm>>
    %dma_wait3A_728 = arith.constant 0 : i32
    %dma_wait3A_729 = arith.constant 37632 : i32
    %dma_wait3A_730 = tpu.memref_slice %arg10[%dma_wait3A_728, %dma_wait3A_729] : memref<1x100000xf32, #tpu.memory_space<vmem>> -> memref<1x12544xf32, #tpu.memory_space<vmem>>
    %dma_wait3A_731 = arith.constant 37632 : i32
    %dma_wait3A_732 = tpu.memref_slice %arg5[%add3A_3, %dma_wait3A_731] : memref<64x100000xf32, #tpu.memory_space<hbm>> -> memref<1x12544xf32, #tpu.memory_space<hbm>>
    tpu.wait_dma2 semaphore(%arg15 : memref<!tpu.dma_semaphore, #tpu.memory_space<semaphore_mem>>) src(%dma_wait3A_732 : memref<1x12544xf32, #tpu.memory_space<hbm>>) dst(%dma_wait3A_730 : memref<1x12544xf32, #tpu.memory_space<vmem>>)
    %dma_wait3A_733 = arith.constant 0 : i32
    %dma_wait3A_734 = arith.constant 50176 : i32
    %dma_wait3A_735 = tpu.memref_slice %arg10[%dma_wait3A_733, %dma_wait3A_734] : memref<1x100000xf32, #tpu.memory_space<vmem>> -> memref<1x12544xf32, #tpu.memory_space<vmem>>
    %dma_wait3A_736 = arith.constant 50176 : i32
    %dma_wait3A_737 = tpu.memref_slice %arg5[%add3A_3, %dma_wait3A_736] : memref<64x100000xf32, #tpu.memory_space<hbm>> -> memref<1x12544xf32, #tpu.memory_space<hbm>>
    %dma_wait3A_738 = arith.constant 0 : i32
    %dma_wait3A_739 = arith.constant 50176 : i32
    %dma_wait3A_740 = tpu.memref_slice %arg10[%dma_wait3A_738, %dma_wait3A_739] : memref<1x100000xf32, #tpu.memory_space<vmem>> -> memref<1x12544xf32, #tpu.memory_space<vmem>>
    %dma_wait3A_741 = arith.constant 50176 : i32
    %dma_wait3A_742 = tpu.memref_slice %arg5[%add3A_3, %dma_wait3A_741] : memref<64x100000xf32, #tpu.memory_space<hbm>> -> memref<1x12544xf32, #tpu.memory_space<hbm>>
    tpu.wait_dma2 semaphore(%arg15 : memref<!tpu.dma_semaphore, #tpu.memory_space<semaphore_mem>>) src(%dma_wait3A_742 : memref<1x12544xf32, #tpu.memory_space<hbm>>) dst(%dma_wait3A_740 : memref<1x12544xf32, #tpu.memory_space<vmem>>)
    %dma_wait3A_743 = arith.constant 0 : i32
    %dma_wait3A_744 = arith.constant 62720 : i32
    %dma_wait3A_745 = tpu.memref_slice %arg10[%dma_wait3A_743, %dma_wait3A_744] : memref<1x100000xf32, #tpu.memory_space<vmem>> -> memref<1x12544xf32, #tpu.memory_space<vmem>>
    %dma_wait3A_746 = arith.constant 62720 : i32
    %dma_wait3A_747 = tpu.memref_slice %arg5[%add3A_3, %dma_wait3A_746] : memref<64x100000xf32, #tpu.memory_space<hbm>> -> memref<1x12544xf32, #tpu.memory_space<hbm>>
    %dma_wait3A_748 = arith.constant 0 : i32
    %dma_wait3A_749 = arith.constant 62720 : i32
    %dma_wait3A_750 = tpu.memref_slice %arg10[%dma_wait3A_748, %dma_wait3A_749] : memref<1x100000xf32, #tpu.memory_space<vmem>> -> memref<1x12544xf32, #tpu.memory_space<vmem>>
    %dma_wait3A_751 = arith.constant 62720 : i32
    %dma_wait3A_752 = tpu.memref_slice %arg5[%add3A_3, %dma_wait3A_751] : memref<64x100000xf32, #tpu.memory_space<hbm>> -> memref<1x12544xf32, #tpu.memory_space<hbm>>
    tpu.wait_dma2 semaphore(%arg15 : memref<!tpu.dma_semaphore, #tpu.memory_space<semaphore_mem>>) src(%dma_wait3A_752 : memref<1x12544xf32, #tpu.memory_space<hbm>>) dst(%dma_wait3A_750 : memref<1x12544xf32, #tpu.memory_space<vmem>>)
    %dma_wait3A_753 = arith.constant 0 : i32
    %dma_wait3A_754 = arith.constant 75264 : i32
    %dma_wait3A_755 = tpu.memref_slice %arg10[%dma_wait3A_753, %dma_wait3A_754] : memref<1x100000xf32, #tpu.memory_space<vmem>> -> memref<1x12544xf32, #tpu.memory_space<vmem>>
    %dma_wait3A_756 = arith.constant 75264 : i32
    %dma_wait3A_757 = tpu.memref_slice %arg5[%add3A_3, %dma_wait3A_756] : memref<64x100000xf32, #tpu.memory_space<hbm>> -> memref<1x12544xf32, #tpu.memory_space<hbm>>
    %dma_wait3A_758 = arith.constant 0 : i32
    %dma_wait3A_759 = arith.constant 75264 : i32
    %dma_wait3A_760 = tpu.memref_slice %arg10[%dma_wait3A_758, %dma_wait3A_759] : memref<1x100000xf32, #tpu.memory_space<vmem>> -> memref<1x12544xf32, #tpu.memory_space<vmem>>
    %dma_wait3A_761 = arith.constant 75264 : i32
    %dma_wait3A_762 = tpu.memref_slice %arg5[%add3A_3, %dma_wait3A_761] : memref<64x100000xf32, #tpu.memory_space<hbm>> -> memref<1x12544xf32, #tpu.memory_space<hbm>>
    tpu.wait_dma2 semaphore(%arg15 : memref<!tpu.dma_semaphore, #tpu.memory_space<semaphore_mem>>) src(%dma_wait3A_762 : memref<1x12544xf32, #tpu.memory_space<hbm>>) dst(%dma_wait3A_760 : memref<1x12544xf32, #tpu.memory_space<vmem>>)
    %dma_wait3A_763 = arith.constant 0 : i32
    %dma_wait3A_764 = arith.constant 87808 : i32
    %dma_wait3A_765 = tpu.memref_slice %arg10[%dma_wait3A_763, %dma_wait3A_764] : memref<1x100000xf32, #tpu.memory_space<vmem>> -> memref<1x12192xf32, #tpu.memory_space<vmem>>
    %dma_wait3A_766 = arith.constant 87808 : i32
    %dma_wait3A_767 = tpu.memref_slice %arg5[%add3A_3, %dma_wait3A_766] : memref<64x100000xf32, #tpu.memory_space<hbm>> -> memref<1x12192xf32, #tpu.memory_space<hbm>>
    %dma_wait3A_768 = arith.constant 0 : i32
    %dma_wait3A_769 = arith.constant 87808 : i32
    %dma_wait3A_770 = tpu.memref_slice %arg10[%dma_wait3A_768, %dma_wait3A_769] : memref<1x100000xf32, #tpu.memory_space<vmem>> -> memref<1x12192xf32, #tpu.memory_space<vmem>>
    %dma_wait3A_771 = arith.constant 87808 : i32
    %dma_wait3A_772 = tpu.memref_slice %arg5[%add3A_3, %dma_wait3A_771] : memref<64x100000xf32, #tpu.memory_space<hbm>> -> memref<1x12192xf32, #tpu.memory_space<hbm>>
    tpu.wait_dma2 semaphore(%arg15 : memref<!tpu.dma_semaphore, #tpu.memory_space<semaphore_mem>>) src(%dma_wait3A_772 : memref<1x12192xf32, #tpu.memory_space<hbm>>) dst(%dma_wait3A_770 : memref<1x12192xf32, #tpu.memory_space<vmem>>)
    %dma_start3A_773 = arith.constant 4096 : i32
    %dma_start3A_774 = tpu.memref_slice %arg2[%dma_start3A_773] : memref<16384xi32, #tpu.memory_space<hbm>> -> memref<4096xi32, #tpu.memory_space<hbm>>
    %dma_start3A_775 = arith.constant 4096 : i32
    %dma_start3A_776 = tpu.memref_slice %arg2[%dma_start3A_775] : memref<16384xi32, #tpu.memory_space<hbm>> -> memref<4096xi32, #tpu.memory_space<hbm>>
    tpu.enqueue_dma source(%dma_start3A_776 : memref<4096xi32, #tpu.memory_space<hbm>>) target(%arg12 : memref<4096xi32, #tpu.memory_space<vmem>>) target_semaphore(%arg16 : memref<!tpu.dma_semaphore, #tpu.memory_space<semaphore_mem>>)
    %dma_wait3A_777 = arith.constant 0 : i32
    %dma_wait3A_778 = tpu.memref_slice %arg2[%dma_wait3A_777] : memref<16384xi32, #tpu.memory_space<hbm>> -> memref<4096xi32, #tpu.memory_space<hbm>>
    %dma_wait3A_779 = arith.constant 0 : i32
    %dma_wait3A_780 = tpu.memref_slice %arg2[%dma_wait3A_779] : memref<16384xi32, #tpu.memory_space<hbm>> -> memref<4096xi32, #tpu.memory_space<hbm>>
    tpu.wait_dma2 semaphore(%arg16 : memref<!tpu.dma_semaphore, #tpu.memory_space<semaphore_mem>>) src(%dma_wait3A_780 : memref<4096xi32, #tpu.memory_space<hbm>>) dst(%arg11 : memref<4096xi32, #tpu.memory_space<vmem>>)
    %dma_wait3A_781 = arith.constant 8192 : i32
    %dma_wait3A_782 = tpu.memref_slice %arg9[%add3A, %dma_wait3A_781] : memref<64x16384xf32, #tpu.memory_space<hbm>> -> memref<1x4096xf32, #tpu.memory_space<hbm>>
    %dma_wait3A_783 = tpu.memref_squeeze %dma_wait3A_782 : memref<1x4096xf32, #tpu.memory_space<hbm>> -> memref<4096xf32, #tpu.memory_space<hbm>>
    %dma_wait3A_784 = arith.constant 8192 : i32
    %dma_wait3A_785 = tpu.memref_slice %arg9[%add3A, %dma_wait3A_784] : memref<64x16384xf32, #tpu.memory_space<hbm>> -> memref<1x4096xf32, #tpu.memory_space<hbm>>
    %dma_wait3A_786 = tpu.memref_squeeze %dma_wait3A_785 : memref<1x4096xf32, #tpu.memory_space<hbm>> -> memref<4096xf32, #tpu.memory_space<hbm>>
    tpu.wait_dma2 semaphore(%arg17 : memref<!tpu.dma_semaphore, #tpu.memory_space<semaphore_mem>>) src(%arg13 : memref<4096xf32, #tpu.memory_space<vmem>>) dst(%dma_wait3A_786 : memref<4096xf32, #tpu.memory_space<hbm>>)
    %scan3A_787 = arith.constant 0 : i32
    %scan3A_788 = arith.constant 32 : i32
    %scan3A_789 = arith.addi %scan3A_787, %scan3A_788 : i32
    %scan3A_790 = arith.constant 1 : i32
    scf.for %scan3A_1241 = %scan3A_787 to %scan3A_789 step %scan3A_790  : i32 {
      %mul3A_1242 = arith.constant 128 : i32
      %mul3A_1243 = arith.muli %scan3A_1241, %mul3A_1242 : i32
      %add3A_1244 = arith.constant 0 : i32
      %add3A_1245 = arith.addi %add3A_1244, %mul3A_1243 : i32
      %add3A_1246 = arith.constant 0 : i32
      %add3A_1247 = arith.addi %add3A_1245, %add3A_1246 : i32
      %get3A = arith.index_cast %add3A_1247 : i32 to index
      %get3A_1248 = tpu.vector_load %arg11[%get3A] {strides = array<i32>} : memref<4096xi32, #tpu.memory_space<vmem>>, vector<16xi32>,
      %add3A_1249 = arith.constant 16 : i32
      %add3A_1250 = arith.addi %add3A_1245, %add3A_1249 : i32
      %get3A_1251 = arith.index_cast %add3A_1250 : i32 to index
      %get3A_1252 = tpu.vector_load %arg11[%get3A_1251] {strides = array<i32>} : memref<4096xi32, #tpu.memory_space<vmem>>, vector<16xi32>,
      %add3A_1253 = arith.constant 32 : i32
      %add3A_1254 = arith.addi %add3A_1245, %add3A_1253 : i32
      %get3A_1255 = arith.index_cast %add3A_1254 : i32 to index
      %get3A_1256 = tpu.vector_load %arg11[%get3A_1255] {strides = array<i32>} : memref<4096xi32, #tpu.memory_space<vmem>>, vector<16xi32>,
      %add3A_1257 = arith.constant 48 : i32
      %add3A_1258 = arith.addi %add3A_1245, %add3A_1257 : i32
      %get3A_1259 = arith.index_cast %add3A_1258 : i32 to index
      %get3A_1260 = tpu.vector_load %arg11[%get3A_1259] {strides = array<i32>} : memref<4096xi32, #tpu.memory_space<vmem>>, vector<16xi32>,
      %add3A_1261 = arith.constant 64 : i32
      %add3A_1262 = arith.addi %add3A_1245, %add3A_1261 : i32
      %get3A_1263 = arith.index_cast %add3A_1262 : i32 to index
      %get3A_1264 = tpu.vector_load %arg11[%get3A_1263] {strides = array<i32>} : memref<4096xi32, #tpu.memory_space<vmem>>, vector<16xi32>,
      %add3A_1265 = arith.constant 80 : i32
      %add3A_1266 = arith.addi %add3A_1245, %add3A_1265 : i32
      %get3A_1267 = arith.index_cast %add3A_1266 : i32 to index
      %get3A_1268 = tpu.vector_load %arg11[%get3A_1267] {strides = array<i32>} : memref<4096xi32, #tpu.memory_space<vmem>>, vector<16xi32>,
      %add3A_1269 = arith.constant 96 : i32
      %add3A_1270 = arith.addi %add3A_1245, %add3A_1269 : i32
      %get3A_1271 = arith.index_cast %add3A_1270 : i32 to index
      %get3A_1272 = tpu.vector_load %arg11[%get3A_1271] {strides = array<i32>} : memref<4096xi32, #tpu.memory_space<vmem>>, vector<16xi32>,
      %add3A_1273 = arith.constant 112 : i32
      %add3A_1274 = arith.addi %add3A_1245, %add3A_1273 : i32
      %get3A_1275 = arith.index_cast %add3A_1274 : i32 to index
      %get3A_1276 = tpu.vector_load %arg11[%get3A_1275] {strides = array<i32>} : memref<4096xi32, #tpu.memory_space<vmem>>, vector<16xi32>,
      %gather3A = tpu.vector_load_idx %arg10[%broadcast_in_dim3A_1, %get3A_1248] : memref<1x100000xf32, #tpu.memory_space<vmem>>[vector<16xi32>, vector<16xi32>], vector<16xf32>,
      %gather3A_1277 = tpu.vector_load_idx %arg10[%broadcast_in_dim3A_1, %get3A_1252] : memref<1x100000xf32, #tpu.memory_space<vmem>>[vector<16xi32>, vector<16xi32>], vector<16xf32>,
      %gather3A_1278 = tpu.vector_load_idx %arg10[%broadcast_in_dim3A_1, %get3A_1256] : memref<1x100000xf32, #tpu.memory_space<vmem>>[vector<16xi32>, vector<16xi32>], vector<16xf32>,
      %gather3A_1279 = tpu.vector_load_idx %arg10[%broadcast_in_dim3A_1, %get3A_1260] : memref<1x100000xf32, #tpu.memory_space<vmem>>[vector<16xi32>, vector<16xi32>], vector<16xf32>,
      %gather3A_1280 = tpu.vector_load_idx %arg10[%broadcast_in_dim3A_1, %get3A_1264] : memref<1x100000xf32, #tpu.memory_space<vmem>>[vector<16xi32>, vector<16xi32>], vector<16xf32>,
      %gather3A_1281 = tpu.vector_load_idx %arg10[%broadcast_in_dim3A_1, %get3A_1268] : memref<1x100000xf32, #tpu.memory_space<vmem>>[vector<16xi32>, vector<16xi32>], vector<16xf32>,
      %gather3A_1282 = tpu.vector_load_idx %arg10[%broadcast_in_dim3A_1, %get3A_1272] : memref<1x100000xf32, #tpu.memory_space<vmem>>[vector<16xi32>, vector<16xi32>], vector<16xf32>,
      %gather3A_1283 = tpu.vector_load_idx %arg10[%broadcast_in_dim3A_1, %get3A_1276] : memref<1x100000xf32, #tpu.memory_space<vmem>>[vector<16xi32>, vector<16xi32>], vector<16xf32>,
      %add3A_1284 = arith.constant 0 : i32
      %add3A_1285 = arith.addi %add3A_1245, %add3A_1284 : i32
      %swap3A = arith.index_cast %add3A_1285 : i32 to index
      %swap3A_1286 = tpu.vector_load %arg13[%swap3A] {strides = array<i32>} : memref<4096xf32, #tpu.memory_space<vmem>>, vector<16xf32>,
      tpu.vector_store %arg13[%swap3A], %gather3A {strides = array<i32>} : memref<4096xf32, #tpu.memory_space<vmem>>, vector<16xf32>,
      %add3A_1287 = arith.constant 16 : i32
      %add3A_1288 = arith.addi %add3A_1245, %add3A_1287 : i32
      %swap3A_1289 = arith.index_cast %add3A_1288 : i32 to index
      %swap3A_1290 = tpu.vector_load %arg13[%swap3A_1289] {strides = array<i32>} : memref<4096xf32, #tpu.memory_space<vmem>>, vector<16xf32>,
      tpu.vector_store %arg13[%swap3A_1289], %gather3A_1277 {strides = array<i32>} : memref<4096xf32, #tpu.memory_space<vmem>>, vector<16xf32>,
      %add3A_1291 = arith.constant 32 : i32
      %add3A_1292 = arith.addi %add3A_1245, %add3A_1291 : i32
      %swap3A_1293 = arith.index_cast %add3A_1292 : i32 to index
      %swap3A_1294 = tpu.vector_load %arg13[%swap3A_1293] {strides = array<i32>} : memref<4096xf32, #tpu.memory_space<vmem>>, vector<16xf32>,
      tpu.vector_store %arg13[%swap3A_1293], %gather3A_1278 {strides = array<i32>} : memref<4096xf32, #tpu.memory_space<vmem>>, vector<16xf32>,
      %add3A_1295 = arith.constant 48 : i32
      %add3A_1296 = arith.addi %add3A_1245, %add3A_1295 : i32
      %swap3A_1297 = arith.index_cast %add3A_1296 : i32 to index
      %swap3A_1298 = tpu.vector_load %arg13[%swap3A_1297] {strides = array<i32>} : memref<4096xf32, #tpu.memory_space<vmem>>, vector<16xf32>,
      tpu.vector_store %arg13[%swap3A_1297], %gather3A_1279 {strides = array<i32>} : memref<4096xf32, #tpu.memory_space<vmem>>, vector<16xf32>,
      %add3A_1299 = arith.constant 64 : i32
      %add3A_1300 = arith.addi %add3A_1245, %add3A_1299 : i32
      %swap3A_1301 = arith.index_cast %add3A_1300 : i32 to index
      %swap3A_1302 = tpu.vector_load %arg13[%swap3A_1301] {strides = array<i32>} : memref<4096xf32, #tpu.memory_space<vmem>>, vector<16xf32>,
      tpu.vector_store %arg13[%swap3A_1301], %gather3A_1280 {strides = array<i32>} : memref<4096xf32, #tpu.memory_space<vmem>>, vector<16xf32>,
      %add3A_1303 = arith.constant 80 : i32
      %add3A_1304 = arith.addi %add3A_1245, %add3A_1303 : i32
      %swap3A_1305 = arith.index_cast %add3A_1304 : i32 to index
      %swap3A_1306 = tpu.vector_load %arg13[%swap3A_1305] {strides = array<i32>} : memref<4096xf32, #tpu.memory_space<vmem>>, vector<16xf32>,
      tpu.vector_store %arg13[%swap3A_1305], %gather3A_1281 {strides = array<i32>} : memref<4096xf32, #tpu.memory_space<vmem>>, vector<16xf32>,
      %add3A_1307 = arith.constant 96 : i32
      %add3A_1308 = arith.addi %add3A_1245, %add3A_1307 : i32
      %swap3A_1309 = arith.index_cast %add3A_1308 : i32 to index
      %swap3A_1310 = tpu.vector_load %arg13[%swap3A_1309] {strides = array<i32>} : memref<4096xf32, #tpu.memory_space<vmem>>, vector<16xf32>,
      tpu.vector_store %arg13[%swap3A_1309], %gather3A_1282 {strides = array<i32>} : memref<4096xf32, #tpu.memory_space<vmem>>, vector<16xf32>,
      %add3A_1311 = arith.constant 112 : i32
      %add3A_1312 = arith.addi %add3A_1245, %add3A_1311 : i32
      %swap3A_1313 = arith.index_cast %add3A_1312 : i32 to index
      %swap3A_1314 = tpu.vector_load %arg13[%swap3A_1313] {strides = array<i32>} : memref<4096xf32, #tpu.memory_space<vmem>>, vector<16xf32>,
      tpu.vector_store %arg13[%swap3A_1313], %gather3A_1283 {strides = array<i32>} : memref<4096xf32, #tpu.memory_space<vmem>>, vector<16xf32>,
    }
    %scan3A_791 = arith.constant 32 : i32
    %dma_start3A_792 = arith.constant 0 : i32
    %dma_start3A_793 = tpu.memref_slice %arg7[%add3A_3, %dma_start3A_792] : memref<64x16384xf32, #tpu.memory_space<hbm>> -> memref<1x4096xf32, #tpu.memory_space<hbm>>
    %dma_start3A_794 = tpu.memref_squeeze %dma_start3A_793 : memref<1x4096xf32, #tpu.memory_space<hbm>> -> memref<4096xf32, #tpu.memory_space<hbm>>
    %dma_start3A_795 = arith.constant 0 : i32
    %dma_start3A_796 = tpu.memref_slice %arg7[%add3A_3, %dma_start3A_795] : memref<64x16384xf32, #tpu.memory_space<hbm>> -> memref<1x4096xf32, #tpu.memory_space<hbm>>
    %dma_start3A_797 = tpu.memref_squeeze %dma_start3A_796 : memref<1x4096xf32, #tpu.memory_space<hbm>> -> memref<4096xf32, #tpu.memory_space<hbm>>
    tpu.enqueue_dma source(%arg13 : memref<4096xf32, #tpu.memory_space<vmem>>) target(%dma_start3A_797 : memref<4096xf32, #tpu.memory_space<hbm>>) target_semaphore(%arg17 : memref<!tpu.dma_semaphore, #tpu.memory_space<semaphore_mem>>)
    %dma_start3A_798 = arith.constant 8192 : i32
    %dma_start3A_799 = tpu.memref_slice %arg2[%dma_start3A_798] : memref<16384xi32, #tpu.memory_space<hbm>> -> memref<4096xi32, #tpu.memory_space<hbm>>
    %dma_start3A_800 = arith.constant 8192 : i32
    %dma_start3A_801 = tpu.memref_slice %arg2[%dma_start3A_800] : memref<16384xi32, #tpu.memory_space<hbm>> -> memref<4096xi32, #tpu.memory_space<hbm>>
    tpu.enqueue_dma source(%dma_start3A_801 : memref<4096xi32, #tpu.memory_space<hbm>>) target(%arg11 : memref<4096xi32, #tpu.memory_space<vmem>>) target_semaphore(%arg16 : memref<!tpu.dma_semaphore, #tpu.memory_space<semaphore_mem>>)
    %dma_wait3A_802 = arith.constant 4096 : i32
    %dma_wait3A_803 = tpu.memref_slice %arg2[%dma_wait3A_802] : memref<16384xi32, #tpu.memory_space<hbm>> -> memref<4096xi32, #tpu.memory_space<hbm>>
    %dma_wait3A_804 = arith.constant 4096 : i32
    %dma_wait3A_805 = tpu.memref_slice %arg2[%dma_wait3A_804] : memref<16384xi32, #tpu.memory_space<hbm>> -> memref<4096xi32, #tpu.memory_space<hbm>>
    tpu.wait_dma2 semaphore(%arg16 : memref<!tpu.dma_semaphore, #tpu.memory_space<semaphore_mem>>) src(%dma_wait3A_805 : memref<4096xi32, #tpu.memory_space<hbm>>) dst(%arg12 : memref<4096xi32, #tpu.memory_space<vmem>>)
    %dma_wait3A_806 = arith.constant 12288 : i32
    %dma_wait3A_807 = tpu.memref_slice %arg9[%add3A, %dma_wait3A_806] : memref<64x16384xf32, #tpu.memory_space<hbm>> -> memref<1x4096xf32, #tpu.memory_space<hbm>>
    %dma_wait3A_808 = tpu.memref_squeeze %dma_wait3A_807 : memref<1x4096xf32, #tpu.memory_space<hbm>> -> memref<4096xf32, #tpu.memory_space<hbm>>
    %dma_wait3A_809 = arith.constant 12288 : i32
    %dma_wait3A_810 = tpu.memref_slice %arg9[%add3A, %dma_wait3A_809] : memref<64x16384xf32, #tpu.memory_space<hbm>> -> memref<1x4096xf32, #tpu.memory_space<hbm>>
    %dma_wait3A_811 = tpu.memref_squeeze %dma_wait3A_810 : memref<1x4096xf32, #tpu.memory_space<hbm>> -> memref<4096xf32, #tpu.memory_space<hbm>>
    tpu.wait_dma2 semaphore(%arg17 : memref<!tpu.dma_semaphore, #tpu.memory_space<semaphore_mem>>) src(%arg14 : memref<4096xf32, #tpu.memory_space<vmem>>) dst(%dma_wait3A_811 : memref<4096xf32, #tpu.memory_space<hbm>>)
    %scan3A_812 = arith.constant 0 : i32
    %scan3A_813 = arith.constant 32 : i32
    %scan3A_814 = arith.addi %scan3A_812, %scan3A_813 : i32
    %scan3A_815 = arith.constant 1 : i32
    scf.for %scan3A_1241 = %scan3A_812 to %scan3A_814 step %scan3A_815  : i32 {
      %mul3A_1242 = arith.constant 128 : i32
      %mul3A_1243 = arith.muli %scan3A_1241, %mul3A_1242 : i32
      %add3A_1244 = arith.constant 0 : i32
      %add3A_1245 = arith.addi %add3A_1244, %mul3A_1243 : i32
      %add3A_1246 = arith.constant 0 : i32
      %add3A_1247 = arith.addi %add3A_1245, %add3A_1246 : i32
      %get3A = arith.index_cast %add3A_1247 : i32 to index
      %get3A_1248 = tpu.vector_load %arg12[%get3A] {strides = array<i32>} : memref<4096xi32, #tpu.memory_space<vmem>>, vector<16xi32>,
      %add3A_1249 = arith.constant 16 : i32
      %add3A_1250 = arith.addi %add3A_1245, %add3A_1249 : i32
      %get3A_1251 = arith.index_cast %add3A_1250 : i32 to index
      %get3A_1252 = tpu.vector_load %arg12[%get3A_1251] {strides = array<i32>} : memref<4096xi32, #tpu.memory_space<vmem>>, vector<16xi32>,
      %add3A_1253 = arith.constant 32 : i32
      %add3A_1254 = arith.addi %add3A_1245, %add3A_1253 : i32
      %get3A_1255 = arith.index_cast %add3A_1254 : i32 to index
      %get3A_1256 = tpu.vector_load %arg12[%get3A_1255] {strides = array<i32>} : memref<4096xi32, #tpu.memory_space<vmem>>, vector<16xi32>,
      %add3A_1257 = arith.constant 48 : i32
      %add3A_1258 = arith.addi %add3A_1245, %add3A_1257 : i32
      %get3A_1259 = arith.index_cast %add3A_1258 : i32 to index
      %get3A_1260 = tpu.vector_load %arg12[%get3A_1259] {strides = array<i32>} : memref<4096xi32, #tpu.memory_space<vmem>>, vector<16xi32>,
      %add3A_1261 = arith.constant 64 : i32
      %add3A_1262 = arith.addi %add3A_1245, %add3A_1261 : i32
      %get3A_1263 = arith.index_cast %add3A_1262 : i32 to index
      %get3A_1264 = tpu.vector_load %arg12[%get3A_1263] {strides = array<i32>} : memref<4096xi32, #tpu.memory_space<vmem>>, vector<16xi32>,
      %add3A_1265 = arith.constant 80 : i32
      %add3A_1266 = arith.addi %add3A_1245, %add3A_1265 : i32
      %get3A_1267 = arith.index_cast %add3A_1266 : i32 to index
      %get3A_1268 = tpu.vector_load %arg12[%get3A_1267] {strides = array<i32>} : memref<4096xi32, #tpu.memory_space<vmem>>, vector<16xi32>,
      %add3A_1269 = arith.constant 96 : i32
      %add3A_1270 = arith.addi %add3A_1245, %add3A_1269 : i32
      %get3A_1271 = arith.index_cast %add3A_1270 : i32 to index
      %get3A_1272 = tpu.vector_load %arg12[%get3A_1271] {strides = array<i32>} : memref<4096xi32, #tpu.memory_space<vmem>>, vector<16xi32>,
      %add3A_1273 = arith.constant 112 : i32
      %add3A_1274 = arith.addi %add3A_1245, %add3A_1273 : i32
      %get3A_1275 = arith.index_cast %add3A_1274 : i32 to index
      %get3A_1276 = tpu.vector_load %arg12[%get3A_1275] {strides = array<i32>} : memref<4096xi32, #tpu.memory_space<vmem>>, vector<16xi32>,
      %gather3A = tpu.vector_load_idx %arg10[%broadcast_in_dim3A_1, %get3A_1248] : memref<1x100000xf32, #tpu.memory_space<vmem>>[vector<16xi32>, vector<16xi32>], vector<16xf32>,
      %gather3A_1277 = tpu.vector_load_idx %arg10[%broadcast_in_dim3A_1, %get3A_1252] : memref<1x100000xf32, #tpu.memory_space<vmem>>[vector<16xi32>, vector<16xi32>], vector<16xf32>,
      %gather3A_1278 = tpu.vector_load_idx %arg10[%broadcast_in_dim3A_1, %get3A_1256] : memref<1x100000xf32, #tpu.memory_space<vmem>>[vector<16xi32>, vector<16xi32>], vector<16xf32>,
      %gather3A_1279 = tpu.vector_load_idx %arg10[%broadcast_in_dim3A_1, %get3A_1260] : memref<1x100000xf32, #tpu.memory_space<vmem>>[vector<16xi32>, vector<16xi32>], vector<16xf32>,
      %gather3A_1280 = tpu.vector_load_idx %arg10[%broadcast_in_dim3A_1, %get3A_1264] : memref<1x100000xf32, #tpu.memory_space<vmem>>[vector<16xi32>, vector<16xi32>], vector<16xf32>,
      %gather3A_1281 = tpu.vector_load_idx %arg10[%broadcast_in_dim3A_1, %get3A_1268] : memref<1x100000xf32, #tpu.memory_space<vmem>>[vector<16xi32>, vector<16xi32>], vector<16xf32>,
      %gather3A_1282 = tpu.vector_load_idx %arg10[%broadcast_in_dim3A_1, %get3A_1272] : memref<1x100000xf32, #tpu.memory_space<vmem>>[vector<16xi32>, vector<16xi32>], vector<16xf32>,
      %gather3A_1283 = tpu.vector_load_idx %arg10[%broadcast_in_dim3A_1, %get3A_1276] : memref<1x100000xf32, #tpu.memory_space<vmem>>[vector<16xi32>, vector<16xi32>], vector<16xf32>,
      %add3A_1284 = arith.constant 0 : i32
      %add3A_1285 = arith.addi %add3A_1245, %add3A_1284 : i32
      %swap3A = arith.index_cast %add3A_1285 : i32 to index
      %swap3A_1286 = tpu.vector_load %arg14[%swap3A] {strides = array<i32>} : memref<4096xf32, #tpu.memory_space<vmem>>, vector<16xf32>,
      tpu.vector_store %arg14[%swap3A], %gather3A {strides = array<i32>} : memref<4096xf32, #tpu.memory_space<vmem>>, vector<16xf32>,
      %add3A_1287 = arith.constant 16 : i32
      %add3A_1288 = arith.addi %add3A_1245, %add3A_1287 : i32
      %swap3A_1289 = arith.index_cast %add3A_1288 : i32 to index
      %swap3A_1290 = tpu.vector_load %arg14[%swap3A_1289] {strides = array<i32>} : memref<4096xf32, #tpu.memory_space<vmem>>, vector<16xf32>,
      tpu.vector_store %arg14[%swap3A_1289], %gather3A_1277 {strides = array<i32>} : memref<4096xf32, #tpu.memory_space<vmem>>, vector<16xf32>,
      %add3A_1291 = arith.constant 32 : i32
      %add3A_1292 = arith.addi %add3A_1245, %add3A_1291 : i32
      %swap3A_1293 = arith.index_cast %add3A_1292 : i32 to index
      %swap3A_1294 = tpu.vector_load %arg14[%swap3A_1293] {strides = array<i32>} : memref<4096xf32, #tpu.memory_space<vmem>>, vector<16xf32>,
      tpu.vector_store %arg14[%swap3A_1293], %gather3A_1278 {strides = array<i32>} : memref<4096xf32, #tpu.memory_space<vmem>>, vector<16xf32>,
      %add3A_1295 = arith.constant 48 : i32
      %add3A_1296 = arith.addi %add3A_1245, %add3A_1295 : i32
      %swap3A_1297 = arith.index_cast %add3A_1296 : i32 to index
      %swap3A_1298 = tpu.vector_load %arg14[%swap3A_1297] {strides = array<i32>} : memref<4096xf32, #tpu.memory_space<vmem>>, vector<16xf32>,
      tpu.vector_store %arg14[%swap3A_1297], %gather3A_1279 {strides = array<i32>} : memref<4096xf32, #tpu.memory_space<vmem>>, vector<16xf32>,
      %add3A_1299 = arith.constant 64 : i32
      %add3A_1300 = arith.addi %add3A_1245, %add3A_1299 : i32
      %swap3A_1301 = arith.index_cast %add3A_1300 : i32 to index
      %swap3A_1302 = tpu.vector_load %arg14[%swap3A_1301] {strides = array<i32>} : memref<4096xf32, #tpu.memory_space<vmem>>, vector<16xf32>,
      tpu.vector_store %arg14[%swap3A_1301], %gather3A_1280 {strides = array<i32>} : memref<4096xf32, #tpu.memory_space<vmem>>, vector<16xf32>,
      %add3A_1303 = arith.constant 80 : i32
      %add3A_1304 = arith.addi %add3A_1245, %add3A_1303 : i32
      %swap3A_1305 = arith.index_cast %add3A_1304 : i32 to index
      %swap3A_1306 = tpu.vector_load %arg14[%swap3A_1305] {strides = array<i32>} : memref<4096xf32, #tpu.memory_space<vmem>>, vector<16xf32>,
      tpu.vector_store %arg14[%swap3A_1305], %gather3A_1281 {strides = array<i32>} : memref<4096xf32, #tpu.memory_space<vmem>>, vector<16xf32>,
      %add3A_1307 = arith.constant 96 : i32
      %add3A_1308 = arith.addi %add3A_1245, %add3A_1307 : i32
      %swap3A_1309 = arith.index_cast %add3A_1308 : i32 to index
      %swap3A_1310 = tpu.vector_load %arg14[%swap3A_1309] {strides = array<i32>} : memref<4096xf32, #tpu.memory_space<vmem>>, vector<16xf32>,
      tpu.vector_store %arg14[%swap3A_1309], %gather3A_1282 {strides = array<i32>} : memref<4096xf32, #tpu.memory_space<vmem>>, vector<16xf32>,
      %add3A_1311 = arith.constant 112 : i32
      %add3A_1312 = arith.addi %add3A_1245, %add3A_1311 : i32
      %swap3A_1313 = arith.index_cast %add3A_1312 : i32 to index
      %swap3A_1314 = tpu.vector_load %arg14[%swap3A_1313] {strides = array<i32>} : memref<4096xf32, #tpu.memory_space<vmem>>, vector<16xf32>,
      tpu.vector_store %arg14[%swap3A_1313], %gather3A_1283 {strides = array<i32>} : memref<4096xf32, #tpu.memory_space<vmem>>, vector<16xf32>,
    }
    %scan3A_816 = arith.constant 32 : i32
    %dma_start3A_817 = arith.constant 4096 : i32
    %dma_start3A_818 = tpu.memref_slice %arg7[%add3A_3, %dma_start3A_817] : memref<64x16384xf32, #tpu.memory_space<hbm>> -> memref<1x4096xf32, #tpu.memory_space<hbm>>
    %dma_start3A_819 = tpu.memref_squeeze %dma_start3A_818 : memref<1x4096xf32, #tpu.memory_space<hbm>> -> memref<4096xf32, #tpu.memory_space<hbm>>
    %dma_start3A_820 = arith.constant 4096 : i32
    %dma_start3A_821 = tpu.memref_slice %arg7[%add3A_3, %dma_start3A_820] : memref<64x16384xf32, #tpu.memory_space<hbm>> -> memref<1x4096xf32, #tpu.memory_space<hbm>>
    %dma_start3A_822 = tpu.memref_squeeze %dma_start3A_821 : memref<1x4096xf32, #tpu.memory_space<hbm>> -> memref<4096xf32, #tpu.memory_space<hbm>>
    tpu.enqueue_dma source(%arg14 : memref<4096xf32, #tpu.memory_space<vmem>>) target(%dma_start3A_822 : memref<4096xf32, #tpu.memory_space<hbm>>) target_semaphore(%arg17 : memref<!tpu.dma_semaphore, #tpu.memory_space<semaphore_mem>>)
    %dma_start3A_823 = arith.constant 12288 : i32
    %dma_start3A_824 = tpu.memref_slice %arg2[%dma_start3A_823] : memref<16384xi32, #tpu.memory_space<hbm>> -> memref<4096xi32, #tpu.memory_space<hbm>>
    %dma_start3A_825 = arith.constant 12288 : i32
    %dma_start3A_826 = tpu.memref_slice %arg2[%dma_start3A_825] : memref<16384xi32, #tpu.memory_space<hbm>> -> memref<4096xi32, #tpu.memory_space<hbm>>
    tpu.enqueue_dma source(%dma_start3A_826 : memref<4096xi32, #tpu.memory_space<hbm>>) target(%arg12 : memref<4096xi32, #tpu.memory_space<vmem>>) target_semaphore(%arg16 : memref<!tpu.dma_semaphore, #tpu.memory_space<semaphore_mem>>)
    %dma_wait3A_827 = arith.constant 8192 : i32
    %dma_wait3A_828 = tpu.memref_slice %arg2[%dma_wait3A_827] : memref<16384xi32, #tpu.memory_space<hbm>> -> memref<4096xi32, #tpu.memory_space<hbm>>
    %dma_wait3A_829 = arith.constant 8192 : i32
    %dma_wait3A_830 = tpu.memref_slice %arg2[%dma_wait3A_829] : memref<16384xi32, #tpu.memory_space<hbm>> -> memref<4096xi32, #tpu.memory_space<hbm>>
    tpu.wait_dma2 semaphore(%arg16 : memref<!tpu.dma_semaphore, #tpu.memory_space<semaphore_mem>>) src(%dma_wait3A_830 : memref<4096xi32, #tpu.memory_space<hbm>>) dst(%arg11 : memref<4096xi32, #tpu.memory_space<vmem>>)
    %dma_wait3A_831 = arith.constant 0 : i32
    %dma_wait3A_832 = tpu.memref_slice %arg7[%add3A_3, %dma_wait3A_831] : memref<64x16384xf32, #tpu.memory_space<hbm>> -> memref<1x4096xf32, #tpu.memory_space<hbm>>
    %dma_wait3A_833 = tpu.memref_squeeze %dma_wait3A_832 : memref<1x4096xf32, #tpu.memory_space<hbm>> -> memref<4096xf32, #tpu.memory_space<hbm>>
    %dma_wait3A_834 = arith.constant 0 : i32
    %dma_wait3A_835 = tpu.memref_slice %arg7[%add3A_3, %dma_wait3A_834] : memref<64x16384xf32, #tpu.memory_space<hbm>> -> memref<1x4096xf32, #tpu.memory_space<hbm>>
    %dma_wait3A_836 = tpu.memref_squeeze %dma_wait3A_835 : memref<1x4096xf32, #tpu.memory_space<hbm>> -> memref<4096xf32, #tpu.memory_space<hbm>>
    tpu.wait_dma2 semaphore(%arg17 : memref<!tpu.dma_semaphore, #tpu.memory_space<semaphore_mem>>) src(%arg13 : memref<4096xf32, #tpu.memory_space<vmem>>) dst(%dma_wait3A_836 : memref<4096xf32, #tpu.memory_space<hbm>>)
    %scan3A_837 = arith.constant 0 : i32
    %scan3A_838 = arith.constant 32 : i32
    %scan3A_839 = arith.addi %scan3A_837, %scan3A_838 : i32
    %scan3A_840 = arith.constant 1 : i32
    scf.for %scan3A_1241 = %scan3A_837 to %scan3A_839 step %scan3A_840  : i32 {
      %mul3A_1242 = arith.constant 128 : i32
      %mul3A_1243 = arith.muli %scan3A_1241, %mul3A_1242 : i32
      %add3A_1244 = arith.constant 0 : i32
      %add3A_1245 = arith.addi %add3A_1244, %mul3A_1243 : i32
      %add3A_1246 = arith.constant 0 : i32
      %add3A_1247 = arith.addi %add3A_1245, %add3A_1246 : i32
      %get3A = arith.index_cast %add3A_1247 : i32 to index
      %get3A_1248 = tpu.vector_load %arg11[%get3A] {strides = array<i32>} : memref<4096xi32, #tpu.memory_space<vmem>>, vector<16xi32>,
      %add3A_1249 = arith.constant 16 : i32
      %add3A_1250 = arith.addi %add3A_1245, %add3A_1249 : i32
      %get3A_1251 = arith.index_cast %add3A_1250 : i32 to index
      %get3A_1252 = tpu.vector_load %arg11[%get3A_1251] {strides = array<i32>} : memref<4096xi32, #tpu.memory_space<vmem>>, vector<16xi32>,
      %add3A_1253 = arith.constant 32 : i32
      %add3A_1254 = arith.addi %add3A_1245, %add3A_1253 : i32
      %get3A_1255 = arith.index_cast %add3A_1254 : i32 to index
      %get3A_1256 = tpu.vector_load %arg11[%get3A_1255] {strides = array<i32>} : memref<4096xi32, #tpu.memory_space<vmem>>, vector<16xi32>,
      %add3A_1257 = arith.constant 48 : i32
      %add3A_1258 = arith.addi %add3A_1245, %add3A_1257 : i32
      %get3A_1259 = arith.index_cast %add3A_1258 : i32 to index
      %get3A_1260 = tpu.vector_load %arg11[%get3A_1259] {strides = array<i32>} : memref<4096xi32, #tpu.memory_space<vmem>>, vector<16xi32>,
      %add3A_1261 = arith.constant 64 : i32
      %add3A_1262 = arith.addi %add3A_1245, %add3A_1261 : i32
      %get3A_1263 = arith.index_cast %add3A_1262 : i32 to index
      %get3A_1264 = tpu.vector_load %arg11[%get3A_1263] {strides = array<i32>} : memref<4096xi32, #tpu.memory_space<vmem>>, vector<16xi32>,
      %add3A_1265 = arith.constant 80 : i32
      %add3A_1266 = arith.addi %add3A_1245, %add3A_1265 : i32
      %get3A_1267 = arith.index_cast %add3A_1266 : i32 to index
      %get3A_1268 = tpu.vector_load %arg11[%get3A_1267] {strides = array<i32>} : memref<4096xi32, #tpu.memory_space<vmem>>, vector<16xi32>,
      %add3A_1269 = arith.constant 96 : i32
      %add3A_1270 = arith.addi %add3A_1245, %add3A_1269 : i32
      %get3A_1271 = arith.index_cast %add3A_1270 : i32 to index
      %get3A_1272 = tpu.vector_load %arg11[%get3A_1271] {strides = array<i32>} : memref<4096xi32, #tpu.memory_space<vmem>>, vector<16xi32>,
      %add3A_1273 = arith.constant 112 : i32
      %add3A_1274 = arith.addi %add3A_1245, %add3A_1273 : i32
      %get3A_1275 = arith.index_cast %add3A_1274 : i32 to index
      %get3A_1276 = tpu.vector_load %arg11[%get3A_1275] {strides = array<i32>} : memref<4096xi32, #tpu.memory_space<vmem>>, vector<16xi32>,
      %gather3A = tpu.vector_load_idx %arg10[%broadcast_in_dim3A_1, %get3A_1248] : memref<1x100000xf32, #tpu.memory_space<vmem>>[vector<16xi32>, vector<16xi32>], vector<16xf32>,
      %gather3A_1277 = tpu.vector_load_idx %arg10[%broadcast_in_dim3A_1, %get3A_1252] : memref<1x100000xf32, #tpu.memory_space<vmem>>[vector<16xi32>, vector<16xi32>], vector<16xf32>,
      %gather3A_1278 = tpu.vector_load_idx %arg10[%broadcast_in_dim3A_1, %get3A_1256] : memref<1x100000xf32, #tpu.memory_space<vmem>>[vector<16xi32>, vector<16xi32>], vector<16xf32>,
      %gather3A_1279 = tpu.vector_load_idx %arg10[%broadcast_in_dim3A_1, %get3A_1260] : memref<1x100000xf32, #tpu.memory_space<vmem>>[vector<16xi32>, vector<16xi32>], vector<16xf32>,
      %gather3A_1280 = tpu.vector_load_idx %arg10[%broadcast_in_dim3A_1, %get3A_1264] : memref<1x100000xf32, #tpu.memory_space<vmem>>[vector<16xi32>, vector<16xi32>], vector<16xf32>,
      %gather3A_1281 = tpu.vector_load_idx %arg10[%broadcast_in_dim3A_1, %get3A_1268] : memref<1x100000xf32, #tpu.memory_space<vmem>>[vector<16xi32>, vector<16xi32>], vector<16xf32>,
      %gather3A_1282 = tpu.vector_load_idx %arg10[%broadcast_in_dim3A_1, %get3A_1272] : memref<1x100000xf32, #tpu.memory_space<vmem>>[vector<16xi32>, vector<16xi32>], vector<16xf32>,
      %gather3A_1283 = tpu.vector_load_idx %arg10[%broadcast_in_dim3A_1, %get3A_1276] : memref<1x100000xf32, #tpu.memory_space<vmem>>[vector<16xi32>, vector<16xi32>], vector<16xf32>,
      %add3A_1284 = arith.constant 0 : i32
      %add3A_1285 = arith.addi %add3A_1245, %add3A_1284 : i32
      %swap3A = arith.index_cast %add3A_1285 : i32 to index
      %swap3A_1286 = tpu.vector_load %arg13[%swap3A] {strides = array<i32>} : memref<4096xf32, #tpu.memory_space<vmem>>, vector<16xf32>,
      tpu.vector_store %arg13[%swap3A], %gather3A {strides = array<i32>} : memref<4096xf32, #tpu.memory_space<vmem>>, vector<16xf32>,
      %add3A_1287 = arith.constant 16 : i32
      %add3A_1288 = arith.addi %add3A_1245, %add3A_1287 : i32
      %swap3A_1289 = arith.index_cast %add3A_1288 : i32 to index
      %swap3A_1290 = tpu.vector_load %arg13[%swap3A_1289] {strides = array<i32>} : memref<4096xf32, #tpu.memory_space<vmem>>, vector<16xf32>,
      tpu.vector_store %arg13[%swap3A_1289], %gather3A_1277 {strides = array<i32>} : memref<4096xf32, #tpu.memory_space<vmem>>, vector<16xf32>,
      %add3A_1291 = arith.constant 32 : i32
      %add3A_1292 = arith.addi %add3A_1245, %add3A_1291 : i32
      %swap3A_1293 = arith.index_cast %add3A_1292 : i32 to index
      %swap3A_1294 = tpu.vector_load %arg13[%swap3A_1293] {strides = array<i32>} : memref<4096xf32, #tpu.memory_space<vmem>>, vector<16xf32>,
      tpu.vector_store %arg13[%swap3A_1293], %gather3A_1278 {strides = array<i32>} : memref<4096xf32, #tpu.memory_space<vmem>>, vector<16xf32>,
      %add3A_1295 = arith.constant 48 : i32
      %add3A_1296 = arith.addi %add3A_1245, %add3A_1295 : i32
      %swap3A_1297 = arith.index_cast %add3A_1296 : i32 to index
      %swap3A_1298 = tpu.vector_load %arg13[%swap3A_1297] {strides = array<i32>} : memref<4096xf32, #tpu.memory_space<vmem>>, vector<16xf32>,
      tpu.vector_store %arg13[%swap3A_1297], %gather3A_1279 {strides = array<i32>} : memref<4096xf32, #tpu.memory_space<vmem>>, vector<16xf32>,
      %add3A_1299 = arith.constant 64 : i32
      %add3A_1300 = arith.addi %add3A_1245, %add3A_1299 : i32
      %swap3A_1301 = arith.index_cast %add3A_1300 : i32 to index
      %swap3A_1302 = tpu.vector_load %arg13[%swap3A_1301] {strides = array<i32>} : memref<4096xf32, #tpu.memory_space<vmem>>, vector<16xf32>,
      tpu.vector_store %arg13[%swap3A_1301], %gather3A_1280 {strides = array<i32>} : memref<4096xf32, #tpu.memory_space<vmem>>, vector<16xf32>,
      %add3A_1303 = arith.constant 80 : i32
      %add3A_1304 = arith.addi %add3A_1245, %add3A_1303 : i32
      %swap3A_1305 = arith.index_cast %add3A_1304 : i32 to index
      %swap3A_1306 = tpu.vector_load %arg13[%swap3A_1305] {strides = array<i32>} : memref<4096xf32, #tpu.memory_space<vmem>>, vector<16xf32>,
      tpu.vector_store %arg13[%swap3A_1305], %gather3A_1281 {strides = array<i32>} : memref<4096xf32, #tpu.memory_space<vmem>>, vector<16xf32>,
      %add3A_1307 = arith.constant 96 : i32
      %add3A_1308 = arith.addi %add3A_1245, %add3A_1307 : i32
      %swap3A_1309 = arith.index_cast %add3A_1308 : i32 to index
      %swap3A_1310 = tpu.vector_load %arg13[%swap3A_1309] {strides = array<i32>} : memref<4096xf32, #tpu.memory_space<vmem>>, vector<16xf32>,
      tpu.vector_store %arg13[%swap3A_1309], %gather3A_1282 {strides = array<i32>} : memref<4096xf32, #tpu.memory_space<vmem>>, vector<16xf32>,
      %add3A_1311 = arith.constant 112 : i32
      %add3A_1312 = arith.addi %add3A_1245, %add3A_1311 : i32
      %swap3A_1313 = arith.index_cast %add3A_1312 : i32 to index
      %swap3A_1314 = tpu.vector_load %arg13[%swap3A_1313] {strides = array<i32>} : memref<4096xf32, #tpu.memory_space<vmem>>, vector<16xf32>,
      tpu.vector_store %arg13[%swap3A_1313], %gather3A_1283 {strides = array<i32>} : memref<4096xf32, #tpu.memory_space<vmem>>, vector<16xf32>,
    }
    %scan3A_841 = arith.constant 32 : i32
    %dma_start3A_842 = arith.constant 8192 : i32
    %dma_start3A_843 = tpu.memref_slice %arg7[%add3A_3, %dma_start3A_842] : memref<64x16384xf32, #tpu.memory_space<hbm>> -> memref<1x4096xf32, #tpu.memory_space<hbm>>
    %dma_start3A_844 = tpu.memref_squeeze %dma_start3A_843 : memref<1x4096xf32, #tpu.memory_space<hbm>> -> memref<4096xf32, #tpu.memory_space<hbm>>
    %dma_start3A_845 = arith.constant 8192 : i32
    %dma_start3A_846 = tpu.memref_slice %arg7[%add3A_3, %dma_start3A_845] : memref<64x16384xf32, #tpu.memory_space<hbm>> -> memref<1x4096xf32, #tpu.memory_space<hbm>>
    %dma_start3A_847 = tpu.memref_squeeze %dma_start3A_846 : memref<1x4096xf32, #tpu.memory_space<hbm>> -> memref<4096xf32, #tpu.memory_space<hbm>>
    tpu.enqueue_dma source(%arg13 : memref<4096xf32, #tpu.memory_space<vmem>>) target(%dma_start3A_847 : memref<4096xf32, #tpu.memory_space<hbm>>) target_semaphore(%arg17 : memref<!tpu.dma_semaphore, #tpu.memory_space<semaphore_mem>>)
    %dma_start3A_848 = arith.constant 0 : i32
    %dma_start3A_849 = tpu.memref_slice %arg3[%dma_start3A_848] : memref<16384xi32, #tpu.memory_space<hbm>> -> memref<4096xi32, #tpu.memory_space<hbm>>
    %dma_start3A_850 = arith.constant 0 : i32
    %dma_start3A_851 = tpu.memref_slice %arg3[%dma_start3A_850] : memref<16384xi32, #tpu.memory_space<hbm>> -> memref<4096xi32, #tpu.memory_space<hbm>>
    tpu.enqueue_dma source(%dma_start3A_851 : memref<4096xi32, #tpu.memory_space<hbm>>) target(%arg11 : memref<4096xi32, #tpu.memory_space<vmem>>) target_semaphore(%arg16 : memref<!tpu.dma_semaphore, #tpu.memory_space<semaphore_mem>>)
    %dma_wait3A_852 = arith.constant 12288 : i32
    %dma_wait3A_853 = tpu.memref_slice %arg2[%dma_wait3A_852] : memref<16384xi32, #tpu.memory_space<hbm>> -> memref<4096xi32, #tpu.memory_space<hbm>>
    %dma_wait3A_854 = arith.constant 12288 : i32
    %dma_wait3A_855 = tpu.memref_slice %arg2[%dma_wait3A_854] : memref<16384xi32, #tpu.memory_space<hbm>> -> memref<4096xi32, #tpu.memory_space<hbm>>
    tpu.wait_dma2 semaphore(%arg16 : memref<!tpu.dma_semaphore, #tpu.memory_space<semaphore_mem>>) src(%dma_wait3A_855 : memref<4096xi32, #tpu.memory_space<hbm>>) dst(%arg12 : memref<4096xi32, #tpu.memory_space<vmem>>)
    %dma_wait3A_856 = arith.constant 4096 : i32
    %dma_wait3A_857 = tpu.memref_slice %arg7[%add3A_3, %dma_wait3A_856] : memref<64x16384xf32, #tpu.memory_space<hbm>> -> memref<1x4096xf32, #tpu.memory_space<hbm>>
    %dma_wait3A_858 = tpu.memref_squeeze %dma_wait3A_857 : memref<1x4096xf32, #tpu.memory_space<hbm>> -> memref<4096xf32, #tpu.memory_space<hbm>>
    %dma_wait3A_859 = arith.constant 4096 : i32
    %dma_wait3A_860 = tpu.memref_slice %arg7[%add3A_3, %dma_wait3A_859] : memref<64x16384xf32, #tpu.memory_space<hbm>> -> memref<1x4096xf32, #tpu.memory_space<hbm>>
    %dma_wait3A_861 = tpu.memref_squeeze %dma_wait3A_860 : memref<1x4096xf32, #tpu.memory_space<hbm>> -> memref<4096xf32, #tpu.memory_space<hbm>>
    tpu.wait_dma2 semaphore(%arg17 : memref<!tpu.dma_semaphore, #tpu.memory_space<semaphore_mem>>) src(%arg14 : memref<4096xf32, #tpu.memory_space<vmem>>) dst(%dma_wait3A_861 : memref<4096xf32, #tpu.memory_space<hbm>>)
    %scan3A_862 = arith.constant 0 : i32
    %scan3A_863 = arith.constant 32 : i32
    %scan3A_864 = arith.addi %scan3A_862, %scan3A_863 : i32
    %scan3A_865 = arith.constant 1 : i32
    scf.for %scan3A_1241 = %scan3A_862 to %scan3A_864 step %scan3A_865  : i32 {
      %mul3A_1242 = arith.constant 128 : i32
      %mul3A_1243 = arith.muli %scan3A_1241, %mul3A_1242 : i32
      %add3A_1244 = arith.constant 0 : i32
      %add3A_1245 = arith.addi %add3A_1244, %mul3A_1243 : i32
      %add3A_1246 = arith.constant 0 : i32
      %add3A_1247 = arith.addi %add3A_1245, %add3A_1246 : i32
      %get3A = arith.index_cast %add3A_1247 : i32 to index
      %get3A_1248 = tpu.vector_load %arg12[%get3A] {strides = array<i32>} : memref<4096xi32, #tpu.memory_space<vmem>>, vector<16xi32>,
      %add3A_1249 = arith.constant 16 : i32
      %add3A_1250 = arith.addi %add3A_1245, %add3A_1249 : i32
      %get3A_1251 = arith.index_cast %add3A_1250 : i32 to index
      %get3A_1252 = tpu.vector_load %arg12[%get3A_1251] {strides = array<i32>} : memref<4096xi32, #tpu.memory_space<vmem>>, vector<16xi32>,
      %add3A_1253 = arith.constant 32 : i32
      %add3A_1254 = arith.addi %add3A_1245, %add3A_1253 : i32
      %get3A_1255 = arith.index_cast %add3A_1254 : i32 to index
      %get3A_1256 = tpu.vector_load %arg12[%get3A_1255] {strides = array<i32>} : memref<4096xi32, #tpu.memory_space<vmem>>, vector<16xi32>,
      %add3A_1257 = arith.constant 48 : i32
      %add3A_1258 = arith.addi %add3A_1245, %add3A_1257 : i32
      %get3A_1259 = arith.index_cast %add3A_1258 : i32 to index
      %get3A_1260 = tpu.vector_load %arg12[%get3A_1259] {strides = array<i32>} : memref<4096xi32, #tpu.memory_space<vmem>>, vector<16xi32>,
      %add3A_1261 = arith.constant 64 : i32
      %add3A_1262 = arith.addi %add3A_1245, %add3A_1261 : i32
      %get3A_1263 = arith.index_cast %add3A_1262 : i32 to index
      %get3A_1264 = tpu.vector_load %arg12[%get3A_1263] {strides = array<i32>} : memref<4096xi32, #tpu.memory_space<vmem>>, vector<16xi32>,
      %add3A_1265 = arith.constant 80 : i32
      %add3A_1266 = arith.addi %add3A_1245, %add3A_1265 : i32
      %get3A_1267 = arith.index_cast %add3A_1266 : i32 to index
      %get3A_1268 = tpu.vector_load %arg12[%get3A_1267] {strides = array<i32>} : memref<4096xi32, #tpu.memory_space<vmem>>, vector<16xi32>,
      %add3A_1269 = arith.constant 96 : i32
      %add3A_1270 = arith.addi %add3A_1245, %add3A_1269 : i32
      %get3A_1271 = arith.index_cast %add3A_1270 : i32 to index
      %get3A_1272 = tpu.vector_load %arg12[%get3A_1271] {strides = array<i32>} : memref<4096xi32, #tpu.memory_space<vmem>>, vector<16xi32>,
      %add3A_1273 = arith.constant 112 : i32
      %add3A_1274 = arith.addi %add3A_1245, %add3A_1273 : i32
      %get3A_1275 = arith.index_cast %add3A_1274 : i32 to index
      %get3A_1276 = tpu.vector_load %arg12[%get3A_1275] {strides = array<i32>} : memref<4096xi32, #tpu.memory_space<vmem>>, vector<16xi32>,
      %gather3A = tpu.vector_load_idx %arg10[%broadcast_in_dim3A_1, %get3A_1248] : memref<1x100000xf32, #tpu.memory_space<vmem>>[vector<16xi32>, vector<16xi32>], vector<16xf32>,
      %gather3A_1277 = tpu.vector_load_idx %arg10[%broadcast_in_dim3A_1, %get3A_1252] : memref<1x100000xf32, #tpu.memory_space<vmem>>[vector<16xi32>, vector<16xi32>], vector<16xf32>,
      %gather3A_1278 = tpu.vector_load_idx %arg10[%broadcast_in_dim3A_1, %get3A_1256] : memref<1x100000xf32, #tpu.memory_space<vmem>>[vector<16xi32>, vector<16xi32>], vector<16xf32>,
      %gather3A_1279 = tpu.vector_load_idx %arg10[%broadcast_in_dim3A_1, %get3A_1260] : memref<1x100000xf32, #tpu.memory_space<vmem>>[vector<16xi32>, vector<16xi32>], vector<16xf32>,
      %gather3A_1280 = tpu.vector_load_idx %arg10[%broadcast_in_dim3A_1, %get3A_1264] : memref<1x100000xf32, #tpu.memory_space<vmem>>[vector<16xi32>, vector<16xi32>], vector<16xf32>,
      %gather3A_1281 = tpu.vector_load_idx %arg10[%broadcast_in_dim3A_1, %get3A_1268] : memref<1x100000xf32, #tpu.memory_space<vmem>>[vector<16xi32>, vector<16xi32>], vector<16xf32>,
      %gather3A_1282 = tpu.vector_load_idx %arg10[%broadcast_in_dim3A_1, %get3A_1272] : memref<1x100000xf32, #tpu.memory_space<vmem>>[vector<16xi32>, vector<16xi32>], vector<16xf32>,
      %gather3A_1283 = tpu.vector_load_idx %arg10[%broadcast_in_dim3A_1, %get3A_1276] : memref<1x100000xf32, #tpu.memory_space<vmem>>[vector<16xi32>, vector<16xi32>], vector<16xf32>,
      %add3A_1284 = arith.constant 0 : i32
      %add3A_1285 = arith.addi %add3A_1245, %add3A_1284 : i32
      %swap3A = arith.index_cast %add3A_1285 : i32 to index
      %swap3A_1286 = tpu.vector_load %arg14[%swap3A] {strides = array<i32>} : memref<4096xf32, #tpu.memory_space<vmem>>, vector<16xf32>,
      tpu.vector_store %arg14[%swap3A], %gather3A {strides = array<i32>} : memref<4096xf32, #tpu.memory_space<vmem>>, vector<16xf32>,
      %add3A_1287 = arith.constant 16 : i32
      %add3A_1288 = arith.addi %add3A_1245, %add3A_1287 : i32
      %swap3A_1289 = arith.index_cast %add3A_1288 : i32 to index
      %swap3A_1290 = tpu.vector_load %arg14[%swap3A_1289] {strides = array<i32>} : memref<4096xf32, #tpu.memory_space<vmem>>, vector<16xf32>,
      tpu.vector_store %arg14[%swap3A_1289], %gather3A_1277 {strides = array<i32>} : memref<4096xf32, #tpu.memory_space<vmem>>, vector<16xf32>,
      %add3A_1291 = arith.constant 32 : i32
      %add3A_1292 = arith.addi %add3A_1245, %add3A_1291 : i32
      %swap3A_1293 = arith.index_cast %add3A_1292 : i32 to index
      %swap3A_1294 = tpu.vector_load %arg14[%swap3A_1293] {strides = array<i32>} : memref<4096xf32, #tpu.memory_space<vmem>>, vector<16xf32>,
      tpu.vector_store %arg14[%swap3A_1293], %gather3A_1278 {strides = array<i32>} : memref<4096xf32, #tpu.memory_space<vmem>>, vector<16xf32>,
      %add3A_1295 = arith.constant 48 : i32
      %add3A_1296 = arith.addi %add3A_1245, %add3A_1295 : i32
      %swap3A_1297 = arith.index_cast %add3A_1296 : i32 to index
      %swap3A_1298 = tpu.vector_load %arg14[%swap3A_1297] {strides = array<i32>} : memref<4096xf32, #tpu.memory_space<vmem>>, vector<16xf32>,
      tpu.vector_store %arg14[%swap3A_1297], %gather3A_1279 {strides = array<i32>} : memref<4096xf32, #tpu.memory_space<vmem>>, vector<16xf32>,
      %add3A_1299 = arith.constant 64 : i32
      %add3A_1300 = arith.addi %add3A_1245, %add3A_1299 : i32
      %swap3A_1301 = arith.index_cast %add3A_1300 : i32 to index
      %swap3A_1302 = tpu.vector_load %arg14[%swap3A_1301] {strides = array<i32>} : memref<4096xf32, #tpu.memory_space<vmem>>, vector<16xf32>,
      tpu.vector_store %arg14[%swap3A_1301], %gather3A_1280 {strides = array<i32>} : memref<4096xf32, #tpu.memory_space<vmem>>, vector<16xf32>,
      %add3A_1303 = arith.constant 80 : i32
      %add3A_1304 = arith.addi %add3A_1245, %add3A_1303 : i32
      %swap3A_1305 = arith.index_cast %add3A_1304 : i32 to index
      %swap3A_1306 = tpu.vector_load %arg14[%swap3A_1305] {strides = array<i32>} : memref<4096xf32, #tpu.memory_space<vmem>>, vector<16xf32>,
      tpu.vector_store %arg14[%swap3A_1305], %gather3A_1281 {strides = array<i32>} : memref<4096xf32, #tpu.memory_space<vmem>>, vector<16xf32>,
      %add3A_1307 = arith.constant 96 : i32
      %add3A_1308 = arith.addi %add3A_1245, %add3A_1307 : i32
      %swap3A_1309 = arith.index_cast %add3A_1308 : i32 to index
      %swap3A_1310 = tpu.vector_load %arg14[%swap3A_1309] {strides = array<i32>} : memref<4096xf32, #tpu.memory_space<vmem>>, vector<16xf32>,
      tpu.vector_store %arg14[%swap3A_1309], %gather3A_1282 {strides = array<i32>} : memref<4096xf32, #tpu.memory_space<vmem>>, vector<16xf32>,
      %add3A_1311 = arith.constant 112 : i32
      %add3A_1312 = arith.addi %add3A_1245, %add3A_1311 : i32
      %swap3A_1313 = arith.index_cast %add3A_1312 : i32 to index
      %swap3A_1314 = tpu.vector_load %arg14[%swap3A_1313] {strides = array<i32>} : memref<4096xf32, #tpu.memory_space<vmem>>, vector<16xf32>,
      tpu.vector_store %arg14[%swap3A_1313], %gather3A_1283 {strides = array<i32>} : memref<4096xf32, #tpu.memory_space<vmem>>, vector<16xf32>,
    }
    %scan3A_866 = arith.constant 32 : i32
    %dma_start3A_867 = arith.constant 12288 : i32
    %dma_start3A_868 = tpu.memref_slice %arg7[%add3A_3, %dma_start3A_867] : memref<64x16384xf32, #tpu.memory_space<hbm>> -> memref<1x4096xf32, #tpu.memory_space<hbm>>
    %dma_start3A_869 = tpu.memref_squeeze %dma_start3A_868 : memref<1x4096xf32, #tpu.memory_space<hbm>> -> memref<4096xf32, #tpu.memory_space<hbm>>
    %dma_start3A_870 = arith.constant 12288 : i32
    %dma_start3A_871 = tpu.memref_slice %arg7[%add3A_3, %dma_start3A_870] : memref<64x16384xf32, #tpu.memory_space<hbm>> -> memref<1x4096xf32, #tpu.memory_space<hbm>>
    %dma_start3A_872 = tpu.memref_squeeze %dma_start3A_871 : memref<1x4096xf32, #tpu.memory_space<hbm>> -> memref<4096xf32, #tpu.memory_space<hbm>>
    tpu.enqueue_dma source(%arg14 : memref<4096xf32, #tpu.memory_space<vmem>>) target(%dma_start3A_872 : memref<4096xf32, #tpu.memory_space<hbm>>) target_semaphore(%arg17 : memref<!tpu.dma_semaphore, #tpu.memory_space<semaphore_mem>>)
    %dma_start3A_873 = arith.constant 0 : i32
    %dma_start3A_874 = arith.constant 0 : i32
    %dma_start3A_875 = tpu.memref_slice %arg10[%dma_start3A_873, %dma_start3A_874] : memref<1x100000xf32, #tpu.memory_space<vmem>> -> memref<1x12544xf32, #tpu.memory_space<vmem>>
    %dma_start3A_876 = arith.constant 0 : i32
    %dma_start3A_877 = tpu.memref_slice %arg6[%add3A_3, %dma_start3A_876] : memref<64x100000xf32, #tpu.memory_space<hbm>> -> memref<1x12544xf32, #tpu.memory_space<hbm>>
    %dma_start3A_878 = arith.constant 0 : i32
    %dma_start3A_879 = arith.constant 0 : i32
    %dma_start3A_880 = tpu.memref_slice %arg10[%dma_start3A_878, %dma_start3A_879] : memref<1x100000xf32, #tpu.memory_space<vmem>> -> memref<1x12544xf32, #tpu.memory_space<vmem>>
    %dma_start3A_881 = arith.constant 0 : i32
    %dma_start3A_882 = tpu.memref_slice %arg6[%add3A_3, %dma_start3A_881] : memref<64x100000xf32, #tpu.memory_space<hbm>> -> memref<1x12544xf32, #tpu.memory_space<hbm>>
    tpu.enqueue_dma source(%dma_start3A_882 : memref<1x12544xf32, #tpu.memory_space<hbm>>) target(%dma_start3A_880 : memref<1x12544xf32, #tpu.memory_space<vmem>>) target_semaphore(%arg15 : memref<!tpu.dma_semaphore, #tpu.memory_space<semaphore_mem>>)
    %dma_start3A_883 = arith.constant 0 : i32
    %dma_start3A_884 = arith.constant 12544 : i32
    %dma_start3A_885 = tpu.memref_slice %arg10[%dma_start3A_883, %dma_start3A_884] : memref<1x100000xf32, #tpu.memory_space<vmem>> -> memref<1x12544xf32, #tpu.memory_space<vmem>>
    %dma_start3A_886 = arith.constant 12544 : i32
    %dma_start3A_887 = tpu.memref_slice %arg6[%add3A_3, %dma_start3A_886] : memref<64x100000xf32, #tpu.memory_space<hbm>> -> memref<1x12544xf32, #tpu.memory_space<hbm>>
    %dma_start3A_888 = arith.constant 0 : i32
    %dma_start3A_889 = arith.constant 12544 : i32
    %dma_start3A_890 = tpu.memref_slice %arg10[%dma_start3A_888, %dma_start3A_889] : memref<1x100000xf32, #tpu.memory_space<vmem>> -> memref<1x12544xf32, #tpu.memory_space<vmem>>
    %dma_start3A_891 = arith.constant 12544 : i32
    %dma_start3A_892 = tpu.memref_slice %arg6[%add3A_3, %dma_start3A_891] : memref<64x100000xf32, #tpu.memory_space<hbm>> -> memref<1x12544xf32, #tpu.memory_space<hbm>>
    tpu.enqueue_dma source(%dma_start3A_892 : memref<1x12544xf32, #tpu.memory_space<hbm>>) target(%dma_start3A_890 : memref<1x12544xf32, #tpu.memory_space<vmem>>) target_semaphore(%arg15 : memref<!tpu.dma_semaphore, #tpu.memory_space<semaphore_mem>>)
    %dma_start3A_893 = arith.constant 0 : i32
    %dma_start3A_894 = arith.constant 25088 : i32
    %dma_start3A_895 = tpu.memref_slice %arg10[%dma_start3A_893, %dma_start3A_894] : memref<1x100000xf32, #tpu.memory_space<vmem>> -> memref<1x12544xf32, #tpu.memory_space<vmem>>
    %dma_start3A_896 = arith.constant 25088 : i32
    %dma_start3A_897 = tpu.memref_slice %arg6[%add3A_3, %dma_start3A_896] : memref<64x100000xf32, #tpu.memory_space<hbm>> -> memref<1x12544xf32, #tpu.memory_space<hbm>>
    %dma_start3A_898 = arith.constant 0 : i32
    %dma_start3A_899 = arith.constant 25088 : i32
    %dma_start3A_900 = tpu.memref_slice %arg10[%dma_start3A_898, %dma_start3A_899] : memref<1x100000xf32, #tpu.memory_space<vmem>> -> memref<1x12544xf32, #tpu.memory_space<vmem>>
    %dma_start3A_901 = arith.constant 25088 : i32
    %dma_start3A_902 = tpu.memref_slice %arg6[%add3A_3, %dma_start3A_901] : memref<64x100000xf32, #tpu.memory_space<hbm>> -> memref<1x12544xf32, #tpu.memory_space<hbm>>
    tpu.enqueue_dma source(%dma_start3A_902 : memref<1x12544xf32, #tpu.memory_space<hbm>>) target(%dma_start3A_900 : memref<1x12544xf32, #tpu.memory_space<vmem>>) target_semaphore(%arg15 : memref<!tpu.dma_semaphore, #tpu.memory_space<semaphore_mem>>)
    %dma_start3A_903 = arith.constant 0 : i32
    %dma_start3A_904 = arith.constant 37632 : i32
    %dma_start3A_905 = tpu.memref_slice %arg10[%dma_start3A_903, %dma_start3A_904] : memref<1x100000xf32, #tpu.memory_space<vmem>> -> memref<1x12544xf32, #tpu.memory_space<vmem>>
    %dma_start3A_906 = arith.constant 37632 : i32
    %dma_start3A_907 = tpu.memref_slice %arg6[%add3A_3, %dma_start3A_906] : memref<64x100000xf32, #tpu.memory_space<hbm>> -> memref<1x12544xf32, #tpu.memory_space<hbm>>
    %dma_start3A_908 = arith.constant 0 : i32
    %dma_start3A_909 = arith.constant 37632 : i32
    %dma_start3A_910 = tpu.memref_slice %arg10[%dma_start3A_908, %dma_start3A_909] : memref<1x100000xf32, #tpu.memory_space<vmem>> -> memref<1x12544xf32, #tpu.memory_space<vmem>>
    %dma_start3A_911 = arith.constant 37632 : i32
    %dma_start3A_912 = tpu.memref_slice %arg6[%add3A_3, %dma_start3A_911] : memref<64x100000xf32, #tpu.memory_space<hbm>> -> memref<1x12544xf32, #tpu.memory_space<hbm>>
    tpu.enqueue_dma source(%dma_start3A_912 : memref<1x12544xf32, #tpu.memory_space<hbm>>) target(%dma_start3A_910 : memref<1x12544xf32, #tpu.memory_space<vmem>>) target_semaphore(%arg15 : memref<!tpu.dma_semaphore, #tpu.memory_space<semaphore_mem>>)
    %dma_start3A_913 = arith.constant 0 : i32
    %dma_start3A_914 = arith.constant 50176 : i32
    %dma_start3A_915 = tpu.memref_slice %arg10[%dma_start3A_913, %dma_start3A_914] : memref<1x100000xf32, #tpu.memory_space<vmem>> -> memref<1x12544xf32, #tpu.memory_space<vmem>>
    %dma_start3A_916 = arith.constant 50176 : i32
    %dma_start3A_917 = tpu.memref_slice %arg6[%add3A_3, %dma_start3A_916] : memref<64x100000xf32, #tpu.memory_space<hbm>> -> memref<1x12544xf32, #tpu.memory_space<hbm>>
    %dma_start3A_918 = arith.constant 0 : i32
    %dma_start3A_919 = arith.constant 50176 : i32
    %dma_start3A_920 = tpu.memref_slice %arg10[%dma_start3A_918, %dma_start3A_919] : memref<1x100000xf32, #tpu.memory_space<vmem>> -> memref<1x12544xf32, #tpu.memory_space<vmem>>
    %dma_start3A_921 = arith.constant 50176 : i32
    %dma_start3A_922 = tpu.memref_slice %arg6[%add3A_3, %dma_start3A_921] : memref<64x100000xf32, #tpu.memory_space<hbm>> -> memref<1x12544xf32, #tpu.memory_space<hbm>>
    tpu.enqueue_dma source(%dma_start3A_922 : memref<1x12544xf32, #tpu.memory_space<hbm>>) target(%dma_start3A_920 : memref<1x12544xf32, #tpu.memory_space<vmem>>) target_semaphore(%arg15 : memref<!tpu.dma_semaphore, #tpu.memory_space<semaphore_mem>>)
    %dma_start3A_923 = arith.constant 0 : i32
    %dma_start3A_924 = arith.constant 62720 : i32
    %dma_start3A_925 = tpu.memref_slice %arg10[%dma_start3A_923, %dma_start3A_924] : memref<1x100000xf32, #tpu.memory_space<vmem>> -> memref<1x12544xf32, #tpu.memory_space<vmem>>
    %dma_start3A_926 = arith.constant 62720 : i32
    %dma_start3A_927 = tpu.memref_slice %arg6[%add3A_3, %dma_start3A_926] : memref<64x100000xf32, #tpu.memory_space<hbm>> -> memref<1x12544xf32, #tpu.memory_space<hbm>>
    %dma_start3A_928 = arith.constant 0 : i32
    %dma_start3A_929 = arith.constant 62720 : i32
    %dma_start3A_930 = tpu.memref_slice %arg10[%dma_start3A_928, %dma_start3A_929] : memref<1x100000xf32, #tpu.memory_space<vmem>> -> memref<1x12544xf32, #tpu.memory_space<vmem>>
    %dma_start3A_931 = arith.constant 62720 : i32
    %dma_start3A_932 = tpu.memref_slice %arg6[%add3A_3, %dma_start3A_931] : memref<64x100000xf32, #tpu.memory_space<hbm>> -> memref<1x12544xf32, #tpu.memory_space<hbm>>
    tpu.enqueue_dma source(%dma_start3A_932 : memref<1x12544xf32, #tpu.memory_space<hbm>>) target(%dma_start3A_930 : memref<1x12544xf32, #tpu.memory_space<vmem>>) target_semaphore(%arg15 : memref<!tpu.dma_semaphore, #tpu.memory_space<semaphore_mem>>)
    %dma_start3A_933 = arith.constant 0 : i32
    %dma_start3A_934 = arith.constant 75264 : i32
    %dma_start3A_935 = tpu.memref_slice %arg10[%dma_start3A_933, %dma_start3A_934] : memref<1x100000xf32, #tpu.memory_space<vmem>> -> memref<1x12544xf32, #tpu.memory_space<vmem>>
    %dma_start3A_936 = arith.constant 75264 : i32
    %dma_start3A_937 = tpu.memref_slice %arg6[%add3A_3, %dma_start3A_936] : memref<64x100000xf32, #tpu.memory_space<hbm>> -> memref<1x12544xf32, #tpu.memory_space<hbm>>
    %dma_start3A_938 = arith.constant 0 : i32
    %dma_start3A_939 = arith.constant 75264 : i32
    %dma_start3A_940 = tpu.memref_slice %arg10[%dma_start3A_938, %dma_start3A_939] : memref<1x100000xf32, #tpu.memory_space<vmem>> -> memref<1x12544xf32, #tpu.memory_space<vmem>>
    %dma_start3A_941 = arith.constant 75264 : i32
    %dma_start3A_942 = tpu.memref_slice %arg6[%add3A_3, %dma_start3A_941] : memref<64x100000xf32, #tpu.memory_space<hbm>> -> memref<1x12544xf32, #tpu.memory_space<hbm>>
    tpu.enqueue_dma source(%dma_start3A_942 : memref<1x12544xf32, #tpu.memory_space<hbm>>) target(%dma_start3A_940 : memref<1x12544xf32, #tpu.memory_space<vmem>>) target_semaphore(%arg15 : memref<!tpu.dma_semaphore, #tpu.memory_space<semaphore_mem>>)
    %dma_start3A_943 = arith.constant 0 : i32
    %dma_start3A_944 = arith.constant 87808 : i32
    %dma_start3A_945 = tpu.memref_slice %arg10[%dma_start3A_943, %dma_start3A_944] : memref<1x100000xf32, #tpu.memory_space<vmem>> -> memref<1x12192xf32, #tpu.memory_space<vmem>>
    %dma_start3A_946 = arith.constant 87808 : i32
    %dma_start3A_947 = tpu.memref_slice %arg6[%add3A_3, %dma_start3A_946] : memref<64x100000xf32, #tpu.memory_space<hbm>> -> memref<1x12192xf32, #tpu.memory_space<hbm>>
    %dma_start3A_948 = arith.constant 0 : i32
    %dma_start3A_949 = arith.constant 87808 : i32
    %dma_start3A_950 = tpu.memref_slice %arg10[%dma_start3A_948, %dma_start3A_949] : memref<1x100000xf32, #tpu.memory_space<vmem>> -> memref<1x12192xf32, #tpu.memory_space<vmem>>
    %dma_start3A_951 = arith.constant 87808 : i32
    %dma_start3A_952 = tpu.memref_slice %arg6[%add3A_3, %dma_start3A_951] : memref<64x100000xf32, #tpu.memory_space<hbm>> -> memref<1x12192xf32, #tpu.memory_space<hbm>>
    tpu.enqueue_dma source(%dma_start3A_952 : memref<1x12192xf32, #tpu.memory_space<hbm>>) target(%dma_start3A_950 : memref<1x12192xf32, #tpu.memory_space<vmem>>) target_semaphore(%arg15 : memref<!tpu.dma_semaphore, #tpu.memory_space<semaphore_mem>>)
    %dma_wait3A_953 = arith.constant 0 : i32
    %dma_wait3A_954 = arith.constant 0 : i32
    %dma_wait3A_955 = tpu.memref_slice %arg10[%dma_wait3A_953, %dma_wait3A_954] : memref<1x100000xf32, #tpu.memory_space<vmem>> -> memref<1x12544xf32, #tpu.memory_space<vmem>>
    %dma_wait3A_956 = arith.constant 0 : i32
    %dma_wait3A_957 = tpu.memref_slice %arg6[%add3A_3, %dma_wait3A_956] : memref<64x100000xf32, #tpu.memory_space<hbm>> -> memref<1x12544xf32, #tpu.memory_space<hbm>>
    %dma_wait3A_958 = arith.constant 0 : i32
    %dma_wait3A_959 = arith.constant 0 : i32
    %dma_wait3A_960 = tpu.memref_slice %arg10[%dma_wait3A_958, %dma_wait3A_959] : memref<1x100000xf32, #tpu.memory_space<vmem>> -> memref<1x12544xf32, #tpu.memory_space<vmem>>
    %dma_wait3A_961 = arith.constant 0 : i32
    %dma_wait3A_962 = tpu.memref_slice %arg6[%add3A_3, %dma_wait3A_961] : memref<64x100000xf32, #tpu.memory_space<hbm>> -> memref<1x12544xf32, #tpu.memory_space<hbm>>
    tpu.wait_dma2 semaphore(%arg15 : memref<!tpu.dma_semaphore, #tpu.memory_space<semaphore_mem>>) src(%dma_wait3A_962 : memref<1x12544xf32, #tpu.memory_space<hbm>>) dst(%dma_wait3A_960 : memref<1x12544xf32, #tpu.memory_space<vmem>>)
    %dma_wait3A_963 = arith.constant 0 : i32
    %dma_wait3A_964 = arith.constant 12544 : i32
    %dma_wait3A_965 = tpu.memref_slice %arg10[%dma_wait3A_963, %dma_wait3A_964] : memref<1x100000xf32, #tpu.memory_space<vmem>> -> memref<1x12544xf32, #tpu.memory_space<vmem>>
    %dma_wait3A_966 = arith.constant 12544 : i32
    %dma_wait3A_967 = tpu.memref_slice %arg6[%add3A_3, %dma_wait3A_966] : memref<64x100000xf32, #tpu.memory_space<hbm>> -> memref<1x12544xf32, #tpu.memory_space<hbm>>
    %dma_wait3A_968 = arith.constant 0 : i32
    %dma_wait3A_969 = arith.constant 12544 : i32
    %dma_wait3A_970 = tpu.memref_slice %arg10[%dma_wait3A_968, %dma_wait3A_969] : memref<1x100000xf32, #tpu.memory_space<vmem>> -> memref<1x12544xf32, #tpu.memory_space<vmem>>
    %dma_wait3A_971 = arith.constant 12544 : i32
    %dma_wait3A_972 = tpu.memref_slice %arg6[%add3A_3, %dma_wait3A_971] : memref<64x100000xf32, #tpu.memory_space<hbm>> -> memref<1x12544xf32, #tpu.memory_space<hbm>>
    tpu.wait_dma2 semaphore(%arg15 : memref<!tpu.dma_semaphore, #tpu.memory_space<semaphore_mem>>) src(%dma_wait3A_972 : memref<1x12544xf32, #tpu.memory_space<hbm>>) dst(%dma_wait3A_970 : memref<1x12544xf32, #tpu.memory_space<vmem>>)
    %dma_wait3A_973 = arith.constant 0 : i32
    %dma_wait3A_974 = arith.constant 25088 : i32
    %dma_wait3A_975 = tpu.memref_slice %arg10[%dma_wait3A_973, %dma_wait3A_974] : memref<1x100000xf32, #tpu.memory_space<vmem>> -> memref<1x12544xf32, #tpu.memory_space<vmem>>
    %dma_wait3A_976 = arith.constant 25088 : i32
    %dma_wait3A_977 = tpu.memref_slice %arg6[%add3A_3, %dma_wait3A_976] : memref<64x100000xf32, #tpu.memory_space<hbm>> -> memref<1x12544xf32, #tpu.memory_space<hbm>>
    %dma_wait3A_978 = arith.constant 0 : i32
    %dma_wait3A_979 = arith.constant 25088 : i32
    %dma_wait3A_980 = tpu.memref_slice %arg10[%dma_wait3A_978, %dma_wait3A_979] : memref<1x100000xf32, #tpu.memory_space<vmem>> -> memref<1x12544xf32, #tpu.memory_space<vmem>>
    %dma_wait3A_981 = arith.constant 25088 : i32
    %dma_wait3A_982 = tpu.memref_slice %arg6[%add3A_3, %dma_wait3A_981] : memref<64x100000xf32, #tpu.memory_space<hbm>> -> memref<1x12544xf32, #tpu.memory_space<hbm>>
    tpu.wait_dma2 semaphore(%arg15 : memref<!tpu.dma_semaphore, #tpu.memory_space<semaphore_mem>>) src(%dma_wait3A_982 : memref<1x12544xf32, #tpu.memory_space<hbm>>) dst(%dma_wait3A_980 : memref<1x12544xf32, #tpu.memory_space<vmem>>)
    %dma_wait3A_983 = arith.constant 0 : i32
    %dma_wait3A_984 = arith.constant 37632 : i32
    %dma_wait3A_985 = tpu.memref_slice %arg10[%dma_wait3A_983, %dma_wait3A_984] : memref<1x100000xf32, #tpu.memory_space<vmem>> -> memref<1x12544xf32, #tpu.memory_space<vmem>>
    %dma_wait3A_986 = arith.constant 37632 : i32
    %dma_wait3A_987 = tpu.memref_slice %arg6[%add3A_3, %dma_wait3A_986] : memref<64x100000xf32, #tpu.memory_space<hbm>> -> memref<1x12544xf32, #tpu.memory_space<hbm>>
    %dma_wait3A_988 = arith.constant 0 : i32
    %dma_wait3A_989 = arith.constant 37632 : i32
    %dma_wait3A_990 = tpu.memref_slice %arg10[%dma_wait3A_988, %dma_wait3A_989] : memref<1x100000xf32, #tpu.memory_space<vmem>> -> memref<1x12544xf32, #tpu.memory_space<vmem>>
    %dma_wait3A_991 = arith.constant 37632 : i32
    %dma_wait3A_992 = tpu.memref_slice %arg6[%add3A_3, %dma_wait3A_991] : memref<64x100000xf32, #tpu.memory_space<hbm>> -> memref<1x12544xf32, #tpu.memory_space<hbm>>
    tpu.wait_dma2 semaphore(%arg15 : memref<!tpu.dma_semaphore, #tpu.memory_space<semaphore_mem>>) src(%dma_wait3A_992 : memref<1x12544xf32, #tpu.memory_space<hbm>>) dst(%dma_wait3A_990 : memref<1x12544xf32, #tpu.memory_space<vmem>>)
    %dma_wait3A_993 = arith.constant 0 : i32
    %dma_wait3A_994 = arith.constant 50176 : i32
    %dma_wait3A_995 = tpu.memref_slice %arg10[%dma_wait3A_993, %dma_wait3A_994] : memref<1x100000xf32, #tpu.memory_space<vmem>> -> memref<1x12544xf32, #tpu.memory_space<vmem>>
    %dma_wait3A_996 = arith.constant 50176 : i32
    %dma_wait3A_997 = tpu.memref_slice %arg6[%add3A_3, %dma_wait3A_996] : memref<64x100000xf32, #tpu.memory_space<hbm>> -> memref<1x12544xf32, #tpu.memory_space<hbm>>
    %dma_wait3A_998 = arith.constant 0 : i32
    %dma_wait3A_999 = arith.constant 50176 : i32
    %dma_wait3A_1000 = tpu.memref_slice %arg10[%dma_wait3A_998, %dma_wait3A_999] : memref<1x100000xf32, #tpu.memory_space<vmem>> -> memref<1x12544xf32, #tpu.memory_space<vmem>>
    %dma_wait3A_1001 = arith.constant 50176 : i32
    %dma_wait3A_1002 = tpu.memref_slice %arg6[%add3A_3, %dma_wait3A_1001] : memref<64x100000xf32, #tpu.memory_space<hbm>> -> memref<1x12544xf32, #tpu.memory_space<hbm>>
    tpu.wait_dma2 semaphore(%arg15 : memref<!tpu.dma_semaphore, #tpu.memory_space<semaphore_mem>>) src(%dma_wait3A_1002 : memref<1x12544xf32, #tpu.memory_space<hbm>>) dst(%dma_wait3A_1000 : memref<1x12544xf32, #tpu.memory_space<vmem>>)
    %dma_wait3A_1003 = arith.constant 0 : i32
    %dma_wait3A_1004 = arith.constant 62720 : i32
    %dma_wait3A_1005 = tpu.memref_slice %arg10[%dma_wait3A_1003, %dma_wait3A_1004] : memref<1x100000xf32, #tpu.memory_space<vmem>> -> memref<1x12544xf32, #tpu.memory_space<vmem>>
    %dma_wait3A_1006 = arith.constant 62720 : i32
    %dma_wait3A_1007 = tpu.memref_slice %arg6[%add3A_3, %dma_wait3A_1006] : memref<64x100000xf32, #tpu.memory_space<hbm>> -> memref<1x12544xf32, #tpu.memory_space<hbm>>
    %dma_wait3A_1008 = arith.constant 0 : i32
    %dma_wait3A_1009 = arith.constant 62720 : i32
    %dma_wait3A_1010 = tpu.memref_slice %arg10[%dma_wait3A_1008, %dma_wait3A_1009] : memref<1x100000xf32, #tpu.memory_space<vmem>> -> memref<1x12544xf32, #tpu.memory_space<vmem>>
    %dma_wait3A_1011 = arith.constant 62720 : i32
    %dma_wait3A_1012 = tpu.memref_slice %arg6[%add3A_3, %dma_wait3A_1011] : memref<64x100000xf32, #tpu.memory_space<hbm>> -> memref<1x12544xf32, #tpu.memory_space<hbm>>
    tpu.wait_dma2 semaphore(%arg15 : memref<!tpu.dma_semaphore, #tpu.memory_space<semaphore_mem>>) src(%dma_wait3A_1012 : memref<1x12544xf32, #tpu.memory_space<hbm>>) dst(%dma_wait3A_1010 : memref<1x12544xf32, #tpu.memory_space<vmem>>)
    %dma_wait3A_1013 = arith.constant 0 : i32
    %dma_wait3A_1014 = arith.constant 75264 : i32
    %dma_wait3A_1015 = tpu.memref_slice %arg10[%dma_wait3A_1013, %dma_wait3A_1014] : memref<1x100000xf32, #tpu.memory_space<vmem>> -> memref<1x12544xf32, #tpu.memory_space<vmem>>
    %dma_wait3A_1016 = arith.constant 75264 : i32
    %dma_wait3A_1017 = tpu.memref_slice %arg6[%add3A_3, %dma_wait3A_1016] : memref<64x100000xf32, #tpu.memory_space<hbm>> -> memref<1x12544xf32, #tpu.memory_space<hbm>>
    %dma_wait3A_1018 = arith.constant 0 : i32
    %dma_wait3A_1019 = arith.constant 75264 : i32
    %dma_wait3A_1020 = tpu.memref_slice %arg10[%dma_wait3A_1018, %dma_wait3A_1019] : memref<1x100000xf32, #tpu.memory_space<vmem>> -> memref<1x12544xf32, #tpu.memory_space<vmem>>
    %dma_wait3A_1021 = arith.constant 75264 : i32
    %dma_wait3A_1022 = tpu.memref_slice %arg6[%add3A_3, %dma_wait3A_1021] : memref<64x100000xf32, #tpu.memory_space<hbm>> -> memref<1x12544xf32, #tpu.memory_space<hbm>>
    tpu.wait_dma2 semaphore(%arg15 : memref<!tpu.dma_semaphore, #tpu.memory_space<semaphore_mem>>) src(%dma_wait3A_1022 : memref<1x12544xf32, #tpu.memory_space<hbm>>) dst(%dma_wait3A_1020 : memref<1x12544xf32, #tpu.memory_space<vmem>>)
    %dma_wait3A_1023 = arith.constant 0 : i32
    %dma_wait3A_1024 = arith.constant 87808 : i32
    %dma_wait3A_1025 = tpu.memref_slice %arg10[%dma_wait3A_1023, %dma_wait3A_1024] : memref<1x100000xf32, #tpu.memory_space<vmem>> -> memref<1x12192xf32, #tpu.memory_space<vmem>>
    %dma_wait3A_1026 = arith.constant 87808 : i32
    %dma_wait3A_1027 = tpu.memref_slice %arg6[%add3A_3, %dma_wait3A_1026] : memref<64x100000xf32, #tpu.memory_space<hbm>> -> memref<1x12192xf32, #tpu.memory_space<hbm>>
    %dma_wait3A_1028 = arith.constant 0 : i32
    %dma_wait3A_1029 = arith.constant 87808 : i32
    %dma_wait3A_1030 = tpu.memref_slice %arg10[%dma_wait3A_1028, %dma_wait3A_1029] : memref<1x100000xf32, #tpu.memory_space<vmem>> -> memref<1x12192xf32, #tpu.memory_space<vmem>>
    %dma_wait3A_1031 = arith.constant 87808 : i32
    %dma_wait3A_1032 = tpu.memref_slice %arg6[%add3A_3, %dma_wait3A_1031] : memref<64x100000xf32, #tpu.memory_space<hbm>> -> memref<1x12192xf32, #tpu.memory_space<hbm>>
    tpu.wait_dma2 semaphore(%arg15 : memref<!tpu.dma_semaphore, #tpu.memory_space<semaphore_mem>>) src(%dma_wait3A_1032 : memref<1x12192xf32, #tpu.memory_space<hbm>>) dst(%dma_wait3A_1030 : memref<1x12192xf32, #tpu.memory_space<vmem>>)
    %dma_start3A_1033 = arith.constant 4096 : i32
    %dma_start3A_1034 = tpu.memref_slice %arg3[%dma_start3A_1033] : memref<16384xi32, #tpu.memory_space<hbm>> -> memref<4096xi32, #tpu.memory_space<hbm>>
    %dma_start3A_1035 = arith.constant 4096 : i32
    %dma_start3A_1036 = tpu.memref_slice %arg3[%dma_start3A_1035] : memref<16384xi32, #tpu.memory_space<hbm>> -> memref<4096xi32, #tpu.memory_space<hbm>>
    tpu.enqueue_dma source(%dma_start3A_1036 : memref<4096xi32, #tpu.memory_space<hbm>>) target(%arg12 : memref<4096xi32, #tpu.memory_space<vmem>>) target_semaphore(%arg16 : memref<!tpu.dma_semaphore, #tpu.memory_space<semaphore_mem>>)
    %dma_wait3A_1037 = arith.constant 0 : i32
    %dma_wait3A_1038 = tpu.memref_slice %arg3[%dma_wait3A_1037] : memref<16384xi32, #tpu.memory_space<hbm>> -> memref<4096xi32, #tpu.memory_space<hbm>>
    %dma_wait3A_1039 = arith.constant 0 : i32
    %dma_wait3A_1040 = tpu.memref_slice %arg3[%dma_wait3A_1039] : memref<16384xi32, #tpu.memory_space<hbm>> -> memref<4096xi32, #tpu.memory_space<hbm>>
    tpu.wait_dma2 semaphore(%arg16 : memref<!tpu.dma_semaphore, #tpu.memory_space<semaphore_mem>>) src(%dma_wait3A_1040 : memref<4096xi32, #tpu.memory_space<hbm>>) dst(%arg11 : memref<4096xi32, #tpu.memory_space<vmem>>)
    %dma_wait3A_1041 = arith.constant 8192 : i32
    %dma_wait3A_1042 = tpu.memref_slice %arg7[%add3A_3, %dma_wait3A_1041] : memref<64x16384xf32, #tpu.memory_space<hbm>> -> memref<1x4096xf32, #tpu.memory_space<hbm>>
    %dma_wait3A_1043 = tpu.memref_squeeze %dma_wait3A_1042 : memref<1x4096xf32, #tpu.memory_space<hbm>> -> memref<4096xf32, #tpu.memory_space<hbm>>
    %dma_wait3A_1044 = arith.constant 8192 : i32
    %dma_wait3A_1045 = tpu.memref_slice %arg7[%add3A_3, %dma_wait3A_1044] : memref<64x16384xf32, #tpu.memory_space<hbm>> -> memref<1x4096xf32, #tpu.memory_space<hbm>>
    %dma_wait3A_1046 = tpu.memref_squeeze %dma_wait3A_1045 : memref<1x4096xf32, #tpu.memory_space<hbm>> -> memref<4096xf32, #tpu.memory_space<hbm>>
    tpu.wait_dma2 semaphore(%arg17 : memref<!tpu.dma_semaphore, #tpu.memory_space<semaphore_mem>>) src(%arg13 : memref<4096xf32, #tpu.memory_space<vmem>>) dst(%dma_wait3A_1046 : memref<4096xf32, #tpu.memory_space<hbm>>)
    %scan3A_1047 = arith.constant 0 : i32
    %scan3A_1048 = arith.constant 32 : i32
    %scan3A_1049 = arith.addi %scan3A_1047, %scan3A_1048 : i32
    %scan3A_1050 = arith.constant 1 : i32
    scf.for %scan3A_1241 = %scan3A_1047 to %scan3A_1049 step %scan3A_1050  : i32 {
      %mul3A_1242 = arith.constant 128 : i32
      %mul3A_1243 = arith.muli %scan3A_1241, %mul3A_1242 : i32
      %add3A_1244 = arith.constant 0 : i32
      %add3A_1245 = arith.addi %add3A_1244, %mul3A_1243 : i32
      %add3A_1246 = arith.constant 0 : i32
      %add3A_1247 = arith.addi %add3A_1245, %add3A_1246 : i32
      %get3A = arith.index_cast %add3A_1247 : i32 to index
      %get3A_1248 = tpu.vector_load %arg11[%get3A] {strides = array<i32>} : memref<4096xi32, #tpu.memory_space<vmem>>, vector<16xi32>,
      %add3A_1249 = arith.constant 16 : i32
      %add3A_1250 = arith.addi %add3A_1245, %add3A_1249 : i32
      %get3A_1251 = arith.index_cast %add3A_1250 : i32 to index
      %get3A_1252 = tpu.vector_load %arg11[%get3A_1251] {strides = array<i32>} : memref<4096xi32, #tpu.memory_space<vmem>>, vector<16xi32>,
      %add3A_1253 = arith.constant 32 : i32
      %add3A_1254 = arith.addi %add3A_1245, %add3A_1253 : i32
      %get3A_1255 = arith.index_cast %add3A_1254 : i32 to index
      %get3A_1256 = tpu.vector_load %arg11[%get3A_1255] {strides = array<i32>} : memref<4096xi32, #tpu.memory_space<vmem>>, vector<16xi32>,
      %add3A_1257 = arith.constant 48 : i32
      %add3A_1258 = arith.addi %add3A_1245, %add3A_1257 : i32
      %get3A_1259 = arith.index_cast %add3A_1258 : i32 to index
      %get3A_1260 = tpu.vector_load %arg11[%get3A_1259] {strides = array<i32>} : memref<4096xi32, #tpu.memory_space<vmem>>, vector<16xi32>,
      %add3A_1261 = arith.constant 64 : i32
      %add3A_1262 = arith.addi %add3A_1245, %add3A_1261 : i32
      %get3A_1263 = arith.index_cast %add3A_1262 : i32 to index
      %get3A_1264 = tpu.vector_load %arg11[%get3A_1263] {strides = array<i32>} : memref<4096xi32, #tpu.memory_space<vmem>>, vector<16xi32>,
      %add3A_1265 = arith.constant 80 : i32
      %add3A_1266 = arith.addi %add3A_1245, %add3A_1265 : i32
      %get3A_1267 = arith.index_cast %add3A_1266 : i32 to index
      %get3A_1268 = tpu.vector_load %arg11[%get3A_1267] {strides = array<i32>} : memref<4096xi32, #tpu.memory_space<vmem>>, vector<16xi32>,
      %add3A_1269 = arith.constant 96 : i32
      %add3A_1270 = arith.addi %add3A_1245, %add3A_1269 : i32
      %get3A_1271 = arith.index_cast %add3A_1270 : i32 to index
      %get3A_1272 = tpu.vector_load %arg11[%get3A_1271] {strides = array<i32>} : memref<4096xi32, #tpu.memory_space<vmem>>, vector<16xi32>,
      %add3A_1273 = arith.constant 112 : i32
      %add3A_1274 = arith.addi %add3A_1245, %add3A_1273 : i32
      %get3A_1275 = arith.index_cast %add3A_1274 : i32 to index
      %get3A_1276 = tpu.vector_load %arg11[%get3A_1275] {strides = array<i32>} : memref<4096xi32, #tpu.memory_space<vmem>>, vector<16xi32>,
      %gather3A = tpu.vector_load_idx %arg10[%broadcast_in_dim3A_1, %get3A_1248] : memref<1x100000xf32, #tpu.memory_space<vmem>>[vector<16xi32>, vector<16xi32>], vector<16xf32>,
      %gather3A_1277 = tpu.vector_load_idx %arg10[%broadcast_in_dim3A_1, %get3A_1252] : memref<1x100000xf32, #tpu.memory_space<vmem>>[vector<16xi32>, vector<16xi32>], vector<16xf32>,
      %gather3A_1278 = tpu.vector_load_idx %arg10[%broadcast_in_dim3A_1, %get3A_1256] : memref<1x100000xf32, #tpu.memory_space<vmem>>[vector<16xi32>, vector<16xi32>], vector<16xf32>,
      %gather3A_1279 = tpu.vector_load_idx %arg10[%broadcast_in_dim3A_1, %get3A_1260] : memref<1x100000xf32, #tpu.memory_space<vmem>>[vector<16xi32>, vector<16xi32>], vector<16xf32>,
      %gather3A_1280 = tpu.vector_load_idx %arg10[%broadcast_in_dim3A_1, %get3A_1264] : memref<1x100000xf32, #tpu.memory_space<vmem>>[vector<16xi32>, vector<16xi32>], vector<16xf32>,
      %gather3A_1281 = tpu.vector_load_idx %arg10[%broadcast_in_dim3A_1, %get3A_1268] : memref<1x100000xf32, #tpu.memory_space<vmem>>[vector<16xi32>, vector<16xi32>], vector<16xf32>,
      %gather3A_1282 = tpu.vector_load_idx %arg10[%broadcast_in_dim3A_1, %get3A_1272] : memref<1x100000xf32, #tpu.memory_space<vmem>>[vector<16xi32>, vector<16xi32>], vector<16xf32>,
      %gather3A_1283 = tpu.vector_load_idx %arg10[%broadcast_in_dim3A_1, %get3A_1276] : memref<1x100000xf32, #tpu.memory_space<vmem>>[vector<16xi32>, vector<16xi32>], vector<16xf32>,
      %add3A_1284 = arith.constant 0 : i32
      %add3A_1285 = arith.addi %add3A_1245, %add3A_1284 : i32
      %swap3A = arith.index_cast %add3A_1285 : i32 to index
      %swap3A_1286 = tpu.vector_load %arg13[%swap3A] {strides = array<i32>} : memref<4096xf32, #tpu.memory_space<vmem>>, vector<16xf32>,
      tpu.vector_store %arg13[%swap3A], %gather3A {strides = array<i32>} : memref<4096xf32, #tpu.memory_space<vmem>>, vector<16xf32>,
      %add3A_1287 = arith.constant 16 : i32
      %add3A_1288 = arith.addi %add3A_1245, %add3A_1287 : i32
      %swap3A_1289 = arith.index_cast %add3A_1288 : i32 to index
      %swap3A_1290 = tpu.vector_load %arg13[%swap3A_1289] {strides = array<i32>} : memref<4096xf32, #tpu.memory_space<vmem>>, vector<16xf32>,
      tpu.vector_store %arg13[%swap3A_1289], %gather3A_1277 {strides = array<i32>} : memref<4096xf32, #tpu.memory_space<vmem>>, vector<16xf32>,
      %add3A_1291 = arith.constant 32 : i32
      %add3A_1292 = arith.addi %add3A_1245, %add3A_1291 : i32
      %swap3A_1293 = arith.index_cast %add3A_1292 : i32 to index
      %swap3A_1294 = tpu.vector_load %arg13[%swap3A_1293] {strides = array<i32>} : memref<4096xf32, #tpu.memory_space<vmem>>, vector<16xf32>,
      tpu.vector_store %arg13[%swap3A_1293], %gather3A_1278 {strides = array<i32>} : memref<4096xf32, #tpu.memory_space<vmem>>, vector<16xf32>,
      %add3A_1295 = arith.constant 48 : i32
      %add3A_1296 = arith.addi %add3A_1245, %add3A_1295 : i32
      %swap3A_1297 = arith.index_cast %add3A_1296 : i32 to index
      %swap3A_1298 = tpu.vector_load %arg13[%swap3A_1297] {strides = array<i32>} : memref<4096xf32, #tpu.memory_space<vmem>>, vector<16xf32>,
      tpu.vector_store %arg13[%swap3A_1297], %gather3A_1279 {strides = array<i32>} : memref<4096xf32, #tpu.memory_space<vmem>>, vector<16xf32>,
      %add3A_1299 = arith.constant 64 : i32
      %add3A_1300 = arith.addi %add3A_1245, %add3A_1299 : i32
      %swap3A_1301 = arith.index_cast %add3A_1300 : i32 to index
      %swap3A_1302 = tpu.vector_load %arg13[%swap3A_1301] {strides = array<i32>} : memref<4096xf32, #tpu.memory_space<vmem>>, vector<16xf32>,
      tpu.vector_store %arg13[%swap3A_1301], %gather3A_1280 {strides = array<i32>} : memref<4096xf32, #tpu.memory_space<vmem>>, vector<16xf32>,
      %add3A_1303 = arith.constant 80 : i32
      %add3A_1304 = arith.addi %add3A_1245, %add3A_1303 : i32
      %swap3A_1305 = arith.index_cast %add3A_1304 : i32 to index
      %swap3A_1306 = tpu.vector_load %arg13[%swap3A_1305] {strides = array<i32>} : memref<4096xf32, #tpu.memory_space<vmem>>, vector<16xf32>,
      tpu.vector_store %arg13[%swap3A_1305], %gather3A_1281 {strides = array<i32>} : memref<4096xf32, #tpu.memory_space<vmem>>, vector<16xf32>,
      %add3A_1307 = arith.constant 96 : i32
      %add3A_1308 = arith.addi %add3A_1245, %add3A_1307 : i32
      %swap3A_1309 = arith.index_cast %add3A_1308 : i32 to index
      %swap3A_1310 = tpu.vector_load %arg13[%swap3A_1309] {strides = array<i32>} : memref<4096xf32, #tpu.memory_space<vmem>>, vector<16xf32>,
      tpu.vector_store %arg13[%swap3A_1309], %gather3A_1282 {strides = array<i32>} : memref<4096xf32, #tpu.memory_space<vmem>>, vector<16xf32>,
      %add3A_1311 = arith.constant 112 : i32
      %add3A_1312 = arith.addi %add3A_1245, %add3A_1311 : i32
      %swap3A_1313 = arith.index_cast %add3A_1312 : i32 to index
      %swap3A_1314 = tpu.vector_load %arg13[%swap3A_1313] {strides = array<i32>} : memref<4096xf32, #tpu.memory_space<vmem>>, vector<16xf32>,
      tpu.vector_store %arg13[%swap3A_1313], %gather3A_1283 {strides = array<i32>} : memref<4096xf32, #tpu.memory_space<vmem>>, vector<16xf32>,
    }
    %scan3A_1051 = arith.constant 32 : i32
    %dma_start3A_1052 = arith.constant 0 : i32
    %dma_start3A_1053 = tpu.memref_slice %arg8[%add3A_3, %dma_start3A_1052] : memref<64x16384xf32, #tpu.memory_space<hbm>> -> memref<1x4096xf32, #tpu.memory_space<hbm>>
    %dma_start3A_1054 = tpu.memref_squeeze %dma_start3A_1053 : memref<1x4096xf32, #tpu.memory_space<hbm>> -> memref<4096xf32, #tpu.memory_space<hbm>>
    %dma_start3A_1055 = arith.constant 0 : i32
    %dma_start3A_1056 = tpu.memref_slice %arg8[%add3A_3, %dma_start3A_1055] : memref<64x16384xf32, #tpu.memory_space<hbm>> -> memref<1x4096xf32, #tpu.memory_space<hbm>>
    %dma_start3A_1057 = tpu.memref_squeeze %dma_start3A_1056 : memref<1x4096xf32, #tpu.memory_space<hbm>> -> memref<4096xf32, #tpu.memory_space<hbm>>
    tpu.enqueue_dma source(%arg13 : memref<4096xf32, #tpu.memory_space<vmem>>) target(%dma_start3A_1057 : memref<4096xf32, #tpu.memory_space<hbm>>) target_semaphore(%arg17 : memref<!tpu.dma_semaphore, #tpu.memory_space<semaphore_mem>>)
    %dma_start3A_1058 = arith.constant 8192 : i32
    %dma_start3A_1059 = tpu.memref_slice %arg3[%dma_start3A_1058] : memref<16384xi32, #tpu.memory_space<hbm>> -> memref<4096xi32, #tpu.memory_space<hbm>>
    %dma_start3A_1060 = arith.constant 8192 : i32
    %dma_start3A_1061 = tpu.memref_slice %arg3[%dma_start3A_1060] : memref<16384xi32, #tpu.memory_space<hbm>> -> memref<4096xi32, #tpu.memory_space<hbm>>
    tpu.enqueue_dma source(%dma_start3A_1061 : memref<4096xi32, #tpu.memory_space<hbm>>) target(%arg11 : memref<4096xi32, #tpu.memory_space<vmem>>) target_semaphore(%arg16 : memref<!tpu.dma_semaphore, #tpu.memory_space<semaphore_mem>>)
    %dma_wait3A_1062 = arith.constant 4096 : i32
    %dma_wait3A_1063 = tpu.memref_slice %arg3[%dma_wait3A_1062] : memref<16384xi32, #tpu.memory_space<hbm>> -> memref<4096xi32, #tpu.memory_space<hbm>>
    %dma_wait3A_1064 = arith.constant 4096 : i32
    %dma_wait3A_1065 = tpu.memref_slice %arg3[%dma_wait3A_1064] : memref<16384xi32, #tpu.memory_space<hbm>> -> memref<4096xi32, #tpu.memory_space<hbm>>
    tpu.wait_dma2 semaphore(%arg16 : memref<!tpu.dma_semaphore, #tpu.memory_space<semaphore_mem>>) src(%dma_wait3A_1065 : memref<4096xi32, #tpu.memory_space<hbm>>) dst(%arg12 : memref<4096xi32, #tpu.memory_space<vmem>>)
    %dma_wait3A_1066 = arith.constant 12288 : i32
    %dma_wait3A_1067 = tpu.memref_slice %arg7[%add3A_3, %dma_wait3A_1066] : memref<64x16384xf32, #tpu.memory_space<hbm>> -> memref<1x4096xf32, #tpu.memory_space<hbm>>
    %dma_wait3A_1068 = tpu.memref_squeeze %dma_wait3A_1067 : memref<1x4096xf32, #tpu.memory_space<hbm>> -> memref<4096xf32, #tpu.memory_space<hbm>>
    %dma_wait3A_1069 = arith.constant 12288 : i32
    %dma_wait3A_1070 = tpu.memref_slice %arg7[%add3A_3, %dma_wait3A_1069] : memref<64x16384xf32, #tpu.memory_space<hbm>> -> memref<1x4096xf32, #tpu.memory_space<hbm>>
    %dma_wait3A_1071 = tpu.memref_squeeze %dma_wait3A_1070 : memref<1x4096xf32, #tpu.memory_space<hbm>> -> memref<4096xf32, #tpu.memory_space<hbm>>
    tpu.wait_dma2 semaphore(%arg17 : memref<!tpu.dma_semaphore, #tpu.memory_space<semaphore_mem>>) src(%arg14 : memref<4096xf32, #tpu.memory_space<vmem>>) dst(%dma_wait3A_1071 : memref<4096xf32, #tpu.memory_space<hbm>>)
    %scan3A_1072 = arith.constant 0 : i32
    %scan3A_1073 = arith.constant 32 : i32
    %scan3A_1074 = arith.addi %scan3A_1072, %scan3A_1073 : i32
    %scan3A_1075 = arith.constant 1 : i32
    scf.for %scan3A_1241 = %scan3A_1072 to %scan3A_1074 step %scan3A_1075  : i32 {
      %mul3A_1242 = arith.constant 128 : i32
      %mul3A_1243 = arith.muli %scan3A_1241, %mul3A_1242 : i32
      %add3A_1244 = arith.constant 0 : i32
      %add3A_1245 = arith.addi %add3A_1244, %mul3A_1243 : i32
      %add3A_1246 = arith.constant 0 : i32
      %add3A_1247 = arith.addi %add3A_1245, %add3A_1246 : i32
      %get3A = arith.index_cast %add3A_1247 : i32 to index
      %get3A_1248 = tpu.vector_load %arg12[%get3A] {strides = array<i32>} : memref<4096xi32, #tpu.memory_space<vmem>>, vector<16xi32>,
      %add3A_1249 = arith.constant 16 : i32
      %add3A_1250 = arith.addi %add3A_1245, %add3A_1249 : i32
      %get3A_1251 = arith.index_cast %add3A_1250 : i32 to index
      %get3A_1252 = tpu.vector_load %arg12[%get3A_1251] {strides = array<i32>} : memref<4096xi32, #tpu.memory_space<vmem>>, vector<16xi32>,
      %add3A_1253 = arith.constant 32 : i32
      %add3A_1254 = arith.addi %add3A_1245, %add3A_1253 : i32
      %get3A_1255 = arith.index_cast %add3A_1254 : i32 to index
      %get3A_1256 = tpu.vector_load %arg12[%get3A_1255] {strides = array<i32>} : memref<4096xi32, #tpu.memory_space<vmem>>, vector<16xi32>,
      %add3A_1257 = arith.constant 48 : i32
      %add3A_1258 = arith.addi %add3A_1245, %add3A_1257 : i32
      %get3A_1259 = arith.index_cast %add3A_1258 : i32 to index
      %get3A_1260 = tpu.vector_load %arg12[%get3A_1259] {strides = array<i32>} : memref<4096xi32, #tpu.memory_space<vmem>>, vector<16xi32>,
      %add3A_1261 = arith.constant 64 : i32
      %add3A_1262 = arith.addi %add3A_1245, %add3A_1261 : i32
      %get3A_1263 = arith.index_cast %add3A_1262 : i32 to index
      %get3A_1264 = tpu.vector_load %arg12[%get3A_1263] {strides = array<i32>} : memref<4096xi32, #tpu.memory_space<vmem>>, vector<16xi32>,
      %add3A_1265 = arith.constant 80 : i32
      %add3A_1266 = arith.addi %add3A_1245, %add3A_1265 : i32
      %get3A_1267 = arith.index_cast %add3A_1266 : i32 to index
      %get3A_1268 = tpu.vector_load %arg12[%get3A_1267] {strides = array<i32>} : memref<4096xi32, #tpu.memory_space<vmem>>, vector<16xi32>,
      %add3A_1269 = arith.constant 96 : i32
      %add3A_1270 = arith.addi %add3A_1245, %add3A_1269 : i32
      %get3A_1271 = arith.index_cast %add3A_1270 : i32 to index
      %get3A_1272 = tpu.vector_load %arg12[%get3A_1271] {strides = array<i32>} : memref<4096xi32, #tpu.memory_space<vmem>>, vector<16xi32>,
      %add3A_1273 = arith.constant 112 : i32
      %add3A_1274 = arith.addi %add3A_1245, %add3A_1273 : i32
      %get3A_1275 = arith.index_cast %add3A_1274 : i32 to index
      %get3A_1276 = tpu.vector_load %arg12[%get3A_1275] {strides = array<i32>} : memref<4096xi32, #tpu.memory_space<vmem>>, vector<16xi32>,
      %gather3A = tpu.vector_load_idx %arg10[%broadcast_in_dim3A_1, %get3A_1248] : memref<1x100000xf32, #tpu.memory_space<vmem>>[vector<16xi32>, vector<16xi32>], vector<16xf32>,
      %gather3A_1277 = tpu.vector_load_idx %arg10[%broadcast_in_dim3A_1, %get3A_1252] : memref<1x100000xf32, #tpu.memory_space<vmem>>[vector<16xi32>, vector<16xi32>], vector<16xf32>,
      %gather3A_1278 = tpu.vector_load_idx %arg10[%broadcast_in_dim3A_1, %get3A_1256] : memref<1x100000xf32, #tpu.memory_space<vmem>>[vector<16xi32>, vector<16xi32>], vector<16xf32>,
      %gather3A_1279 = tpu.vector_load_idx %arg10[%broadcast_in_dim3A_1, %get3A_1260] : memref<1x100000xf32, #tpu.memory_space<vmem>>[vector<16xi32>, vector<16xi32>], vector<16xf32>,
      %gather3A_1280 = tpu.vector_load_idx %arg10[%broadcast_in_dim3A_1, %get3A_1264] : memref<1x100000xf32, #tpu.memory_space<vmem>>[vector<16xi32>, vector<16xi32>], vector<16xf32>,
      %gather3A_1281 = tpu.vector_load_idx %arg10[%broadcast_in_dim3A_1, %get3A_1268] : memref<1x100000xf32, #tpu.memory_space<vmem>>[vector<16xi32>, vector<16xi32>], vector<16xf32>,
      %gather3A_1282 = tpu.vector_load_idx %arg10[%broadcast_in_dim3A_1, %get3A_1272] : memref<1x100000xf32, #tpu.memory_space<vmem>>[vector<16xi32>, vector<16xi32>], vector<16xf32>,
      %gather3A_1283 = tpu.vector_load_idx %arg10[%broadcast_in_dim3A_1, %get3A_1276] : memref<1x100000xf32, #tpu.memory_space<vmem>>[vector<16xi32>, vector<16xi32>], vector<16xf32>,
      %add3A_1284 = arith.constant 0 : i32
      %add3A_1285 = arith.addi %add3A_1245, %add3A_1284 : i32
      %swap3A = arith.index_cast %add3A_1285 : i32 to index
      %swap3A_1286 = tpu.vector_load %arg14[%swap3A] {strides = array<i32>} : memref<4096xf32, #tpu.memory_space<vmem>>, vector<16xf32>,
      tpu.vector_store %arg14[%swap3A], %gather3A {strides = array<i32>} : memref<4096xf32, #tpu.memory_space<vmem>>, vector<16xf32>,
      %add3A_1287 = arith.constant 16 : i32
      %add3A_1288 = arith.addi %add3A_1245, %add3A_1287 : i32
      %swap3A_1289 = arith.index_cast %add3A_1288 : i32 to index
      %swap3A_1290 = tpu.vector_load %arg14[%swap3A_1289] {strides = array<i32>} : memref<4096xf32, #tpu.memory_space<vmem>>, vector<16xf32>,
      tpu.vector_store %arg14[%swap3A_1289], %gather3A_1277 {strides = array<i32>} : memref<4096xf32, #tpu.memory_space<vmem>>, vector<16xf32>,
      %add3A_1291 = arith.constant 32 : i32
      %add3A_1292 = arith.addi %add3A_1245, %add3A_1291 : i32
      %swap3A_1293 = arith.index_cast %add3A_1292 : i32 to index
      %swap3A_1294 = tpu.vector_load %arg14[%swap3A_1293] {strides = array<i32>} : memref<4096xf32, #tpu.memory_space<vmem>>, vector<16xf32>,
      tpu.vector_store %arg14[%swap3A_1293], %gather3A_1278 {strides = array<i32>} : memref<4096xf32, #tpu.memory_space<vmem>>, vector<16xf32>,
      %add3A_1295 = arith.constant 48 : i32
      %add3A_1296 = arith.addi %add3A_1245, %add3A_1295 : i32
      %swap3A_1297 = arith.index_cast %add3A_1296 : i32 to index
      %swap3A_1298 = tpu.vector_load %arg14[%swap3A_1297] {strides = array<i32>} : memref<4096xf32, #tpu.memory_space<vmem>>, vector<16xf32>,
      tpu.vector_store %arg14[%swap3A_1297], %gather3A_1279 {strides = array<i32>} : memref<4096xf32, #tpu.memory_space<vmem>>, vector<16xf32>,
      %add3A_1299 = arith.constant 64 : i32
      %add3A_1300 = arith.addi %add3A_1245, %add3A_1299 : i32
      %swap3A_1301 = arith.index_cast %add3A_1300 : i32 to index
      %swap3A_1302 = tpu.vector_load %arg14[%swap3A_1301] {strides = array<i32>} : memref<4096xf32, #tpu.memory_space<vmem>>, vector<16xf32>,
      tpu.vector_store %arg14[%swap3A_1301], %gather3A_1280 {strides = array<i32>} : memref<4096xf32, #tpu.memory_space<vmem>>, vector<16xf32>,
      %add3A_1303 = arith.constant 80 : i32
      %add3A_1304 = arith.addi %add3A_1245, %add3A_1303 : i32
      %swap3A_1305 = arith.index_cast %add3A_1304 : i32 to index
      %swap3A_1306 = tpu.vector_load %arg14[%swap3A_1305] {strides = array<i32>} : memref<4096xf32, #tpu.memory_space<vmem>>, vector<16xf32>,
      tpu.vector_store %arg14[%swap3A_1305], %gather3A_1281 {strides = array<i32>} : memref<4096xf32, #tpu.memory_space<vmem>>, vector<16xf32>,
      %add3A_1307 = arith.constant 96 : i32
      %add3A_1308 = arith.addi %add3A_1245, %add3A_1307 : i32
      %swap3A_1309 = arith.index_cast %add3A_1308 : i32 to index
      %swap3A_1310 = tpu.vector_load %arg14[%swap3A_1309] {strides = array<i32>} : memref<4096xf32, #tpu.memory_space<vmem>>, vector<16xf32>,
      tpu.vector_store %arg14[%swap3A_1309], %gather3A_1282 {strides = array<i32>} : memref<4096xf32, #tpu.memory_space<vmem>>, vector<16xf32>,
      %add3A_1311 = arith.constant 112 : i32
      %add3A_1312 = arith.addi %add3A_1245, %add3A_1311 : i32
      %swap3A_1313 = arith.index_cast %add3A_1312 : i32 to index
      %swap3A_1314 = tpu.vector_load %arg14[%swap3A_1313] {strides = array<i32>} : memref<4096xf32, #tpu.memory_space<vmem>>, vector<16xf32>,
      tpu.vector_store %arg14[%swap3A_1313], %gather3A_1283 {strides = array<i32>} : memref<4096xf32, #tpu.memory_space<vmem>>, vector<16xf32>,
    }
    %scan3A_1076 = arith.constant 32 : i32
    %dma_start3A_1077 = arith.constant 4096 : i32
    %dma_start3A_1078 = tpu.memref_slice %arg8[%add3A_3, %dma_start3A_1077] : memref<64x16384xf32, #tpu.memory_space<hbm>> -> memref<1x4096xf32, #tpu.memory_space<hbm>>
    %dma_start3A_1079 = tpu.memref_squeeze %dma_start3A_1078 : memref<1x4096xf32, #tpu.memory_space<hbm>> -> memref<4096xf32, #tpu.memory_space<hbm>>
    %dma_start3A_1080 = arith.constant 4096 : i32
    %dma_start3A_1081 = tpu.memref_slice %arg8[%add3A_3, %dma_start3A_1080] : memref<64x16384xf32, #tpu.memory_space<hbm>> -> memref<1x4096xf32, #tpu.memory_space<hbm>>
    %dma_start3A_1082 = tpu.memref_squeeze %dma_start3A_1081 : memref<1x4096xf32, #tpu.memory_space<hbm>> -> memref<4096xf32, #tpu.memory_space<hbm>>
    tpu.enqueue_dma source(%arg14 : memref<4096xf32, #tpu.memory_space<vmem>>) target(%dma_start3A_1082 : memref<4096xf32, #tpu.memory_space<hbm>>) target_semaphore(%arg17 : memref<!tpu.dma_semaphore, #tpu.memory_space<semaphore_mem>>)
    %dma_start3A_1083 = arith.constant 12288 : i32
    %dma_start3A_1084 = tpu.memref_slice %arg3[%dma_start3A_1083] : memref<16384xi32, #tpu.memory_space<hbm>> -> memref<4096xi32, #tpu.memory_space<hbm>>
    %dma_start3A_1085 = arith.constant 12288 : i32
    %dma_start3A_1086 = tpu.memref_slice %arg3[%dma_start3A_1085] : memref<16384xi32, #tpu.memory_space<hbm>> -> memref<4096xi32, #tpu.memory_space<hbm>>
    tpu.enqueue_dma source(%dma_start3A_1086 : memref<4096xi32, #tpu.memory_space<hbm>>) target(%arg12 : memref<4096xi32, #tpu.memory_space<vmem>>) target_semaphore(%arg16 : memref<!tpu.dma_semaphore, #tpu.memory_space<semaphore_mem>>)
    %dma_wait3A_1087 = arith.constant 8192 : i32
    %dma_wait3A_1088 = tpu.memref_slice %arg3[%dma_wait3A_1087] : memref<16384xi32, #tpu.memory_space<hbm>> -> memref<4096xi32, #tpu.memory_space<hbm>>
    %dma_wait3A_1089 = arith.constant 8192 : i32
    %dma_wait3A_1090 = tpu.memref_slice %arg3[%dma_wait3A_1089] : memref<16384xi32, #tpu.memory_space<hbm>> -> memref<4096xi32, #tpu.memory_space<hbm>>
    tpu.wait_dma2 semaphore(%arg16 : memref<!tpu.dma_semaphore, #tpu.memory_space<semaphore_mem>>) src(%dma_wait3A_1090 : memref<4096xi32, #tpu.memory_space<hbm>>) dst(%arg11 : memref<4096xi32, #tpu.memory_space<vmem>>)
    %dma_wait3A_1091 = arith.constant 0 : i32
    %dma_wait3A_1092 = tpu.memref_slice %arg8[%add3A_3, %dma_wait3A_1091] : memref<64x16384xf32, #tpu.memory_space<hbm>> -> memref<1x4096xf32, #tpu.memory_space<hbm>>
    %dma_wait3A_1093 = tpu.memref_squeeze %dma_wait3A_1092 : memref<1x4096xf32, #tpu.memory_space<hbm>> -> memref<4096xf32, #tpu.memory_space<hbm>>
    %dma_wait3A_1094 = arith.constant 0 : i32
    %dma_wait3A_1095 = tpu.memref_slice %arg8[%add3A_3, %dma_wait3A_1094] : memref<64x16384xf32, #tpu.memory_space<hbm>> -> memref<1x4096xf32, #tpu.memory_space<hbm>>
    %dma_wait3A_1096 = tpu.memref_squeeze %dma_wait3A_1095 : memref<1x4096xf32, #tpu.memory_space<hbm>> -> memref<4096xf32, #tpu.memory_space<hbm>>
    tpu.wait_dma2 semaphore(%arg17 : memref<!tpu.dma_semaphore, #tpu.memory_space<semaphore_mem>>) src(%arg13 : memref<4096xf32, #tpu.memory_space<vmem>>) dst(%dma_wait3A_1096 : memref<4096xf32, #tpu.memory_space<hbm>>)
    %scan3A_1097 = arith.constant 0 : i32
    %scan3A_1098 = arith.constant 32 : i32
    %scan3A_1099 = arith.addi %scan3A_1097, %scan3A_1098 : i32
    %scan3A_1100 = arith.constant 1 : i32
    scf.for %scan3A_1241 = %scan3A_1097 to %scan3A_1099 step %scan3A_1100  : i32 {
      %mul3A_1242 = arith.constant 128 : i32
      %mul3A_1243 = arith.muli %scan3A_1241, %mul3A_1242 : i32
      %add3A_1244 = arith.constant 0 : i32
      %add3A_1245 = arith.addi %add3A_1244, %mul3A_1243 : i32
      %add3A_1246 = arith.constant 0 : i32
      %add3A_1247 = arith.addi %add3A_1245, %add3A_1246 : i32
      %get3A = arith.index_cast %add3A_1247 : i32 to index
      %get3A_1248 = tpu.vector_load %arg11[%get3A] {strides = array<i32>} : memref<4096xi32, #tpu.memory_space<vmem>>, vector<16xi32>,
      %add3A_1249 = arith.constant 16 : i32
      %add3A_1250 = arith.addi %add3A_1245, %add3A_1249 : i32
      %get3A_1251 = arith.index_cast %add3A_1250 : i32 to index
      %get3A_1252 = tpu.vector_load %arg11[%get3A_1251] {strides = array<i32>} : memref<4096xi32, #tpu.memory_space<vmem>>, vector<16xi32>,
      %add3A_1253 = arith.constant 32 : i32
      %add3A_1254 = arith.addi %add3A_1245, %add3A_1253 : i32
      %get3A_1255 = arith.index_cast %add3A_1254 : i32 to index
      %get3A_1256 = tpu.vector_load %arg11[%get3A_1255] {strides = array<i32>} : memref<4096xi32, #tpu.memory_space<vmem>>, vector<16xi32>,
      %add3A_1257 = arith.constant 48 : i32
      %add3A_1258 = arith.addi %add3A_1245, %add3A_1257 : i32
      %get3A_1259 = arith.index_cast %add3A_1258 : i32 to index
      %get3A_1260 = tpu.vector_load %arg11[%get3A_1259] {strides = array<i32>} : memref<4096xi32, #tpu.memory_space<vmem>>, vector<16xi32>,
      %add3A_1261 = arith.constant 64 : i32
      %add3A_1262 = arith.addi %add3A_1245, %add3A_1261 : i32
      %get3A_1263 = arith.index_cast %add3A_1262 : i32 to index
      %get3A_1264 = tpu.vector_load %arg11[%get3A_1263] {strides = array<i32>} : memref<4096xi32, #tpu.memory_space<vmem>>, vector<16xi32>,
      %add3A_1265 = arith.constant 80 : i32
      %add3A_1266 = arith.addi %add3A_1245, %add3A_1265 : i32
      %get3A_1267 = arith.index_cast %add3A_1266 : i32 to index
      %get3A_1268 = tpu.vector_load %arg11[%get3A_1267] {strides = array<i32>} : memref<4096xi32, #tpu.memory_space<vmem>>, vector<16xi32>,
      %add3A_1269 = arith.constant 96 : i32
      %add3A_1270 = arith.addi %add3A_1245, %add3A_1269 : i32
      %get3A_1271 = arith.index_cast %add3A_1270 : i32 to index
      %get3A_1272 = tpu.vector_load %arg11[%get3A_1271] {strides = array<i32>} : memref<4096xi32, #tpu.memory_space<vmem>>, vector<16xi32>,
      %add3A_1273 = arith.constant 112 : i32
      %add3A_1274 = arith.addi %add3A_1245, %add3A_1273 : i32
      %get3A_1275 = arith.index_cast %add3A_1274 : i32 to index
      %get3A_1276 = tpu.vector_load %arg11[%get3A_1275] {strides = array<i32>} : memref<4096xi32, #tpu.memory_space<vmem>>, vector<16xi32>,
      %gather3A = tpu.vector_load_idx %arg10[%broadcast_in_dim3A_1, %get3A_1248] : memref<1x100000xf32, #tpu.memory_space<vmem>>[vector<16xi32>, vector<16xi32>], vector<16xf32>,
      %gather3A_1277 = tpu.vector_load_idx %arg10[%broadcast_in_dim3A_1, %get3A_1252] : memref<1x100000xf32, #tpu.memory_space<vmem>>[vector<16xi32>, vector<16xi32>], vector<16xf32>,
      %gather3A_1278 = tpu.vector_load_idx %arg10[%broadcast_in_dim3A_1, %get3A_1256] : memref<1x100000xf32, #tpu.memory_space<vmem>>[vector<16xi32>, vector<16xi32>], vector<16xf32>,
      %gather3A_1279 = tpu.vector_load_idx %arg10[%broadcast_in_dim3A_1, %get3A_1260] : memref<1x100000xf32, #tpu.memory_space<vmem>>[vector<16xi32>, vector<16xi32>], vector<16xf32>,
      %gather3A_1280 = tpu.vector_load_idx %arg10[%broadcast_in_dim3A_1, %get3A_1264] : memref<1x100000xf32, #tpu.memory_space<vmem>>[vector<16xi32>, vector<16xi32>], vector<16xf32>,
      %gather3A_1281 = tpu.vector_load_idx %arg10[%broadcast_in_dim3A_1, %get3A_1268] : memref<1x100000xf32, #tpu.memory_space<vmem>>[vector<16xi32>, vector<16xi32>], vector<16xf32>,
      %gather3A_1282 = tpu.vector_load_idx %arg10[%broadcast_in_dim3A_1, %get3A_1272] : memref<1x100000xf32, #tpu.memory_space<vmem>>[vector<16xi32>, vector<16xi32>], vector<16xf32>,
      %gather3A_1283 = tpu.vector_load_idx %arg10[%broadcast_in_dim3A_1, %get3A_1276] : memref<1x100000xf32, #tpu.memory_space<vmem>>[vector<16xi32>, vector<16xi32>], vector<16xf32>,
      %add3A_1284 = arith.constant 0 : i32
      %add3A_1285 = arith.addi %add3A_1245, %add3A_1284 : i32
      %swap3A = arith.index_cast %add3A_1285 : i32 to index
      %swap3A_1286 = tpu.vector_load %arg13[%swap3A] {strides = array<i32>} : memref<4096xf32, #tpu.memory_space<vmem>>, vector<16xf32>,
      tpu.vector_store %arg13[%swap3A], %gather3A {strides = array<i32>} : memref<4096xf32, #tpu.memory_space<vmem>>, vector<16xf32>,
      %add3A_1287 = arith.constant 16 : i32
      %add3A_1288 = arith.addi %add3A_1245, %add3A_1287 : i32
      %swap3A_1289 = arith.index_cast %add3A_1288 : i32 to index
      %swap3A_1290 = tpu.vector_load %arg13[%swap3A_1289] {strides = array<i32>} : memref<4096xf32, #tpu.memory_space<vmem>>, vector<16xf32>,
      tpu.vector_store %arg13[%swap3A_1289], %gather3A_1277 {strides = array<i32>} : memref<4096xf32, #tpu.memory_space<vmem>>, vector<16xf32>,
      %add3A_1291 = arith.constant 32 : i32
      %add3A_1292 = arith.addi %add3A_1245, %add3A_1291 : i32
      %swap3A_1293 = arith.index_cast %add3A_1292 : i32 to index
      %swap3A_1294 = tpu.vector_load %arg13[%swap3A_1293] {strides = array<i32>} : memref<4096xf32, #tpu.memory_space<vmem>>, vector<16xf32>,
      tpu.vector_store %arg13[%swap3A_1293], %gather3A_1278 {strides = array<i32>} : memref<4096xf32, #tpu.memory_space<vmem>>, vector<16xf32>,
      %add3A_1295 = arith.constant 48 : i32
      %add3A_1296 = arith.addi %add3A_1245, %add3A_1295 : i32
      %swap3A_1297 = arith.index_cast %add3A_1296 : i32 to index
      %swap3A_1298 = tpu.vector_load %arg13[%swap3A_1297] {strides = array<i32>} : memref<4096xf32, #tpu.memory_space<vmem>>, vector<16xf32>,
      tpu.vector_store %arg13[%swap3A_1297], %gather3A_1279 {strides = array<i32>} : memref<4096xf32, #tpu.memory_space<vmem>>, vector<16xf32>,
      %add3A_1299 = arith.constant 64 : i32
      %add3A_1300 = arith.addi %add3A_1245, %add3A_1299 : i32
      %swap3A_1301 = arith.index_cast %add3A_1300 : i32 to index
      %swap3A_1302 = tpu.vector_load %arg13[%swap3A_1301] {strides = array<i32>} : memref<4096xf32, #tpu.memory_space<vmem>>, vector<16xf32>,
      tpu.vector_store %arg13[%swap3A_1301], %gather3A_1280 {strides = array<i32>} : memref<4096xf32, #tpu.memory_space<vmem>>, vector<16xf32>,
      %add3A_1303 = arith.constant 80 : i32
      %add3A_1304 = arith.addi %add3A_1245, %add3A_1303 : i32
      %swap3A_1305 = arith.index_cast %add3A_1304 : i32 to index
      %swap3A_1306 = tpu.vector_load %arg13[%swap3A_1305] {strides = array<i32>} : memref<4096xf32, #tpu.memory_space<vmem>>, vector<16xf32>,
      tpu.vector_store %arg13[%swap3A_1305], %gather3A_1281 {strides = array<i32>} : memref<4096xf32, #tpu.memory_space<vmem>>, vector<16xf32>,
      %add3A_1307 = arith.constant 96 : i32
      %add3A_1308 = arith.addi %add3A_1245, %add3A_1307 : i32
      %swap3A_1309 = arith.index_cast %add3A_1308 : i32 to index
      %swap3A_1310 = tpu.vector_load %arg13[%swap3A_1309] {strides = array<i32>} : memref<4096xf32, #tpu.memory_space<vmem>>, vector<16xf32>,
      tpu.vector_store %arg13[%swap3A_1309], %gather3A_1282 {strides = array<i32>} : memref<4096xf32, #tpu.memory_space<vmem>>, vector<16xf32>,
      %add3A_1311 = arith.constant 112 : i32
      %add3A_1312 = arith.addi %add3A_1245, %add3A_1311 : i32
      %swap3A_1313 = arith.index_cast %add3A_1312 : i32 to index
      %swap3A_1314 = tpu.vector_load %arg13[%swap3A_1313] {strides = array<i32>} : memref<4096xf32, #tpu.memory_space<vmem>>, vector<16xf32>,
      tpu.vector_store %arg13[%swap3A_1313], %gather3A_1283 {strides = array<i32>} : memref<4096xf32, #tpu.memory_space<vmem>>, vector<16xf32>,
    }
    %scan3A_1101 = arith.constant 32 : i32
    %dma_start3A_1102 = arith.constant 8192 : i32
    %dma_start3A_1103 = tpu.memref_slice %arg8[%add3A_3, %dma_start3A_1102] : memref<64x16384xf32, #tpu.memory_space<hbm>> -> memref<1x4096xf32, #tpu.memory_space<hbm>>
    %dma_start3A_1104 = tpu.memref_squeeze %dma_start3A_1103 : memref<1x4096xf32, #tpu.memory_space<hbm>> -> memref<4096xf32, #tpu.memory_space<hbm>>
    %dma_start3A_1105 = arith.constant 8192 : i32
    %dma_start3A_1106 = tpu.memref_slice %arg8[%add3A_3, %dma_start3A_1105] : memref<64x16384xf32, #tpu.memory_space<hbm>> -> memref<1x4096xf32, #tpu.memory_space<hbm>>
    %dma_start3A_1107 = tpu.memref_squeeze %dma_start3A_1106 : memref<1x4096xf32, #tpu.memory_space<hbm>> -> memref<4096xf32, #tpu.memory_space<hbm>>
    tpu.enqueue_dma source(%arg13 : memref<4096xf32, #tpu.memory_space<vmem>>) target(%dma_start3A_1107 : memref<4096xf32, #tpu.memory_space<hbm>>) target_semaphore(%arg17 : memref<!tpu.dma_semaphore, #tpu.memory_space<semaphore_mem>>)
    %dma_start3A_1108 = arith.constant 0 : i32
    %dma_start3A_1109 = tpu.memref_slice %arg4[%dma_start3A_1108] : memref<16384xi32, #tpu.memory_space<hbm>> -> memref<4096xi32, #tpu.memory_space<hbm>>
    %dma_start3A_1110 = arith.constant 0 : i32
    %dma_start3A_1111 = tpu.memref_slice %arg4[%dma_start3A_1110] : memref<16384xi32, #tpu.memory_space<hbm>> -> memref<4096xi32, #tpu.memory_space<hbm>>
    tpu.enqueue_dma source(%dma_start3A_1111 : memref<4096xi32, #tpu.memory_space<hbm>>) target(%arg11 : memref<4096xi32, #tpu.memory_space<vmem>>) target_semaphore(%arg16 : memref<!tpu.dma_semaphore, #tpu.memory_space<semaphore_mem>>)
    %dma_wait3A_1112 = arith.constant 12288 : i32
    %dma_wait3A_1113 = tpu.memref_slice %arg3[%dma_wait3A_1112] : memref<16384xi32, #tpu.memory_space<hbm>> -> memref<4096xi32, #tpu.memory_space<hbm>>
    %dma_wait3A_1114 = arith.constant 12288 : i32
    %dma_wait3A_1115 = tpu.memref_slice %arg3[%dma_wait3A_1114] : memref<16384xi32, #tpu.memory_space<hbm>> -> memref<4096xi32, #tpu.memory_space<hbm>>
    tpu.wait_dma2 semaphore(%arg16 : memref<!tpu.dma_semaphore, #tpu.memory_space<semaphore_mem>>) src(%dma_wait3A_1115 : memref<4096xi32, #tpu.memory_space<hbm>>) dst(%arg12 : memref<4096xi32, #tpu.memory_space<vmem>>)
    %dma_wait3A_1116 = arith.constant 4096 : i32
    %dma_wait3A_1117 = tpu.memref_slice %arg8[%add3A_3, %dma_wait3A_1116] : memref<64x16384xf32, #tpu.memory_space<hbm>> -> memref<1x4096xf32, #tpu.memory_space<hbm>>
    %dma_wait3A_1118 = tpu.memref_squeeze %dma_wait3A_1117 : memref<1x4096xf32, #tpu.memory_space<hbm>> -> memref<4096xf32, #tpu.memory_space<hbm>>
    %dma_wait3A_1119 = arith.constant 4096 : i32
    %dma_wait3A_1120 = tpu.memref_slice %arg8[%add3A_3, %dma_wait3A_1119] : memref<64x16384xf32, #tpu.memory_space<hbm>> -> memref<1x4096xf32, #tpu.memory_space<hbm>>
    %dma_wait3A_1121 = tpu.memref_squeeze %dma_wait3A_1120 : memref<1x4096xf32, #tpu.memory_space<hbm>> -> memref<4096xf32, #tpu.memory_space<hbm>>
    tpu.wait_dma2 semaphore(%arg17 : memref<!tpu.dma_semaphore, #tpu.memory_space<semaphore_mem>>) src(%arg14 : memref<4096xf32, #tpu.memory_space<vmem>>) dst(%dma_wait3A_1121 : memref<4096xf32, #tpu.memory_space<hbm>>)
    %scan3A_1122 = arith.constant 0 : i32
    %scan3A_1123 = arith.constant 32 : i32
    %scan3A_1124 = arith.addi %scan3A_1122, %scan3A_1123 : i32
    %scan3A_1125 = arith.constant 1 : i32
    scf.for %scan3A_1241 = %scan3A_1122 to %scan3A_1124 step %scan3A_1125  : i32 {
      %mul3A_1242 = arith.constant 128 : i32
      %mul3A_1243 = arith.muli %scan3A_1241, %mul3A_1242 : i32
      %add3A_1244 = arith.constant 0 : i32
      %add3A_1245 = arith.addi %add3A_1244, %mul3A_1243 : i32
      %add3A_1246 = arith.constant 0 : i32
      %add3A_1247 = arith.addi %add3A_1245, %add3A_1246 : i32
      %get3A = arith.index_cast %add3A_1247 : i32 to index
      %get3A_1248 = tpu.vector_load %arg12[%get3A] {strides = array<i32>} : memref<4096xi32, #tpu.memory_space<vmem>>, vector<16xi32>,
      %add3A_1249 = arith.constant 16 : i32
      %add3A_1250 = arith.addi %add3A_1245, %add3A_1249 : i32
      %get3A_1251 = arith.index_cast %add3A_1250 : i32 to index
      %get3A_1252 = tpu.vector_load %arg12[%get3A_1251] {strides = array<i32>} : memref<4096xi32, #tpu.memory_space<vmem>>, vector<16xi32>,
      %add3A_1253 = arith.constant 32 : i32
      %add3A_1254 = arith.addi %add3A_1245, %add3A_1253 : i32
      %get3A_1255 = arith.index_cast %add3A_1254 : i32 to index
      %get3A_1256 = tpu.vector_load %arg12[%get3A_1255] {strides = array<i32>} : memref<4096xi32, #tpu.memory_space<vmem>>, vector<16xi32>,
      %add3A_1257 = arith.constant 48 : i32
      %add3A_1258 = arith.addi %add3A_1245, %add3A_1257 : i32
      %get3A_1259 = arith.index_cast %add3A_1258 : i32 to index
      %get3A_1260 = tpu.vector_load %arg12[%get3A_1259] {strides = array<i32>} : memref<4096xi32, #tpu.memory_space<vmem>>, vector<16xi32>,
      %add3A_1261 = arith.constant 64 : i32
      %add3A_1262 = arith.addi %add3A_1245, %add3A_1261 : i32
      %get3A_1263 = arith.index_cast %add3A_1262 : i32 to index
      %get3A_1264 = tpu.vector_load %arg12[%get3A_1263] {strides = array<i32>} : memref<4096xi32, #tpu.memory_space<vmem>>, vector<16xi32>,
      %add3A_1265 = arith.constant 80 : i32
      %add3A_1266 = arith.addi %add3A_1245, %add3A_1265 : i32
      %get3A_1267 = arith.index_cast %add3A_1266 : i32 to index
      %get3A_1268 = tpu.vector_load %arg12[%get3A_1267] {strides = array<i32>} : memref<4096xi32, #tpu.memory_space<vmem>>, vector<16xi32>,
      %add3A_1269 = arith.constant 96 : i32
      %add3A_1270 = arith.addi %add3A_1245, %add3A_1269 : i32
      %get3A_1271 = arith.index_cast %add3A_1270 : i32 to index
      %get3A_1272 = tpu.vector_load %arg12[%get3A_1271] {strides = array<i32>} : memref<4096xi32, #tpu.memory_space<vmem>>, vector<16xi32>,
      %add3A_1273 = arith.constant 112 : i32
      %add3A_1274 = arith.addi %add3A_1245, %add3A_1273 : i32
      %get3A_1275 = arith.index_cast %add3A_1274 : i32 to index
      %get3A_1276 = tpu.vector_load %arg12[%get3A_1275] {strides = array<i32>} : memref<4096xi32, #tpu.memory_space<vmem>>, vector<16xi32>,
      %gather3A = tpu.vector_load_idx %arg10[%broadcast_in_dim3A_1, %get3A_1248] : memref<1x100000xf32, #tpu.memory_space<vmem>>[vector<16xi32>, vector<16xi32>], vector<16xf32>,
      %gather3A_1277 = tpu.vector_load_idx %arg10[%broadcast_in_dim3A_1, %get3A_1252] : memref<1x100000xf32, #tpu.memory_space<vmem>>[vector<16xi32>, vector<16xi32>], vector<16xf32>,
      %gather3A_1278 = tpu.vector_load_idx %arg10[%broadcast_in_dim3A_1, %get3A_1256] : memref<1x100000xf32, #tpu.memory_space<vmem>>[vector<16xi32>, vector<16xi32>], vector<16xf32>,
      %gather3A_1279 = tpu.vector_load_idx %arg10[%broadcast_in_dim3A_1, %get3A_1260] : memref<1x100000xf32, #tpu.memory_space<vmem>>[vector<16xi32>, vector<16xi32>], vector<16xf32>,
      %gather3A_1280 = tpu.vector_load_idx %arg10[%broadcast_in_dim3A_1, %get3A_1264] : memref<1x100000xf32, #tpu.memory_space<vmem>>[vector<16xi32>, vector<16xi32>], vector<16xf32>,
      %gather3A_1281 = tpu.vector_load_idx %arg10[%broadcast_in_dim3A_1, %get3A_1268] : memref<1x100000xf32, #tpu.memory_space<vmem>>[vector<16xi32>, vector<16xi32>], vector<16xf32>,
      %gather3A_1282 = tpu.vector_load_idx %arg10[%broadcast_in_dim3A_1, %get3A_1272] : memref<1x100000xf32, #tpu.memory_space<vmem>>[vector<16xi32>, vector<16xi32>], vector<16xf32>,
      %gather3A_1283 = tpu.vector_load_idx %arg10[%broadcast_in_dim3A_1, %get3A_1276] : memref<1x100000xf32, #tpu.memory_space<vmem>>[vector<16xi32>, vector<16xi32>], vector<16xf32>,
      %add3A_1284 = arith.constant 0 : i32
      %add3A_1285 = arith.addi %add3A_1245, %add3A_1284 : i32
      %swap3A = arith.index_cast %add3A_1285 : i32 to index
      %swap3A_1286 = tpu.vector_load %arg14[%swap3A] {strides = array<i32>} : memref<4096xf32, #tpu.memory_space<vmem>>, vector<16xf32>,
      tpu.vector_store %arg14[%swap3A], %gather3A {strides = array<i32>} : memref<4096xf32, #tpu.memory_space<vmem>>, vector<16xf32>,
      %add3A_1287 = arith.constant 16 : i32
      %add3A_1288 = arith.addi %add3A_1245, %add3A_1287 : i32
      %swap3A_1289 = arith.index_cast %add3A_1288 : i32 to index
      %swap3A_1290 = tpu.vector_load %arg14[%swap3A_1289] {strides = array<i32>} : memref<4096xf32, #tpu.memory_space<vmem>>, vector<16xf32>,
      tpu.vector_store %arg14[%swap3A_1289], %gather3A_1277 {strides = array<i32>} : memref<4096xf32, #tpu.memory_space<vmem>>, vector<16xf32>,
      %add3A_1291 = arith.constant 32 : i32
      %add3A_1292 = arith.addi %add3A_1245, %add3A_1291 : i32
      %swap3A_1293 = arith.index_cast %add3A_1292 : i32 to index
      %swap3A_1294 = tpu.vector_load %arg14[%swap3A_1293] {strides = array<i32>} : memref<4096xf32, #tpu.memory_space<vmem>>, vector<16xf32>,
      tpu.vector_store %arg14[%swap3A_1293], %gather3A_1278 {strides = array<i32>} : memref<4096xf32, #tpu.memory_space<vmem>>, vector<16xf32>,
      %add3A_1295 = arith.constant 48 : i32
      %add3A_1296 = arith.addi %add3A_1245, %add3A_1295 : i32
      %swap3A_1297 = arith.index_cast %add3A_1296 : i32 to index
      %swap3A_1298 = tpu.vector_load %arg14[%swap3A_1297] {strides = array<i32>} : memref<4096xf32, #tpu.memory_space<vmem>>, vector<16xf32>,
      tpu.vector_store %arg14[%swap3A_1297], %gather3A_1279 {strides = array<i32>} : memref<4096xf32, #tpu.memory_space<vmem>>, vector<16xf32>,
      %add3A_1299 = arith.constant 64 : i32
      %add3A_1300 = arith.addi %add3A_1245, %add3A_1299 : i32
      %swap3A_1301 = arith.index_cast %add3A_1300 : i32 to index
      %swap3A_1302 = tpu.vector_load %arg14[%swap3A_1301] {strides = array<i32>} : memref<4096xf32, #tpu.memory_space<vmem>>, vector<16xf32>,
      tpu.vector_store %arg14[%swap3A_1301], %gather3A_1280 {strides = array<i32>} : memref<4096xf32, #tpu.memory_space<vmem>>, vector<16xf32>,
      %add3A_1303 = arith.constant 80 : i32
      %add3A_1304 = arith.addi %add3A_1245, %add3A_1303 : i32
      %swap3A_1305 = arith.index_cast %add3A_1304 : i32 to index
      %swap3A_1306 = tpu.vector_load %arg14[%swap3A_1305] {strides = array<i32>} : memref<4096xf32, #tpu.memory_space<vmem>>, vector<16xf32>,
      tpu.vector_store %arg14[%swap3A_1305], %gather3A_1281 {strides = array<i32>} : memref<4096xf32, #tpu.memory_space<vmem>>, vector<16xf32>,
      %add3A_1307 = arith.constant 96 : i32
      %add3A_1308 = arith.addi %add3A_1245, %add3A_1307 : i32
      %swap3A_1309 = arith.index_cast %add3A_1308 : i32 to index
      %swap3A_1310 = tpu.vector_load %arg14[%swap3A_1309] {strides = array<i32>} : memref<4096xf32, #tpu.memory_space<vmem>>, vector<16xf32>,
      tpu.vector_store %arg14[%swap3A_1309], %gather3A_1282 {strides = array<i32>} : memref<4096xf32, #tpu.memory_space<vmem>>, vector<16xf32>,
      %add3A_1311 = arith.constant 112 : i32
      %add3A_1312 = arith.addi %add3A_1245, %add3A_1311 : i32
      %swap3A_1313 = arith.index_cast %add3A_1312 : i32 to index
      %swap3A_1314 = tpu.vector_load %arg14[%swap3A_1313] {strides = array<i32>} : memref<4096xf32, #tpu.memory_space<vmem>>, vector<16xf32>,
      tpu.vector_store %arg14[%swap3A_1313], %gather3A_1283 {strides = array<i32>} : memref<4096xf32, #tpu.memory_space<vmem>>, vector<16xf32>,
    }
    %scan3A_1126 = arith.constant 32 : i32
    %dma_start3A_1127 = arith.constant 12288 : i32
    %dma_start3A_1128 = tpu.memref_slice %arg8[%add3A_3, %dma_start3A_1127] : memref<64x16384xf32, #tpu.memory_space<hbm>> -> memref<1x4096xf32, #tpu.memory_space<hbm>>
    %dma_start3A_1129 = tpu.memref_squeeze %dma_start3A_1128 : memref<1x4096xf32, #tpu.memory_space<hbm>> -> memref<4096xf32, #tpu.memory_space<hbm>>
    %dma_start3A_1130 = arith.constant 12288 : i32
    %dma_start3A_1131 = tpu.memref_slice %arg8[%add3A_3, %dma_start3A_1130] : memref<64x16384xf32, #tpu.memory_space<hbm>> -> memref<1x4096xf32, #tpu.memory_space<hbm>>
    %dma_start3A_1132 = tpu.memref_squeeze %dma_start3A_1131 : memref<1x4096xf32, #tpu.memory_space<hbm>> -> memref<4096xf32, #tpu.memory_space<hbm>>
    tpu.enqueue_dma source(%arg14 : memref<4096xf32, #tpu.memory_space<vmem>>) target(%dma_start3A_1132 : memref<4096xf32, #tpu.memory_space<hbm>>) target_semaphore(%arg17 : memref<!tpu.dma_semaphore, #tpu.memory_space<semaphore_mem>>)
    %dma_start3A_1133 = arith.constant 4096 : i32
    %dma_start3A_1134 = tpu.memref_slice %arg4[%dma_start3A_1133] : memref<16384xi32, #tpu.memory_space<hbm>> -> memref<4096xi32, #tpu.memory_space<hbm>>
    %dma_start3A_1135 = arith.constant 4096 : i32
    %dma_start3A_1136 = tpu.memref_slice %arg4[%dma_start3A_1135] : memref<16384xi32, #tpu.memory_space<hbm>> -> memref<4096xi32, #tpu.memory_space<hbm>>
    tpu.enqueue_dma source(%dma_start3A_1136 : memref<4096xi32, #tpu.memory_space<hbm>>) target(%arg12 : memref<4096xi32, #tpu.memory_space<vmem>>) target_semaphore(%arg16 : memref<!tpu.dma_semaphore, #tpu.memory_space<semaphore_mem>>)
    %dma_wait3A_1137 = arith.constant 0 : i32
    %dma_wait3A_1138 = tpu.memref_slice %arg4[%dma_wait3A_1137] : memref<16384xi32, #tpu.memory_space<hbm>> -> memref<4096xi32, #tpu.memory_space<hbm>>
    %dma_wait3A_1139 = arith.constant 0 : i32
    %dma_wait3A_1140 = tpu.memref_slice %arg4[%dma_wait3A_1139] : memref<16384xi32, #tpu.memory_space<hbm>> -> memref<4096xi32, #tpu.memory_space<hbm>>
    tpu.wait_dma2 semaphore(%arg16 : memref<!tpu.dma_semaphore, #tpu.memory_space<semaphore_mem>>) src(%dma_wait3A_1140 : memref<4096xi32, #tpu.memory_space<hbm>>) dst(%arg11 : memref<4096xi32, #tpu.memory_space<vmem>>)
    %dma_wait3A_1141 = arith.constant 8192 : i32
    %dma_wait3A_1142 = tpu.memref_slice %arg8[%add3A_3, %dma_wait3A_1141] : memref<64x16384xf32, #tpu.memory_space<hbm>> -> memref<1x4096xf32, #tpu.memory_space<hbm>>
    %dma_wait3A_1143 = tpu.memref_squeeze %dma_wait3A_1142 : memref<1x4096xf32, #tpu.memory_space<hbm>> -> memref<4096xf32, #tpu.memory_space<hbm>>
    %dma_wait3A_1144 = arith.constant 8192 : i32
    %dma_wait3A_1145 = tpu.memref_slice %arg8[%add3A_3, %dma_wait3A_1144] : memref<64x16384xf32, #tpu.memory_space<hbm>> -> memref<1x4096xf32, #tpu.memory_space<hbm>>
    %dma_wait3A_1146 = tpu.memref_squeeze %dma_wait3A_1145 : memref<1x4096xf32, #tpu.memory_space<hbm>> -> memref<4096xf32, #tpu.memory_space<hbm>>
    tpu.wait_dma2 semaphore(%arg17 : memref<!tpu.dma_semaphore, #tpu.memory_space<semaphore_mem>>) src(%arg13 : memref<4096xf32, #tpu.memory_space<vmem>>) dst(%dma_wait3A_1146 : memref<4096xf32, #tpu.memory_space<hbm>>)
    %scan3A_1147 = arith.constant 0 : i32
    %scan3A_1148 = arith.constant 32 : i32
    %scan3A_1149 = arith.addi %scan3A_1147, %scan3A_1148 : i32
    %scan3A_1150 = arith.constant 1 : i32
    scf.for %scan3A_1241 = %scan3A_1147 to %scan3A_1149 step %scan3A_1150  : i32 {
      %mul3A_1242 = arith.constant 128 : i32
      %mul3A_1243 = arith.muli %scan3A_1241, %mul3A_1242 : i32
      %add3A_1244 = arith.constant 0 : i32
      %add3A_1245 = arith.addi %add3A_1244, %mul3A_1243 : i32
      %add3A_1246 = arith.constant 0 : i32
      %add3A_1247 = arith.addi %add3A_1245, %add3A_1246 : i32
      %get3A = arith.index_cast %add3A_1247 : i32 to index
      %get3A_1248 = tpu.vector_load %arg11[%get3A] {strides = array<i32>} : memref<4096xi32, #tpu.memory_space<vmem>>, vector<16xi32>,
      %add3A_1249 = arith.constant 16 : i32
      %add3A_1250 = arith.addi %add3A_1245, %add3A_1249 : i32
      %get3A_1251 = arith.index_cast %add3A_1250 : i32 to index
      %get3A_1252 = tpu.vector_load %arg11[%get3A_1251] {strides = array<i32>} : memref<4096xi32, #tpu.memory_space<vmem>>, vector<16xi32>,
      %add3A_1253 = arith.constant 32 : i32
      %add3A_1254 = arith.addi %add3A_1245, %add3A_1253 : i32
      %get3A_1255 = arith.index_cast %add3A_1254 : i32 to index
      %get3A_1256 = tpu.vector_load %arg11[%get3A_1255] {strides = array<i32>} : memref<4096xi32, #tpu.memory_space<vmem>>, vector<16xi32>,
      %add3A_1257 = arith.constant 48 : i32
      %add3A_1258 = arith.addi %add3A_1245, %add3A_1257 : i32
      %get3A_1259 = arith.index_cast %add3A_1258 : i32 to index
      %get3A_1260 = tpu.vector_load %arg11[%get3A_1259] {strides = array<i32>} : memref<4096xi32, #tpu.memory_space<vmem>>, vector<16xi32>,
      %add3A_1261 = arith.constant 64 : i32
      %add3A_1262 = arith.addi %add3A_1245, %add3A_1261 : i32
      %get3A_1263 = arith.index_cast %add3A_1262 : i32 to index
      %get3A_1264 = tpu.vector_load %arg11[%get3A_1263] {strides = array<i32>} : memref<4096xi32, #tpu.memory_space<vmem>>, vector<16xi32>,
      %add3A_1265 = arith.constant 80 : i32
      %add3A_1266 = arith.addi %add3A_1245, %add3A_1265 : i32
      %get3A_1267 = arith.index_cast %add3A_1266 : i32 to index
      %get3A_1268 = tpu.vector_load %arg11[%get3A_1267] {strides = array<i32>} : memref<4096xi32, #tpu.memory_space<vmem>>, vector<16xi32>,
      %add3A_1269 = arith.constant 96 : i32
      %add3A_1270 = arith.addi %add3A_1245, %add3A_1269 : i32
      %get3A_1271 = arith.index_cast %add3A_1270 : i32 to index
      %get3A_1272 = tpu.vector_load %arg11[%get3A_1271] {strides = array<i32>} : memref<4096xi32, #tpu.memory_space<vmem>>, vector<16xi32>,
      %add3A_1273 = arith.constant 112 : i32
      %add3A_1274 = arith.addi %add3A_1245, %add3A_1273 : i32
      %get3A_1275 = arith.index_cast %add3A_1274 : i32 to index
      %get3A_1276 = tpu.vector_load %arg11[%get3A_1275] {strides = array<i32>} : memref<4096xi32, #tpu.memory_space<vmem>>, vector<16xi32>,
      %gather3A = tpu.vector_load_idx %arg10[%broadcast_in_dim3A_1, %get3A_1248] : memref<1x100000xf32, #tpu.memory_space<vmem>>[vector<16xi32>, vector<16xi32>], vector<16xf32>,
      %gather3A_1277 = tpu.vector_load_idx %arg10[%broadcast_in_dim3A_1, %get3A_1252] : memref<1x100000xf32, #tpu.memory_space<vmem>>[vector<16xi32>, vector<16xi32>], vector<16xf32>,
      %gather3A_1278 = tpu.vector_load_idx %arg10[%broadcast_in_dim3A_1, %get3A_1256] : memref<1x100000xf32, #tpu.memory_space<vmem>>[vector<16xi32>, vector<16xi32>], vector<16xf32>,
      %gather3A_1279 = tpu.vector_load_idx %arg10[%broadcast_in_dim3A_1, %get3A_1260] : memref<1x100000xf32, #tpu.memory_space<vmem>>[vector<16xi32>, vector<16xi32>], vector<16xf32>,
      %gather3A_1280 = tpu.vector_load_idx %arg10[%broadcast_in_dim3A_1, %get3A_1264] : memref<1x100000xf32, #tpu.memory_space<vmem>>[vector<16xi32>, vector<16xi32>], vector<16xf32>,
      %gather3A_1281 = tpu.vector_load_idx %arg10[%broadcast_in_dim3A_1, %get3A_1268] : memref<1x100000xf32, #tpu.memory_space<vmem>>[vector<16xi32>, vector<16xi32>], vector<16xf32>,
      %gather3A_1282 = tpu.vector_load_idx %arg10[%broadcast_in_dim3A_1, %get3A_1272] : memref<1x100000xf32, #tpu.memory_space<vmem>>[vector<16xi32>, vector<16xi32>], vector<16xf32>,
      %gather3A_1283 = tpu.vector_load_idx %arg10[%broadcast_in_dim3A_1, %get3A_1276] : memref<1x100000xf32, #tpu.memory_space<vmem>>[vector<16xi32>, vector<16xi32>], vector<16xf32>,
      %add3A_1284 = arith.constant 0 : i32
      %add3A_1285 = arith.addi %add3A_1245, %add3A_1284 : i32
      %swap3A = arith.index_cast %add3A_1285 : i32 to index
      %swap3A_1286 = tpu.vector_load %arg13[%swap3A] {strides = array<i32>} : memref<4096xf32, #tpu.memory_space<vmem>>, vector<16xf32>,
      tpu.vector_store %arg13[%swap3A], %gather3A {strides = array<i32>} : memref<4096xf32, #tpu.memory_space<vmem>>, vector<16xf32>,
      %add3A_1287 = arith.constant 16 : i32
      %add3A_1288 = arith.addi %add3A_1245, %add3A_1287 : i32
      %swap3A_1289 = arith.index_cast %add3A_1288 : i32 to index
      %swap3A_1290 = tpu.vector_load %arg13[%swap3A_1289] {strides = array<i32>} : memref<4096xf32, #tpu.memory_space<vmem>>, vector<16xf32>,
      tpu.vector_store %arg13[%swap3A_1289], %gather3A_1277 {strides = array<i32>} : memref<4096xf32, #tpu.memory_space<vmem>>, vector<16xf32>,
      %add3A_1291 = arith.constant 32 : i32
      %add3A_1292 = arith.addi %add3A_1245, %add3A_1291 : i32
      %swap3A_1293 = arith.index_cast %add3A_1292 : i32 to index
      %swap3A_1294 = tpu.vector_load %arg13[%swap3A_1293] {strides = array<i32>} : memref<4096xf32, #tpu.memory_space<vmem>>, vector<16xf32>,
      tpu.vector_store %arg13[%swap3A_1293], %gather3A_1278 {strides = array<i32>} : memref<4096xf32, #tpu.memory_space<vmem>>, vector<16xf32>,
      %add3A_1295 = arith.constant 48 : i32
      %add3A_1296 = arith.addi %add3A_1245, %add3A_1295 : i32
      %swap3A_1297 = arith.index_cast %add3A_1296 : i32 to index
      %swap3A_1298 = tpu.vector_load %arg13[%swap3A_1297] {strides = array<i32>} : memref<4096xf32, #tpu.memory_space<vmem>>, vector<16xf32>,
      tpu.vector_store %arg13[%swap3A_1297], %gather3A_1279 {strides = array<i32>} : memref<4096xf32, #tpu.memory_space<vmem>>, vector<16xf32>,
      %add3A_1299 = arith.constant 64 : i32
      %add3A_1300 = arith.addi %add3A_1245, %add3A_1299 : i32
      %swap3A_1301 = arith.index_cast %add3A_1300 : i32 to index
      %swap3A_1302 = tpu.vector_load %arg13[%swap3A_1301] {strides = array<i32>} : memref<4096xf32, #tpu.memory_space<vmem>>, vector<16xf32>,
      tpu.vector_store %arg13[%swap3A_1301], %gather3A_1280 {strides = array<i32>} : memref<4096xf32, #tpu.memory_space<vmem>>, vector<16xf32>,
      %add3A_1303 = arith.constant 80 : i32
      %add3A_1304 = arith.addi %add3A_1245, %add3A_1303 : i32
      %swap3A_1305 = arith.index_cast %add3A_1304 : i32 to index
      %swap3A_1306 = tpu.vector_load %arg13[%swap3A_1305] {strides = array<i32>} : memref<4096xf32, #tpu.memory_space<vmem>>, vector<16xf32>,
      tpu.vector_store %arg13[%swap3A_1305], %gather3A_1281 {strides = array<i32>} : memref<4096xf32, #tpu.memory_space<vmem>>, vector<16xf32>,
      %add3A_1307 = arith.constant 96 : i32
      %add3A_1308 = arith.addi %add3A_1245, %add3A_1307 : i32
      %swap3A_1309 = arith.index_cast %add3A_1308 : i32 to index
      %swap3A_1310 = tpu.vector_load %arg13[%swap3A_1309] {strides = array<i32>} : memref<4096xf32, #tpu.memory_space<vmem>>, vector<16xf32>,
      tpu.vector_store %arg13[%swap3A_1309], %gather3A_1282 {strides = array<i32>} : memref<4096xf32, #tpu.memory_space<vmem>>, vector<16xf32>,
      %add3A_1311 = arith.constant 112 : i32
      %add3A_1312 = arith.addi %add3A_1245, %add3A_1311 : i32
      %swap3A_1313 = arith.index_cast %add3A_1312 : i32 to index
      %swap3A_1314 = tpu.vector_load %arg13[%swap3A_1313] {strides = array<i32>} : memref<4096xf32, #tpu.memory_space<vmem>>, vector<16xf32>,
      tpu.vector_store %arg13[%swap3A_1313], %gather3A_1283 {strides = array<i32>} : memref<4096xf32, #tpu.memory_space<vmem>>, vector<16xf32>,
    }
    %scan3A_1151 = arith.constant 32 : i32
    %dma_start3A_1152 = arith.constant 0 : i32
    %dma_start3A_1153 = tpu.memref_slice %arg9[%add3A_3, %dma_start3A_1152] : memref<64x16384xf32, #tpu.memory_space<hbm>> -> memref<1x4096xf32, #tpu.memory_space<hbm>>
    %dma_start3A_1154 = tpu.memref_squeeze %dma_start3A_1153 : memref<1x4096xf32, #tpu.memory_space<hbm>> -> memref<4096xf32, #tpu.memory_space<hbm>>
    %dma_start3A_1155 = arith.constant 0 : i32
    %dma_start3A_1156 = tpu.memref_slice %arg9[%add3A_3, %dma_start3A_1155] : memref<64x16384xf32, #tpu.memory_space<hbm>> -> memref<1x4096xf32, #tpu.memory_space<hbm>>
    %dma_start3A_1157 = tpu.memref_squeeze %dma_start3A_1156 : memref<1x4096xf32, #tpu.memory_space<hbm>> -> memref<4096xf32, #tpu.memory_space<hbm>>
    tpu.enqueue_dma source(%arg13 : memref<4096xf32, #tpu.memory_space<vmem>>) target(%dma_start3A_1157 : memref<4096xf32, #tpu.memory_space<hbm>>) target_semaphore(%arg17 : memref<!tpu.dma_semaphore, #tpu.memory_space<semaphore_mem>>)
    %dma_start3A_1158 = arith.constant 8192 : i32
    %dma_start3A_1159 = tpu.memref_slice %arg4[%dma_start3A_1158] : memref<16384xi32, #tpu.memory_space<hbm>> -> memref<4096xi32, #tpu.memory_space<hbm>>
    %dma_start3A_1160 = arith.constant 8192 : i32
    %dma_start3A_1161 = tpu.memref_slice %arg4[%dma_start3A_1160] : memref<16384xi32, #tpu.memory_space<hbm>> -> memref<4096xi32, #tpu.memory_space<hbm>>
    tpu.enqueue_dma source(%dma_start3A_1161 : memref<4096xi32, #tpu.memory_space<hbm>>) target(%arg11 : memref<4096xi32, #tpu.memory_space<vmem>>) target_semaphore(%arg16 : memref<!tpu.dma_semaphore, #tpu.memory_space<semaphore_mem>>)
    %dma_wait3A_1162 = arith.constant 4096 : i32
    %dma_wait3A_1163 = tpu.memref_slice %arg4[%dma_wait3A_1162] : memref<16384xi32, #tpu.memory_space<hbm>> -> memref<4096xi32, #tpu.memory_space<hbm>>
    %dma_wait3A_1164 = arith.constant 4096 : i32
    %dma_wait3A_1165 = tpu.memref_slice %arg4[%dma_wait3A_1164] : memref<16384xi32, #tpu.memory_space<hbm>> -> memref<4096xi32, #tpu.memory_space<hbm>>
    tpu.wait_dma2 semaphore(%arg16 : memref<!tpu.dma_semaphore, #tpu.memory_space<semaphore_mem>>) src(%dma_wait3A_1165 : memref<4096xi32, #tpu.memory_space<hbm>>) dst(%arg12 : memref<4096xi32, #tpu.memory_space<vmem>>)
    %dma_wait3A_1166 = arith.constant 12288 : i32
    %dma_wait3A_1167 = tpu.memref_slice %arg8[%add3A_3, %dma_wait3A_1166] : memref<64x16384xf32, #tpu.memory_space<hbm>> -> memref<1x4096xf32, #tpu.memory_space<hbm>>
    %dma_wait3A_1168 = tpu.memref_squeeze %dma_wait3A_1167 : memref<1x4096xf32, #tpu.memory_space<hbm>> -> memref<4096xf32, #tpu.memory_space<hbm>>
    %dma_wait3A_1169 = arith.constant 12288 : i32
    %dma_wait3A_1170 = tpu.memref_slice %arg8[%add3A_3, %dma_wait3A_1169] : memref<64x16384xf32, #tpu.memory_space<hbm>> -> memref<1x4096xf32, #tpu.memory_space<hbm>>
    %dma_wait3A_1171 = tpu.memref_squeeze %dma_wait3A_1170 : memref<1x4096xf32, #tpu.memory_space<hbm>> -> memref<4096xf32, #tpu.memory_space<hbm>>
    tpu.wait_dma2 semaphore(%arg17 : memref<!tpu.dma_semaphore, #tpu.memory_space<semaphore_mem>>) src(%arg14 : memref<4096xf32, #tpu.memory_space<vmem>>) dst(%dma_wait3A_1171 : memref<4096xf32, #tpu.memory_space<hbm>>)
    %scan3A_1172 = arith.constant 0 : i32
    %scan3A_1173 = arith.constant 32 : i32
    %scan3A_1174 = arith.addi %scan3A_1172, %scan3A_1173 : i32
    %scan3A_1175 = arith.constant 1 : i32
    scf.for %scan3A_1241 = %scan3A_1172 to %scan3A_1174 step %scan3A_1175  : i32 {
      %mul3A_1242 = arith.constant 128 : i32
      %mul3A_1243 = arith.muli %scan3A_1241, %mul3A_1242 : i32
      %add3A_1244 = arith.constant 0 : i32
      %add3A_1245 = arith.addi %add3A_1244, %mul3A_1243 : i32
      %add3A_1246 = arith.constant 0 : i32
      %add3A_1247 = arith.addi %add3A_1245, %add3A_1246 : i32
      %get3A = arith.index_cast %add3A_1247 : i32 to index
      %get3A_1248 = tpu.vector_load %arg12[%get3A] {strides = array<i32>} : memref<4096xi32, #tpu.memory_space<vmem>>, vector<16xi32>,
      %add3A_1249 = arith.constant 16 : i32
      %add3A_1250 = arith.addi %add3A_1245, %add3A_1249 : i32
      %get3A_1251 = arith.index_cast %add3A_1250 : i32 to index
      %get3A_1252 = tpu.vector_load %arg12[%get3A_1251] {strides = array<i32>} : memref<4096xi32, #tpu.memory_space<vmem>>, vector<16xi32>,
      %add3A_1253 = arith.constant 32 : i32
      %add3A_1254 = arith.addi %add3A_1245, %add3A_1253 : i32
      %get3A_1255 = arith.index_cast %add3A_1254 : i32 to index
      %get3A_1256 = tpu.vector_load %arg12[%get3A_1255] {strides = array<i32>} : memref<4096xi32, #tpu.memory_space<vmem>>, vector<16xi32>,
      %add3A_1257 = arith.constant 48 : i32
      %add3A_1258 = arith.addi %add3A_1245, %add3A_1257 : i32
      %get3A_1259 = arith.index_cast %add3A_1258 : i32 to index
      %get3A_1260 = tpu.vector_load %arg12[%get3A_1259] {strides = array<i32>} : memref<4096xi32, #tpu.memory_space<vmem>>, vector<16xi32>,
      %add3A_1261 = arith.constant 64 : i32
      %add3A_1262 = arith.addi %add3A_1245, %add3A_1261 : i32
      %get3A_1263 = arith.index_cast %add3A_1262 : i32 to index
      %get3A_1264 = tpu.vector_load %arg12[%get3A_1263] {strides = array<i32>} : memref<4096xi32, #tpu.memory_space<vmem>>, vector<16xi32>,
      %add3A_1265 = arith.constant 80 : i32
      %add3A_1266 = arith.addi %add3A_1245, %add3A_1265 : i32
      %get3A_1267 = arith.index_cast %add3A_1266 : i32 to index
      %get3A_1268 = tpu.vector_load %arg12[%get3A_1267] {strides = array<i32>} : memref<4096xi32, #tpu.memory_space<vmem>>, vector<16xi32>,
      %add3A_1269 = arith.constant 96 : i32
      %add3A_1270 = arith.addi %add3A_1245, %add3A_1269 : i32
      %get3A_1271 = arith.index_cast %add3A_1270 : i32 to index
      %get3A_1272 = tpu.vector_load %arg12[%get3A_1271] {strides = array<i32>} : memref<4096xi32, #tpu.memory_space<vmem>>, vector<16xi32>,
      %add3A_1273 = arith.constant 112 : i32
      %add3A_1274 = arith.addi %add3A_1245, %add3A_1273 : i32
      %get3A_1275 = arith.index_cast %add3A_1274 : i32 to index
      %get3A_1276 = tpu.vector_load %arg12[%get3A_1275] {strides = array<i32>} : memref<4096xi32, #tpu.memory_space<vmem>>, vector<16xi32>,
      %gather3A = tpu.vector_load_idx %arg10[%broadcast_in_dim3A_1, %get3A_1248] : memref<1x100000xf32, #tpu.memory_space<vmem>>[vector<16xi32>, vector<16xi32>], vector<16xf32>,
      %gather3A_1277 = tpu.vector_load_idx %arg10[%broadcast_in_dim3A_1, %get3A_1252] : memref<1x100000xf32, #tpu.memory_space<vmem>>[vector<16xi32>, vector<16xi32>], vector<16xf32>,
      %gather3A_1278 = tpu.vector_load_idx %arg10[%broadcast_in_dim3A_1, %get3A_1256] : memref<1x100000xf32, #tpu.memory_space<vmem>>[vector<16xi32>, vector<16xi32>], vector<16xf32>,
      %gather3A_1279 = tpu.vector_load_idx %arg10[%broadcast_in_dim3A_1, %get3A_1260] : memref<1x100000xf32, #tpu.memory_space<vmem>>[vector<16xi32>, vector<16xi32>], vector<16xf32>,
      %gather3A_1280 = tpu.vector_load_idx %arg10[%broadcast_in_dim3A_1, %get3A_1264] : memref<1x100000xf32, #tpu.memory_space<vmem>>[vector<16xi32>, vector<16xi32>], vector<16xf32>,
      %gather3A_1281 = tpu.vector_load_idx %arg10[%broadcast_in_dim3A_1, %get3A_1268] : memref<1x100000xf32, #tpu.memory_space<vmem>>[vector<16xi32>, vector<16xi32>], vector<16xf32>,
      %gather3A_1282 = tpu.vector_load_idx %arg10[%broadcast_in_dim3A_1, %get3A_1272] : memref<1x100000xf32, #tpu.memory_space<vmem>>[vector<16xi32>, vector<16xi32>], vector<16xf32>,
      %gather3A_1283 = tpu.vector_load_idx %arg10[%broadcast_in_dim3A_1, %get3A_1276] : memref<1x100000xf32, #tpu.memory_space<vmem>>[vector<16xi32>, vector<16xi32>], vector<16xf32>,
      %add3A_1284 = arith.constant 0 : i32
      %add3A_1285 = arith.addi %add3A_1245, %add3A_1284 : i32
      %swap3A = arith.index_cast %add3A_1285 : i32 to index
      %swap3A_1286 = tpu.vector_load %arg14[%swap3A] {strides = array<i32>} : memref<4096xf32, #tpu.memory_space<vmem>>, vector<16xf32>,
      tpu.vector_store %arg14[%swap3A], %gather3A {strides = array<i32>} : memref<4096xf32, #tpu.memory_space<vmem>>, vector<16xf32>,
      %add3A_1287 = arith.constant 16 : i32
      %add3A_1288 = arith.addi %add3A_1245, %add3A_1287 : i32
      %swap3A_1289 = arith.index_cast %add3A_1288 : i32 to index
      %swap3A_1290 = tpu.vector_load %arg14[%swap3A_1289] {strides = array<i32>} : memref<4096xf32, #tpu.memory_space<vmem>>, vector<16xf32>,
      tpu.vector_store %arg14[%swap3A_1289], %gather3A_1277 {strides = array<i32>} : memref<4096xf32, #tpu.memory_space<vmem>>, vector<16xf32>,
      %add3A_1291 = arith.constant 32 : i32
      %add3A_1292 = arith.addi %add3A_1245, %add3A_1291 : i32
      %swap3A_1293 = arith.index_cast %add3A_1292 : i32 to index
      %swap3A_1294 = tpu.vector_load %arg14[%swap3A_1293] {strides = array<i32>} : memref<4096xf32, #tpu.memory_space<vmem>>, vector<16xf32>,
      tpu.vector_store %arg14[%swap3A_1293], %gather3A_1278 {strides = array<i32>} : memref<4096xf32, #tpu.memory_space<vmem>>, vector<16xf32>,
      %add3A_1295 = arith.constant 48 : i32
      %add3A_1296 = arith.addi %add3A_1245, %add3A_1295 : i32
      %swap3A_1297 = arith.index_cast %add3A_1296 : i32 to index
      %swap3A_1298 = tpu.vector_load %arg14[%swap3A_1297] {strides = array<i32>} : memref<4096xf32, #tpu.memory_space<vmem>>, vector<16xf32>,
      tpu.vector_store %arg14[%swap3A_1297], %gather3A_1279 {strides = array<i32>} : memref<4096xf32, #tpu.memory_space<vmem>>, vector<16xf32>,
      %add3A_1299 = arith.constant 64 : i32
      %add3A_1300 = arith.addi %add3A_1245, %add3A_1299 : i32
      %swap3A_1301 = arith.index_cast %add3A_1300 : i32 to index
      %swap3A_1302 = tpu.vector_load %arg14[%swap3A_1301] {strides = array<i32>} : memref<4096xf32, #tpu.memory_space<vmem>>, vector<16xf32>,
      tpu.vector_store %arg14[%swap3A_1301], %gather3A_1280 {strides = array<i32>} : memref<4096xf32, #tpu.memory_space<vmem>>, vector<16xf32>,
      %add3A_1303 = arith.constant 80 : i32
      %add3A_1304 = arith.addi %add3A_1245, %add3A_1303 : i32
      %swap3A_1305 = arith.index_cast %add3A_1304 : i32 to index
      %swap3A_1306 = tpu.vector_load %arg14[%swap3A_1305] {strides = array<i32>} : memref<4096xf32, #tpu.memory_space<vmem>>, vector<16xf32>,
      tpu.vector_store %arg14[%swap3A_1305], %gather3A_1281 {strides = array<i32>} : memref<4096xf32, #tpu.memory_space<vmem>>, vector<16xf32>,
      %add3A_1307 = arith.constant 96 : i32
      %add3A_1308 = arith.addi %add3A_1245, %add3A_1307 : i32
      %swap3A_1309 = arith.index_cast %add3A_1308 : i32 to index
      %swap3A_1310 = tpu.vector_load %arg14[%swap3A_1309] {strides = array<i32>} : memref<4096xf32, #tpu.memory_space<vmem>>, vector<16xf32>,
      tpu.vector_store %arg14[%swap3A_1309], %gather3A_1282 {strides = array<i32>} : memref<4096xf32, #tpu.memory_space<vmem>>, vector<16xf32>,
      %add3A_1311 = arith.constant 112 : i32
      %add3A_1312 = arith.addi %add3A_1245, %add3A_1311 : i32
      %swap3A_1313 = arith.index_cast %add3A_1312 : i32 to index
      %swap3A_1314 = tpu.vector_load %arg14[%swap3A_1313] {strides = array<i32>} : memref<4096xf32, #tpu.memory_space<vmem>>, vector<16xf32>,
      tpu.vector_store %arg14[%swap3A_1313], %gather3A_1283 {strides = array<i32>} : memref<4096xf32, #tpu.memory_space<vmem>>, vector<16xf32>,
    }
    %scan3A_1176 = arith.constant 32 : i32
    %dma_start3A_1177 = arith.constant 4096 : i32
    %dma_start3A_1178 = tpu.memref_slice %arg9[%add3A_3, %dma_start3A_1177] : memref<64x16384xf32, #tpu.memory_space<hbm>> -> memref<1x4096xf32, #tpu.memory_space<hbm>>
    %dma_start3A_1179 = tpu.memref_squeeze %dma_start3A_1178 : memref<1x4096xf32, #tpu.memory_space<hbm>> -> memref<4096xf32, #tpu.memory_space<hbm>>
    %dma_start3A_1180 = arith.constant 4096 : i32
    %dma_start3A_1181 = tpu.memref_slice %arg9[%add3A_3, %dma_start3A_1180] : memref<64x16384xf32, #tpu.memory_space<hbm>> -> memref<1x4096xf32, #tpu.memory_space<hbm>>
    %dma_start3A_1182 = tpu.memref_squeeze %dma_start3A_1181 : memref<1x4096xf32, #tpu.memory_space<hbm>> -> memref<4096xf32, #tpu.memory_space<hbm>>
    tpu.enqueue_dma source(%arg14 : memref<4096xf32, #tpu.memory_space<vmem>>) target(%dma_start3A_1182 : memref<4096xf32, #tpu.memory_space<hbm>>) target_semaphore(%arg17 : memref<!tpu.dma_semaphore, #tpu.memory_space<semaphore_mem>>)
    %dma_start3A_1183 = arith.constant 12288 : i32
    %dma_start3A_1184 = tpu.memref_slice %arg4[%dma_start3A_1183] : memref<16384xi32, #tpu.memory_space<hbm>> -> memref<4096xi32, #tpu.memory_space<hbm>>
    %dma_start3A_1185 = arith.constant 12288 : i32
    %dma_start3A_1186 = tpu.memref_slice %arg4[%dma_start3A_1185] : memref<16384xi32, #tpu.memory_space<hbm>> -> memref<4096xi32, #tpu.memory_space<hbm>>
    tpu.enqueue_dma source(%dma_start3A_1186 : memref<4096xi32, #tpu.memory_space<hbm>>) target(%arg12 : memref<4096xi32, #tpu.memory_space<vmem>>) target_semaphore(%arg16 : memref<!tpu.dma_semaphore, #tpu.memory_space<semaphore_mem>>)
    %dma_wait3A_1187 = arith.constant 8192 : i32
    %dma_wait3A_1188 = tpu.memref_slice %arg4[%dma_wait3A_1187] : memref<16384xi32, #tpu.memory_space<hbm>> -> memref<4096xi32, #tpu.memory_space<hbm>>
    %dma_wait3A_1189 = arith.constant 8192 : i32
    %dma_wait3A_1190 = tpu.memref_slice %arg4[%dma_wait3A_1189] : memref<16384xi32, #tpu.memory_space<hbm>> -> memref<4096xi32, #tpu.memory_space<hbm>>
    tpu.wait_dma2 semaphore(%arg16 : memref<!tpu.dma_semaphore, #tpu.memory_space<semaphore_mem>>) src(%dma_wait3A_1190 : memref<4096xi32, #tpu.memory_space<hbm>>) dst(%arg11 : memref<4096xi32, #tpu.memory_space<vmem>>)
    %dma_wait3A_1191 = arith.constant 0 : i32
    %dma_wait3A_1192 = tpu.memref_slice %arg9[%add3A_3, %dma_wait3A_1191] : memref<64x16384xf32, #tpu.memory_space<hbm>> -> memref<1x4096xf32, #tpu.memory_space<hbm>>
    %dma_wait3A_1193 = tpu.memref_squeeze %dma_wait3A_1192 : memref<1x4096xf32, #tpu.memory_space<hbm>> -> memref<4096xf32, #tpu.memory_space<hbm>>
    %dma_wait3A_1194 = arith.constant 0 : i32
    %dma_wait3A_1195 = tpu.memref_slice %arg9[%add3A_3, %dma_wait3A_1194] : memref<64x16384xf32, #tpu.memory_space<hbm>> -> memref<1x4096xf32, #tpu.memory_space<hbm>>
    %dma_wait3A_1196 = tpu.memref_squeeze %dma_wait3A_1195 : memref<1x4096xf32, #tpu.memory_space<hbm>> -> memref<4096xf32, #tpu.memory_space<hbm>>
    tpu.wait_dma2 semaphore(%arg17 : memref<!tpu.dma_semaphore, #tpu.memory_space<semaphore_mem>>) src(%arg13 : memref<4096xf32, #tpu.memory_space<vmem>>) dst(%dma_wait3A_1196 : memref<4096xf32, #tpu.memory_space<hbm>>)
    %scan3A_1197 = arith.constant 0 : i32
    %scan3A_1198 = arith.constant 32 : i32
    %scan3A_1199 = arith.addi %scan3A_1197, %scan3A_1198 : i32
    %scan3A_1200 = arith.constant 1 : i32
    scf.for %scan3A_1241 = %scan3A_1197 to %scan3A_1199 step %scan3A_1200  : i32 {
      %mul3A_1242 = arith.constant 128 : i32
      %mul3A_1243 = arith.muli %scan3A_1241, %mul3A_1242 : i32
      %add3A_1244 = arith.constant 0 : i32
      %add3A_1245 = arith.addi %add3A_1244, %mul3A_1243 : i32
      %add3A_1246 = arith.constant 0 : i32
      %add3A_1247 = arith.addi %add3A_1245, %add3A_1246 : i32
      %get3A = arith.index_cast %add3A_1247 : i32 to index
      %get3A_1248 = tpu.vector_load %arg11[%get3A] {strides = array<i32>} : memref<4096xi32, #tpu.memory_space<vmem>>, vector<16xi32>,
      %add3A_1249 = arith.constant 16 : i32
      %add3A_1250 = arith.addi %add3A_1245, %add3A_1249 : i32
      %get3A_1251 = arith.index_cast %add3A_1250 : i32 to index
      %get3A_1252 = tpu.vector_load %arg11[%get3A_1251] {strides = array<i32>} : memref<4096xi32, #tpu.memory_space<vmem>>, vector<16xi32>,
      %add3A_1253 = arith.constant 32 : i32
      %add3A_1254 = arith.addi %add3A_1245, %add3A_1253 : i32
      %get3A_1255 = arith.index_cast %add3A_1254 : i32 to index
      %get3A_1256 = tpu.vector_load %arg11[%get3A_1255] {strides = array<i32>} : memref<4096xi32, #tpu.memory_space<vmem>>, vector<16xi32>,
      %add3A_1257 = arith.constant 48 : i32
      %add3A_1258 = arith.addi %add3A_1245, %add3A_1257 : i32
      %get3A_1259 = arith.index_cast %add3A_1258 : i32 to index
      %get3A_1260 = tpu.vector_load %arg11[%get3A_1259] {strides = array<i32>} : memref<4096xi32, #tpu.memory_space<vmem>>, vector<16xi32>,
      %add3A_1261 = arith.constant 64 : i32
      %add3A_1262 = arith.addi %add3A_1245, %add3A_1261 : i32
      %get3A_1263 = arith.index_cast %add3A_1262 : i32 to index
      %get3A_1264 = tpu.vector_load %arg11[%get3A_1263] {strides = array<i32>} : memref<4096xi32, #tpu.memory_space<vmem>>, vector<16xi32>,
      %add3A_1265 = arith.constant 80 : i32
      %add3A_1266 = arith.addi %add3A_1245, %add3A_1265 : i32
      %get3A_1267 = arith.index_cast %add3A_1266 : i32 to index
      %get3A_1268 = tpu.vector_load %arg11[%get3A_1267] {strides = array<i32>} : memref<4096xi32, #tpu.memory_space<vmem>>, vector<16xi32>,
      %add3A_1269 = arith.constant 96 : i32
      %add3A_1270 = arith.addi %add3A_1245, %add3A_1269 : i32
      %get3A_1271 = arith.index_cast %add3A_1270 : i32 to index
      %get3A_1272 = tpu.vector_load %arg11[%get3A_1271] {strides = array<i32>} : memref<4096xi32, #tpu.memory_space<vmem>>, vector<16xi32>,
      %add3A_1273 = arith.constant 112 : i32
      %add3A_1274 = arith.addi %add3A_1245, %add3A_1273 : i32
      %get3A_1275 = arith.index_cast %add3A_1274 : i32 to index
      %get3A_1276 = tpu.vector_load %arg11[%get3A_1275] {strides = array<i32>} : memref<4096xi32, #tpu.memory_space<vmem>>, vector<16xi32>,
      %gather3A = tpu.vector_load_idx %arg10[%broadcast_in_dim3A_1, %get3A_1248] : memref<1x100000xf32, #tpu.memory_space<vmem>>[vector<16xi32>, vector<16xi32>], vector<16xf32>,
      %gather3A_1277 = tpu.vector_load_idx %arg10[%broadcast_in_dim3A_1, %get3A_1252] : memref<1x100000xf32, #tpu.memory_space<vmem>>[vector<16xi32>, vector<16xi32>], vector<16xf32>,
      %gather3A_1278 = tpu.vector_load_idx %arg10[%broadcast_in_dim3A_1, %get3A_1256] : memref<1x100000xf32, #tpu.memory_space<vmem>>[vector<16xi32>, vector<16xi32>], vector<16xf32>,
      %gather3A_1279 = tpu.vector_load_idx %arg10[%broadcast_in_dim3A_1, %get3A_1260] : memref<1x100000xf32, #tpu.memory_space<vmem>>[vector<16xi32>, vector<16xi32>], vector<16xf32>,
      %gather3A_1280 = tpu.vector_load_idx %arg10[%broadcast_in_dim3A_1, %get3A_1264] : memref<1x100000xf32, #tpu.memory_space<vmem>>[vector<16xi32>, vector<16xi32>], vector<16xf32>,
      %gather3A_1281 = tpu.vector_load_idx %arg10[%broadcast_in_dim3A_1, %get3A_1268] : memref<1x100000xf32, #tpu.memory_space<vmem>>[vector<16xi32>, vector<16xi32>], vector<16xf32>,
      %gather3A_1282 = tpu.vector_load_idx %arg10[%broadcast_in_dim3A_1, %get3A_1272] : memref<1x100000xf32, #tpu.memory_space<vmem>>[vector<16xi32>, vector<16xi32>], vector<16xf32>,
      %gather3A_1283 = tpu.vector_load_idx %arg10[%broadcast_in_dim3A_1, %get3A_1276] : memref<1x100000xf32, #tpu.memory_space<vmem>>[vector<16xi32>, vector<16xi32>], vector<16xf32>,
      %add3A_1284 = arith.constant 0 : i32
      %add3A_1285 = arith.addi %add3A_1245, %add3A_1284 : i32
      %swap3A = arith.index_cast %add3A_1285 : i32 to index
      %swap3A_1286 = tpu.vector_load %arg13[%swap3A] {strides = array<i32>} : memref<4096xf32, #tpu.memory_space<vmem>>, vector<16xf32>,
      tpu.vector_store %arg13[%swap3A], %gather3A {strides = array<i32>} : memref<4096xf32, #tpu.memory_space<vmem>>, vector<16xf32>,
      %add3A_1287 = arith.constant 16 : i32
      %add3A_1288 = arith.addi %add3A_1245, %add3A_1287 : i32
      %swap3A_1289 = arith.index_cast %add3A_1288 : i32 to index
      %swap3A_1290 = tpu.vector_load %arg13[%swap3A_1289] {strides = array<i32>} : memref<4096xf32, #tpu.memory_space<vmem>>, vector<16xf32>,
      tpu.vector_store %arg13[%swap3A_1289], %gather3A_1277 {strides = array<i32>} : memref<4096xf32, #tpu.memory_space<vmem>>, vector<16xf32>,
      %add3A_1291 = arith.constant 32 : i32
      %add3A_1292 = arith.addi %add3A_1245, %add3A_1291 : i32
      %swap3A_1293 = arith.index_cast %add3A_1292 : i32 to index
      %swap3A_1294 = tpu.vector_load %arg13[%swap3A_1293] {strides = array<i32>} : memref<4096xf32, #tpu.memory_space<vmem>>, vector<16xf32>,
      tpu.vector_store %arg13[%swap3A_1293], %gather3A_1278 {strides = array<i32>} : memref<4096xf32, #tpu.memory_space<vmem>>, vector<16xf32>,
      %add3A_1295 = arith.constant 48 : i32
      %add3A_1296 = arith.addi %add3A_1245, %add3A_1295 : i32
      %swap3A_1297 = arith.index_cast %add3A_1296 : i32 to index
      %swap3A_1298 = tpu.vector_load %arg13[%swap3A_1297] {strides = array<i32>} : memref<4096xf32, #tpu.memory_space<vmem>>, vector<16xf32>,
      tpu.vector_store %arg13[%swap3A_1297], %gather3A_1279 {strides = array<i32>} : memref<4096xf32, #tpu.memory_space<vmem>>, vector<16xf32>,
      %add3A_1299 = arith.constant 64 : i32
      %add3A_1300 = arith.addi %add3A_1245, %add3A_1299 : i32
      %swap3A_1301 = arith.index_cast %add3A_1300 : i32 to index
      %swap3A_1302 = tpu.vector_load %arg13[%swap3A_1301] {strides = array<i32>} : memref<4096xf32, #tpu.memory_space<vmem>>, vector<16xf32>,
      tpu.vector_store %arg13[%swap3A_1301], %gather3A_1280 {strides = array<i32>} : memref<4096xf32, #tpu.memory_space<vmem>>, vector<16xf32>,
      %add3A_1303 = arith.constant 80 : i32
      %add3A_1304 = arith.addi %add3A_1245, %add3A_1303 : i32
      %swap3A_1305 = arith.index_cast %add3A_1304 : i32 to index
      %swap3A_1306 = tpu.vector_load %arg13[%swap3A_1305] {strides = array<i32>} : memref<4096xf32, #tpu.memory_space<vmem>>, vector<16xf32>,
      tpu.vector_store %arg13[%swap3A_1305], %gather3A_1281 {strides = array<i32>} : memref<4096xf32, #tpu.memory_space<vmem>>, vector<16xf32>,
      %add3A_1307 = arith.constant 96 : i32
      %add3A_1308 = arith.addi %add3A_1245, %add3A_1307 : i32
      %swap3A_1309 = arith.index_cast %add3A_1308 : i32 to index
      %swap3A_1310 = tpu.vector_load %arg13[%swap3A_1309] {strides = array<i32>} : memref<4096xf32, #tpu.memory_space<vmem>>, vector<16xf32>,
      tpu.vector_store %arg13[%swap3A_1309], %gather3A_1282 {strides = array<i32>} : memref<4096xf32, #tpu.memory_space<vmem>>, vector<16xf32>,
      %add3A_1311 = arith.constant 112 : i32
      %add3A_1312 = arith.addi %add3A_1245, %add3A_1311 : i32
      %swap3A_1313 = arith.index_cast %add3A_1312 : i32 to index
      %swap3A_1314 = tpu.vector_load %arg13[%swap3A_1313] {strides = array<i32>} : memref<4096xf32, #tpu.memory_space<vmem>>, vector<16xf32>,
      tpu.vector_store %arg13[%swap3A_1313], %gather3A_1283 {strides = array<i32>} : memref<4096xf32, #tpu.memory_space<vmem>>, vector<16xf32>,
    }
    %scan3A_1201 = arith.constant 32 : i32
    %dma_start3A_1202 = arith.constant 8192 : i32
    %dma_start3A_1203 = tpu.memref_slice %arg9[%add3A_3, %dma_start3A_1202] : memref<64x16384xf32, #tpu.memory_space<hbm>> -> memref<1x4096xf32, #tpu.memory_space<hbm>>
    %dma_start3A_1204 = tpu.memref_squeeze %dma_start3A_1203 : memref<1x4096xf32, #tpu.memory_space<hbm>> -> memref<4096xf32, #tpu.memory_space<hbm>>
    %dma_start3A_1205 = arith.constant 8192 : i32
    %dma_start3A_1206 = tpu.memref_slice %arg9[%add3A_3, %dma_start3A_1205] : memref<64x16384xf32, #tpu.memory_space<hbm>> -> memref<1x4096xf32, #tpu.memory_space<hbm>>
    %dma_start3A_1207 = tpu.memref_squeeze %dma_start3A_1206 : memref<1x4096xf32, #tpu.memory_space<hbm>> -> memref<4096xf32, #tpu.memory_space<hbm>>
    tpu.enqueue_dma source(%arg13 : memref<4096xf32, #tpu.memory_space<vmem>>) target(%dma_start3A_1207 : memref<4096xf32, #tpu.memory_space<hbm>>) target_semaphore(%arg17 : memref<!tpu.dma_semaphore, #tpu.memory_space<semaphore_mem>>)
    %dma_wait3A_1208 = arith.constant 12288 : i32
    %dma_wait3A_1209 = tpu.memref_slice %arg4[%dma_wait3A_1208] : memref<16384xi32, #tpu.memory_space<hbm>> -> memref<4096xi32, #tpu.memory_space<hbm>>
    %dma_wait3A_1210 = arith.constant 12288 : i32
    %dma_wait3A_1211 = tpu.memref_slice %arg4[%dma_wait3A_1210] : memref<16384xi32, #tpu.memory_space<hbm>> -> memref<4096xi32, #tpu.memory_space<hbm>>
    tpu.wait_dma2 semaphore(%arg16 : memref<!tpu.dma_semaphore, #tpu.memory_space<semaphore_mem>>) src(%dma_wait3A_1211 : memref<4096xi32, #tpu.memory_space<hbm>>) dst(%arg12 : memref<4096xi32, #tpu.memory_space<vmem>>)
    %dma_wait3A_1212 = arith.constant 4096 : i32
    %dma_wait3A_1213 = tpu.memref_slice %arg9[%add3A_3, %dma_wait3A_1212] : memref<64x16384xf32, #tpu.memory_space<hbm>> -> memref<1x4096xf32, #tpu.memory_space<hbm>>
    %dma_wait3A_1214 = tpu.memref_squeeze %dma_wait3A_1213 : memref<1x4096xf32, #tpu.memory_space<hbm>> -> memref<4096xf32, #tpu.memory_space<hbm>>
    %dma_wait3A_1215 = arith.constant 4096 : i32
    %dma_wait3A_1216 = tpu.memref_slice %arg9[%add3A_3, %dma_wait3A_1215] : memref<64x16384xf32, #tpu.memory_space<hbm>> -> memref<1x4096xf32, #tpu.memory_space<hbm>>
    %dma_wait3A_1217 = tpu.memref_squeeze %dma_wait3A_1216 : memref<1x4096xf32, #tpu.memory_space<hbm>> -> memref<4096xf32, #tpu.memory_space<hbm>>
    tpu.wait_dma2 semaphore(%arg17 : memref<!tpu.dma_semaphore, #tpu.memory_space<semaphore_mem>>) src(%arg14 : memref<4096xf32, #tpu.memory_space<vmem>>) dst(%dma_wait3A_1217 : memref<4096xf32, #tpu.memory_space<hbm>>)
    %scan3A_1218 = arith.constant 0 : i32
    %scan3A_1219 = arith.constant 32 : i32
    %scan3A_1220 = arith.addi %scan3A_1218, %scan3A_1219 : i32
    %scan3A_1221 = arith.constant 1 : i32
    scf.for %scan3A_1241 = %scan3A_1218 to %scan3A_1220 step %scan3A_1221  : i32 {
      %mul3A_1242 = arith.constant 128 : i32
      %mul3A_1243 = arith.muli %scan3A_1241, %mul3A_1242 : i32
      %add3A_1244 = arith.constant 0 : i32
      %add3A_1245 = arith.addi %add3A_1244, %mul3A_1243 : i32
      %add3A_1246 = arith.constant 0 : i32
      %add3A_1247 = arith.addi %add3A_1245, %add3A_1246 : i32
      %get3A = arith.index_cast %add3A_1247 : i32 to index
      %get3A_1248 = tpu.vector_load %arg12[%get3A] {strides = array<i32>} : memref<4096xi32, #tpu.memory_space<vmem>>, vector<16xi32>,
      %add3A_1249 = arith.constant 16 : i32
      %add3A_1250 = arith.addi %add3A_1245, %add3A_1249 : i32
      %get3A_1251 = arith.index_cast %add3A_1250 : i32 to index
      %get3A_1252 = tpu.vector_load %arg12[%get3A_1251] {strides = array<i32>} : memref<4096xi32, #tpu.memory_space<vmem>>, vector<16xi32>,
      %add3A_1253 = arith.constant 32 : i32
      %add3A_1254 = arith.addi %add3A_1245, %add3A_1253 : i32
      %get3A_1255 = arith.index_cast %add3A_1254 : i32 to index
      %get3A_1256 = tpu.vector_load %arg12[%get3A_1255] {strides = array<i32>} : memref<4096xi32, #tpu.memory_space<vmem>>, vector<16xi32>,
      %add3A_1257 = arith.constant 48 : i32
      %add3A_1258 = arith.addi %add3A_1245, %add3A_1257 : i32
      %get3A_1259 = arith.index_cast %add3A_1258 : i32 to index
      %get3A_1260 = tpu.vector_load %arg12[%get3A_1259] {strides = array<i32>} : memref<4096xi32, #tpu.memory_space<vmem>>, vector<16xi32>,
      %add3A_1261 = arith.constant 64 : i32
      %add3A_1262 = arith.addi %add3A_1245, %add3A_1261 : i32
      %get3A_1263 = arith.index_cast %add3A_1262 : i32 to index
      %get3A_1264 = tpu.vector_load %arg12[%get3A_1263] {strides = array<i32>} : memref<4096xi32, #tpu.memory_space<vmem>>, vector<16xi32>,
      %add3A_1265 = arith.constant 80 : i32
      %add3A_1266 = arith.addi %add3A_1245, %add3A_1265 : i32
      %get3A_1267 = arith.index_cast %add3A_1266 : i32 to index
      %get3A_1268 = tpu.vector_load %arg12[%get3A_1267] {strides = array<i32>} : memref<4096xi32, #tpu.memory_space<vmem>>, vector<16xi32>,
      %add3A_1269 = arith.constant 96 : i32
      %add3A_1270 = arith.addi %add3A_1245, %add3A_1269 : i32
      %get3A_1271 = arith.index_cast %add3A_1270 : i32 to index
      %get3A_1272 = tpu.vector_load %arg12[%get3A_1271] {strides = array<i32>} : memref<4096xi32, #tpu.memory_space<vmem>>, vector<16xi32>,
      %add3A_1273 = arith.constant 112 : i32
      %add3A_1274 = arith.addi %add3A_1245, %add3A_1273 : i32
      %get3A_1275 = arith.index_cast %add3A_1274 : i32 to index
      %get3A_1276 = tpu.vector_load %arg12[%get3A_1275] {strides = array<i32>} : memref<4096xi32, #tpu.memory_space<vmem>>, vector<16xi32>,
      %gather3A = tpu.vector_load_idx %arg10[%broadcast_in_dim3A_1, %get3A_1248] : memref<1x100000xf32, #tpu.memory_space<vmem>>[vector<16xi32>, vector<16xi32>], vector<16xf32>,
      %gather3A_1277 = tpu.vector_load_idx %arg10[%broadcast_in_dim3A_1, %get3A_1252] : memref<1x100000xf32, #tpu.memory_space<vmem>>[vector<16xi32>, vector<16xi32>], vector<16xf32>,
      %gather3A_1278 = tpu.vector_load_idx %arg10[%broadcast_in_dim3A_1, %get3A_1256] : memref<1x100000xf32, #tpu.memory_space<vmem>>[vector<16xi32>, vector<16xi32>], vector<16xf32>,
      %gather3A_1279 = tpu.vector_load_idx %arg10[%broadcast_in_dim3A_1, %get3A_1260] : memref<1x100000xf32, #tpu.memory_space<vmem>>[vector<16xi32>, vector<16xi32>], vector<16xf32>,
      %gather3A_1280 = tpu.vector_load_idx %arg10[%broadcast_in_dim3A_1, %get3A_1264] : memref<1x100000xf32, #tpu.memory_space<vmem>>[vector<16xi32>, vector<16xi32>], vector<16xf32>,
      %gather3A_1281 = tpu.vector_load_idx %arg10[%broadcast_in_dim3A_1, %get3A_1268] : memref<1x100000xf32, #tpu.memory_space<vmem>>[vector<16xi32>, vector<16xi32>], vector<16xf32>,
      %gather3A_1282 = tpu.vector_load_idx %arg10[%broadcast_in_dim3A_1, %get3A_1272] : memref<1x100000xf32, #tpu.memory_space<vmem>>[vector<16xi32>, vector<16xi32>], vector<16xf32>,
      %gather3A_1283 = tpu.vector_load_idx %arg10[%broadcast_in_dim3A_1, %get3A_1276] : memref<1x100000xf32, #tpu.memory_space<vmem>>[vector<16xi32>, vector<16xi32>], vector<16xf32>,
      %add3A_1284 = arith.constant 0 : i32
      %add3A_1285 = arith.addi %add3A_1245, %add3A_1284 : i32
      %swap3A = arith.index_cast %add3A_1285 : i32 to index
      %swap3A_1286 = tpu.vector_load %arg14[%swap3A] {strides = array<i32>} : memref<4096xf32, #tpu.memory_space<vmem>>, vector<16xf32>,
      tpu.vector_store %arg14[%swap3A], %gather3A {strides = array<i32>} : memref<4096xf32, #tpu.memory_space<vmem>>, vector<16xf32>,
      %add3A_1287 = arith.constant 16 : i32
      %add3A_1288 = arith.addi %add3A_1245, %add3A_1287 : i32
      %swap3A_1289 = arith.index_cast %add3A_1288 : i32 to index
      %swap3A_1290 = tpu.vector_load %arg14[%swap3A_1289] {strides = array<i32>} : memref<4096xf32, #tpu.memory_space<vmem>>, vector<16xf32>,
      tpu.vector_store %arg14[%swap3A_1289], %gather3A_1277 {strides = array<i32>} : memref<4096xf32, #tpu.memory_space<vmem>>, vector<16xf32>,
      %add3A_1291 = arith.constant 32 : i32
      %add3A_1292 = arith.addi %add3A_1245, %add3A_1291 : i32
      %swap3A_1293 = arith.index_cast %add3A_1292 : i32 to index
      %swap3A_1294 = tpu.vector_load %arg14[%swap3A_1293] {strides = array<i32>} : memref<4096xf32, #tpu.memory_space<vmem>>, vector<16xf32>,
      tpu.vector_store %arg14[%swap3A_1293], %gather3A_1278 {strides = array<i32>} : memref<4096xf32, #tpu.memory_space<vmem>>, vector<16xf32>,
      %add3A_1295 = arith.constant 48 : i32
      %add3A_1296 = arith.addi %add3A_1245, %add3A_1295 : i32
      %swap3A_1297 = arith.index_cast %add3A_1296 : i32 to index
      %swap3A_1298 = tpu.vector_load %arg14[%swap3A_1297] {strides = array<i32>} : memref<4096xf32, #tpu.memory_space<vmem>>, vector<16xf32>,
      tpu.vector_store %arg14[%swap3A_1297], %gather3A_1279 {strides = array<i32>} : memref<4096xf32, #tpu.memory_space<vmem>>, vector<16xf32>,
      %add3A_1299 = arith.constant 64 : i32
      %add3A_1300 = arith.addi %add3A_1245, %add3A_1299 : i32
      %swap3A_1301 = arith.index_cast %add3A_1300 : i32 to index
      %swap3A_1302 = tpu.vector_load %arg14[%swap3A_1301] {strides = array<i32>} : memref<4096xf32, #tpu.memory_space<vmem>>, vector<16xf32>,
      tpu.vector_store %arg14[%swap3A_1301], %gather3A_1280 {strides = array<i32>} : memref<4096xf32, #tpu.memory_space<vmem>>, vector<16xf32>,
      %add3A_1303 = arith.constant 80 : i32
      %add3A_1304 = arith.addi %add3A_1245, %add3A_1303 : i32
      %swap3A_1305 = arith.index_cast %add3A_1304 : i32 to index
      %swap3A_1306 = tpu.vector_load %arg14[%swap3A_1305] {strides = array<i32>} : memref<4096xf32, #tpu.memory_space<vmem>>, vector<16xf32>,
      tpu.vector_store %arg14[%swap3A_1305], %gather3A_1281 {strides = array<i32>} : memref<4096xf32, #tpu.memory_space<vmem>>, vector<16xf32>,
      %add3A_1307 = arith.constant 96 : i32
      %add3A_1308 = arith.addi %add3A_1245, %add3A_1307 : i32
      %swap3A_1309 = arith.index_cast %add3A_1308 : i32 to index
      %swap3A_1310 = tpu.vector_load %arg14[%swap3A_1309] {strides = array<i32>} : memref<4096xf32, #tpu.memory_space<vmem>>, vector<16xf32>,
      tpu.vector_store %arg14[%swap3A_1309], %gather3A_1282 {strides = array<i32>} : memref<4096xf32, #tpu.memory_space<vmem>>, vector<16xf32>,
      %add3A_1311 = arith.constant 112 : i32
      %add3A_1312 = arith.addi %add3A_1245, %add3A_1311 : i32
      %swap3A_1313 = arith.index_cast %add3A_1312 : i32 to index
      %swap3A_1314 = tpu.vector_load %arg14[%swap3A_1313] {strides = array<i32>} : memref<4096xf32, #tpu.memory_space<vmem>>, vector<16xf32>,
      tpu.vector_store %arg14[%swap3A_1313], %gather3A_1283 {strides = array<i32>} : memref<4096xf32, #tpu.memory_space<vmem>>, vector<16xf32>,
    }
    %scan3A_1222 = arith.constant 32 : i32
    %dma_start3A_1223 = arith.constant 12288 : i32
    %dma_start3A_1224 = tpu.memref_slice %arg9[%add3A_3, %dma_start3A_1223] : memref<64x16384xf32, #tpu.memory_space<hbm>> -> memref<1x4096xf32, #tpu.memory_space<hbm>>
    %dma_start3A_1225 = tpu.memref_squeeze %dma_start3A_1224 : memref<1x4096xf32, #tpu.memory_space<hbm>> -> memref<4096xf32, #tpu.memory_space<hbm>>
    %dma_start3A_1226 = arith.constant 12288 : i32
    %dma_start3A_1227 = tpu.memref_slice %arg9[%add3A_3, %dma_start3A_1226] : memref<64x16384xf32, #tpu.memory_space<hbm>> -> memref<1x4096xf32, #tpu.memory_space<hbm>>
    %dma_start3A_1228 = tpu.memref_squeeze %dma_start3A_1227 : memref<1x4096xf32, #tpu.memory_space<hbm>> -> memref<4096xf32, #tpu.memory_space<hbm>>
    tpu.enqueue_dma source(%arg14 : memref<4096xf32, #tpu.memory_space<vmem>>) target(%dma_start3A_1228 : memref<4096xf32, #tpu.memory_space<hbm>>) target_semaphore(%arg17 : memref<!tpu.dma_semaphore, #tpu.memory_space<semaphore_mem>>)
    %dma_wait3A_1229 = arith.constant 8192 : i32
    %dma_wait3A_1230 = tpu.memref_slice %arg9[%add3A_3, %dma_wait3A_1229] : memref<64x16384xf32, #tpu.memory_space<hbm>> -> memref<1x4096xf32, #tpu.memory_space<hbm>>
    %dma_wait3A_1231 = tpu.memref_squeeze %dma_wait3A_1230 : memref<1x4096xf32, #tpu.memory_space<hbm>> -> memref<4096xf32, #tpu.memory_space<hbm>>
    %dma_wait3A_1232 = arith.constant 8192 : i32
    %dma_wait3A_1233 = tpu.memref_slice %arg9[%add3A_3, %dma_wait3A_1232] : memref<64x16384xf32, #tpu.memory_space<hbm>> -> memref<1x4096xf32, #tpu.memory_space<hbm>>
    %dma_wait3A_1234 = tpu.memref_squeeze %dma_wait3A_1233 : memref<1x4096xf32, #tpu.memory_space<hbm>> -> memref<4096xf32, #tpu.memory_space<hbm>>
    tpu.wait_dma2 semaphore(%arg17 : memref<!tpu.dma_semaphore, #tpu.memory_space<semaphore_mem>>) src(%arg13 : memref<4096xf32, #tpu.memory_space<vmem>>) dst(%dma_wait3A_1234 : memref<4096xf32, #tpu.memory_space<hbm>>)
    %dma_wait3A_1235 = arith.constant 12288 : i32
    %dma_wait3A_1236 = tpu.memref_slice %arg9[%add3A_3, %dma_wait3A_1235] : memref<64x16384xf32, #tpu.memory_space<hbm>> -> memref<1x4096xf32, #tpu.memory_space<hbm>>
    %dma_wait3A_1237 = tpu.memref_squeeze %dma_wait3A_1236 : memref<1x4096xf32, #tpu.memory_space<hbm>> -> memref<4096xf32, #tpu.memory_space<hbm>>
    %dma_wait3A_1238 = arith.constant 12288 : i32
    %dma_wait3A_1239 = tpu.memref_slice %arg9[%add3A_3, %dma_wait3A_1238] : memref<64x16384xf32, #tpu.memory_space<hbm>> -> memref<1x4096xf32, #tpu.memory_space<hbm>>
    %dma_wait3A_1240 = tpu.memref_squeeze %dma_wait3A_1239 : memref<1x4096xf32, #tpu.memory_space<hbm>> -> memref<4096xf32, #tpu.memory_space<hbm>>
    tpu.wait_dma2 semaphore(%arg17 : memref<!tpu.dma_semaphore, #tpu.memory_space<semaphore_mem>>) src(%arg14 : memref<4096xf32, #tpu.memory_space<vmem>>) dst(%dma_wait3A_1240 : memref<4096xf32, #tpu.memory_space<hbm>>)
    return
  }
}

module attributes {stable_mosaic.version = 14 : i64} {
  func.func @body(%arg0: i32, %arg1: memref<64x2048xf32, #tpu.memory_space<vmem>>, %arg2: memref<64x2048xf32, #tpu.memory_space<vmem>>, %arg3: memref<64x2048xf32, #tpu.memory_space<vmem>>, %arg4: memref<2048xf32, #tpu.memory_space<vmem>>) attributes {dimension_semantics = [#tpu.dimension_semantics<arbitrary>], iteration_bounds = array<i64: 8>, scalar_prefetch = 0 : i64, scratch_operands = 0 : i64, tpu.core_type = #tpu.core_type<tc>, window_params = [{transform_indices = @transform_0, window_bounds = array<i64: 64, 2048>}, {transform_indices = @transform_1, window_bounds = array<i64: 64, 2048>}, {transform_indices = @transform_2, window_bounds = array<i64: 64, 2048>}, {transform_indices = @transform_3, window_bounds = array<i64: 2048>}]} {
    %get3A = arith.constant 0 : index
    %get3A_0 = arith.constant 0 : index
    %get3A_1 = vector.load %arg1[%get3A, %get3A_0] : memref<64x2048xf32, #tpu.memory_space<vmem>>, vector<64x2048xf32>
    %get3A_2 = arith.constant 0 : index
    %get3A_3 = arith.constant 0 : index
    %get3A_4 = vector.load %arg2[%get3A_2, %get3A_3] : memref<64x2048xf32, #tpu.memory_space<vmem>>, vector<64x2048xf32>
    %get3A_5 = arith.constant 0 : index
    %get3A_6 = arith.constant 0 : index
    %get3A_7 = vector.load %arg3[%get3A_5, %get3A_6] : memref<64x2048xf32, #tpu.memory_space<vmem>>, vector<64x2048xf32>
    %mul3A = arith.mulf %get3A_1, %get3A_1 : vector<64x2048xf32>
    %reduce_sum3A = arith.constant dense<0.000000e+00> : vector<2048xf32>
    %reduce_sum3A_8 = vector.multi_reduction <add>, %mul3A, %reduce_sum3A [0] : vector<64x2048xf32> to vector<2048xf32>
    %mul3A_9 = arith.mulf %get3A_4, %get3A_4 : vector<64x2048xf32>
    %reduce_sum3A_10 = arith.constant dense<0.000000e+00> : vector<2048xf32>
    %reduce_sum3A_11 = vector.multi_reduction <add>, %mul3A_9, %reduce_sum3A_10 [0] : vector<64x2048xf32> to vector<2048xf32>
    %add3A = arith.addf %reduce_sum3A_8, %reduce_sum3A_11 : vector<2048xf32>
    %mul3A_12 = arith.mulf %get3A_7, %get3A_7 : vector<64x2048xf32>
    %reduce_sum3A_13 = arith.constant dense<0.000000e+00> : vector<2048xf32>
    %reduce_sum3A_14 = vector.multi_reduction <add>, %mul3A_12, %reduce_sum3A_13 [0] : vector<64x2048xf32> to vector<2048xf32>
    %add3A_15 = arith.addf %add3A, %reduce_sum3A_14 : vector<2048xf32>
    %swap3A = arith.constant 0 : index
    %swap3A_16 = vector.load %arg4[%swap3A] : memref<2048xf32, #tpu.memory_space<vmem>>, vector<2048xf32>
    tpu.vector_store %arg4[%swap3A], %add3A_15 {strides = array<i32>} : memref<2048xf32, #tpu.memory_space<vmem>>, vector<2048xf32>,
    return
  }
  func.func @transform_0(%arg0: i32) -> (i32, i32) {
    %c0_i32 = arith.constant 0 : i32
    %c0_i32_0 = arith.constant 0 : i32
    return %c0_i32, %arg0 : i32, i32
  }
  func.func @transform_1(%arg0: i32) -> (i32, i32) {
    %c0_i32 = arith.constant 0 : i32
    %c0_i32_0 = arith.constant 0 : i32
    return %c0_i32, %arg0 : i32, i32
  }
  func.func @transform_2(%arg0: i32) -> (i32, i32) {
    %c0_i32 = arith.constant 0 : i32
    %c0_i32_0 = arith.constant 0 : i32
    return %c0_i32, %arg0 : i32, i32
  }
  func.func @transform_3(%arg0: i32) -> i32 {
    %c0_i32 = arith.constant 0 : i32
    return %arg0 : i32
  }
}

</mosaic_0001>

<sc_bundles>
// kernel: kernel.4.cloned.1.call-start
scs
__scs_entry_jumppad:
0x0: {  	(pc) =	sbr.rel $0x88, $3  }
0x1: {  	(tag) =	ssettag $0x0;
	lr =	simm.s32 $0x1  }
0x2: {  	[smem:$0x3F9C] =	sst lr;
	_ =	strace $0xD0000000  }
0x3: {  	_ = 	snop  }
0x4: {  	_ = 	snop  }
0x5: {  	_ = 	snop  }
0x6: {  	_ = 	snop  }
0x7: {  	_ = 	snop  }
__scs_overlays_trampoline_lowered:
0x8: {  	[smem:$0x3FAB] =	sst s0  }
0x9: {  	[smem:$0x3FAC] =	sst s1  }
0xa: {  	[smem:$0x3FAD] =	sst s2  }
0xb: {  	[smem:$0x3FAE] =	sst s3  }
0xc: {  	[smem:$0x3FAF] =	sst s4  }
0xd: {  	[smem:$0x3FB0] =	sst s5  }
0xe: {  	[smem:$0x3FB1] =	sst s6  }
0xf: {  	[smem:$0x3FB2] =	sst s7  }
0x10: {  	[smem:$0x3FB3] =	sst s8  }
0x11: {  	[smem:$0x3FB4] =	sst s9;
	s0 =	simm.s32 @!p0 $0x0  }
0x12: {  	s1 =	sld [smem:$0x3F9A];
	s0 =	simm.s32 @p0 $0x1  }
0x13: {  	[smem:$0x3FB5] =	sst s0;
	s0 =	simm.s32 @!p1 $0x0  }
0x14: {  	s2 =	sld [smem:$0x3F99];
	s0 =	simm.s32 @p1 $0x1  }
0x15: {  	[smem:$0x3FB6] =	sst s0;
	s0 =	simm.s32 @!p2 $0x0  }
0x16: {  	s3 =	sld [smem:$0x3FDB];
	s0 =	simm.s32 @p2 $0x1  }
0x17: {  	s4 =	simm.s32 $0x1BF5;
	[smem:$0x3FB8] =	sst s0  }
0x18: {  	s0 =	sld [smem:$0x3F9B];
	_ =	swait.ge [sflag:s4], $0x0  }
0x19: {  	s7 =	sld [smem:$0x3F9C]  }
0x1a: {  	s8 =	sadd.s32 $0xFFFFE003, lr  }
0x1b: {  	s9 =	sadd.s32 $0xFFFFFEF7, lr;
	s5 =	simm.s32 $0xFFFFFFFF;
	p2 =	slt.u32 s8, $0xFFFFF086  }
0x1c: {  	p1 =	slt.u32 s9, $0xF7A;
	s5 =	simm.s32 @!p2 $0x0  }
0x1d: {  	s5 =	simm.s32 @p1 $0x1;
	p0 =	seq.s32 s7, s2  }
0x1e: {  	s7 =	smul.u32 @!p0 $0xF7A, s2;
	p2 =	seq.s32 @!p0 s5, $0x0  }
0x1f: {  	s9 =	smul.u32 $0xF7A, s1;
	s8 =	simm.s32 @!p0 $0x1BF5;
	p2 =	por !p2, p0  }
0x20: {  	[sflag:s8] =	ssyncset.s32 @!p0 $0xFFFFF086;
	s6 =	sadd.s32 @!p0 s3, s7;
	s7 =	simm.s32 @!p0 $0x108  }
0x21: {  	s3 =	sadd.s32 s3, s9;
	s6 =	sadd.s32 @!p0 $0x88, s6;
	s7 =	simm.s32 @p2 $0x1082  }
0x22: {  	[simem:s7], [sflag:s8] =	dma.local @!p0 [hbm:s6], $0xF7A  }
0x23: {  	s9 =	sor.u32 $0xD0000000, s2;
	s6 =	simm.s32 $0x108;
	_ =	swait.ge @!p0 [sflag:s8], $0x0  }
0x24: {  	s3 =	sadd.s32 $0x88, s3;
	s6 =	simm.s32 @!p1 $0x1082;
	[sflag:s4] =	ssyncset.s32 $0xFFFFF086  }
0x25: {  	[simem:s6], [sflag:s4] =	dma.local [hbm:s3], $0xF7A  }
0x26: {  	[smem:$0x3F9C] =	sst s1;
	(tag) =	ssettag s2;
	_ =	strace s9  }
0x27: {  	s1 =	sld [smem:$0x3FAC]  }
0x28: {  	s2 =	sld [smem:$0x3FAD]  }
0x29: {  	s4 =	sld [smem:$0x3FAF]  }
0x2a: {  	p0 =	seq.s32 s5, $0x0;
	s5 =	sld [smem:$0x3FB0]  }
0x2b: {  	s6 =	sld [smem:$0x3FB1]  }
0x2c: {  	s7 =	sld [smem:$0x3FB2]  }
0x2d: {  	s3 =	simm.s32 $0x108;
	s8 =	sld [smem:$0x3FB3]  }
0x2e: {  	s3 =	simm.s32 @!p0 $0x1082;
	s9 =	sld [smem:$0x3FB4]  }
0x2f: {  	lr =	sadd.s32 s0, s3;
	s0 =	sld [smem:$0x3FAB]  }
0x30: {  	s3 =	sld [smem:$0x3FAE]  }
0x31: {  	[smem:$0x3FB7] =	sst s10  }
0x32: {  	s10 =	sld [smem:$0x3FB5];
	_ =	sdelay $0x3  }
0x33: {  	p0 =	seq.s32 s10, $0x1;
	s10 =	sld [smem:$0x3FB7];
	_ =	sdelay $0x3  }
0x34: {  	[smem:$0x3FB7] =	sst s10  }
0x35: {  	s10 =	sld [smem:$0x3FB6];
	_ =	sdelay $0x3  }
0x36: {  	p1 =	seq.s32 s10, $0x1;
	s10 =	sld [smem:$0x3FB7];
	_ =	sdelay $0x3  }
0x37: {  	[smem:$0x3FB7] =	sst s10  }
0x38: {  	s10 =	sld [smem:$0x3FB8]  }
0x39: {  	_ = 	snop;
	(pc) =	sbr.ind lr, $3  }
0x3a: {  	_ = 	snop  }
0x3b: {  	_ = 	snop  }
0x3c: {  	p2 =	seq.s32 s10, $0x1;
	s10 =	sld [smem:$0x3FB7]  }
0x3d: {  	_ =	shalt  }
0x3e: {  	_ =	shalt  }
0x3f: {  	_ =	shalt  }
0x40: {  	_ =	shalt  }
0x41: {  	_ =	shalt  }
0x42: {  	_ =	shalt  }
0x43: {  	_ =	shalt  }
0x44: {  	_ =	shalt  }
0x45: {  	_ =	shalt  }
0x46: {  	_ =	shalt  }
0x47: {  	_ =	shalt  }
0x48: {  	_ =	shalt  }
0x49: {  	_ =	shalt  }
0x4a: {  	_ =	shalt  }
0x4b: {  	_ =	shalt  }
0x4c: {  	_ =	shalt  }
0x4d: {  	_ =	shalt  }
0x4e: {  	_ =	shalt  }
0x4f: {  	_ =	shalt  }
0x50: {  	_ =	shalt  }
0x51: {  	_ =	shalt  }
0x52: {  	_ =	shalt  }
0x53: {  	_ =	shalt  }
0x54: {  	_ =	shalt  }
0x55: {  	_ =	shalt  }
0x56: {  	_ =	shalt  }
0x57: {  	_ =	shalt  }
0x58: {  	_ =	shalt  }
0x59: {  	_ =	shalt  }
0x5a: {  	_ =	shalt  }
0x5b: {  	_ =	shalt  }
0x5c: {  	_ =	shalt  }
0x5d: {  	_ =	shalt  }
0x5e: {  	_ =	shalt  }
0x5f: {  	_ =	shalt  }
0x60: {  	_ =	shalt  }
0x61: {  	_ =	shalt  }
0x62: {  	_ =	shalt  }
0x63: {  	_ =	shalt  }
0x64: {  	_ =	shalt  }
0x65: {  	_ =	shalt  }
0x66: {  	_ =	shalt  }
0x67: {  	_ =	shalt  }
0x68: {  	_ =	shalt  }
0x69: {  	_ =	shalt  }
0x6a: {  	_ =	shalt  }
0x6b: {  	_ =	shalt  }
0x6c: {  	_ =	shalt  }
0x6d: {  	_ =	shalt  }
0x6e: {  	_ =	shalt  }
0x6f: {  	_ =	shalt  }
0x70: {  	_ =	shalt  }
0x71: {  	_ =	shalt  }
0x72: {  	_ =	shalt  }
0x73: {  	_ =	shalt  }
0x74: {  	_ =	shalt  }
0x75: {  	_ =	shalt  }
0x76: {  	_ =	shalt  }
0x77: {  	_ =	shalt  }
0x78: {  	_ =	shalt  }
0x79: {  	_ =	shalt  }
0x7a: {  	_ =	shalt  }
0x7b: {  	_ =	shalt  }
0x7c: {  	_ =	shalt  }
0x7d: {  	_ =	shalt  }
0x7e: {  	_ =	shalt  }
0x7f: {  	_ =	shalt  }
0x80: {  	_ =	shalt  }
0x81: {  	_ =	shalt  }
0x82: {  	_ =	shalt  }
0x83: {  	_ =	shalt  }
0x84: {  	_ =	shalt  }
0x85: {  	_ =	shalt  }
0x86: {  	_ =	shalt  }
0x87: {  	_ =	shalt  }
.Lfunc_end0:
.L_simem_size_0:
called_computation_lowered:
.L_overlay_start_0:
0x88: {  	s2 =	sld [smem:$0x3FD9]  }
0x89: {  	s3 =	sld [smem:$0x3FFE];
	_ =	sdelay $0x1  }
0x8a: {  	s1 =	srdreg.scid  }
0x8b: {  	s0 =	sand.u32 $0x1, s1  }
0x8c: {  	s15 =	sshll.u32 s0, $0xA;
	s2 =	sadd.s32 s3, s2  }
0x8d: {  	s2 =	sadd.s32 s2, s15  }
0x8e: {  	[smem:$0x3FC3] =	sst s2  }
0x8f: {  	_ = 	snop  }
0x90: {  	s2 =	sld [smem:$0x3FC9]  }
0x91: {  	s16 =	sld [smem:$0x3FC8]  }
0x92: {  	s4 =	sld [smem:$0x3FD0]  }
0x93: {  	s5 =	sld [smem:$0x3FC7]  }
0x94: {  	s6 =	sld [smem:$0x3FC6]  }
0x95: {  	s8 =	simm.s32 $0xA;
	s9 =	simm.s32 $0x10;
	s7 =	sld [smem:$0x3FC5]  }
0x96: {  	[smem:s9], [sflag:s8] =	dma.local [hbm:s4], $0x1  }
0x97: {  	_ =	swait.eq [sflag:s8], $0x1  }
0x98: {  	s17 =	sld [smem:$0x10];
	[sflag:s8] =	ssyncset.done $0x0  }
0x99: {  	s18 =	sld [smem:$0x11];
	[sflag:s8] =	ssyncadd.s32 $0xFFFFFFFF  }
0x9a: {  	s19 =	sld [smem:$0x12];
	(tm) =	ssettm $0x1  }
0x9b: {  	s10 =	sld [smem:$0x3FFB];
	_ =	sdelay $0x3  }
0x9c: {  	_ =	strace s10  }
0x9d: {  	s10 =	sld [smem:$0x3FFC];
	_ =	sdelay $0x3  }
0x9e: {  	_ =	strace s10  }
0x9f: {  	s10 =	sld [smem:$0x3FFD];
	_ =	sdelay $0x3  }
0xa0: {  	_ =	strace s10  }
0xa1: {  	_ =	strace $0x8FFFFFFF  }
0xa2: {  	s20 =	sld [smem:$0x3FDB];
	_ =	sdelay $0x1  }
0xa3: {  	s11 =	simm.s32 $_scs_section_size  }
0xa4: {  	s12 =	simm.s32 $_size__tile_overlayer_lowered;
	s13 =	simm.s32 $_tile_overlayer_lowered  }
0xa5: {  	s23 =	simm.s32 $0x1BFF;
	s22 =	sshll.u32 s13, $0x1;
	s10 =	sadd.s32 s11, s20  }
0xa6: {  	s14 =	simm.s32 $0x0;
	s21 =	sshll.u32 s12, $0x1;
	s12 =	sadd.s32 s22, s10  }
0xa7: {  	[timem:s14], [sflag:s23] =	dma.local [hbm:s12], s21  }
0xa8: {  	_ =	swait.ge [sflag:s23], s21  }
0xa9: {  	s11 =	ssub.s32 $0x0, s21;
	[sflag:s23] =	ssyncset.done $0x0  }
0xaa: {  	[sflag:s23] =	ssyncadd.s32 s11;
	_ =	sdelay $0x1  }
0xab: {  	s24 =	simm.s32 $0x1B8B  }
0xac: {  	_ =	swait.ge [sflag:s24], $0x1  }
0xad: {  	[sflag:s24] =	ssyncset.done $0x0  }
0xae: {  	s25 =	simm.s32 $0x1B8E;
	[sflag:s24] =	ssyncadd.s32 $0xFFFFFFFF  }
0xaf: {  	s26 =	simm.s32 $execute0_lowered;
	[smem:$0x3FD2] =	sst s25  }
0xb0: {  	s11 =	sshll.u32 s26, $0x1;
	_ =	strace $0x80000046;
	[dreg:$0x1] =	wrdreg $0xFFFFFFFF  }
0xb1: {  	s28 =	simm.s32 $_size_execute0_lowered;
	s10 =	sadd.s32 s10, s11;
	[dreg:$0x0] =	wrdreg $0x0  }
0xb2: {  	s11 =	sshll.u32 s28, $0x1;
	[dreg:$0x2] =	wrdreg s10  }
0xb3: {  	[dreg:$0x3] =	wrdreg s11  }
0xb4: {  	[dreg:$0x4] =	wrdreg $0xC0  }
0xb5: {  	_ =	task [dreg:s14], $0x5FFFF  }
0xb6: {  	[dreg:$0x1] =	wrdreg $0xFFFFFFFF  }
0xb7: {  	[dreg:$0x0] =	wrdreg $0x60  }
0xb8: {  	[dreg:$0x2] =	wrdreg s2  }
0xb9: {  	[dreg:$0x3] =	wrdreg s16  }
0xba: {  	[dreg:$0x4] =	wrdreg s5  }
0xbb: {  	[dreg:$0x5] =	wrdreg s6  }
0xbc: {  	[dreg:$0x6] =	wrdreg s7  }
0xbd: {  	[dreg:$0x7] =	wrdreg s17  }
0xbe: {  	[dreg:$0x8] =	wrdreg s18  }
0xbf: {  	[dreg:$0x9] =	wrdreg s19  }
0xc0: {  	[dreg:$0xa] =	wrdreg $0x9  }
0xc1: {  	_ =	task.clear_ibuf [dreg:s14], $0xBFFFF;
	_ =	strace $0x90000046  }
0xc2: {  	s29 =	simm.s32 $0x9;
	_ =	strace $0x80000048  }
0xc3: {  	_ =	swait.ge [sflag:s29], $0x1  }
0xc4: {  	[sflag:s29] =	ssyncadd.s32 $0xFFFFFFFF  }
0xc5: {  	_ =	strace $0x90000048  }
0xc6: {  	_ =	sfence  }
0xc7: {  	s30 =	sld [smem:$0x0];
	_ =	sdelay $0x2  }
0xc8: {  	s31 =	sshll.u32 s1, $0xD;
	s1 =	sshrl.u32 s1, $0x2  }
0xc9: {  	s3 =	sand.u32 $0x4000, s31;
	s1 =	sadd.s32 s1, s30  }
0xca: {  	s0 =	sor.u32 s3, s0;
	s1 =	sshll.u32 s1, $0x11  }
0xcb: {  	s0 =	sor.u32 s1, s0  }
0xcc: {  	s0 =	sadd.s32 $0x8F2B, s0  }
0xcd: {  	[sflag:s0] =	ssyncadd.remote.s32 $0x1  }
0xce: {  	_ =	sfence.sel $0xFFFF  }
0xcf: {  	[dreg:$0x0] =	wrdreg $0xFFFFFFFF;
	(pc) =	sbr.abs _section_cstart, $3  }
0xd0: {  	[dreg:$0x1] =	wrdreg $0xFFFFFFFF  }
0xd1: {  	_ =	task.clear_ibuf [dreg:s14], $0x2FFFF;
	_ =	strace $0x9FFFFFFF  }
0xd2: {  	(tm) =	ssettm $0x7FFFFFFF  }
0xd3: {  	_ =	shalt  }
tec
execute0_lowered:
.L_overlay_start_1:
0x0: {  	(tag) =	ssettag $0x1  }
0x1: {  	s3 =	rddreg [dreg:$0x3];
	s1 =	stileid.u32  }
0x2: {  	s0 =	srdreg.scid;
	s2 =	rddreg [dreg:$0x4];
	s4 =	sshrl.u32 s1, $0x2  }
0x3: {  	s0 =	sand.u32 $0x1, s0;
	s1 =	sshll.u32 s1, $0x8;
	s5 =	smul.u32 $0xC3800, s4  }
0x4: {  	s6 =	sshll.u32 s0, $0x7;
	s1 =	sand.u32 $0x300, s1;
	s0 =	ssub.s32 $0x2, s0  }
0x5: {  	s6 =	sor.u32 s6, s1;
	s1 =	simm.s32 $0x0;
	s7 =	sshrl.u32 s0, $0x1  }
0x6: {  	s5 =	sor.u32 s5, s6;
	[smem:$0x7FF] =	sst s1;
	s0 =	ssub.s32 s0, s7  }
0x7: {  	s19 =	sadd.s32 $0x18800, s5;
	s8 =	sshrl.u32 s5, $0x3;
	s9 =	sadd.s32 $0x31000, s5  }
0x8: {  	s22 =	sadd.s32 $0x49800, s5;
	s11 =	sadd.s32 $0x62000, s5;
	s12 =	sadd.s32 $0x7A800, s5  }
0x9: {  	s25 =	sadd.s32 $0x93000, s5;
	s5 =	sadd.s32 $0xAB800, s5;
	s10 =	sadd.s32 s3, s8  }
0xa: {  	s7 =	sshrl.u32 s19, $0x3;
	s8 =	sadd.s32 s2, s8;
	[dreg:$0x9] =	wrdreg s10  }
0xb: {  	s9 =	sshrl.u32 s9, $0x3;
	s20 =	sadd.s32 s3, s7;
	[dreg:$0x11] =	wrdreg s8  }
0xc: {  	s11 =	sshrl.u32 s11, $0x3;
	s21 =	sadd.s32 s3, s9;
	[dreg:$0xa] =	wrdreg s20  }
0xd: {  	s12 =	sshrl.u32 s12, $0x3;
	s23 =	sadd.s32 s3, s11;
	[dreg:$0xb] =	wrdreg s21  }
0xe: {  	s5 =	sshrl.u32 s5, $0x3;
	s24 =	sadd.s32 s3, s12;
	[dreg:$0xd] =	wrdreg s23  }
0xf: {  	s14 =	sshll.u32 s4, $0x11;
	s26 =	sadd.s32 s3, s5;
	[dreg:$0xe] =	wrdreg s24  }
0x10: {  	s4 =	sor.u32 $0x4, s4;
	s7 =	sadd.s32 s2, s7;
	[dreg:$0x10] =	wrdreg s26  }
0x11: {  	s14 =	sor.u32 s14, s6;
	s8 =	sadd.s32 s2, s9;
	[dreg:$0x12] =	wrdreg s7  }
0x12: {  	s10 =	sshrl.u32 s22, $0x3;
	s11 =	sadd.s32 s2, s11;
	[dreg:$0x13] =	wrdreg s8  }
0x13: {  	s5 =	sadd.s32 s2, s5;
	s13 =	sadd.s32 s3, s10;
	[dreg:$0x15] =	wrdreg s11  }
0x14: {  	s9 =	sadd.s32 s2, s10;
	s10 =	smul.u32 $0xC3800, s4;
	[dreg:$0x18] =	wrdreg s5  }
0x15: {  	s4 =	sshll.u32 s4, $0x11;
	[dreg:$0xc] =	wrdreg s13;
	s13 =	sshrl.u32 s25, $0x3  }
0x16: {  	[dreg:$0x14] =	wrdreg s9;
	s4 =	sor.u32 s6, s4;
	s15 =	sadd.s32 s3, s13  }
0x17: {  	s16 =	sadd.s32 s2, s13;
	s17 =	sor.u32 s6, s10;
	[dreg:$0xf] =	wrdreg s15  }
0x18: {  	s15 =	sadd.s32 s2, s12;
	[dreg:$0x17] =	wrdreg s16;
	s7 =	sadd.s32 $0x18800, s17  }
0x19: {  	s18 =	sadd.s32 $0x31000, s17;
	s19 =	sadd.s32 $0x49800, s17;
	s20 =	sadd.s32 $0x62000, s17  }
0x1a: {  	s21 =	sadd.s32 $0x7A800, s17;
	s22 =	sadd.s32 $0x93000, s17;
	s23 =	sshrl.u32 s17, $0x3  }
0x1b: {  	[dreg:$0x16] =	wrdreg s15;
	s7 =	sshrl.u32 s7, $0x3;
	s24 =	sadd.s32 s3, s23  }
0x1c: {  	s8 =	sshrl.u32 s19, $0x3;
	s19 =	sadd.s32 s2, s23;
	[dreg:$0x19] =	wrdreg s24  }
0x1d: {  	s6 =	sshrl.u32 s18, $0x3;
	s25 =	sadd.s32 s3, s7;
	[smem:$0x7DD] =	sst s19  }
0x1e: {  	s5 =	sadd.s32 $0xAB800, s17;
	s26 =	sadd.s32 s3, s6;
	[dreg:$0x1a] =	wrdreg s25  }
0x1f: {  	s9 =	sshrl.u32 s20, $0x3;
	s15 =	sadd.s32 s3, s8;
	[dreg:$0x1b] =	wrdreg s26  }
0x20: {  	s10 =	sshrl.u32 s21, $0x3;
	s16 =	sadd.s32 s3, s9;
	[dreg:$0x1c] =	wrdreg s15  }
0x21: {  	s11 =	sshrl.u32 s22, $0x3;
	s17 =	sadd.s32 s3, s10;
	[dreg:$0x1d] =	wrdreg s16  }
0x22: {  	s5 =	sshrl.u32 s5, $0x3;
	s18 =	sadd.s32 s3, s11;
	[dreg:$0x1e] =	wrdreg s17  }
0x23: {  	s3 =	sadd.s32 s3, s5;
	[dreg:$0x1f] =	wrdreg s18  }
0x24: {  	s20 =	sadd.s32 s2, s7;
	[smem:$0x7DC] =	sst s3  }
0x25: {  	s21 =	sadd.s32 s2, s6;
	[smem:$0x7DE] =	sst s20  }
0x26: {  	s22 =	sadd.s32 s2, s8;
	[smem:$0x7DF] =	sst s21  }
0x27: {  	s23 =	sadd.s32 s2, s9;
	[smem:$0x7E0] =	sst s22  }
0x28: {  	[smem:$0x7E1] =	sst s23  }
0x29: {  	s24 =	sadd.s32 s2, s10;
	s3 =	rddreg [dreg:$0x5]  }
0x2a: {  	[smem:$0x7E2] =	sst s24  }
0x2b: {  	s13 =	sshrl.u32 s14, $0x3;
	s26 =	rddreg [dreg:$0x6]  }
0x2c: {  	s25 =	sadd.s32 s2, s11;
	s2 =	sadd.s32 s2, s5;
	s5 =	rddreg [dreg:$0x7]  }
0x2d: {  	s17 =	sor.u32 $0x3000, s13;
	[smem:$0x7E3] =	sst s25  }
0x2e: {  	[smem:$0x7E4] =	sst s2;
	s14 =	sadd.s32 s3, s13;
	s7 =	sadd.s32 s3, s17  }
0x2f: {  	s8 =	sadd.s32 s26, s17;
	s10 =	sadd.s32 s5, s17;
	s17 =	rddreg [dreg:$0x0]  }
0x30: {  	s18 =	sadd.s32 s26, s13;
	[smem:$0x7E5] =	sst s14  }
0x31: {  	s15 =	sor.u32 $0x1000, s13;
	s2 =	sadd.s32 s5, s13;
	[smem:$0x7E6] =	sst s18  }
0x32: {  	s19 =	sadd.s32 s3, s15;
	[smem:$0x7E7] =	sst s2  }
0x33: {  	s20 =	sadd.s32 s26, s15;
	[smem:$0x7E8] =	sst s19  }
0x34: {  	s16 =	sor.u32 $0x2000, s13;
	s21 =	sadd.s32 s5, s15;
	[smem:$0x7E9] =	sst s20  }
0x35: {  	s22 =	sadd.s32 s3, s16;
	[smem:$0x7EA] =	sst s21  }
0x36: {  	s23 =	sadd.s32 s26, s16;
	[smem:$0x7EB] =	sst s22  }
0x37: {  	s24 =	sadd.s32 s5, s16;
	[smem:$0x7EC] =	sst s23  }
0x38: {  	[smem:$0x7ED] =	sst s24  }
0x39: {  	s28 =	simm.s32 $0x1A700;
	[smem:$0x7EE] =	sst s7  }
0x3a: {  	s29 =	simm.s32 $0x1B700;
	s25 =	sshrl.u32 s4, $0x3;
	[smem:$0x7EF] =	sst s8  }
0x3b: {  	s30 =	simm.s32 $0x3;
	[smem:$0x7F0] =	sst s10;
	s11 =	sadd.s32 s3, s25  }
0x3c: {  	s12 =	sor.u32 $0x1000, s25;
	s14 =	sor.u32 $0x2000, s25;
	s18 =	rddreg [dreg:$0x1]  }
0x3d: {  	s15 =	sor.u32 $0x3000, s25;
	s19 =	sadd.s32 s26, s25;
	[smem:$0x7F1] =	sst s11  }
0x3e: {  	s2 =	sadd.s32 s5, s25;
	[smem:$0x7F5] =	sst s19;
	s20 =	sadd.s32 s26, s12  }
0x3f: {  	s21 =	sadd.s32 s26, s14;
	s22 =	sadd.s32 s26, s15;
	s26 =	rddreg [dreg:$0x2]  }
0x40: {  	s31 =	simm.s32 $0x0;
	s13 =	sadd.s32 s3, s12;
	[smem:$0x7F9] =	sst s2  }
0x41: {  	s0 =	smax.u32 s0, $0x1;
	s16 =	sadd.s32 s3, s14;
	[smem:$0x7F2] =	sst s13  }
0x42: {  	s4 =	sadd.s32 $0x600, s17;
	s3 =	sadd.s32 s3, s15;
	[smem:$0x7F3] =	sst s16  }
0x43: {  	s23 =	sadd.s32 s5, s12;
	s24 =	sadd.s32 s5, s14;
	[smem:$0x7F4] =	sst s3  }
0x44: {  	s25 =	sadd.s32 s5, s15;
	s2 =	sadd.s32 $0x200, s17;
	[smem:$0x7F6] =	sst s20  }
0x45: {  	s5 =	sadd.s32 $0x200, s18;
	s6 =	sadd.s32 $0x400, s18;
	[smem:$0x7F7] =	sst s21  }
0x46: {  	s7 =	sadd.s32 $0x600, s18;
	s11 =	simm.s32 $0x80;
	[smem:$0x7F8] =	sst s22  }
0x47: {  	s12 =	simm.s32 $0x400;
	s14 =	simm.s32 $0x6200;
	[smem:$0x7FA] =	sst s23  }
0x48: {  	s15 =	simm.s32 $0x9300;
	s18 =	simm.s32 $0x12600;
	[smem:$0x7FB] =	sst s24  }
0x49: {  	s19 =	simm.s32 $0x15700;
	[smem:$0x7FC] =	sst s25;
	s3 =	sadd.s32 $0x400, s17  }
0x4a: {  	s8 =	sadd.s32 $0x200, s26;
	s9 =	sadd.s32 $0x400, s26;
	s10 =	sadd.s32 $0x600, s26  }
0x4b: {  	s13 =	simm.s32 $0x3100;
	s16 =	simm.s32 $0xC400;
	s17 =	simm.s32 $0xF500  }
0x4c: {  	s22 =	simm.s32 $0x18700;
	s23 =	simm.s32 $0x1;
	s24 =	simm.s32 $0x19700  }
0x4d: {  	s25 =	simm.s32 $0x2;
	_ =	strace $0x80000047;
	[smem:$0x7FD] =	sst s0  }
.LBB2_1:
0x4e: {  	s0 =	rddreg [dreg:$0x9]  }
0x4f: {  	[tilespmem:s1], [sflag:$0x1] =	stream.strided.gather [hbm4b:s0+s11], $0x3100, s12, s11, $0x38;
	[tilespmem:$0x1C700] =	vst v63  }
0x50: {  	s20 =	rddreg [dreg:$0xa]  }
0x51: {  	[tilespmem:s13], [sflag:$0x1] =	stream.strided.gather [hbm4b:s20+s11], $0x3100, s12, s11, $0x38;
	[tilespmem:$0x1C700] =	vst v63  }
0x52: {  	s21 =	rddreg [dreg:$0xb]  }
0x53: {  	[tilespmem:s14], [sflag:$0x1] =	stream.strided.gather [hbm4b:s21+s11], $0x3100, s12, s11, $0x38;
	[tilespmem:$0x1C700] =	vst v63  }
0x54: {  	s20 =	rddreg [dreg:$0xc]  }
0x55: {  	[tilespmem:s15], [sflag:$0x1] =	stream.strided.gather [hbm4b:s20+s11], $0x3100, s12, s11, $0x38;
	[tilespmem:$0x1C700] =	vst v63  }
0x56: {  	s21 =	rddreg [dreg:$0xd]  }
0x57: {  	[tilespmem:s16], [sflag:$0x1] =	stream.strided.gather [hbm4b:s21+s11], $0x3100, s12, s11, $0x38;
	[tilespmem:$0x1C700] =	vst v63  }
0x58: {  	s20 =	rddreg [dreg:$0xe]  }
0x59: {  	[tilespmem:s17], [sflag:$0x1] =	stream.strided.gather [hbm4b:s20+s11], $0x3100, s12, s11, $0x38;
	[tilespmem:$0x1C700] =	vst v63  }
0x5a: {  	s21 =	rddreg [dreg:$0xf]  }
0x5b: {  	[tilespmem:s18], [sflag:$0x1] =	stream.strided.gather [hbm4b:s21+s11], $0x3100, s12, s11, $0x38;
	[tilespmem:$0x1C700] =	vst v63  }
0x5c: {  	s20 =	rddreg [dreg:$0x10]  }
0x5d: {  	[tilespmem:s19], [sflag:$0x1] =	stream.strided.gather [hbm4b:s20+s11], $0x3000, s12, s11, $0x38;
	[tilespmem:$0x1C700] =	vst v63  }
0x5e: {  	s21 =	rddreg [dreg:$0x0]  }
0x5f: {  	[tilespmem:s22], [sflag:$0x2] =	stream.linear.gather [hbm4b:s21+s1], $0x1000, $0x38;
	[tilespmem:$0x1C700] =	vst v63  }
0x60: {  	_ =	swait.ge [sflag:s23], $0x3100  }
0x61: {  	[sflag:s23] =	ssyncset.done $0x0  }
0x62: {  	[sflag:s23] =	ssyncadd.s32 $0xFFFFCF00  }
0x63: {  	_ =	swait.ge [sflag:s23], $0x3100  }
0x64: {  	[sflag:s23] =	ssyncset.done $0x0  }
0x65: {  	[sflag:s23] =	ssyncadd.s32 $0xFFFFCF00  }
0x66: {  	_ =	swait.ge [sflag:s23], $0x3100  }
0x67: {  	[sflag:s23] =	ssyncset.done $0x0  }
0x68: {  	[sflag:s23] =	ssyncadd.s32 $0xFFFFCF00  }
0x69: {  	_ =	swait.ge [sflag:s23], $0x3100  }
0x6a: {  	[sflag:s23] =	ssyncset.done $0x0  }
0x6b: {  	[sflag:s23] =	ssyncadd.s32 $0xFFFFCF00  }
0x6c: {  	_ =	swait.ge [sflag:s23], $0x3100  }
0x6d: {  	[sflag:s23] =	ssyncset.done $0x0  }
0x6e: {  	[sflag:s23] =	ssyncadd.s32 $0xFFFFCF00  }
0x6f: {  	_ =	swait.ge [sflag:s23], $0x3100  }
0x70: {  	[sflag:s23] =	ssyncset.done $0x0  }
0x71: {  	[sflag:s23] =	ssyncadd.s32 $0xFFFFCF00  }
0x72: {  	_ =	swait.ge [sflag:s23], $0x3100  }
0x73: {  	[sflag:s23] =	ssyncset.done $0x0  }
0x74: {  	[sflag:s23] =	ssyncadd.s32 $0xFFFFCF00  }
0x75: {  	_ =	swait.ge [sflag:s23], $0x3000  }
0x76: {  	[sflag:s23] =	ssyncset.done $0x0  }
0x77: {  	[sflag:s23] =	ssyncadd.s32 $0xFFFFD000  }
0x78: {  	[tilespmem:s24], [sflag:$0x2] =	stream.linear.gather [hbm4b:s2+s1], $0x1000, $0x38;
	[tilespmem:$0x1C700] =	vst v63  }
0x79: {  	_ =	swait.ge [sflag:s25], $0x1000  }
0x7a: {  	[sflag:s25] =	ssyncset.done $0x0  }
0x7b: {  	s0 =	simm.s32 $0x0;
	[sflag:s25] =	ssyncadd.s32 $0xFFFFF000  }
0x7c: {  	v0 =	vld [tilespmem:s0+$0x18700]  }
0x7d: {  	v1 =	vld [tilespmem:s0+$0x18770]  }
0x7e: {  	v2 =	vld [tilespmem:s0+$0x18710]  }
0x7f: {  	v3 =	vld [tilespmem:s0+$0x18720]  }
0x80: {  	v4 =	vld [tilespmem:s0+$0x18730]  }
0x81: {  	v7 =	vld [tilespmem:s0+$0x18740]  }
0x82: {  	v8 =	vld [tilespmem:s0+$0x18750]  }
0x83: {  	v9 =	vld [tilespmem:s0+$0x18760]  }
0x84: {  	v10 =	vld.idx.msk [tilespmem:v0+s1+$0x0], $0xffff  }
0x85: {  	v0 =	vld.idx.msk [tilespmem:v1+s1+$0x0], $0xffff  }
0x86: {  	v6 =	vld.idx.msk [tilespmem:v2+s1+$0x0], $0xffff  }
0x87: {  	v5 =	vld.idx.msk [tilespmem:v3+s1+$0x0], $0xffff  }
0x88: {  	v4 =	vld.idx.msk [tilespmem:v4+s1+$0x0], $0xffff  }
0x89: {  	v3 =	vld.idx.msk [tilespmem:v7+s1+$0x0], $0xffff  }
0x8a: {  	v2 =	vld.idx.msk [tilespmem:v8+s1+$0x0], $0xffff  }
0x8b: {  	s20 =	simm.s32 $0x80;
	v1 =	vld.idx.msk [tilespmem:v9+s1+$0x0], $0xffff;
	[tilespmem:s0+$0x1A770] =	vst v0  }
0x8c: {  	s21 =	simm.s32 $0x400;
	v0 =	vld [tilespmem:s20+$0x18700];
	[tilespmem:s0+$0x1A700] =	vst v10  }
.LBB2_2:
0x8d: {  	p0 =	sne.s32 s21, $0x3E00;
	v7 =	vld [tilespmem:s20+$0x18770];
	[tilespmem:s0+$0x1A710] =	vst v6  }
0x8e: {  	v6 =	vld [tilespmem:s20+$0x18710];
	[tilespmem:s0+$0x1A720] =	vst v5  }
0x8f: {  	v5 =	vld [tilespmem:s20+$0x18720];
	[tilespmem:s0+$0x1A730] =	vst v4  }
0x90: {  	v4 =	vld [tilespmem:s20+$0x18730];
	[tilespmem:s0+$0x1A740] =	vst v3  }
0x91: {  	v3 =	vld [tilespmem:s20+$0x18740];
	[tilespmem:s0+$0x1A750] =	vst v2  }
0x92: {  	v2 =	vld [tilespmem:s20+$0x18750];
	[tilespmem:s0+$0x1A760] =	vst v1;
	s0 =	smov.u32 s20  }
0x93: {  	v1 =	vld [tilespmem:s0+$0x18760]  }
0x94: {  	v8 =	vld.idx.msk [tilespmem:v0+s1+$0x0], $0xffff  }
0x95: {  	v0 =	vld.idx.msk [tilespmem:v7+s1+$0x0], $0xffff  }
0x96: {  	v6 =	vld.idx.msk [tilespmem:v6+s1+$0x0], $0xffff  }
0x97: {  	v5 =	vld.idx.msk [tilespmem:v5+s1+$0x0], $0xffff  }
.Ltmp0:
0x98: {  	v4 =	vld.idx.msk [tilespmem:v4+s1+$0x0], $0xffff;
	(pc) =	sbr.rel @p0 .LBB2_2-.Ltmp0, $4  }
0x99: {  	v3 =	vld.idx.msk [tilespmem:v3+s1+$0x0], $0xffff  }
0x9a: {  	v2 =	vld.idx.msk [tilespmem:v2+s1+$0x0], $0xffff  }
0x9b: {  	s20 =	sshra.s32 s21, $0x2;
	v1 =	vld.idx.msk [tilespmem:v1+s1+$0x0], $0xffff;
	[tilespmem:s0+$0x1A770] =	vst v0  }
0x9c: {  	s21 =	sadd.s32 $0x200, s21;
	v0 =	vld [tilespmem:s20+$0x18700];
	[tilespmem:s0+$0x1A700] =	vst v8  }
0x9d: {  	_ = 	snop  }
0x9e: {  	v7 =	vld [tilespmem:s20+$0x18770];
	[tilespmem:s0+$0x1A710] =	vst v6  }
0x9f: {  	v6 =	vld [tilespmem:s20+$0x18710];
	[tilespmem:s0+$0x1A720] =	vst v5  }
0xa0: {  	v5 =	vld [tilespmem:s20+$0x18720];
	[tilespmem:s0+$0x1A730] =	vst v4  }
0xa1: {  	v4 =	vld [tilespmem:s20+$0x18730];
	[tilespmem:s0+$0x1A740] =	vst v3  }
0xa2: {  	v3 =	vld [tilespmem:s20+$0x18740];
	[tilespmem:s0+$0x1A750] =	vst v2  }
0xa3: {  	v2 =	vld [tilespmem:s20+$0x18750];
	[tilespmem:s0+$0x1A760] =	vst v1  }
0xa4: {  	v1 =	vld [tilespmem:s20+$0x18760]  }
0xa5: {  	v0 =	vld.idx.msk [tilespmem:v0+s1+$0x0], $0xffff  }
0xa6: {  	v7 =	vld.idx.msk [tilespmem:v7+s1+$0x0], $0xffff  }
0xa7: {  	v6 =	vld.idx.msk [tilespmem:v6+s1+$0x0], $0xffff  }
0xa8: {  	v5 =	vld.idx.msk [tilespmem:v5+s1+$0x0], $0xffff  }
0xa9: {  	v4 =	vld.idx.msk [tilespmem:v4+s1+$0x0], $0xffff  }
0xaa: {  	v3 =	vld.idx.msk [tilespmem:v3+s1+$0x0], $0xffff  }
0xab: {  	v2 =	vld.idx.msk [tilespmem:v2+s1+$0x0], $0xffff  }
0xac: {  	v1 =	vld.idx.msk [tilespmem:v1+s1+$0x0], $0xffff;
	[tilespmem:s20+$0x1A770] =	vst v7  }
0xad: {  	[tilespmem:s20+$0x1A700] =	vst v0  }
0xae: {  	[tilespmem:s20+$0x1A710] =	vst v6  }
0xaf: {  	[tilespmem:s20+$0x1A720] =	vst v5  }
0xb0: {  	[tilespmem:s20+$0x1A730] =	vst v4  }
0xb1: {  	[tilespmem:s20+$0x1A740] =	vst v3  }
0xb2: {  	[tilespmem:s20+$0x1A750] =	vst v2  }
0xb3: {  	[tilespmem:s20+$0x1A760] =	vst v1;
	s20 =	sld [smem:$0x7E5];
	_ =	sdelay $0x2  }
0xb4: {  	[hbm4b:s20+s11] =	stream.strided.scatter [tilespmem:s28], [sflag:$0x3], $0x1000, s12, s11, $0x38;
	[tilespmem:$0x1C700] =	vst v63  }
0xb5: {  	s21 =	simm.s32 $0x0  }
0xb6: {  	[tilespmem:s22], [sflag:$0x2] =	stream.linear.gather [hbm4b:s3+s21], $0x1000, $0x38;
	[tilespmem:$0x1C700] =	vst v63  }
0xb7: {  	_ =	swait.ge [sflag:s25], $0x1000  }
0xb8: {  	[sflag:s25] =	ssyncset.done $0x0  }
0xb9: {  	s0 =	simm.s32 $0x0;
	[sflag:s25] =	ssyncadd.s32 $0xFFFFF000  }
0xba: {  	v0 =	vld [tilespmem:s0+$0x19700]  }
0xbb: {  	v1 =	vld [tilespmem:s0+$0x19770]  }
0xbc: {  	v2 =	vld [tilespmem:s0+$0x19710]  }
0xbd: {  	v3 =	vld [tilespmem:s0+$0x19720]  }
0xbe: {  	v4 =	vld [tilespmem:s0+$0x19730]  }
0xbf: {  	v7 =	vld [tilespmem:s0+$0x19740]  }
0xc0: {  	v8 =	vld [tilespmem:s0+$0x19750]  }
0xc1: {  	v9 =	vld [tilespmem:s0+$0x19760]  }
0xc2: {  	v10 =	vld.idx.msk [tilespmem:v0+s1+$0x0], $0xffff  }
0xc3: {  	v0 =	vld.idx.msk [tilespmem:v1+s1+$0x0], $0xffff  }
0xc4: {  	v6 =	vld.idx.msk [tilespmem:v2+s1+$0x0], $0xffff  }
0xc5: {  	v5 =	vld.idx.msk [tilespmem:v3+s1+$0x0], $0xffff  }
0xc6: {  	v4 =	vld.idx.msk [tilespmem:v4+s1+$0x0], $0xffff  }
0xc7: {  	v3 =	vld.idx.msk [tilespmem:v7+s1+$0x0], $0xffff  }
0xc8: {  	v2 =	vld.idx.msk [tilespmem:v8+s1+$0x0], $0xffff  }
0xc9: {  	s20 =	simm.s32 $0x80;
	v1 =	vld.idx.msk [tilespmem:v9+s1+$0x0], $0xffff;
	[tilespmem:s0+$0x1B770] =	vst v0  }
0xca: {  	s21 =	simm.s32 $0x400;
	v0 =	vld [tilespmem:s20+$0x19700];
	[tilespmem:s0+$0x1B700] =	vst v10  }
.LBB2_4:
0xcb: {  	p0 =	sne.s32 s21, $0x3E00;
	v7 =	vld [tilespmem:s20+$0x19770];
	[tilespmem:s0+$0x1B710] =	vst v6  }
0xcc: {  	v6 =	vld [tilespmem:s20+$0x19710];
	[tilespmem:s0+$0x1B720] =	vst v5  }
0xcd: {  	v5 =	vld [tilespmem:s20+$0x19720];
	[tilespmem:s0+$0x1B730] =	vst v4  }
0xce: {  	v4 =	vld [tilespmem:s20+$0x19730];
	[tilespmem:s0+$0x1B740] =	vst v3  }
0xcf: {  	v3 =	vld [tilespmem:s20+$0x19740];
	[tilespmem:s0+$0x1B750] =	vst v2  }
0xd0: {  	v2 =	vld [tilespmem:s20+$0x19750];
	[tilespmem:s0+$0x1B760] =	vst v1;
	s0 =	smov.u32 s20  }
0xd1: {  	v1 =	vld [tilespmem:s0+$0x19760]  }
0xd2: {  	v8 =	vld.idx.msk [tilespmem:v0+s1+$0x0], $0xffff  }
0xd3: {  	v0 =	vld.idx.msk [tilespmem:v7+s1+$0x0], $0xffff  }
0xd4: {  	v6 =	vld.idx.msk [tilespmem:v6+s1+$0x0], $0xffff  }
0xd5: {  	v5 =	vld.idx.msk [tilespmem:v5+s1+$0x0], $0xffff  }
.Ltmp1:
0xd6: {  	v4 =	vld.idx.msk [tilespmem:v4+s1+$0x0], $0xffff;
	(pc) =	sbr.rel @p0 .LBB2_4-.Ltmp1, $4  }
0xd7: {  	v3 =	vld.idx.msk [tilespmem:v3+s1+$0x0], $0xffff  }
0xd8: {  	v2 =	vld.idx.msk [tilespmem:v2+s1+$0x0], $0xffff  }
0xd9: {  	s20 =	sshra.s32 s21, $0x2;
	v1 =	vld.idx.msk [tilespmem:v1+s1+$0x0], $0xffff;
	[tilespmem:s0+$0x1B770] =	vst v0  }
0xda: {  	s21 =	sadd.s32 $0x200, s21;
	v0 =	vld [tilespmem:s20+$0x19700];
	[tilespmem:s0+$0x1B700] =	vst v8  }
0xdb: {  	_ = 	snop  }
0xdc: {  	v7 =	vld [tilespmem:s20+$0x19770];
	[tilespmem:s0+$0x1B710] =	vst v6  }
0xdd: {  	v6 =	vld [tilespmem:s20+$0x19710];
	[tilespmem:s0+$0x1B720] =	vst v5  }
0xde: {  	v5 =	vld [tilespmem:s20+$0x19720];
	[tilespmem:s0+$0x1B730] =	vst v4  }
0xdf: {  	v4 =	vld [tilespmem:s20+$0x19730];
	[tilespmem:s0+$0x1B740] =	vst v3  }
0xe0: {  	v3 =	vld [tilespmem:s20+$0x19740];
	[tilespmem:s0+$0x1B750] =	vst v2  }
0xe1: {  	v2 =	vld [tilespmem:s20+$0x19750];
	[tilespmem:s0+$0x1B760] =	vst v1  }
0xe2: {  	v1 =	vld [tilespmem:s20+$0x19760]  }
0xe3: {  	v0 =	vld.idx.msk [tilespmem:v0+s1+$0x0], $0xffff  }
0xe4: {  	v7 =	vld.idx.msk [tilespmem:v7+s1+$0x0], $0xffff  }
0xe5: {  	v6 =	vld.idx.msk [tilespmem:v6+s1+$0x0], $0xffff  }
0xe6: {  	v5 =	vld.idx.msk [tilespmem:v5+s1+$0x0], $0xffff  }
0xe7: {  	v4 =	vld.idx.msk [tilespmem:v4+s1+$0x0], $0xffff  }
0xe8: {  	v3 =	vld.idx.msk [tilespmem:v3+s1+$0x0], $0xffff  }
0xe9: {  	v2 =	vld.idx.msk [tilespmem:v2+s1+$0x0], $0xffff  }
0xea: {  	v1 =	vld.idx.msk [tilespmem:v1+s1+$0x0], $0xffff;
	[tilespmem:s20+$0x1B770] =	vst v7  }
0xeb: {  	[tilespmem:s20+$0x1B700] =	vst v0  }
0xec: {  	[tilespmem:s20+$0x1B710] =	vst v6  }
0xed: {  	[tilespmem:s20+$0x1B720] =	vst v5  }
0xee: {  	[tilespmem:s20+$0x1B730] =	vst v4  }
0xef: {  	[tilespmem:s20+$0x1B740] =	vst v3  }
0xf0: {  	[tilespmem:s20+$0x1B750] =	vst v2  }
0xf1: {  	[tilespmem:s20+$0x1B760] =	vst v1;
	s20 =	sld [smem:$0x7E8];
	_ =	sdelay $0x2  }
0xf2: {  	[hbm4b:s20+s11] =	stream.strided.scatter [tilespmem:s29], [sflag:$0x3], $0x1000, s12, s11, $0x38;
	[tilespmem:$0x1C700] =	vst v63  }
0xf3: {  	s21 =	simm.s32 $0x0  }
0xf4: {  	[tilespmem:s24], [sflag:$0x2] =	stream.linear.gather [hbm4b:s4+s21], $0x1000, $0x38;
	[tilespmem:$0x1C700] =	vst v63  }
0xf5: {  	_ =	swait.ge [sflag:s25], $0x1000  }
0xf6: {  	[sflag:s25] =	ssyncset.done $0x0  }
0xf7: {  	[sflag:s25] =	ssyncadd.s32 $0xFFFFF000  }
0xf8: {  	_ =	swait.ge [sflag:s30], $0x1000  }
0xf9: {  	[sflag:s30] =	ssyncset.done $0x0  }
0xfa: {  	s0 =	simm.s32 $0x0;
	[sflag:s30] =	ssyncadd.s32 $0xFFFFF000  }
0xfb: {  	v0 =	vld [tilespmem:s0+$0x18700]  }
0xfc: {  	v1 =	vld [tilespmem:s0+$0x18770]  }
0xfd: {  	v2 =	vld [tilespmem:s0+$0x18710]  }
0xfe: {  	v3 =	vld [tilespmem:s0+$0x18720]  }
0xff: {  	v4 =	vld [tilespmem:s0+$0x18730]  }
0x100: {  	v7 =	vld [tilespmem:s0+$0x18740]  }
0x101: {  	v8 =	vld [tilespmem:s0+$0x18750]  }
0x102: {  	v9 =	vld [tilespmem:s0+$0x18760]  }
0x103: {  	v10 =	vld.idx.msk [tilespmem:v0+s1+$0x0], $0xffff  }
0x104: {  	v0 =	vld.idx.msk [tilespmem:v1+s1+$0x0], $0xffff  }
0x105: {  	v6 =	vld.idx.msk [tilespmem:v2+s1+$0x0], $0xffff  }
0x106: {  	v5 =	vld.idx.msk [tilespmem:v3+s1+$0x0], $0xffff  }
0x107: {  	v4 =	vld.idx.msk [tilespmem:v4+s1+$0x0], $0xffff  }
0x108: {  	v3 =	vld.idx.msk [tilespmem:v7+s1+$0x0], $0xffff  }
0x109: {  	v2 =	vld.idx.msk [tilespmem:v8+s1+$0x0], $0xffff  }
0x10a: {  	s20 =	simm.s32 $0x80;
	v1 =	vld.idx.msk [tilespmem:v9+s1+$0x0], $0xffff;
	[tilespmem:s0+$0x1A770] =	vst v0  }
0x10b: {  	s21 =	simm.s32 $0x400;
	v0 =	vld [tilespmem:s20+$0x18700];
	[tilespmem:s0+$0x1A700] =	vst v10  }
.LBB2_6:
0x10c: {  	p0 =	sne.s32 s21, $0x3E00;
	v7 =	vld [tilespmem:s20+$0x18770];
	[tilespmem:s0+$0x1A710] =	vst v6  }
0x10d: {  	v6 =	vld [tilespmem:s20+$0x18710];
	[tilespmem:s0+$0x1A720] =	vst v5  }
0x10e: {  	v5 =	vld [tilespmem:s20+$0x18720];
	[tilespmem:s0+$0x1A730] =	vst v4  }
0x10f: {  	v4 =	vld [tilespmem:s20+$0x18730];
	[tilespmem:s0+$0x1A740] =	vst v3  }
0x110: {  	v3 =	vld [tilespmem:s20+$0x18740];
	[tilespmem:s0+$0x1A750] =	vst v2  }
0x111: {  	v2 =	vld [tilespmem:s20+$0x18750];
	[tilespmem:s0+$0x1A760] =	vst v1;
	s0 =	smov.u32 s20  }
0x112: {  	v1 =	vld [tilespmem:s0+$0x18760]  }
0x113: {  	v8 =	vld.idx.msk [tilespmem:v0+s1+$0x0], $0xffff  }
0x114: {  	v0 =	vld.idx.msk [tilespmem:v7+s1+$0x0], $0xffff  }
0x115: {  	v6 =	vld.idx.msk [tilespmem:v6+s1+$0x0], $0xffff  }
0x116: {  	v5 =	vld.idx.msk [tilespmem:v5+s1+$0x0], $0xffff  }
.Ltmp2:
0x117: {  	v4 =	vld.idx.msk [tilespmem:v4+s1+$0x0], $0xffff;
	(pc) =	sbr.rel @p0 .LBB2_6-.Ltmp2, $4  }
0x118: {  	v3 =	vld.idx.msk [tilespmem:v3+s1+$0x0], $0xffff  }
0x119: {  	v2 =	vld.idx.msk [tilespmem:v2+s1+$0x0], $0xffff  }
0x11a: {  	s20 =	sshra.s32 s21, $0x2;
	v1 =	vld.idx.msk [tilespmem:v1+s1+$0x0], $0xffff;
	[tilespmem:s0+$0x1A770] =	vst v0  }
0x11b: {  	s21 =	sadd.s32 $0x200, s21;
	v0 =	vld [tilespmem:s20+$0x18700];
	[tilespmem:s0+$0x1A700] =	vst v8  }
0x11c: {  	_ = 	snop  }
0x11d: {  	v7 =	vld [tilespmem:s20+$0x18770];
	[tilespmem:s0+$0x1A710] =	vst v6  }
0x11e: {  	v6 =	vld [tilespmem:s20+$0x18710];
	[tilespmem:s0+$0x1A720] =	vst v5  }
0x11f: {  	v5 =	vld [tilespmem:s20+$0x18720];
	[tilespmem:s0+$0x1A730] =	vst v4  }
0x120: {  	v4 =	vld [tilespmem:s20+$0x18730];
	[tilespmem:s0+$0x1A740] =	vst v3  }
0x121: {  	v3 =	vld [tilespmem:s20+$0x18740];
	[tilespmem:s0+$0x1A750] =	vst v2  }
0x122: {  	v2 =	vld [tilespmem:s20+$0x18750];
	[tilespmem:s0+$0x1A760] =	vst v1  }
0x123: {  	v1 =	vld [tilespmem:s20+$0x18760]  }
0x124: {  	v0 =	vld.idx.msk [tilespmem:v0+s1+$0x0], $0xffff  }
0x125: {  	v7 =	vld.idx.msk [tilespmem:v7+s1+$0x0], $0xffff  }
0x126: {  	v6 =	vld.idx.msk [tilespmem:v6+s1+$0x0], $0xffff  }
0x127: {  	v5 =	vld.idx.msk [tilespmem:v5+s1+$0x0], $0xffff  }
0x128: {  	v4 =	vld.idx.msk [tilespmem:v4+s1+$0x0], $0xffff  }
0x129: {  	v3 =	vld.idx.msk [tilespmem:v3+s1+$0x0], $0xffff  }
0x12a: {  	v2 =	vld.idx.msk [tilespmem:v2+s1+$0x0], $0xffff  }
0x12b: {  	v1 =	vld.idx.msk [tilespmem:v1+s1+$0x0], $0xffff;
	[tilespmem:s20+$0x1A770] =	vst v7  }
0x12c: {  	[tilespmem:s20+$0x1A700] =	vst v0  }
0x12d: {  	[tilespmem:s20+$0x1A710] =	vst v6  }
0x12e: {  	[tilespmem:s20+$0x1A720] =	vst v5  }
0x12f: {  	[tilespmem:s20+$0x1A730] =	vst v4  }
0x130: {  	s21 =	sld [smem:$0x7EB];
	[tilespmem:s20+$0x1A740] =	vst v3  }
0x131: {  	[tilespmem:s20+$0x1A750] =	vst v2  }
0x132: {  	[tilespmem:s20+$0x1A760] =	vst v1  }
0x133: {  	[hbm4b:s21+s11] =	stream.strided.scatter [tilespmem:s28], [sflag:$0x3], $0x1000, s12, s11, $0x38;
	[tilespmem:$0x1C700] =	vst v63  }
0x134: {  	s20 =	simm.s32 $0x0;
	s21 =	rddreg [dreg:$0x1]  }
0x135: {  	[tilespmem:s22], [sflag:$0x2] =	stream.linear.gather [hbm4b:s21+s20], $0x1000, $0x38;
	[tilespmem:$0x1C700] =	vst v63  }
0x136: {  	_ =	swait.ge [sflag:s25], $0x1000  }
0x137: {  	[sflag:s25] =	ssyncset.done $0x0  }
0x138: {  	[sflag:s25] =	ssyncadd.s32 $0xFFFFF000  }
0x139: {  	_ =	swait.ge [sflag:s30], $0x1000  }
0x13a: {  	[sflag:s30] =	ssyncset.done $0x0  }
0x13b: {  	s0 =	simm.s32 $0x0;
	[sflag:s30] =	ssyncadd.s32 $0xFFFFF000  }
0x13c: {  	v0 =	vld [tilespmem:s0+$0x19700]  }
0x13d: {  	v1 =	vld [tilespmem:s0+$0x19770]  }
0x13e: {  	v2 =	vld [tilespmem:s0+$0x19710]  }
0x13f: {  	v3 =	vld [tilespmem:s0+$0x19720]  }
0x140: {  	v4 =	vld [tilespmem:s0+$0x19730]  }
0x141: {  	v7 =	vld [tilespmem:s0+$0x19740]  }
0x142: {  	v8 =	vld [tilespmem:s0+$0x19750]  }
0x143: {  	v9 =	vld [tilespmem:s0+$0x19760]  }
0x144: {  	v10 =	vld.idx.msk [tilespmem:v0+s1+$0x0], $0xffff  }
0x145: {  	v0 =	vld.idx.msk [tilespmem:v1+s1+$0x0], $0xffff  }
0x146: {  	v6 =	vld.idx.msk [tilespmem:v2+s1+$0x0], $0xffff  }
0x147: {  	v5 =	vld.idx.msk [tilespmem:v3+s1+$0x0], $0xffff  }
0x148: {  	v4 =	vld.idx.msk [tilespmem:v4+s1+$0x0], $0xffff  }
0x149: {  	v3 =	vld.idx.msk [tilespmem:v7+s1+$0x0], $0xffff  }
0x14a: {  	v2 =	vld.idx.msk [tilespmem:v8+s1+$0x0], $0xffff  }
0x14b: {  	s20 =	simm.s32 $0x80;
	v1 =	vld.idx.msk [tilespmem:v9+s1+$0x0], $0xffff;
	[tilespmem:s0+$0x1B770] =	vst v0  }
0x14c: {  	s21 =	simm.s32 $0x400;
	v0 =	vld [tilespmem:s20+$0x19700];
	[tilespmem:s0+$0x1B700] =	vst v10  }
.LBB2_8:
0x14d: {  	p0 =	sne.s32 s21, $0x3E00;
	v7 =	vld [tilespmem:s20+$0x19770];
	[tilespmem:s0+$0x1B710] =	vst v6  }
0x14e: {  	v6 =	vld [tilespmem:s20+$0x19710];
	[tilespmem:s0+$0x1B720] =	vst v5  }
0x14f: {  	v5 =	vld [tilespmem:s20+$0x19720];
	[tilespmem:s0+$0x1B730] =	vst v4  }
0x150: {  	v4 =	vld [tilespmem:s20+$0x19730];
	[tilespmem:s0+$0x1B740] =	vst v3  }
0x151: {  	v3 =	vld [tilespmem:s20+$0x19740];
	[tilespmem:s0+$0x1B750] =	vst v2  }
0x152: {  	v2 =	vld [tilespmem:s20+$0x19750];
	[tilespmem:s0+$0x1B760] =	vst v1;
	s0 =	smov.u32 s20  }
0x153: {  	v1 =	vld [tilespmem:s0+$0x19760]  }
0x154: {  	v8 =	vld.idx.msk [tilespmem:v0+s1+$0x0], $0xffff  }
0x155: {  	v0 =	vld.idx.msk [tilespmem:v7+s1+$0x0], $0xffff  }
0x156: {  	v6 =	vld.idx.msk [tilespmem:v6+s1+$0x0], $0xffff  }
0x157: {  	v5 =	vld.idx.msk [tilespmem:v5+s1+$0x0], $0xffff  }
.Ltmp3:
0x158: {  	v4 =	vld.idx.msk [tilespmem:v4+s1+$0x0], $0xffff;
	(pc) =	sbr.rel @p0 .LBB2_8-.Ltmp3, $4  }
0x159: {  	v3 =	vld.idx.msk [tilespmem:v3+s1+$0x0], $0xffff  }
0x15a: {  	v2 =	vld.idx.msk [tilespmem:v2+s1+$0x0], $0xffff  }
0x15b: {  	s20 =	sshra.s32 s21, $0x2;
	v1 =	vld.idx.msk [tilespmem:v1+s1+$0x0], $0xffff;
	[tilespmem:s0+$0x1B770] =	vst v0  }
0x15c: {  	s21 =	sadd.s32 $0x200, s21;
	v0 =	vld [tilespmem:s20+$0x19700];
	[tilespmem:s0+$0x1B700] =	vst v8  }
0x15d: {  	_ = 	snop  }
0x15e: {  	v7 =	vld [tilespmem:s20+$0x19770];
	[tilespmem:s0+$0x1B710] =	vst v6  }
0x15f: {  	v6 =	vld [tilespmem:s20+$0x19710];
	[tilespmem:s0+$0x1B720] =	vst v5  }
0x160: {  	v5 =	vld [tilespmem:s20+$0x19720];
	[tilespmem:s0+$0x1B730] =	vst v4  }
0x161: {  	v4 =	vld [tilespmem:s20+$0x19730];
	[tilespmem:s0+$0x1B740] =	vst v3  }
0x162: {  	v3 =	vld [tilespmem:s20+$0x19740];
	[tilespmem:s0+$0x1B750] =	vst v2  }
0x163: {  	v2 =	vld [tilespmem:s20+$0x19750];
	[tilespmem:s0+$0x1B760] =	vst v1  }
0x164: {  	v1 =	vld [tilespmem:s20+$0x19760]  }
0x165: {  	v0 =	vld.idx.msk [tilespmem:v0+s1+$0x0], $0xffff  }
0x166: {  	v7 =	vld.idx.msk [tilespmem:v7+s1+$0x0], $0xffff  }
0x167: {  	v6 =	vld.idx.msk [tilespmem:v6+s1+$0x0], $0xffff  }
0x168: {  	v5 =	vld.idx.msk [tilespmem:v5+s1+$0x0], $0xffff  }
0x169: {  	v4 =	vld.idx.msk [tilespmem:v4+s1+$0x0], $0xffff  }
0x16a: {  	v3 =	vld.idx.msk [tilespmem:v3+s1+$0x0], $0xffff  }
0x16b: {  	v2 =	vld.idx.msk [tilespmem:v2+s1+$0x0], $0xffff  }
0x16c: {  	v1 =	vld.idx.msk [tilespmem:v1+s1+$0x0], $0xffff;
	[tilespmem:s20+$0x1B770] =	vst v7  }
0x16d: {  	[tilespmem:s20+$0x1B700] =	vst v0  }
0x16e: {  	[tilespmem:s20+$0x1B710] =	vst v6  }
0x16f: {  	[tilespmem:s20+$0x1B720] =	vst v5  }
0x170: {  	[tilespmem:s20+$0x1B730] =	vst v4  }
0x171: {  	[tilespmem:s20+$0x1B740] =	vst v3  }
0x172: {  	[tilespmem:s20+$0x1B750] =	vst v2  }
0x173: {  	[tilespmem:s20+$0x1B760] =	vst v1;
	s20 =	sld [smem:$0x7EE];
	_ =	sdelay $0x2  }
0x174: {  	[hbm4b:s20+s11] =	stream.strided.scatter [tilespmem:s29], [sflag:$0x3], $0x1000, s12, s11, $0x38;
	[tilespmem:$0x1C700] =	vst v63  }
0x175: {  	s21 =	rddreg [dreg:$0x11];
	s0 =	simm.s32 $0x0  }
0x176: {  	[tilespmem:s0], [sflag:$0x1] =	stream.strided.gather [hbm4b:s21+s11], $0x3100, s12, s11, $0x38;
	[tilespmem:$0x1C700] =	vst v63  }
0x177: {  	s21 =	rddreg [dreg:$0x12]  }
0x178: {  	[tilespmem:s13], [sflag:$0x1] =	stream.strided.gather [hbm4b:s21+s11], $0x3100, s12, s11, $0x38;
	[tilespmem:$0x1C700] =	vst v63  }
0x179: {  	s21 =	rddreg [dreg:$0x13]  }
0x17a: {  	[tilespmem:s14], [sflag:$0x1] =	stream.strided.gather [hbm4b:s21+s11], $0x3100, s12, s11, $0x38;
	[tilespmem:$0x1C700] =	vst v63  }
0x17b: {  	s21 =	rddreg [dreg:$0x14]  }
0x17c: {  	[tilespmem:s15], [sflag:$0x1] =	stream.strided.gather [hbm4b:s21+s11], $0x3100, s12, s11, $0x38;
	[tilespmem:$0x1C700] =	vst v63  }
0x17d: {  	s21 =	rddreg [dreg:$0x15]  }
0x17e: {  	[tilespmem:s16], [sflag:$0x1] =	stream.strided.gather [hbm4b:s21+s11], $0x3100, s12, s11, $0x38;
	[tilespmem:$0x1C700] =	vst v63  }
0x17f: {  	s21 =	rddreg [dreg:$0x16]  }
0x180: {  	[tilespmem:s17], [sflag:$0x1] =	stream.strided.gather [hbm4b:s21+s11], $0x3100, s12, s11, $0x38;
	[tilespmem:$0x1C700] =	vst v63  }
0x181: {  	s21 =	rddreg [dreg:$0x17]  }
0x182: {  	[tilespmem:s18], [sflag:$0x1] =	stream.strided.gather [hbm4b:s21+s11], $0x3100, s12, s11, $0x38;
	[tilespmem:$0x1C700] =	vst v63  }
0x183: {  	s21 =	rddreg [dreg:$0x18]  }
0x184: {  	[tilespmem:s19], [sflag:$0x1] =	stream.strided.gather [hbm4b:s21+s11], $0x3000, s12, s11, $0x38;
	[tilespmem:$0x1C700] =	vst v63  }
0x185: {  	_ =	swait.ge [sflag:s23], $0x3100  }
0x186: {  	[sflag:s23] =	ssyncset.done $0x0  }
0x187: {  	[sflag:s23] =	ssyncadd.s32 $0xFFFFCF00  }
0x188: {  	_ =	swait.ge [sflag:s23], $0x3100  }
0x189: {  	[sflag:s23] =	ssyncset.done $0x0  }
0x18a: {  	[sflag:s23] =	ssyncadd.s32 $0xFFFFCF00  }
0x18b: {  	_ =	swait.ge [sflag:s23], $0x3100  }
0x18c: {  	[sflag:s23] =	ssyncset.done $0x0  }
0x18d: {  	[sflag:s23] =	ssyncadd.s32 $0xFFFFCF00  }
0x18e: {  	_ =	swait.ge [sflag:s23], $0x3100  }
0x18f: {  	[sflag:s23] =	ssyncset.done $0x0  }
0x190: {  	[sflag:s23] =	ssyncadd.s32 $0xFFFFCF00  }
0x191: {  	_ =	swait.ge [sflag:s23], $0x3100  }
0x192: {  	[sflag:s23] =	ssyncset.done $0x0  }
0x193: {  	[sflag:s23] =	ssyncadd.s32 $0xFFFFCF00  }
0x194: {  	_ =	swait.ge [sflag:s23], $0x3100  }
0x195: {  	[sflag:s23] =	ssyncset.done $0x0  }
0x196: {  	[sflag:s23] =	ssyncadd.s32 $0xFFFFCF00  }
0x197: {  	_ =	swait.ge [sflag:s23], $0x3100  }
0x198: {  	[sflag:s23] =	ssyncset.done $0x0  }
0x199: {  	[sflag:s23] =	ssyncadd.s32 $0xFFFFCF00  }
0x19a: {  	_ =	swait.ge [sflag:s23], $0x3000  }
0x19b: {  	[sflag:s23] =	ssyncset.done $0x0  }
0x19c: {  	[sflag:s23] =	ssyncadd.s32 $0xFFFFD000  }
0x19d: {  	[tilespmem:s24], [sflag:$0x2] =	stream.linear.gather [hbm4b:s5+s0], $0x1000, $0x38;
	[tilespmem:$0x1C700] =	vst v63  }
0x19e: {  	_ =	swait.ge [sflag:s25], $0x1000  }
0x19f: {  	[sflag:s25] =	ssyncset.done $0x0  }
0x1a0: {  	[sflag:s25] =	ssyncadd.s32 $0xFFFFF000  }
0x1a1: {  	_ =	swait.ge [sflag:s30], $0x1000  }
0x1a2: {  	[sflag:s30] =	ssyncset.done $0x0  }
0x1a3: {  	s0 =	simm.s32 $0x0;
	[sflag:s30] =	ssyncadd.s32 $0xFFFFF000  }
0x1a4: {  	v0 =	vld [tilespmem:s0+$0x18700]  }
0x1a5: {  	v1 =	vld [tilespmem:s0+$0x18770]  }
0x1a6: {  	v2 =	vld [tilespmem:s0+$0x18710]  }
0x1a7: {  	v3 =	vld [tilespmem:s0+$0x18720]  }
0x1a8: {  	v4 =	vld [tilespmem:s0+$0x18730]  }
0x1a9: {  	v7 =	vld [tilespmem:s0+$0x18740]  }
0x1aa: {  	v8 =	vld [tilespmem:s0+$0x18750]  }
0x1ab: {  	v9 =	vld [tilespmem:s0+$0x18760]  }
0x1ac: {  	v10 =	vld.idx.msk [tilespmem:v0+s1+$0x0], $0xffff  }
0x1ad: {  	v0 =	vld.idx.msk [tilespmem:v1+s1+$0x0], $0xffff  }
0x1ae: {  	v6 =	vld.idx.msk [tilespmem:v2+s1+$0x0], $0xffff  }
0x1af: {  	v5 =	vld.idx.msk [tilespmem:v3+s1+$0x0], $0xffff  }
0x1b0: {  	v4 =	vld.idx.msk [tilespmem:v4+s1+$0x0], $0xffff  }
0x1b1: {  	v3 =	vld.idx.msk [tilespmem:v7+s1+$0x0], $0xffff  }
0x1b2: {  	v2 =	vld.idx.msk [tilespmem:v8+s1+$0x0], $0xffff  }
0x1b3: {  	s20 =	simm.s32 $0x80;
	v1 =	vld.idx.msk [tilespmem:v9+s1+$0x0], $0xffff;
	[tilespmem:s0+$0x1A770] =	vst v0  }
0x1b4: {  	s21 =	simm.s32 $0x400;
	v0 =	vld [tilespmem:s20+$0x18700];
	[tilespmem:s0+$0x1A700] =	vst v10  }
.LBB2_10:
0x1b5: {  	p0 =	sne.s32 s21, $0x3E00;
	v7 =	vld [tilespmem:s20+$0x18770];
	[tilespmem:s0+$0x1A710] =	vst v6  }
0x1b6: {  	v6 =	vld [tilespmem:s20+$0x18710];
	[tilespmem:s0+$0x1A720] =	vst v5  }
0x1b7: {  	v5 =	vld [tilespmem:s20+$0x18720];
	[tilespmem:s0+$0x1A730] =	vst v4  }
0x1b8: {  	v4 =	vld [tilespmem:s20+$0x18730];
	[tilespmem:s0+$0x1A740] =	vst v3  }
0x1b9: {  	v3 =	vld [tilespmem:s20+$0x18740];
	[tilespmem:s0+$0x1A750] =	vst v2  }
0x1ba: {  	v2 =	vld [tilespmem:s20+$0x18750];
	[tilespmem:s0+$0x1A760] =	vst v1;
	s0 =	smov.u32 s20  }
0x1bb: {  	v1 =	vld [tilespmem:s0+$0x18760]  }
0x1bc: {  	v8 =	vld.idx.msk [tilespmem:v0+s1+$0x0], $0xffff  }
0x1bd: {  	v0 =	vld.idx.msk [tilespmem:v7+s1+$0x0], $0xffff  }
0x1be: {  	v6 =	vld.idx.msk [tilespmem:v6+s1+$0x0], $0xffff  }
0x1bf: {  	v5 =	vld.idx.msk [tilespmem:v5+s1+$0x0], $0xffff  }
.Ltmp4:
0x1c0: {  	v4 =	vld.idx.msk [tilespmem:v4+s1+$0x0], $0xffff;
	(pc) =	sbr.rel @p0 .LBB2_10-.Ltmp4, $4  }
0x1c1: {  	v3 =	vld.idx.msk [tilespmem:v3+s1+$0x0], $0xffff  }
0x1c2: {  	v2 =	vld.idx.msk [tilespmem:v2+s1+$0x0], $0xffff  }
0x1c3: {  	s20 =	sshra.s32 s21, $0x2;
	v1 =	vld.idx.msk [tilespmem:v1+s1+$0x0], $0xffff;
	[tilespmem:s0+$0x1A770] =	vst v0  }
0x1c4: {  	s21 =	sadd.s32 $0x200, s21;
	v0 =	vld [tilespmem:s20+$0x18700];
	[tilespmem:s0+$0x1A700] =	vst v8  }
0x1c5: {  	_ = 	snop  }
0x1c6: {  	v7 =	vld [tilespmem:s20+$0x18770];
	[tilespmem:s0+$0x1A710] =	vst v6  }
0x1c7: {  	v6 =	vld [tilespmem:s20+$0x18710];
	[tilespmem:s0+$0x1A720] =	vst v5  }
0x1c8: {  	v5 =	vld [tilespmem:s20+$0x18720];
	[tilespmem:s0+$0x1A730] =	vst v4  }
0x1c9: {  	v4 =	vld [tilespmem:s20+$0x18730];
	[tilespmem:s0+$0x1A740] =	vst v3  }
0x1ca: {  	v3 =	vld [tilespmem:s20+$0x18740];
	[tilespmem:s0+$0x1A750] =	vst v2  }
0x1cb: {  	v2 =	vld [tilespmem:s20+$0x18750];
	[tilespmem:s0+$0x1A760] =	vst v1  }
0x1cc: {  	v1 =	vld [tilespmem:s20+$0x18760]  }
0x1cd: {  	v0 =	vld.idx.msk [tilespmem:v0+s1+$0x0], $0xffff  }
0x1ce: {  	v7 =	vld.idx.msk [tilespmem:v7+s1+$0x0], $0xffff  }
0x1cf: {  	v6 =	vld.idx.msk [tilespmem:v6+s1+$0x0], $0xffff  }
0x1d0: {  	v5 =	vld.idx.msk [tilespmem:v5+s1+$0x0], $0xffff  }
0x1d1: {  	v4 =	vld.idx.msk [tilespmem:v4+s1+$0x0], $0xffff  }
0x1d2: {  	v3 =	vld.idx.msk [tilespmem:v3+s1+$0x0], $0xffff  }
0x1d3: {  	v2 =	vld.idx.msk [tilespmem:v2+s1+$0x0], $0xffff  }
0x1d4: {  	v1 =	vld.idx.msk [tilespmem:v1+s1+$0x0], $0xffff;
	[tilespmem:s20+$0x1A770] =	vst v7  }
0x1d5: {  	[tilespmem:s20+$0x1A700] =	vst v0  }
0x1d6: {  	[tilespmem:s20+$0x1A710] =	vst v6  }
0x1d7: {  	[tilespmem:s20+$0x1A720] =	vst v5  }
0x1d8: {  	[tilespmem:s20+$0x1A730] =	vst v4  }
0x1d9: {  	[tilespmem:s20+$0x1A740] =	vst v3  }
0x1da: {  	[tilespmem:s20+$0x1A750] =	vst v2  }
0x1db: {  	[tilespmem:s20+$0x1A760] =	vst v1;
	s20 =	sld [smem:$0x7E6];
	_ =	sdelay $0x2  }
0x1dc: {  	[hbm4b:s20+s11] =	stream.strided.scatter [tilespmem:s28], [sflag:$0x3], $0x1000, s12, s11, $0x38;
	[tilespmem:$0x1C700] =	vst v63  }
0x1dd: {  	s21 =	simm.s32 $0x0  }
0x1de: {  	[tilespmem:s22], [sflag:$0x2] =	stream.linear.gather [hbm4b:s6+s21], $0x1000, $0x38;
	[tilespmem:$0x1C700] =	vst v63  }
0x1df: {  	_ =	swait.ge [sflag:s25], $0x1000  }
0x1e0: {  	[sflag:s25] =	ssyncset.done $0x0  }
0x1e1: {  	[sflag:s25] =	ssyncadd.s32 $0xFFFFF000  }
0x1e2: {  	_ =	swait.ge [sflag:s30], $0x1000  }
0x1e3: {  	[sflag:s30] =	ssyncset.done $0x0  }
0x1e4: {  	s0 =	simm.s32 $0x0;
	[sflag:s30] =	ssyncadd.s32 $0xFFFFF000  }
0x1e5: {  	v0 =	vld [tilespmem:s0+$0x19700]  }
0x1e6: {  	v1 =	vld [tilespmem:s0+$0x19770]  }
0x1e7: {  	v2 =	vld [tilespmem:s0+$0x19710]  }
0x1e8: {  	v3 =	vld [tilespmem:s0+$0x19720]  }
0x1e9: {  	v4 =	vld [tilespmem:s0+$0x19730]  }
0x1ea: {  	v7 =	vld [tilespmem:s0+$0x19740]  }
0x1eb: {  	v8 =	vld [tilespmem:s0+$0x19750]  }
0x1ec: {  	v9 =	vld [tilespmem:s0+$0x19760]  }
0x1ed: {  	v10 =	vld.idx.msk [tilespmem:v0+s1+$0x0], $0xffff  }
0x1ee: {  	v0 =	vld.idx.msk [tilespmem:v1+s1+$0x0], $0xffff  }
0x1ef: {  	v6 =	vld.idx.msk [tilespmem:v2+s1+$0x0], $0xffff  }
0x1f0: {  	v5 =	vld.idx.msk [tilespmem:v3+s1+$0x0], $0xffff  }
0x1f1: {  	v4 =	vld.idx.msk [tilespmem:v4+s1+$0x0], $0xffff  }
0x1f2: {  	v3 =	vld.idx.msk [tilespmem:v7+s1+$0x0], $0xffff  }
0x1f3: {  	v2 =	vld.idx.msk [tilespmem:v8+s1+$0x0], $0xffff  }
0x1f4: {  	s20 =	simm.s32 $0x80;
	v1 =	vld.idx.msk [tilespmem:v9+s1+$0x0], $0xffff;
	[tilespmem:s0+$0x1B770] =	vst v0  }
0x1f5: {  	s21 =	simm.s32 $0x400;
	v0 =	vld [tilespmem:s20+$0x19700];
	[tilespmem:s0+$0x1B700] =	vst v10  }
.LBB2_12:
0x1f6: {  	p0 =	sne.s32 s21, $0x3E00;
	v7 =	vld [tilespmem:s20+$0x19770];
	[tilespmem:s0+$0x1B710] =	vst v6  }
0x1f7: {  	v6 =	vld [tilespmem:s20+$0x19710];
	[tilespmem:s0+$0x1B720] =	vst v5  }
0x1f8: {  	v5 =	vld [tilespmem:s20+$0x19720];
	[tilespmem:s0+$0x1B730] =	vst v4  }
0x1f9: {  	v4 =	vld [tilespmem:s20+$0x19730];
	[tilespmem:s0+$0x1B740] =	vst v3  }
0x1fa: {  	v3 =	vld [tilespmem:s20+$0x19740];
	[tilespmem:s0+$0x1B750] =	vst v2  }
0x1fb: {  	v2 =	vld [tilespmem:s20+$0x19750];
	[tilespmem:s0+$0x1B760] =	vst v1;
	s0 =	smov.u32 s20  }
0x1fc: {  	v1 =	vld [tilespmem:s0+$0x19760]  }
0x1fd: {  	v8 =	vld.idx.msk [tilespmem:v0+s1+$0x0], $0xffff  }
0x1fe: {  	v0 =	vld.idx.msk [tilespmem:v7+s1+$0x0], $0xffff  }
0x1ff: {  	v6 =	vld.idx.msk [tilespmem:v6+s1+$0x0], $0xffff  }
0x200: {  	v5 =	vld.idx.msk [tilespmem:v5+s1+$0x0], $0xffff  }
.Ltmp5:
0x201: {  	v4 =	vld.idx.msk [tilespmem:v4+s1+$0x0], $0xffff;
	(pc) =	sbr.rel @p0 .LBB2_12-.Ltmp5, $4  }
0x202: {  	v3 =	vld.idx.msk [tilespmem:v3+s1+$0x0], $0xffff  }
0x203: {  	v2 =	vld.idx.msk [tilespmem:v2+s1+$0x0], $0xffff  }
0x204: {  	s20 =	sshra.s32 s21, $0x2;
	v1 =	vld.idx.msk [tilespmem:v1+s1+$0x0], $0xffff;
	[tilespmem:s0+$0x1B770] =	vst v0  }
0x205: {  	s21 =	sadd.s32 $0x200, s21;
	v0 =	vld [tilespmem:s20+$0x19700];
	[tilespmem:s0+$0x1B700] =	vst v8  }
0x206: {  	_ = 	snop  }
0x207: {  	v7 =	vld [tilespmem:s20+$0x19770];
	[tilespmem:s0+$0x1B710] =	vst v6  }
0x208: {  	v6 =	vld [tilespmem:s20+$0x19710];
	[tilespmem:s0+$0x1B720] =	vst v5  }
0x209: {  	v5 =	vld [tilespmem:s20+$0x19720];
	[tilespmem:s0+$0x1B730] =	vst v4  }
0x20a: {  	v4 =	vld [tilespmem:s20+$0x19730];
	[tilespmem:s0+$0x1B740] =	vst v3  }
0x20b: {  	v3 =	vld [tilespmem:s20+$0x19740];
	[tilespmem:s0+$0x1B750] =	vst v2  }
0x20c: {  	v2 =	vld [tilespmem:s20+$0x19750];
	[tilespmem:s0+$0x1B760] =	vst v1  }
0x20d: {  	v1 =	vld [tilespmem:s20+$0x19760]  }
0x20e: {  	v0 =	vld.idx.msk [tilespmem:v0+s1+$0x0], $0xffff  }
0x20f: {  	v7 =	vld.idx.msk [tilespmem:v7+s1+$0x0], $0xffff  }
0x210: {  	v6 =	vld.idx.msk [tilespmem:v6+s1+$0x0], $0xffff  }
0x211: {  	v5 =	vld.idx.msk [tilespmem:v5+s1+$0x0], $0xffff  }
0x212: {  	v4 =	vld.idx.msk [tilespmem:v4+s1+$0x0], $0xffff  }
0x213: {  	v3 =	vld.idx.msk [tilespmem:v3+s1+$0x0], $0xffff  }
0x214: {  	v2 =	vld.idx.msk [tilespmem:v2+s1+$0x0], $0xffff  }
0x215: {  	v1 =	vld.idx.msk [tilespmem:v1+s1+$0x0], $0xffff;
	[tilespmem:s20+$0x1B770] =	vst v7  }
0x216: {  	[tilespmem:s20+$0x1B700] =	vst v0  }
0x217: {  	[tilespmem:s20+$0x1B710] =	vst v6  }
0x218: {  	[tilespmem:s20+$0x1B720] =	vst v5  }
0x219: {  	[tilespmem:s20+$0x1B730] =	vst v4  }
0x21a: {  	[tilespmem:s20+$0x1B740] =	vst v3  }
0x21b: {  	[tilespmem:s20+$0x1B750] =	vst v2  }
0x21c: {  	[tilespmem:s20+$0x1B760] =	vst v1;
	s20 =	sld [smem:$0x7E9];
	_ =	sdelay $0x2  }
0x21d: {  	[hbm4b:s20+s11] =	stream.strided.scatter [tilespmem:s29], [sflag:$0x3], $0x1000, s12, s11, $0x38;
	[tilespmem:$0x1C700] =	vst v63  }
0x21e: {  	s21 =	simm.s32 $0x0  }
0x21f: {  	[tilespmem:s24], [sflag:$0x2] =	stream.linear.gather [hbm4b:s7+s21], $0x1000, $0x38;
	[tilespmem:$0x1C700] =	vst v63  }
0x220: {  	_ =	swait.ge [sflag:s25], $0x1000  }
0x221: {  	[sflag:s25] =	ssyncset.done $0x0  }
0x222: {  	[sflag:s25] =	ssyncadd.s32 $0xFFFFF000  }
0x223: {  	_ =	swait.ge [sflag:s30], $0x1000  }
0x224: {  	[sflag:s30] =	ssyncset.done $0x0  }
0x225: {  	s0 =	simm.s32 $0x0;
	[sflag:s30] =	ssyncadd.s32 $0xFFFFF000  }
0x226: {  	v0 =	vld [tilespmem:s0+$0x18700]  }
0x227: {  	v1 =	vld [tilespmem:s0+$0x18770]  }
0x228: {  	v2 =	vld [tilespmem:s0+$0x18710]  }
0x229: {  	v3 =	vld [tilespmem:s0+$0x18720]  }
0x22a: {  	v4 =	vld [tilespmem:s0+$0x18730]  }
0x22b: {  	v7 =	vld [tilespmem:s0+$0x18740]  }
0x22c: {  	v8 =	vld [tilespmem:s0+$0x18750]  }
0x22d: {  	v9 =	vld [tilespmem:s0+$0x18760]  }
0x22e: {  	v10 =	vld.idx.msk [tilespmem:v0+s1+$0x0], $0xffff  }
0x22f: {  	v0 =	vld.idx.msk [tilespmem:v1+s1+$0x0], $0xffff  }
0x230: {  	v6 =	vld.idx.msk [tilespmem:v2+s1+$0x0], $0xffff  }
0x231: {  	v5 =	vld.idx.msk [tilespmem:v3+s1+$0x0], $0xffff  }
0x232: {  	v4 =	vld.idx.msk [tilespmem:v4+s1+$0x0], $0xffff  }
0x233: {  	v3 =	vld.idx.msk [tilespmem:v7+s1+$0x0], $0xffff  }
0x234: {  	v2 =	vld.idx.msk [tilespmem:v8+s1+$0x0], $0xffff  }
0x235: {  	s20 =	simm.s32 $0x80;
	v1 =	vld.idx.msk [tilespmem:v9+s1+$0x0], $0xffff;
	[tilespmem:s0+$0x1A770] =	vst v0  }
0x236: {  	s21 =	simm.s32 $0x400;
	v0 =	vld [tilespmem:s20+$0x18700];
	[tilespmem:s0+$0x1A700] =	vst v10  }
.LBB2_14:
0x237: {  	p0 =	sne.s32 s21, $0x3E00;
	v7 =	vld [tilespmem:s20+$0x18770];
	[tilespmem:s0+$0x1A710] =	vst v6  }
0x238: {  	v6 =	vld [tilespmem:s20+$0x18710];
	[tilespmem:s0+$0x1A720] =	vst v5  }
0x239: {  	v5 =	vld [tilespmem:s20+$0x18720];
	[tilespmem:s0+$0x1A730] =	vst v4  }
0x23a: {  	v4 =	vld [tilespmem:s20+$0x18730];
	[tilespmem:s0+$0x1A740] =	vst v3  }
0x23b: {  	v3 =	vld [tilespmem:s20+$0x18740];
	[tilespmem:s0+$0x1A750] =	vst v2  }
0x23c: {  	v2 =	vld [tilespmem:s20+$0x18750];
	[tilespmem:s0+$0x1A760] =	vst v1;
	s0 =	smov.u32 s20  }
0x23d: {  	v1 =	vld [tilespmem:s0+$0x18760]  }
0x23e: {  	v8 =	vld.idx.msk [tilespmem:v0+s1+$0x0], $0xffff  }
0x23f: {  	v0 =	vld.idx.msk [tilespmem:v7+s1+$0x0], $0xffff  }
0x240: {  	v6 =	vld.idx.msk [tilespmem:v6+s1+$0x0], $0xffff  }
0x241: {  	v5 =	vld.idx.msk [tilespmem:v5+s1+$0x0], $0xffff  }
.Ltmp6:
0x242: {  	v4 =	vld.idx.msk [tilespmem:v4+s1+$0x0], $0xffff;
	(pc) =	sbr.rel @p0 .LBB2_14-.Ltmp6, $4  }
0x243: {  	v3 =	vld.idx.msk [tilespmem:v3+s1+$0x0], $0xffff  }
0x244: {  	v2 =	vld.idx.msk [tilespmem:v2+s1+$0x0], $0xffff  }
0x245: {  	s20 =	sshra.s32 s21, $0x2;
	v1 =	vld.idx.msk [tilespmem:v1+s1+$0x0], $0xffff;
	[tilespmem:s0+$0x1A770] =	vst v0  }
0x246: {  	s21 =	sadd.s32 $0x200, s21;
	v0 =	vld [tilespmem:s20+$0x18700];
	[tilespmem:s0+$0x1A700] =	vst v8  }
0x247: {  	_ = 	snop  }
0x248: {  	v7 =	vld [tilespmem:s20+$0x18770];
	[tilespmem:s0+$0x1A710] =	vst v6  }
0x249: {  	v6 =	vld [tilespmem:s20+$0x18710];
	[tilespmem:s0+$0x1A720] =	vst v5  }
0x24a: {  	v5 =	vld [tilespmem:s20+$0x18720];
	[tilespmem:s0+$0x1A730] =	vst v4  }
0x24b: {  	v4 =	vld [tilespmem:s20+$0x18730];
	[tilespmem:s0+$0x1A740] =	vst v3  }
0x24c: {  	v3 =	vld [tilespmem:s20+$0x18740];
	[tilespmem:s0+$0x1A750] =	vst v2  }
0x24d: {  	v2 =	vld [tilespmem:s20+$0x18750];
	[tilespmem:s0+$0x1A760] =	vst v1  }
0x24e: {  	v1 =	vld [tilespmem:s20+$0x18760]  }
0x24f: {  	v0 =	vld.idx.msk [tilespmem:v0+s1+$0x0], $0xffff  }
0x250: {  	v7 =	vld.idx.msk [tilespmem:v7+s1+$0x0], $0xffff  }
0x251: {  	v6 =	vld.idx.msk [tilespmem:v6+s1+$0x0], $0xffff  }
0x252: {  	v5 =	vld.idx.msk [tilespmem:v5+s1+$0x0], $0xffff  }
0x253: {  	v4 =	vld.idx.msk [tilespmem:v4+s1+$0x0], $0xffff  }
0x254: {  	v3 =	vld.idx.msk [tilespmem:v3+s1+$0x0], $0xffff  }
0x255: {  	v2 =	vld.idx.msk [tilespmem:v2+s1+$0x0], $0xffff  }
0x256: {  	v1 =	vld.idx.msk [tilespmem:v1+s1+$0x0], $0xffff;
	[tilespmem:s20+$0x1A770] =	vst v7  }
0x257: {  	[tilespmem:s20+$0x1A700] =	vst v0  }
0x258: {  	[tilespmem:s20+$0x1A710] =	vst v6  }
0x259: {  	[tilespmem:s20+$0x1A720] =	vst v5  }
0x25a: {  	[tilespmem:s20+$0x1A730] =	vst v4  }
0x25b: {  	[tilespmem:s20+$0x1A740] =	vst v3  }
0x25c: {  	[tilespmem:s20+$0x1A750] =	vst v2  }
0x25d: {  	[tilespmem:s20+$0x1A760] =	vst v1;
	s20 =	sld [smem:$0x7EC];
	_ =	sdelay $0x2  }
0x25e: {  	[hbm4b:s20+s11] =	stream.strided.scatter [tilespmem:s28], [sflag:$0x3], $0x1000, s12, s11, $0x38;
	[tilespmem:$0x1C700] =	vst v63  }
0x25f: {  	s21 =	simm.s32 $0x0  }
0x260: {  	[tilespmem:s22], [sflag:$0x2] =	stream.linear.gather [hbm4b:s26+s21], $0x1000, $0x38;
	[tilespmem:$0x1C700] =	vst v63  }
0x261: {  	_ =	swait.ge [sflag:s25], $0x1000  }
0x262: {  	[sflag:s25] =	ssyncset.done $0x0  }
0x263: {  	[sflag:s25] =	ssyncadd.s32 $0xFFFFF000  }
0x264: {  	_ =	swait.ge [sflag:s30], $0x1000  }
0x265: {  	[sflag:s30] =	ssyncset.done $0x0  }
0x266: {  	s0 =	simm.s32 $0x0;
	[sflag:s30] =	ssyncadd.s32 $0xFFFFF000  }
0x267: {  	v0 =	vld [tilespmem:s0+$0x19700]  }
0x268: {  	v1 =	vld [tilespmem:s0+$0x19770]  }
0x269: {  	v2 =	vld [tilespmem:s0+$0x19710]  }
0x26a: {  	v3 =	vld [tilespmem:s0+$0x19720]  }
0x26b: {  	v4 =	vld [tilespmem:s0+$0x19730]  }
0x26c: {  	v7 =	vld [tilespmem:s0+$0x19740]  }
0x26d: {  	v8 =	vld [tilespmem:s0+$0x19750]  }
0x26e: {  	v9 =	vld [tilespmem:s0+$0x19760]  }
0x26f: {  	v10 =	vld.idx.msk [tilespmem:v0+s1+$0x0], $0xffff  }
0x270: {  	v0 =	vld.idx.msk [tilespmem:v1+s1+$0x0], $0xffff  }
0x271: {  	v6 =	vld.idx.msk [tilespmem:v2+s1+$0x0], $0xffff  }
0x272: {  	v5 =	vld.idx.msk [tilespmem:v3+s1+$0x0], $0xffff  }
0x273: {  	v4 =	vld.idx.msk [tilespmem:v4+s1+$0x0], $0xffff  }
0x274: {  	v3 =	vld.idx.msk [tilespmem:v7+s1+$0x0], $0xffff  }
0x275: {  	v2 =	vld.idx.msk [tilespmem:v8+s1+$0x0], $0xffff  }
0x276: {  	s20 =	simm.s32 $0x80;
	v1 =	vld.idx.msk [tilespmem:v9+s1+$0x0], $0xffff;
	[tilespmem:s0+$0x1B770] =	vst v0  }
0x277: {  	s21 =	simm.s32 $0x400;
	v0 =	vld [tilespmem:s20+$0x19700];
	[tilespmem:s0+$0x1B700] =	vst v10  }
.LBB2_16:
0x278: {  	p0 =	sne.s32 s21, $0x3E00;
	v7 =	vld [tilespmem:s20+$0x19770];
	[tilespmem:s0+$0x1B710] =	vst v6  }
0x279: {  	v6 =	vld [tilespmem:s20+$0x19710];
	[tilespmem:s0+$0x1B720] =	vst v5  }
0x27a: {  	v5 =	vld [tilespmem:s20+$0x19720];
	[tilespmem:s0+$0x1B730] =	vst v4  }
0x27b: {  	v4 =	vld [tilespmem:s20+$0x19730];
	[tilespmem:s0+$0x1B740] =	vst v3  }
0x27c: {  	v3 =	vld [tilespmem:s20+$0x19740];
	[tilespmem:s0+$0x1B750] =	vst v2  }
0x27d: {  	v2 =	vld [tilespmem:s20+$0x19750];
	[tilespmem:s0+$0x1B760] =	vst v1;
	s0 =	smov.u32 s20  }
0x27e: {  	v1 =	vld [tilespmem:s0+$0x19760]  }
0x27f: {  	v8 =	vld.idx.msk [tilespmem:v0+s1+$0x0], $0xffff  }
0x280: {  	v0 =	vld.idx.msk [tilespmem:v7+s1+$0x0], $0xffff  }
0x281: {  	v6 =	vld.idx.msk [tilespmem:v6+s1+$0x0], $0xffff  }
0x282: {  	v5 =	vld.idx.msk [tilespmem:v5+s1+$0x0], $0xffff  }
.Ltmp7:
0x283: {  	v4 =	vld.idx.msk [tilespmem:v4+s1+$0x0], $0xffff;
	(pc) =	sbr.rel @p0 .LBB2_16-.Ltmp7, $4  }
0x284: {  	v3 =	vld.idx.msk [tilespmem:v3+s1+$0x0], $0xffff  }
0x285: {  	v2 =	vld.idx.msk [tilespmem:v2+s1+$0x0], $0xffff  }
0x286: {  	s20 =	sshra.s32 s21, $0x2;
	v1 =	vld.idx.msk [tilespmem:v1+s1+$0x0], $0xffff;
	[tilespmem:s0+$0x1B770] =	vst v0  }
0x287: {  	s21 =	sadd.s32 $0x200, s21;
	v0 =	vld [tilespmem:s20+$0x19700];
	[tilespmem:s0+$0x1B700] =	vst v8  }
0x288: {  	_ = 	snop  }
0x289: {  	v7 =	vld [tilespmem:s20+$0x19770];
	[tilespmem:s0+$0x1B710] =	vst v6  }
0x28a: {  	v6 =	vld [tilespmem:s20+$0x19710];
	[tilespmem:s0+$0x1B720] =	vst v5  }
0x28b: {  	v5 =	vld [tilespmem:s20+$0x19720];
	[tilespmem:s0+$0x1B730] =	vst v4  }
0x28c: {  	v4 =	vld [tilespmem:s20+$0x19730];
	[tilespmem:s0+$0x1B740] =	vst v3  }
0x28d: {  	v3 =	vld [tilespmem:s20+$0x19740];
	[tilespmem:s0+$0x1B750] =	vst v2  }
0x28e: {  	v2 =	vld [tilespmem:s20+$0x19750];
	[tilespmem:s0+$0x1B760] =	vst v1  }
0x28f: {  	v1 =	vld [tilespmem:s20+$0x19760]  }
0x290: {  	v0 =	vld.idx.msk [tilespmem:v0+s1+$0x0], $0xffff  }
0x291: {  	v7 =	vld.idx.msk [tilespmem:v7+s1+$0x0], $0xffff  }
0x292: {  	v6 =	vld.idx.msk [tilespmem:v6+s1+$0x0], $0xffff  }
0x293: {  	v5 =	vld.idx.msk [tilespmem:v5+s1+$0x0], $0xffff  }
0x294: {  	v4 =	vld.idx.msk [tilespmem:v4+s1+$0x0], $0xffff  }
0x295: {  	v3 =	vld.idx.msk [tilespmem:v3+s1+$0x0], $0xffff  }
0x296: {  	v2 =	vld.idx.msk [tilespmem:v2+s1+$0x0], $0xffff  }
0x297: {  	v1 =	vld.idx.msk [tilespmem:v1+s1+$0x0], $0xffff;
	[tilespmem:s20+$0x1B770] =	vst v7  }
0x298: {  	[tilespmem:s20+$0x1B700] =	vst v0  }
0x299: {  	[tilespmem:s20+$0x1B710] =	vst v6  }
0x29a: {  	[tilespmem:s20+$0x1B720] =	vst v5  }
0x29b: {  	[tilespmem:s20+$0x1B730] =	vst v4  }
0x29c: {  	[tilespmem:s20+$0x1B740] =	vst v3  }
0x29d: {  	[tilespmem:s20+$0x1B750] =	vst v2  }
0x29e: {  	[tilespmem:s20+$0x1B760] =	vst v1;
	s20 =	sld [smem:$0x7EF];
	_ =	sdelay $0x2  }
0x29f: {  	[hbm4b:s20+s11] =	stream.strided.scatter [tilespmem:s29], [sflag:$0x3], $0x1000, s12, s11, $0x38;
	[tilespmem:$0x1C700] =	vst v63  }
0x2a0: {  	s21 =	simm.s32 $0x0  }
0x2a1: {  	[tilespmem:s24], [sflag:$0x2] =	stream.linear.gather [hbm4b:s8+s21], $0x1000, $0x38;
	[tilespmem:$0x1C700] =	vst v63  }
0x2a2: {  	_ =	swait.ge [sflag:s25], $0x1000  }
0x2a3: {  	[sflag:s25] =	ssyncset.done $0x0  }
0x2a4: {  	[sflag:s25] =	ssyncadd.s32 $0xFFFFF000  }
0x2a5: {  	_ =	swait.ge [sflag:s30], $0x1000  }
0x2a6: {  	[sflag:s30] =	ssyncset.done $0x0  }
0x2a7: {  	s0 =	simm.s32 $0x0;
	[sflag:s30] =	ssyncadd.s32 $0xFFFFF000  }
0x2a8: {  	v0 =	vld [tilespmem:s0+$0x18700]  }
0x2a9: {  	v1 =	vld [tilespmem:s0+$0x18770]  }
0x2aa: {  	v2 =	vld [tilespmem:s0+$0x18710]  }
0x2ab: {  	v3 =	vld [tilespmem:s0+$0x18720]  }
0x2ac: {  	v4 =	vld [tilespmem:s0+$0x18730]  }
0x2ad: {  	v7 =	vld [tilespmem:s0+$0x18740]  }
0x2ae: {  	v8 =	vld [tilespmem:s0+$0x18750]  }
0x2af: {  	v9 =	vld [tilespmem:s0+$0x18760]  }
0x2b0: {  	v10 =	vld.idx.msk [tilespmem:v0+s1+$0x0], $0xffff  }
0x2b1: {  	v0 =	vld.idx.msk [tilespmem:v1+s1+$0x0], $0xffff  }
0x2b2: {  	v6 =	vld.idx.msk [tilespmem:v2+s1+$0x0], $0xffff  }
0x2b3: {  	v5 =	vld.idx.msk [tilespmem:v3+s1+$0x0], $0xffff  }
0x2b4: {  	v4 =	vld.idx.msk [tilespmem:v4+s1+$0x0], $0xffff  }
0x2b5: {  	v3 =	vld.idx.msk [tilespmem:v7+s1+$0x0], $0xffff  }
0x2b6: {  	v2 =	vld.idx.msk [tilespmem:v8+s1+$0x0], $0xffff  }
0x2b7: {  	s20 =	simm.s32 $0x80;
	v1 =	vld.idx.msk [tilespmem:v9+s1+$0x0], $0xffff;
	[tilespmem:s0+$0x1A770] =	vst v0  }
0x2b8: {  	s21 =	simm.s32 $0x400;
	v0 =	vld [tilespmem:s20+$0x18700];
	[tilespmem:s0+$0x1A700] =	vst v10  }
.LBB2_18:
0x2b9: {  	p0 =	sne.s32 s21, $0x3E00;
	v7 =	vld [tilespmem:s20+$0x18770];
	[tilespmem:s0+$0x1A710] =	vst v6  }
0x2ba: {  	v6 =	vld [tilespmem:s20+$0x18710];
	[tilespmem:s0+$0x1A720] =	vst v5  }
0x2bb: {  	v5 =	vld [tilespmem:s20+$0x18720];
	[tilespmem:s0+$0x1A730] =	vst v4  }
0x2bc: {  	v4 =	vld [tilespmem:s20+$0x18730];
	[tilespmem:s0+$0x1A740] =	vst v3  }
0x2bd: {  	v3 =	vld [tilespmem:s20+$0x18740];
	[tilespmem:s0+$0x1A750] =	vst v2  }
0x2be: {  	v2 =	vld [tilespmem:s20+$0x18750];
	[tilespmem:s0+$0x1A760] =	vst v1;
	s0 =	smov.u32 s20  }
0x2bf: {  	v1 =	vld [tilespmem:s0+$0x18760]  }
0x2c0: {  	v8 =	vld.idx.msk [tilespmem:v0+s1+$0x0], $0xffff  }
0x2c1: {  	v0 =	vld.idx.msk [tilespmem:v7+s1+$0x0], $0xffff  }
0x2c2: {  	v6 =	vld.idx.msk [tilespmem:v6+s1+$0x0], $0xffff  }
0x2c3: {  	v5 =	vld.idx.msk [tilespmem:v5+s1+$0x0], $0xffff  }
.Ltmp8:
0x2c4: {  	v4 =	vld.idx.msk [tilespmem:v4+s1+$0x0], $0xffff;
	(pc) =	sbr.rel @p0 .LBB2_18-.Ltmp8, $4  }
0x2c5: {  	v3 =	vld.idx.msk [tilespmem:v3+s1+$0x0], $0xffff  }
0x2c6: {  	v2 =	vld.idx.msk [tilespmem:v2+s1+$0x0], $0xffff  }
0x2c7: {  	s20 =	sshra.s32 s21, $0x2;
	v1 =	vld.idx.msk [tilespmem:v1+s1+$0x0], $0xffff;
	[tilespmem:s0+$0x1A770] =	vst v0  }
0x2c8: {  	s21 =	sadd.s32 $0x200, s21;
	v0 =	vld [tilespmem:s20+$0x18700];
	[tilespmem:s0+$0x1A700] =	vst v8  }
0x2c9: {  	_ = 	snop  }
0x2ca: {  	v7 =	vld [tilespmem:s20+$0x18770];
	[tilespmem:s0+$0x1A710] =	vst v6  }
0x2cb: {  	v6 =	vld [tilespmem:s20+$0x18710];
	[tilespmem:s0+$0x1A720] =	vst v5  }
0x2cc: {  	v5 =	vld [tilespmem:s20+$0x18720];
	[tilespmem:s0+$0x1A730] =	vst v4  }
0x2cd: {  	v4 =	vld [tilespmem:s20+$0x18730];
	[tilespmem:s0+$0x1A740] =	vst v3  }
0x2ce: {  	v3 =	vld [tilespmem:s20+$0x18740];
	[tilespmem:s0+$0x1A750] =	vst v2  }
0x2cf: {  	v2 =	vld [tilespmem:s20+$0x18750];
	[tilespmem:s0+$0x1A760] =	vst v1  }
0x2d0: {  	v1 =	vld [tilespmem:s20+$0x18760]  }
0x2d1: {  	v0 =	vld.idx.msk [tilespmem:v0+s1+$0x0], $0xffff  }
0x2d2: {  	v7 =	vld.idx.msk [tilespmem:v7+s1+$0x0], $0xffff  }
0x2d3: {  	v6 =	vld.idx.msk [tilespmem:v6+s1+$0x0], $0xffff  }
0x2d4: {  	v5 =	vld.idx.msk [tilespmem:v5+s1+$0x0], $0xffff  }
0x2d5: {  	v4 =	vld.idx.msk [tilespmem:v4+s1+$0x0], $0xffff  }
0x2d6: {  	v3 =	vld.idx.msk [tilespmem:v3+s1+$0x0], $0xffff  }
0x2d7: {  	v2 =	vld.idx.msk [tilespmem:v2+s1+$0x0], $0xffff  }
0x2d8: {  	v1 =	vld.idx.msk [tilespmem:v1+s1+$0x0], $0xffff;
	[tilespmem:s20+$0x1A770] =	vst v7  }
0x2d9: {  	[tilespmem:s20+$0x1A700] =	vst v0  }
0x2da: {  	[tilespmem:s20+$0x1A710] =	vst v6  }
0x2db: {  	[tilespmem:s20+$0x1A720] =	vst v5  }
0x2dc: {  	[tilespmem:s20+$0x1A730] =	vst v4  }
0x2dd: {  	[tilespmem:s20+$0x1A740] =	vst v3  }
0x2de: {  	[tilespmem:s20+$0x1A750] =	vst v2  }
0x2df: {  	[tilespmem:s20+$0x1A760] =	vst v1;
	s20 =	sld [smem:$0x7E7];
	_ =	sdelay $0x2  }
0x2e0: {  	[hbm4b:s20+s11] =	stream.strided.scatter [tilespmem:s28], [sflag:$0x3], $0x1000, s12, s11, $0x38;
	[tilespmem:$0x1C700] =	vst v63  }
0x2e1: {  	s21 =	simm.s32 $0x0  }
0x2e2: {  	[tilespmem:s22], [sflag:$0x2] =	stream.linear.gather [hbm4b:s9+s21], $0x1000, $0x38;
	[tilespmem:$0x1C700] =	vst v63  }
0x2e3: {  	_ =	swait.ge [sflag:s25], $0x1000  }
0x2e4: {  	[sflag:s25] =	ssyncset.done $0x0  }
0x2e5: {  	[sflag:s25] =	ssyncadd.s32 $0xFFFFF000  }
0x2e6: {  	_ =	swait.ge [sflag:s30], $0x1000  }
0x2e7: {  	[sflag:s30] =	ssyncset.done $0x0  }
0x2e8: {  	s0 =	simm.s32 $0x0;
	[sflag:s30] =	ssyncadd.s32 $0xFFFFF000  }
0x2e9: {  	v0 =	vld [tilespmem:s0+$0x19700]  }
0x2ea: {  	v1 =	vld [tilespmem:s0+$0x19770]  }
0x2eb: {  	v2 =	vld [tilespmem:s0+$0x19710]  }
0x2ec: {  	v3 =	vld [tilespmem:s0+$0x19720]  }
0x2ed: {  	v4 =	vld [tilespmem:s0+$0x19730]  }
0x2ee: {  	v7 =	vld [tilespmem:s0+$0x19740]  }
0x2ef: {  	v8 =	vld [tilespmem:s0+$0x19750]  }
0x2f0: {  	v9 =	vld [tilespmem:s0+$0x19760]  }
0x2f1: {  	v10 =	vld.idx.msk [tilespmem:v0+s1+$0x0], $0xffff  }
0x2f2: {  	v0 =	vld.idx.msk [tilespmem:v1+s1+$0x0], $0xffff  }
0x2f3: {  	v6 =	vld.idx.msk [tilespmem:v2+s1+$0x0], $0xffff  }
0x2f4: {  	v5 =	vld.idx.msk [tilespmem:v3+s1+$0x0], $0xffff  }
0x2f5: {  	v4 =	vld.idx.msk [tilespmem:v4+s1+$0x0], $0xffff  }
0x2f6: {  	v3 =	vld.idx.msk [tilespmem:v7+s1+$0x0], $0xffff  }
0x2f7: {  	v2 =	vld.idx.msk [tilespmem:v8+s1+$0x0], $0xffff  }
0x2f8: {  	s20 =	simm.s32 $0x80;
	v1 =	vld.idx.msk [tilespmem:v9+s1+$0x0], $0xffff;
	[tilespmem:s0+$0x1B770] =	vst v0  }
0x2f9: {  	s21 =	simm.s32 $0x400;
	v0 =	vld [tilespmem:s20+$0x19700];
	[tilespmem:s0+$0x1B700] =	vst v10  }
.LBB2_20:
0x2fa: {  	p0 =	sne.s32 s21, $0x3E00;
	v7 =	vld [tilespmem:s20+$0x19770];
	[tilespmem:s0+$0x1B710] =	vst v6  }
0x2fb: {  	v6 =	vld [tilespmem:s20+$0x19710];
	[tilespmem:s0+$0x1B720] =	vst v5  }
0x2fc: {  	v5 =	vld [tilespmem:s20+$0x19720];
	[tilespmem:s0+$0x1B730] =	vst v4  }
0x2fd: {  	v4 =	vld [tilespmem:s20+$0x19730];
	[tilespmem:s0+$0x1B740] =	vst v3  }
0x2fe: {  	v3 =	vld [tilespmem:s20+$0x19740];
	[tilespmem:s0+$0x1B750] =	vst v2  }
0x2ff: {  	v2 =	vld [tilespmem:s20+$0x19750];
	[tilespmem:s0+$0x1B760] =	vst v1;
	s0 =	smov.u32 s20  }
0x300: {  	v1 =	vld [tilespmem:s0+$0x19760]  }
0x301: {  	v8 =	vld.idx.msk [tilespmem:v0+s1+$0x0], $0xffff  }
0x302: {  	v0 =	vld.idx.msk [tilespmem:v7+s1+$0x0], $0xffff  }
0x303: {  	v6 =	vld.idx.msk [tilespmem:v6+s1+$0x0], $0xffff  }
0x304: {  	v5 =	vld.idx.msk [tilespmem:v5+s1+$0x0], $0xffff  }
.Ltmp9:
0x305: {  	v4 =	vld.idx.msk [tilespmem:v4+s1+$0x0], $0xffff;
	(pc) =	sbr.rel @p0 .LBB2_20-.Ltmp9, $4  }
0x306: {  	v3 =	vld.idx.msk [tilespmem:v3+s1+$0x0], $0xffff  }
0x307: {  	v2 =	vld.idx.msk [tilespmem:v2+s1+$0x0], $0xffff  }
0x308: {  	s20 =	sshra.s32 s21, $0x2;
	v1 =	vld.idx.msk [tilespmem:v1+s1+$0x0], $0xffff;
	[tilespmem:s0+$0x1B770] =	vst v0  }
0x309: {  	s21 =	sadd.s32 $0x200, s21;
	v0 =	vld [tilespmem:s20+$0x19700];
	[tilespmem:s0+$0x1B700] =	vst v8  }
0x30a: {  	_ = 	snop  }
0x30b: {  	v7 =	vld [tilespmem:s20+$0x19770];
	[tilespmem:s0+$0x1B710] =	vst v6  }
0x30c: {  	v6 =	vld [tilespmem:s20+$0x19710];
	[tilespmem:s0+$0x1B720] =	vst v5  }
0x30d: {  	v5 =	vld [tilespmem:s20+$0x19720];
	[tilespmem:s0+$0x1B730] =	vst v4  }
0x30e: {  	v4 =	vld [tilespmem:s20+$0x19730];
	[tilespmem:s0+$0x1B740] =	vst v3  }
0x30f: {  	v3 =	vld [tilespmem:s20+$0x19740];
	[tilespmem:s0+$0x1B750] =	vst v2  }
0x310: {  	v2 =	vld [tilespmem:s20+$0x19750];
	[tilespmem:s0+$0x1B760] =	vst v1  }
0x311: {  	v1 =	vld [tilespmem:s20+$0x19760]  }
0x312: {  	v0 =	vld.idx.msk [tilespmem:v0+s1+$0x0], $0xffff  }
0x313: {  	v7 =	vld.idx.msk [tilespmem:v7+s1+$0x0], $0xffff  }
0x314: {  	v6 =	vld.idx.msk [tilespmem:v6+s1+$0x0], $0xffff  }
0x315: {  	v5 =	vld.idx.msk [tilespmem:v5+s1+$0x0], $0xffff  }
0x316: {  	v4 =	vld.idx.msk [tilespmem:v4+s1+$0x0], $0xffff  }
0x317: {  	v3 =	vld.idx.msk [tilespmem:v3+s1+$0x0], $0xffff  }
0x318: {  	v2 =	vld.idx.msk [tilespmem:v2+s1+$0x0], $0xffff  }
0x319: {  	v1 =	vld.idx.msk [tilespmem:v1+s1+$0x0], $0xffff;
	[tilespmem:s20+$0x1B770] =	vst v7  }
0x31a: {  	[tilespmem:s20+$0x1B700] =	vst v0  }
0x31b: {  	[tilespmem:s20+$0x1B710] =	vst v6  }
0x31c: {  	[tilespmem:s20+$0x1B720] =	vst v5  }
0x31d: {  	[tilespmem:s20+$0x1B730] =	vst v4  }
0x31e: {  	[tilespmem:s20+$0x1B740] =	vst v3  }
0x31f: {  	[tilespmem:s20+$0x1B750] =	vst v2  }
0x320: {  	[tilespmem:s20+$0x1B760] =	vst v1;
	s20 =	sld [smem:$0x7EA];
	_ =	sdelay $0x2  }
0x321: {  	[hbm4b:s20+s11] =	stream.strided.scatter [tilespmem:s29], [sflag:$0x3], $0x1000, s12, s11, $0x38;
	[tilespmem:$0x1C700] =	vst v63  }
0x322: {  	s21 =	simm.s32 $0x0  }
0x323: {  	[tilespmem:s24], [sflag:$0x2] =	stream.linear.gather [hbm4b:s10+s21], $0x1000, $0x38;
	[tilespmem:$0x1C700] =	vst v63  }
0x324: {  	_ =	swait.ge [sflag:s25], $0x1000  }
0x325: {  	[sflag:s25] =	ssyncset.done $0x0  }
0x326: {  	[sflag:s25] =	ssyncadd.s32 $0xFFFFF000  }
0x327: {  	_ =	swait.ge [sflag:s30], $0x1000  }
0x328: {  	[sflag:s30] =	ssyncset.done $0x0  }
0x329: {  	s0 =	simm.s32 $0x0;
	[sflag:s30] =	ssyncadd.s32 $0xFFFFF000  }
0x32a: {  	v0 =	vld [tilespmem:s0+$0x18700]  }
0x32b: {  	v1 =	vld [tilespmem:s0+$0x18770]  }
0x32c: {  	v2 =	vld [tilespmem:s0+$0x18710]  }
0x32d: {  	v3 =	vld [tilespmem:s0+$0x18720]  }
0x32e: {  	v4 =	vld [tilespmem:s0+$0x18730]  }
0x32f: {  	v7 =	vld [tilespmem:s0+$0x18740]  }
0x330: {  	v8 =	vld [tilespmem:s0+$0x18750]  }
0x331: {  	v9 =	vld [tilespmem:s0+$0x18760]  }
0x332: {  	v10 =	vld.idx.msk [tilespmem:v0+s1+$0x0], $0xffff  }
0x333: {  	v0 =	vld.idx.msk [tilespmem:v1+s1+$0x0], $0xffff  }
0x334: {  	v6 =	vld.idx.msk [tilespmem:v2+s1+$0x0], $0xffff  }
0x335: {  	v5 =	vld.idx.msk [tilespmem:v3+s1+$0x0], $0xffff  }
0x336: {  	v4 =	vld.idx.msk [tilespmem:v4+s1+$0x0], $0xffff  }
0x337: {  	v3 =	vld.idx.msk [tilespmem:v7+s1+$0x0], $0xffff  }
0x338: {  	v2 =	vld.idx.msk [tilespmem:v8+s1+$0x0], $0xffff  }
0x339: {  	s20 =	simm.s32 $0x80;
	v1 =	vld.idx.msk [tilespmem:v9+s1+$0x0], $0xffff;
	[tilespmem:s0+$0x1A770] =	vst v0  }
0x33a: {  	s21 =	simm.s32 $0x400;
	v0 =	vld [tilespmem:s20+$0x18700];
	[tilespmem:s0+$0x1A700] =	vst v10  }
.LBB2_22:
0x33b: {  	p0 =	sne.s32 s21, $0x3E00;
	v7 =	vld [tilespmem:s20+$0x18770];
	[tilespmem:s0+$0x1A710] =	vst v6  }
0x33c: {  	v6 =	vld [tilespmem:s20+$0x18710];
	[tilespmem:s0+$0x1A720] =	vst v5  }
0x33d: {  	v5 =	vld [tilespmem:s20+$0x18720];
	[tilespmem:s0+$0x1A730] =	vst v4  }
0x33e: {  	v4 =	vld [tilespmem:s20+$0x18730];
	[tilespmem:s0+$0x1A740] =	vst v3  }
0x33f: {  	v3 =	vld [tilespmem:s20+$0x18740];
	[tilespmem:s0+$0x1A750] =	vst v2  }
0x340: {  	v2 =	vld [tilespmem:s20+$0x18750];
	[tilespmem:s0+$0x1A760] =	vst v1;
	s0 =	smov.u32 s20  }
0x341: {  	v1 =	vld [tilespmem:s0+$0x18760]  }
0x342: {  	v8 =	vld.idx.msk [tilespmem:v0+s1+$0x0], $0xffff  }
0x343: {  	v0 =	vld.idx.msk [tilespmem:v7+s1+$0x0], $0xffff  }
0x344: {  	v6 =	vld.idx.msk [tilespmem:v6+s1+$0x0], $0xffff  }
0x345: {  	v5 =	vld.idx.msk [tilespmem:v5+s1+$0x0], $0xffff  }
.Ltmp10:
0x346: {  	v4 =	vld.idx.msk [tilespmem:v4+s1+$0x0], $0xffff;
	(pc) =	sbr.rel @p0 .LBB2_22-.Ltmp10, $4  }
0x347: {  	v3 =	vld.idx.msk [tilespmem:v3+s1+$0x0], $0xffff  }
0x348: {  	v2 =	vld.idx.msk [tilespmem:v2+s1+$0x0], $0xffff  }
0x349: {  	s20 =	sshra.s32 s21, $0x2;
	v1 =	vld.idx.msk [tilespmem:v1+s1+$0x0], $0xffff;
	[tilespmem:s0+$0x1A770] =	vst v0  }
0x34a: {  	s21 =	sadd.s32 $0x200, s21;
	v0 =	vld [tilespmem:s20+$0x18700];
	[tilespmem:s0+$0x1A700] =	vst v8  }
0x34b: {  	_ = 	snop  }
0x34c: {  	v7 =	vld [tilespmem:s20+$0x18770];
	[tilespmem:s0+$0x1A710] =	vst v6  }
0x34d: {  	v6 =	vld [tilespmem:s20+$0x18710];
	[tilespmem:s0+$0x1A720] =	vst v5  }
0x34e: {  	v5 =	vld [tilespmem:s20+$0x18720];
	[tilespmem:s0+$0x1A730] =	vst v4  }
0x34f: {  	v4 =	vld [tilespmem:s20+$0x18730];
	[tilespmem:s0+$0x1A740] =	vst v3  }
0x350: {  	v3 =	vld [tilespmem:s20+$0x18740];
	[tilespmem:s0+$0x1A750] =	vst v2  }
0x351: {  	v2 =	vld [tilespmem:s20+$0x18750];
	[tilespmem:s0+$0x1A760] =	vst v1  }
0x352: {  	v1 =	vld [tilespmem:s20+$0x18760]  }
0x353: {  	v0 =	vld.idx.msk [tilespmem:v0+s1+$0x0], $0xffff  }
0x354: {  	v7 =	vld.idx.msk [tilespmem:v7+s1+$0x0], $0xffff  }
0x355: {  	v6 =	vld.idx.msk [tilespmem:v6+s1+$0x0], $0xffff  }
0x356: {  	v5 =	vld.idx.msk [tilespmem:v5+s1+$0x0], $0xffff  }
0x357: {  	v4 =	vld.idx.msk [tilespmem:v4+s1+$0x0], $0xffff  }
0x358: {  	v3 =	vld.idx.msk [tilespmem:v3+s1+$0x0], $0xffff  }
0x359: {  	v2 =	vld.idx.msk [tilespmem:v2+s1+$0x0], $0xffff  }
0x35a: {  	v1 =	vld.idx.msk [tilespmem:v1+s1+$0x0], $0xffff;
	[tilespmem:s20+$0x1A770] =	vst v7  }
0x35b: {  	[tilespmem:s20+$0x1A700] =	vst v0  }
0x35c: {  	[tilespmem:s20+$0x1A710] =	vst v6  }
0x35d: {  	[tilespmem:s20+$0x1A720] =	vst v5  }
0x35e: {  	[tilespmem:s20+$0x1A730] =	vst v4  }
0x35f: {  	s21 =	sld [smem:$0x7ED];
	[tilespmem:s20+$0x1A740] =	vst v3  }
0x360: {  	[tilespmem:s20+$0x1A750] =	vst v2  }
0x361: {  	[tilespmem:s20+$0x1A760] =	vst v1  }
0x362: {  	[hbm4b:s21+s11] =	stream.strided.scatter [tilespmem:s28], [sflag:$0x3], $0x1000, s12, s11, $0x38;
	[tilespmem:$0x1C700] =	vst v63  }
0x363: {  	s20 =	simm.s32 $0x0;
	s21 =	rddreg [dreg:$0x0]  }
0x364: {  	[tilespmem:s22], [sflag:$0x2] =	stream.linear.gather [hbm4b:s21+s20], $0x1000, $0x38;
	[tilespmem:$0x1C700] =	vst v63  }
0x365: {  	_ =	swait.ge [sflag:s25], $0x1000  }
0x366: {  	[sflag:s25] =	ssyncset.done $0x0  }
0x367: {  	[sflag:s25] =	ssyncadd.s32 $0xFFFFF000  }
0x368: {  	_ =	swait.ge [sflag:s30], $0x1000  }
0x369: {  	[sflag:s30] =	ssyncset.done $0x0  }
0x36a: {  	s0 =	simm.s32 $0x0;
	[sflag:s30] =	ssyncadd.s32 $0xFFFFF000  }
0x36b: {  	v0 =	vld [tilespmem:s0+$0x19700]  }
0x36c: {  	v1 =	vld [tilespmem:s0+$0x19770]  }
0x36d: {  	v2 =	vld [tilespmem:s0+$0x19710]  }
0x36e: {  	v3 =	vld [tilespmem:s0+$0x19720]  }
0x36f: {  	v4 =	vld [tilespmem:s0+$0x19730]  }
0x370: {  	v7 =	vld [tilespmem:s0+$0x19740]  }
0x371: {  	v8 =	vld [tilespmem:s0+$0x19750]  }
0x372: {  	v9 =	vld [tilespmem:s0+$0x19760]  }
0x373: {  	v10 =	vld.idx.msk [tilespmem:v0+s1+$0x0], $0xffff  }
0x374: {  	v0 =	vld.idx.msk [tilespmem:v1+s1+$0x0], $0xffff  }
0x375: {  	v6 =	vld.idx.msk [tilespmem:v2+s1+$0x0], $0xffff  }
0x376: {  	v5 =	vld.idx.msk [tilespmem:v3+s1+$0x0], $0xffff  }
0x377: {  	v4 =	vld.idx.msk [tilespmem:v4+s1+$0x0], $0xffff  }
0x378: {  	v3 =	vld.idx.msk [tilespmem:v7+s1+$0x0], $0xffff  }
0x379: {  	v2 =	vld.idx.msk [tilespmem:v8+s1+$0x0], $0xffff  }
0x37a: {  	s20 =	simm.s32 $0x80;
	v1 =	vld.idx.msk [tilespmem:v9+s1+$0x0], $0xffff;
	[tilespmem:s0+$0x1B770] =	vst v0  }
0x37b: {  	s21 =	simm.s32 $0x400;
	v0 =	vld [tilespmem:s20+$0x19700];
	[tilespmem:s0+$0x1B700] =	vst v10  }
.LBB2_24:
0x37c: {  	p0 =	sne.s32 s21, $0x3E00;
	v7 =	vld [tilespmem:s20+$0x19770];
	[tilespmem:s0+$0x1B710] =	vst v6  }
0x37d: {  	v6 =	vld [tilespmem:s20+$0x19710];
	[tilespmem:s0+$0x1B720] =	vst v5  }
0x37e: {  	v5 =	vld [tilespmem:s20+$0x19720];
	[tilespmem:s0+$0x1B730] =	vst v4  }
0x37f: {  	v4 =	vld [tilespmem:s20+$0x19730];
	[tilespmem:s0+$0x1B740] =	vst v3  }
0x380: {  	v3 =	vld [tilespmem:s20+$0x19740];
	[tilespmem:s0+$0x1B750] =	vst v2  }
0x381: {  	v2 =	vld [tilespmem:s20+$0x19750];
	[tilespmem:s0+$0x1B760] =	vst v1;
	s0 =	smov.u32 s20  }
0x382: {  	v1 =	vld [tilespmem:s0+$0x19760]  }
0x383: {  	v8 =	vld.idx.msk [tilespmem:v0+s1+$0x0], $0xffff  }
0x384: {  	v0 =	vld.idx.msk [tilespmem:v7+s1+$0x0], $0xffff  }
0x385: {  	v6 =	vld.idx.msk [tilespmem:v6+s1+$0x0], $0xffff  }
0x386: {  	v5 =	vld.idx.msk [tilespmem:v5+s1+$0x0], $0xffff  }
.Ltmp11:
0x387: {  	v4 =	vld.idx.msk [tilespmem:v4+s1+$0x0], $0xffff;
	(pc) =	sbr.rel @p0 .LBB2_24-.Ltmp11, $4  }
0x388: {  	v3 =	vld.idx.msk [tilespmem:v3+s1+$0x0], $0xffff  }
0x389: {  	v2 =	vld.idx.msk [tilespmem:v2+s1+$0x0], $0xffff  }
0x38a: {  	s20 =	sshra.s32 s21, $0x2;
	v1 =	vld.idx.msk [tilespmem:v1+s1+$0x0], $0xffff;
	[tilespmem:s0+$0x1B770] =	vst v0  }
0x38b: {  	s21 =	sadd.s32 $0x200, s21;
	v0 =	vld [tilespmem:s20+$0x19700];
	[tilespmem:s0+$0x1B700] =	vst v8  }
0x38c: {  	_ = 	snop  }
0x38d: {  	v7 =	vld [tilespmem:s20+$0x19770];
	[tilespmem:s0+$0x1B710] =	vst v6  }
0x38e: {  	v6 =	vld [tilespmem:s20+$0x19710];
	[tilespmem:s0+$0x1B720] =	vst v5  }
0x38f: {  	v5 =	vld [tilespmem:s20+$0x19720];
	[tilespmem:s0+$0x1B730] =	vst v4  }
0x390: {  	v4 =	vld [tilespmem:s20+$0x19730];
	[tilespmem:s0+$0x1B740] =	vst v3  }
0x391: {  	v3 =	vld [tilespmem:s20+$0x19740];
	[tilespmem:s0+$0x1B750] =	vst v2  }
0x392: {  	v2 =	vld [tilespmem:s20+$0x19750];
	[tilespmem:s0+$0x1B760] =	vst v1  }
0x393: {  	v1 =	vld [tilespmem:s20+$0x19760]  }
0x394: {  	v0 =	vld.idx.msk [tilespmem:v0+s1+$0x0], $0xffff  }
0x395: {  	v7 =	vld.idx.msk [tilespmem:v7+s1+$0x0], $0xffff  }
0x396: {  	v6 =	vld.idx.msk [tilespmem:v6+s1+$0x0], $0xffff  }
0x397: {  	v5 =	vld.idx.msk [tilespmem:v5+s1+$0x0], $0xffff  }
0x398: {  	v4 =	vld.idx.msk [tilespmem:v4+s1+$0x0], $0xffff  }
0x399: {  	v3 =	vld.idx.msk [tilespmem:v3+s1+$0x0], $0xffff  }
0x39a: {  	v2 =	vld.idx.msk [tilespmem:v2+s1+$0x0], $0xffff  }
0x39b: {  	v1 =	vld.idx.msk [tilespmem:v1+s1+$0x0], $0xffff;
	[tilespmem:s20+$0x1B770] =	vst v7  }
0x39c: {  	[tilespmem:s20+$0x1B700] =	vst v0  }
0x39d: {  	[tilespmem:s20+$0x1B710] =	vst v6  }
0x39e: {  	[tilespmem:s20+$0x1B720] =	vst v5  }
0x39f: {  	[tilespmem:s20+$0x1B730] =	vst v4  }
0x3a0: {  	[tilespmem:s20+$0x1B740] =	vst v3  }
0x3a1: {  	[tilespmem:s20+$0x1B750] =	vst v2  }
0x3a2: {  	[tilespmem:s20+$0x1B760] =	vst v1;
	s20 =	sld [smem:$0x7F0];
	_ =	sdelay $0x2  }
0x3a3: {  	[hbm4b:s20+s11] =	stream.strided.scatter [tilespmem:s29], [sflag:$0x3], $0x1000, s12, s11, $0x38;
	[tilespmem:$0x1C700] =	vst v63  }
0x3a4: {  	s21 =	rddreg [dreg:$0x19];
	s0 =	simm.s32 $0x0  }
0x3a5: {  	[tilespmem:s0], [sflag:$0x1] =	stream.strided.gather [hbm4b:s21+s11], $0x3100, s12, s11, $0x38;
	[tilespmem:$0x1C700] =	vst v63  }
0x3a6: {  	s21 =	rddreg [dreg:$0x1a]  }
0x3a7: {  	[tilespmem:s13], [sflag:$0x1] =	stream.strided.gather [hbm4b:s21+s11], $0x3100, s12, s11, $0x38;
	[tilespmem:$0x1C700] =	vst v63  }
0x3a8: {  	s21 =	rddreg [dreg:$0x1b]  }
0x3a9: {  	[tilespmem:s14], [sflag:$0x1] =	stream.strided.gather [hbm4b:s21+s11], $0x3100, s12, s11, $0x38;
	[tilespmem:$0x1C700] =	vst v63  }
0x3aa: {  	s21 =	rddreg [dreg:$0x1c]  }
0x3ab: {  	[tilespmem:s15], [sflag:$0x1] =	stream.strided.gather [hbm4b:s21+s11], $0x3100, s12, s11, $0x38;
	[tilespmem:$0x1C700] =	vst v63  }
0x3ac: {  	s21 =	rddreg [dreg:$0x1d]  }
0x3ad: {  	[tilespmem:s16], [sflag:$0x1] =	stream.strided.gather [hbm4b:s21+s11], $0x3100, s12, s11, $0x38;
	[tilespmem:$0x1C700] =	vst v63  }
0x3ae: {  	s21 =	rddreg [dreg:$0x1e]  }
0x3af: {  	[tilespmem:s17], [sflag:$0x1] =	stream.strided.gather [hbm4b:s21+s11], $0x3100, s12, s11, $0x38;
	[tilespmem:$0x1C700] =	vst v63  }
0x3b0: {  	s21 =	rddreg [dreg:$0x1f]  }
0x3b1: {  	[tilespmem:s18], [sflag:$0x1] =	stream.strided.gather [hbm4b:s21+s11], $0x3100, s12, s11, $0x38;
	[tilespmem:$0x1C700] =	vst v63  }
0x3b2: {  	s21 =	sld [smem:$0x7DC];
	_ =	sdelay $0x2  }
0x3b3: {  	[tilespmem:s19], [sflag:$0x1] =	stream.strided.gather [hbm4b:s21+s11], $0x3000, s12, s11, $0x38;
	[tilespmem:$0x1C700] =	vst v63  }
0x3b4: {  	_ =	swait.ge [sflag:s23], $0x3100  }
0x3b5: {  	[sflag:s23] =	ssyncset.done $0x0  }
0x3b6: {  	[sflag:s23] =	ssyncadd.s32 $0xFFFFCF00  }
0x3b7: {  	_ =	swait.ge [sflag:s23], $0x3100  }
0x3b8: {  	[sflag:s23] =	ssyncset.done $0x0  }
0x3b9: {  	[sflag:s23] =	ssyncadd.s32 $0xFFFFCF00  }
0x3ba: {  	_ =	swait.ge [sflag:s23], $0x3100  }
0x3bb: {  	[sflag:s23] =	ssyncset.done $0x0  }
0x3bc: {  	[sflag:s23] =	ssyncadd.s32 $0xFFFFCF00  }
0x3bd: {  	_ =	swait.ge [sflag:s23], $0x3100  }
0x3be: {  	[sflag:s23] =	ssyncset.done $0x0  }
0x3bf: {  	[sflag:s23] =	ssyncadd.s32 $0xFFFFCF00  }
0x3c0: {  	_ =	swait.ge [sflag:s23], $0x3100  }
0x3c1: {  	[sflag:s23] =	ssyncset.done $0x0  }
0x3c2: {  	[sflag:s23] =	ssyncadd.s32 $0xFFFFCF00  }
0x3c3: {  	_ =	swait.ge [sflag:s23], $0x3100  }
0x3c4: {  	[sflag:s23] =	ssyncset.done $0x0  }
0x3c5: {  	[sflag:s23] =	ssyncadd.s32 $0xFFFFCF00  }
0x3c6: {  	_ =	swait.ge [sflag:s23], $0x3100  }
0x3c7: {  	[sflag:s23] =	ssyncset.done $0x0  }
0x3c8: {  	[sflag:s23] =	ssyncadd.s32 $0xFFFFCF00  }
0x3c9: {  	_ =	swait.ge [sflag:s23], $0x3000  }
0x3ca: {  	[sflag:s23] =	ssyncset.done $0x0  }
0x3cb: {  	[sflag:s23] =	ssyncadd.s32 $0xFFFFD000  }
0x3cc: {  	[tilespmem:s24], [sflag:$0x2] =	stream.linear.gather [hbm4b:s2+s0], $0x1000, $0x38;
	[tilespmem:$0x1C700] =	vst v63  }
0x3cd: {  	_ =	swait.ge [sflag:s25], $0x1000  }
0x3ce: {  	[sflag:s25] =	ssyncset.done $0x0  }
0x3cf: {  	[sflag:s25] =	ssyncadd.s32 $0xFFFFF000  }
0x3d0: {  	_ =	swait.ge [sflag:s30], $0x1000  }
0x3d1: {  	[sflag:s30] =	ssyncset.done $0x0  }
0x3d2: {  	s0 =	simm.s32 $0x0;
	[sflag:s30] =	ssyncadd.s32 $0xFFFFF000  }
0x3d3: {  	v0 =	vld [tilespmem:s0+$0x18700]  }
0x3d4: {  	v1 =	vld [tilespmem:s0+$0x18770]  }
0x3d5: {  	v2 =	vld [tilespmem:s0+$0x18710]  }
0x3d6: {  	v3 =	vld [tilespmem:s0+$0x18720]  }
0x3d7: {  	v4 =	vld [tilespmem:s0+$0x18730]  }
0x3d8: {  	v7 =	vld [tilespmem:s0+$0x18740]  }
0x3d9: {  	v8 =	vld [tilespmem:s0+$0x18750]  }
0x3da: {  	v9 =	vld [tilespmem:s0+$0x18760]  }
0x3db: {  	v10 =	vld.idx.msk [tilespmem:v0+s1+$0x0], $0xffff  }
0x3dc: {  	v0 =	vld.idx.msk [tilespmem:v1+s1+$0x0], $0xffff  }
0x3dd: {  	v6 =	vld.idx.msk [tilespmem:v2+s1+$0x0], $0xffff  }
0x3de: {  	v5 =	vld.idx.msk [tilespmem:v3+s1+$0x0], $0xffff  }
0x3df: {  	v4 =	vld.idx.msk [tilespmem:v4+s1+$0x0], $0xffff  }
0x3e0: {  	v3 =	vld.idx.msk [tilespmem:v7+s1+$0x0], $0xffff  }
0x3e1: {  	v2 =	vld.idx.msk [tilespmem:v8+s1+$0x0], $0xffff  }
0x3e2: {  	s20 =	simm.s32 $0x80;
	v1 =	vld.idx.msk [tilespmem:v9+s1+$0x0], $0xffff;
	[tilespmem:s0+$0x1A770] =	vst v0  }
0x3e3: {  	s21 =	simm.s32 $0x400;
	v0 =	vld [tilespmem:s20+$0x18700];
	[tilespmem:s0+$0x1A700] =	vst v10  }
.LBB2_26:
0x3e4: {  	p0 =	sne.s32 s21, $0x3E00;
	v7 =	vld [tilespmem:s20+$0x18770];
	[tilespmem:s0+$0x1A710] =	vst v6  }
0x3e5: {  	v6 =	vld [tilespmem:s20+$0x18710];
	[tilespmem:s0+$0x1A720] =	vst v5  }
0x3e6: {  	v5 =	vld [tilespmem:s20+$0x18720];
	[tilespmem:s0+$0x1A730] =	vst v4  }
0x3e7: {  	v4 =	vld [tilespmem:s20+$0x18730];
	[tilespmem:s0+$0x1A740] =	vst v3  }
0x3e8: {  	v3 =	vld [tilespmem:s20+$0x18740];
	[tilespmem:s0+$0x1A750] =	vst v2  }
0x3e9: {  	v2 =	vld [tilespmem:s20+$0x18750];
	[tilespmem:s0+$0x1A760] =	vst v1;
	s0 =	smov.u32 s20  }
0x3ea: {  	v1 =	vld [tilespmem:s0+$0x18760]  }
0x3eb: {  	v8 =	vld.idx.msk [tilespmem:v0+s1+$0x0], $0xffff  }
0x3ec: {  	v0 =	vld.idx.msk [tilespmem:v7+s1+$0x0], $0xffff  }
0x3ed: {  	v6 =	vld.idx.msk [tilespmem:v6+s1+$0x0], $0xffff  }
0x3ee: {  	v5 =	vld.idx.msk [tilespmem:v5+s1+$0x0], $0xffff  }
.Ltmp12:
0x3ef: {  	v4 =	vld.idx.msk [tilespmem:v4+s1+$0x0], $0xffff;
	(pc) =	sbr.rel @p0 .LBB2_26-.Ltmp12, $4  }
0x3f0: {  	v3 =	vld.idx.msk [tilespmem:v3+s1+$0x0], $0xffff  }
0x3f1: {  	v2 =	vld.idx.msk [tilespmem:v2+s1+$0x0], $0xffff  }
0x3f2: {  	s20 =	sshra.s32 s21, $0x2;
	v1 =	vld.idx.msk [tilespmem:v1+s1+$0x0], $0xffff;
	[tilespmem:s0+$0x1A770] =	vst v0  }
0x3f3: {  	s21 =	sadd.s32 $0x200, s21;
	v0 =	vld [tilespmem:s20+$0x18700];
	[tilespmem:s0+$0x1A700] =	vst v8  }
0x3f4: {  	_ = 	snop  }
0x3f5: {  	v7 =	vld [tilespmem:s20+$0x18770];
	[tilespmem:s0+$0x1A710] =	vst v6  }
0x3f6: {  	v6 =	vld [tilespmem:s20+$0x18710];
	[tilespmem:s0+$0x1A720] =	vst v5  }
0x3f7: {  	v5 =	vld [tilespmem:s20+$0x18720];
	[tilespmem:s0+$0x1A730] =	vst v4  }
0x3f8: {  	v4 =	vld [tilespmem:s20+$0x18730];
	[tilespmem:s0+$0x1A740] =	vst v3  }
0x3f9: {  	v3 =	vld [tilespmem:s20+$0x18740];
	[tilespmem:s0+$0x1A750] =	vst v2  }
0x3fa: {  	v2 =	vld [tilespmem:s20+$0x18750];
	[tilespmem:s0+$0x1A760] =	vst v1  }
0x3fb: {  	v1 =	vld [tilespmem:s20+$0x18760]  }
0x3fc: {  	v0 =	vld.idx.msk [tilespmem:v0+s1+$0x0], $0xffff  }
0x3fd: {  	v7 =	vld.idx.msk [tilespmem:v7+s1+$0x0], $0xffff  }
0x3fe: {  	v6 =	vld.idx.msk [tilespmem:v6+s1+$0x0], $0xffff  }
0x3ff: {  	v5 =	vld.idx.msk [tilespmem:v5+s1+$0x0], $0xffff  }
0x400: {  	v4 =	vld.idx.msk [tilespmem:v4+s1+$0x0], $0xffff  }
0x401: {  	v3 =	vld.idx.msk [tilespmem:v3+s1+$0x0], $0xffff  }
0x402: {  	v2 =	vld.idx.msk [tilespmem:v2+s1+$0x0], $0xffff  }
0x403: {  	v1 =	vld.idx.msk [tilespmem:v1+s1+$0x0], $0xffff;
	[tilespmem:s20+$0x1A770] =	vst v7  }
0x404: {  	[tilespmem:s20+$0x1A700] =	vst v0  }
0x405: {  	[tilespmem:s20+$0x1A710] =	vst v6  }
0x406: {  	[tilespmem:s20+$0x1A720] =	vst v5  }
0x407: {  	[tilespmem:s20+$0x1A730] =	vst v4  }
0x408: {  	[tilespmem:s20+$0x1A740] =	vst v3  }
0x409: {  	[tilespmem:s20+$0x1A750] =	vst v2  }
0x40a: {  	[tilespmem:s20+$0x1A760] =	vst v1;
	s20 =	sld [smem:$0x7F1];
	_ =	sdelay $0x2  }
0x40b: {  	[hbm4b:s20+s11] =	stream.strided.scatter [tilespmem:s28], [sflag:$0x3], $0x1000, s12, s11, $0x38;
	[tilespmem:$0x1C700] =	vst v63  }
0x40c: {  	s21 =	simm.s32 $0x0  }
0x40d: {  	[tilespmem:s22], [sflag:$0x2] =	stream.linear.gather [hbm4b:s3+s21], $0x1000, $0x38;
	[tilespmem:$0x1C700] =	vst v63  }
0x40e: {  	_ =	swait.ge [sflag:s25], $0x1000  }
0x40f: {  	[sflag:s25] =	ssyncset.done $0x0  }
0x410: {  	[sflag:s25] =	ssyncadd.s32 $0xFFFFF000  }
0x411: {  	_ =	swait.ge [sflag:s30], $0x1000  }
0x412: {  	[sflag:s30] =	ssyncset.done $0x0  }
0x413: {  	s0 =	simm.s32 $0x0;
	[sflag:s30] =	ssyncadd.s32 $0xFFFFF000  }
0x414: {  	v0 =	vld [tilespmem:s0+$0x19700]  }
0x415: {  	v1 =	vld [tilespmem:s0+$0x19770]  }
0x416: {  	v2 =	vld [tilespmem:s0+$0x19710]  }
0x417: {  	v3 =	vld [tilespmem:s0+$0x19720]  }
0x418: {  	v4 =	vld [tilespmem:s0+$0x19730]  }
0x419: {  	v7 =	vld [tilespmem:s0+$0x19740]  }
0x41a: {  	v8 =	vld [tilespmem:s0+$0x19750]  }
0x41b: {  	v9 =	vld [tilespmem:s0+$0x19760]  }
0x41c: {  	v10 =	vld.idx.msk [tilespmem:v0+s1+$0x0], $0xffff  }
0x41d: {  	v0 =	vld.idx.msk [tilespmem:v1+s1+$0x0], $0xffff  }
0x41e: {  	v6 =	vld.idx.msk [tilespmem:v2+s1+$0x0], $0xffff  }
0x41f: {  	v5 =	vld.idx.msk [tilespmem:v3+s1+$0x0], $0xffff  }
0x420: {  	v4 =	vld.idx.msk [tilespmem:v4+s1+$0x0], $0xffff  }
0x421: {  	v3 =	vld.idx.msk [tilespmem:v7+s1+$0x0], $0xffff  }
0x422: {  	v2 =	vld.idx.msk [tilespmem:v8+s1+$0x0], $0xffff  }
0x423: {  	s20 =	simm.s32 $0x80;
	v1 =	vld.idx.msk [tilespmem:v9+s1+$0x0], $0xffff;
	[tilespmem:s0+$0x1B770] =	vst v0  }
0x424: {  	s21 =	simm.s32 $0x400;
	v0 =	vld [tilespmem:s20+$0x19700];
	[tilespmem:s0+$0x1B700] =	vst v10  }
.LBB2_28:
0x425: {  	p0 =	sne.s32 s21, $0x3E00;
	v7 =	vld [tilespmem:s20+$0x19770];
	[tilespmem:s0+$0x1B710] =	vst v6  }
0x426: {  	v6 =	vld [tilespmem:s20+$0x19710];
	[tilespmem:s0+$0x1B720] =	vst v5  }
0x427: {  	v5 =	vld [tilespmem:s20+$0x19720];
	[tilespmem:s0+$0x1B730] =	vst v4  }
0x428: {  	v4 =	vld [tilespmem:s20+$0x19730];
	[tilespmem:s0+$0x1B740] =	vst v3  }
0x429: {  	v3 =	vld [tilespmem:s20+$0x19740];
	[tilespmem:s0+$0x1B750] =	vst v2  }
0x42a: {  	v2 =	vld [tilespmem:s20+$0x19750];
	[tilespmem:s0+$0x1B760] =	vst v1;
	s0 =	smov.u32 s20  }
0x42b: {  	v1 =	vld [tilespmem:s0+$0x19760]  }
0x42c: {  	v8 =	vld.idx.msk [tilespmem:v0+s1+$0x0], $0xffff  }
0x42d: {  	v0 =	vld.idx.msk [tilespmem:v7+s1+$0x0], $0xffff  }
0x42e: {  	v6 =	vld.idx.msk [tilespmem:v6+s1+$0x0], $0xffff  }
0x42f: {  	v5 =	vld.idx.msk [tilespmem:v5+s1+$0x0], $0xffff  }
.Ltmp13:
0x430: {  	v4 =	vld.idx.msk [tilespmem:v4+s1+$0x0], $0xffff;
	(pc) =	sbr.rel @p0 .LBB2_28-.Ltmp13, $4  }
0x431: {  	v3 =	vld.idx.msk [tilespmem:v3+s1+$0x0], $0xffff  }
0x432: {  	v2 =	vld.idx.msk [tilespmem:v2+s1+$0x0], $0xffff  }
0x433: {  	s20 =	sshra.s32 s21, $0x2;
	v1 =	vld.idx.msk [tilespmem:v1+s1+$0x0], $0xffff;
	[tilespmem:s0+$0x1B770] =	vst v0  }
0x434: {  	s21 =	sadd.s32 $0x200, s21;
	v0 =	vld [tilespmem:s20+$0x19700];
	[tilespmem:s0+$0x1B700] =	vst v8  }
0x435: {  	_ = 	snop  }
0x436: {  	v7 =	vld [tilespmem:s20+$0x19770];
	[tilespmem:s0+$0x1B710] =	vst v6  }
0x437: {  	v6 =	vld [tilespmem:s20+$0x19710];
	[tilespmem:s0+$0x1B720] =	vst v5  }
0x438: {  	v5 =	vld [tilespmem:s20+$0x19720];
	[tilespmem:s0+$0x1B730] =	vst v4  }
0x439: {  	v4 =	vld [tilespmem:s20+$0x19730];
	[tilespmem:s0+$0x1B740] =	vst v3  }
0x43a: {  	v3 =	vld [tilespmem:s20+$0x19740];
	[tilespmem:s0+$0x1B750] =	vst v2  }
0x43b: {  	v2 =	vld [tilespmem:s20+$0x19750];
	[tilespmem:s0+$0x1B760] =	vst v1  }
0x43c: {  	v1 =	vld [tilespmem:s20+$0x19760]  }
0x43d: {  	v0 =	vld.idx.msk [tilespmem:v0+s1+$0x0], $0xffff  }
0x43e: {  	v7 =	vld.idx.msk [tilespmem:v7+s1+$0x0], $0xffff  }
0x43f: {  	v6 =	vld.idx.msk [tilespmem:v6+s1+$0x0], $0xffff  }
0x440: {  	v5 =	vld.idx.msk [tilespmem:v5+s1+$0x0], $0xffff  }
0x441: {  	v4 =	vld.idx.msk [tilespmem:v4+s1+$0x0], $0xffff  }
0x442: {  	v3 =	vld.idx.msk [tilespmem:v3+s1+$0x0], $0xffff  }
0x443: {  	v2 =	vld.idx.msk [tilespmem:v2+s1+$0x0], $0xffff  }
0x444: {  	v1 =	vld.idx.msk [tilespmem:v1+s1+$0x0], $0xffff;
	[tilespmem:s20+$0x1B770] =	vst v7  }
0x445: {  	[tilespmem:s20+$0x1B700] =	vst v0  }
0x446: {  	[tilespmem:s20+$0x1B710] =	vst v6  }
0x447: {  	[tilespmem:s20+$0x1B720] =	vst v5  }
0x448: {  	[tilespmem:s20+$0x1B730] =	vst v4  }
0x449: {  	[tilespmem:s20+$0x1B740] =	vst v3  }
0x44a: {  	[tilespmem:s20+$0x1B750] =	vst v2  }
0x44b: {  	[tilespmem:s20+$0x1B760] =	vst v1;
	s20 =	sld [smem:$0x7F2];
	_ =	sdelay $0x2  }
0x44c: {  	[hbm4b:s20+s11] =	stream.strided.scatter [tilespmem:s29], [sflag:$0x3], $0x1000, s12, s11, $0x38;
	[tilespmem:$0x1C700] =	vst v63  }
0x44d: {  	s21 =	simm.s32 $0x0  }
0x44e: {  	[tilespmem:s24], [sflag:$0x2] =	stream.linear.gather [hbm4b:s4+s21], $0x1000, $0x38;
	[tilespmem:$0x1C700] =	vst v63  }
0x44f: {  	_ =	swait.ge [sflag:s25], $0x1000  }
0x450: {  	[sflag:s25] =	ssyncset.done $0x0  }
0x451: {  	[sflag:s25] =	ssyncadd.s32 $0xFFFFF000  }
0x452: {  	_ =	swait.ge [sflag:s30], $0x1000  }
0x453: {  	[sflag:s30] =	ssyncset.done $0x0  }
0x454: {  	s0 =	simm.s32 $0x0;
	[sflag:s30] =	ssyncadd.s32 $0xFFFFF000  }
0x455: {  	v0 =	vld [tilespmem:s0+$0x18700]  }
0x456: {  	v1 =	vld [tilespmem:s0+$0x18770]  }
0x457: {  	v2 =	vld [tilespmem:s0+$0x18710]  }
0x458: {  	v3 =	vld [tilespmem:s0+$0x18720]  }
0x459: {  	v4 =	vld [tilespmem:s0+$0x18730]  }
0x45a: {  	v7 =	vld [tilespmem:s0+$0x18740]  }
0x45b: {  	v8 =	vld [tilespmem:s0+$0x18750]  }
0x45c: {  	v9 =	vld [tilespmem:s0+$0x18760]  }
0x45d: {  	v10 =	vld.idx.msk [tilespmem:v0+s1+$0x0], $0xffff  }
0x45e: {  	v0 =	vld.idx.msk [tilespmem:v1+s1+$0x0], $0xffff  }
0x45f: {  	v6 =	vld.idx.msk [tilespmem:v2+s1+$0x0], $0xffff  }
0x460: {  	v5 =	vld.idx.msk [tilespmem:v3+s1+$0x0], $0xffff  }
0x461: {  	v4 =	vld.idx.msk [tilespmem:v4+s1+$0x0], $0xffff  }
0x462: {  	v3 =	vld.idx.msk [tilespmem:v7+s1+$0x0], $0xffff  }
0x463: {  	v2 =	vld.idx.msk [tilespmem:v8+s1+$0x0], $0xffff  }
0x464: {  	s20 =	simm.s32 $0x80;
	v1 =	vld.idx.msk [tilespmem:v9+s1+$0x0], $0xffff;
	[tilespmem:s0+$0x1A770] =	vst v0  }
0x465: {  	s21 =	simm.s32 $0x400;
	v0 =	vld [tilespmem:s20+$0x18700];
	[tilespmem:s0+$0x1A700] =	vst v10  }
.LBB2_30:
0x466: {  	p0 =	sne.s32 s21, $0x3E00;
	v7 =	vld [tilespmem:s20+$0x18770];
	[tilespmem:s0+$0x1A710] =	vst v6  }
0x467: {  	v6 =	vld [tilespmem:s20+$0x18710];
	[tilespmem:s0+$0x1A720] =	vst v5  }
0x468: {  	v5 =	vld [tilespmem:s20+$0x18720];
	[tilespmem:s0+$0x1A730] =	vst v4  }
0x469: {  	v4 =	vld [tilespmem:s20+$0x18730];
	[tilespmem:s0+$0x1A740] =	vst v3  }
0x46a: {  	v3 =	vld [tilespmem:s20+$0x18740];
	[tilespmem:s0+$0x1A750] =	vst v2  }
0x46b: {  	v2 =	vld [tilespmem:s20+$0x18750];
	[tilespmem:s0+$0x1A760] =	vst v1;
	s0 =	smov.u32 s20  }
0x46c: {  	v1 =	vld [tilespmem:s0+$0x18760]  }
0x46d: {  	v8 =	vld.idx.msk [tilespmem:v0+s1+$0x0], $0xffff  }
0x46e: {  	v0 =	vld.idx.msk [tilespmem:v7+s1+$0x0], $0xffff  }
0x46f: {  	v6 =	vld.idx.msk [tilespmem:v6+s1+$0x0], $0xffff  }
0x470: {  	v5 =	vld.idx.msk [tilespmem:v5+s1+$0x0], $0xffff  }
.Ltmp14:
0x471: {  	v4 =	vld.idx.msk [tilespmem:v4+s1+$0x0], $0xffff;
	(pc) =	sbr.rel @p0 .LBB2_30-.Ltmp14, $4  }
0x472: {  	v3 =	vld.idx.msk [tilespmem:v3+s1+$0x0], $0xffff  }
0x473: {  	v2 =	vld.idx.msk [tilespmem:v2+s1+$0x0], $0xffff  }
0x474: {  	s20 =	sshra.s32 s21, $0x2;
	v1 =	vld.idx.msk [tilespmem:v1+s1+$0x0], $0xffff;
	[tilespmem:s0+$0x1A770] =	vst v0  }
0x475: {  	s21 =	sadd.s32 $0x200, s21;
	v0 =	vld [tilespmem:s20+$0x18700];
	[tilespmem:s0+$0x1A700] =	vst v8  }
0x476: {  	_ = 	snop  }
0x477: {  	v7 =	vld [tilespmem:s20+$0x18770];
	[tilespmem:s0+$0x1A710] =	vst v6  }
0x478: {  	v6 =	vld [tilespmem:s20+$0x18710];
	[tilespmem:s0+$0x1A720] =	vst v5  }
0x479: {  	v5 =	vld [tilespmem:s20+$0x18720];
	[tilespmem:s0+$0x1A730] =	vst v4  }
0x47a: {  	v4 =	vld [tilespmem:s20+$0x18730];
	[tilespmem:s0+$0x1A740] =	vst v3  }
0x47b: {  	v3 =	vld [tilespmem:s20+$0x18740];
	[tilespmem:s0+$0x1A750] =	vst v2  }
0x47c: {  	v2 =	vld [tilespmem:s20+$0x18750];
	[tilespmem:s0+$0x1A760] =	vst v1  }
0x47d: {  	v1 =	vld [tilespmem:s20+$0x18760]  }
0x47e: {  	v0 =	vld.idx.msk [tilespmem:v0+s1+$0x0], $0xffff  }
0x47f: {  	v7 =	vld.idx.msk [tilespmem:v7+s1+$0x0], $0xffff  }
0x480: {  	v6 =	vld.idx.msk [tilespmem:v6+s1+$0x0], $0xffff  }
0x481: {  	v5 =	vld.idx.msk [tilespmem:v5+s1+$0x0], $0xffff  }
0x482: {  	v4 =	vld.idx.msk [tilespmem:v4+s1+$0x0], $0xffff  }
0x483: {  	v3 =	vld.idx.msk [tilespmem:v3+s1+$0x0], $0xffff  }
0x484: {  	v2 =	vld.idx.msk [tilespmem:v2+s1+$0x0], $0xffff  }
0x485: {  	v1 =	vld.idx.msk [tilespmem:v1+s1+$0x0], $0xffff;
	[tilespmem:s20+$0x1A770] =	vst v7  }
0x486: {  	[tilespmem:s20+$0x1A700] =	vst v0  }
0x487: {  	[tilespmem:s20+$0x1A710] =	vst v6  }
0x488: {  	[tilespmem:s20+$0x1A720] =	vst v5  }
0x489: {  	[tilespmem:s20+$0x1A730] =	vst v4  }
0x48a: {  	s21 =	sld [smem:$0x7F3];
	[tilespmem:s20+$0x1A740] =	vst v3  }
0x48b: {  	[tilespmem:s20+$0x1A750] =	vst v2  }
0x48c: {  	[tilespmem:s20+$0x1A760] =	vst v1  }
0x48d: {  	[hbm4b:s21+s11] =	stream.strided.scatter [tilespmem:s28], [sflag:$0x3], $0x1000, s12, s11, $0x38;
	[tilespmem:$0x1C700] =	vst v63  }
0x48e: {  	s20 =	simm.s32 $0x0;
	s21 =	rddreg [dreg:$0x1]  }
0x48f: {  	[tilespmem:s22], [sflag:$0x2] =	stream.linear.gather [hbm4b:s21+s20], $0x1000, $0x38;
	[tilespmem:$0x1C700] =	vst v63  }
0x490: {  	_ =	swait.ge [sflag:s25], $0x1000  }
0x491: {  	[sflag:s25] =	ssyncset.done $0x0  }
0x492: {  	[sflag:s25] =	ssyncadd.s32 $0xFFFFF000  }
0x493: {  	_ =	swait.ge [sflag:s30], $0x1000  }
0x494: {  	[sflag:s30] =	ssyncset.done $0x0  }
0x495: {  	s0 =	simm.s32 $0x0;
	[sflag:s30] =	ssyncadd.s32 $0xFFFFF000  }
0x496: {  	v0 =	vld [tilespmem:s0+$0x19700]  }
0x497: {  	v1 =	vld [tilespmem:s0+$0x19770]  }
0x498: {  	v2 =	vld [tilespmem:s0+$0x19710]  }
0x499: {  	v3 =	vld [tilespmem:s0+$0x19720]  }
0x49a: {  	v4 =	vld [tilespmem:s0+$0x19730]  }
0x49b: {  	v7 =	vld [tilespmem:s0+$0x19740]  }
0x49c: {  	v8 =	vld [tilespmem:s0+$0x19750]  }
0x49d: {  	v9 =	vld [tilespmem:s0+$0x19760]  }
0x49e: {  	v10 =	vld.idx.msk [tilespmem:v0+s1+$0x0], $0xffff  }
0x49f: {  	v0 =	vld.idx.msk [tilespmem:v1+s1+$0x0], $0xffff  }
0x4a0: {  	v6 =	vld.idx.msk [tilespmem:v2+s1+$0x0], $0xffff  }
0x4a1: {  	v5 =	vld.idx.msk [tilespmem:v3+s1+$0x0], $0xffff  }
0x4a2: {  	v4 =	vld.idx.msk [tilespmem:v4+s1+$0x0], $0xffff  }
0x4a3: {  	v3 =	vld.idx.msk [tilespmem:v7+s1+$0x0], $0xffff  }
0x4a4: {  	v2 =	vld.idx.msk [tilespmem:v8+s1+$0x0], $0xffff  }
0x4a5: {  	s20 =	simm.s32 $0x80;
	v1 =	vld.idx.msk [tilespmem:v9+s1+$0x0], $0xffff;
	[tilespmem:s0+$0x1B770] =	vst v0  }
0x4a6: {  	s21 =	simm.s32 $0x400;
	v0 =	vld [tilespmem:s20+$0x19700];
	[tilespmem:s0+$0x1B700] =	vst v10  }
.LBB2_32:
0x4a7: {  	p0 =	sne.s32 s21, $0x3E00;
	v7 =	vld [tilespmem:s20+$0x19770];
	[tilespmem:s0+$0x1B710] =	vst v6  }
0x4a8: {  	v6 =	vld [tilespmem:s20+$0x19710];
	[tilespmem:s0+$0x1B720] =	vst v5  }
0x4a9: {  	v5 =	vld [tilespmem:s20+$0x19720];
	[tilespmem:s0+$0x1B730] =	vst v4  }
0x4aa: {  	v4 =	vld [tilespmem:s20+$0x19730];
	[tilespmem:s0+$0x1B740] =	vst v3  }
0x4ab: {  	v3 =	vld [tilespmem:s20+$0x19740];
	[tilespmem:s0+$0x1B750] =	vst v2  }
0x4ac: {  	v2 =	vld [tilespmem:s20+$0x19750];
	[tilespmem:s0+$0x1B760] =	vst v1;
	s0 =	smov.u32 s20  }
0x4ad: {  	v1 =	vld [tilespmem:s0+$0x19760]  }
0x4ae: {  	v8 =	vld.idx.msk [tilespmem:v0+s1+$0x0], $0xffff  }
0x4af: {  	v0 =	vld.idx.msk [tilespmem:v7+s1+$0x0], $0xffff  }
0x4b0: {  	v6 =	vld.idx.msk [tilespmem:v6+s1+$0x0], $0xffff  }
0x4b1: {  	v5 =	vld.idx.msk [tilespmem:v5+s1+$0x0], $0xffff  }
.Ltmp15:
0x4b2: {  	v4 =	vld.idx.msk [tilespmem:v4+s1+$0x0], $0xffff;
	(pc) =	sbr.rel @p0 .LBB2_32-.Ltmp15, $4  }
0x4b3: {  	v3 =	vld.idx.msk [tilespmem:v3+s1+$0x0], $0xffff  }
0x4b4: {  	v2 =	vld.idx.msk [tilespmem:v2+s1+$0x0], $0xffff  }
0x4b5: {  	s20 =	sshra.s32 s21, $0x2;
	v1 =	vld.idx.msk [tilespmem:v1+s1+$0x0], $0xffff;
	[tilespmem:s0+$0x1B770] =	vst v0  }
0x4b6: {  	s21 =	sadd.s32 $0x200, s21;
	v0 =	vld [tilespmem:s20+$0x19700];
	[tilespmem:s0+$0x1B700] =	vst v8  }
0x4b7: {  	_ = 	snop  }
0x4b8: {  	v7 =	vld [tilespmem:s20+$0x19770];
	[tilespmem:s0+$0x1B710] =	vst v6  }
0x4b9: {  	v6 =	vld [tilespmem:s20+$0x19710];
	[tilespmem:s0+$0x1B720] =	vst v5  }
0x4ba: {  	v5 =	vld [tilespmem:s20+$0x19720];
	[tilespmem:s0+$0x1B730] =	vst v4  }
0x4bb: {  	v4 =	vld [tilespmem:s20+$0x19730];
	[tilespmem:s0+$0x1B740] =	vst v3  }
0x4bc: {  	v3 =	vld [tilespmem:s20+$0x19740];
	[tilespmem:s0+$0x1B750] =	vst v2  }
0x4bd: {  	v2 =	vld [tilespmem:s20+$0x19750];
	[tilespmem:s0+$0x1B760] =	vst v1  }
0x4be: {  	v1 =	vld [tilespmem:s20+$0x19760]  }
0x4bf: {  	v0 =	vld.idx.msk [tilespmem:v0+s1+$0x0], $0xffff  }
0x4c0: {  	v7 =	vld.idx.msk [tilespmem:v7+s1+$0x0], $0xffff  }
0x4c1: {  	v6 =	vld.idx.msk [tilespmem:v6+s1+$0x0], $0xffff  }
0x4c2: {  	v5 =	vld.idx.msk [tilespmem:v5+s1+$0x0], $0xffff  }
0x4c3: {  	v4 =	vld.idx.msk [tilespmem:v4+s1+$0x0], $0xffff  }
0x4c4: {  	v3 =	vld.idx.msk [tilespmem:v3+s1+$0x0], $0xffff  }
0x4c5: {  	v2 =	vld.idx.msk [tilespmem:v2+s1+$0x0], $0xffff  }
0x4c6: {  	v1 =	vld.idx.msk [tilespmem:v1+s1+$0x0], $0xffff;
	[tilespmem:s20+$0x1B770] =	vst v7  }
0x4c7: {  	[tilespmem:s20+$0x1B700] =	vst v0  }
0x4c8: {  	[tilespmem:s20+$0x1B710] =	vst v6  }
0x4c9: {  	[tilespmem:s20+$0x1B720] =	vst v5  }
0x4ca: {  	[tilespmem:s20+$0x1B730] =	vst v4  }
0x4cb: {  	[tilespmem:s20+$0x1B740] =	vst v3  }
0x4cc: {  	[tilespmem:s20+$0x1B750] =	vst v2  }
0x4cd: {  	[tilespmem:s20+$0x1B760] =	vst v1;
	s20 =	sld [smem:$0x7F4];
	_ =	sdelay $0x1  }
0x4ce: {  	s21 =	sld [smem:$0x7DD]  }
0x4cf: {  	[hbm4b:s20+s11] =	stream.strided.scatter [tilespmem:s29], [sflag:$0x3], $0x1000, s12, s11, $0x38;
	[tilespmem:$0x1C700] =	vst v63  }
0x4d0: {  	s0 =	simm.s32 $0x0  }
0x4d1: {  	[tilespmem:s0], [sflag:$0x1] =	stream.strided.gather [hbm4b:s21+s11], $0x3100, s12, s11, $0x38;
	[tilespmem:$0x1C700] =	vst v63  }
0x4d2: {  	s21 =	sld [smem:$0x7DE];
	_ =	sdelay $0x2  }
0x4d3: {  	[tilespmem:s13], [sflag:$0x1] =	stream.strided.gather [hbm4b:s21+s11], $0x3100, s12, s11, $0x38;
	[tilespmem:$0x1C700] =	vst v63  }
0x4d4: {  	s21 =	sld [smem:$0x7DF];
	_ =	sdelay $0x2  }
0x4d5: {  	[tilespmem:s14], [sflag:$0x1] =	stream.strided.gather [hbm4b:s21+s11], $0x3100, s12, s11, $0x38;
	[tilespmem:$0x1C700] =	vst v63  }
0x4d6: {  	s21 =	sld [smem:$0x7E0];
	_ =	sdelay $0x2  }
0x4d7: {  	[tilespmem:s15], [sflag:$0x1] =	stream.strided.gather [hbm4b:s21+s11], $0x3100, s12, s11, $0x38;
	[tilespmem:$0x1C700] =	vst v63  }
0x4d8: {  	s21 =	sld [smem:$0x7E1];
	_ =	sdelay $0x2  }
0x4d9: {  	[tilespmem:s16], [sflag:$0x1] =	stream.strided.gather [hbm4b:s21+s11], $0x3100, s12, s11, $0x38;
	[tilespmem:$0x1C700] =	vst v63  }
0x4da: {  	s21 =	sld [smem:$0x7E2];
	_ =	sdelay $0x2  }
0x4db: {  	[tilespmem:s17], [sflag:$0x1] =	stream.strided.gather [hbm4b:s21+s11], $0x3100, s12, s11, $0x38;
	[tilespmem:$0x1C700] =	vst v63  }
0x4dc: {  	s21 =	sld [smem:$0x7E3];
	_ =	sdelay $0x2  }
0x4dd: {  	[tilespmem:s18], [sflag:$0x1] =	stream.strided.gather [hbm4b:s21+s11], $0x3100, s12, s11, $0x38;
	[tilespmem:$0x1C700] =	vst v63  }
0x4de: {  	s21 =	sld [smem:$0x7E4];
	_ =	sdelay $0x2  }
0x4df: {  	[tilespmem:s19], [sflag:$0x1] =	stream.strided.gather [hbm4b:s21+s11], $0x3000, s12, s11, $0x38;
	[tilespmem:$0x1C700] =	vst v63  }
0x4e0: {  	_ =	swait.ge [sflag:s23], $0x3100  }
0x4e1: {  	[sflag:s23] =	ssyncset.done $0x0  }
0x4e2: {  	[sflag:s23] =	ssyncadd.s32 $0xFFFFCF00  }
0x4e3: {  	_ =	swait.ge [sflag:s23], $0x3100  }
0x4e4: {  	[sflag:s23] =	ssyncset.done $0x0  }
0x4e5: {  	[sflag:s23] =	ssyncadd.s32 $0xFFFFCF00  }
0x4e6: {  	_ =	swait.ge [sflag:s23], $0x3100  }
0x4e7: {  	[sflag:s23] =	ssyncset.done $0x0  }
0x4e8: {  	[sflag:s23] =	ssyncadd.s32 $0xFFFFCF00  }
0x4e9: {  	_ =	swait.ge [sflag:s23], $0x3100  }
0x4ea: {  	[sflag:s23] =	ssyncset.done $0x0  }
0x4eb: {  	[sflag:s23] =	ssyncadd.s32 $0xFFFFCF00  }
0x4ec: {  	_ =	swait.ge [sflag:s23], $0x3100  }
0x4ed: {  	[sflag:s23] =	ssyncset.done $0x0  }
0x4ee: {  	[sflag:s23] =	ssyncadd.s32 $0xFFFFCF00  }
0x4ef: {  	_ =	swait.ge [sflag:s23], $0x3100  }
0x4f0: {  	[sflag:s23] =	ssyncset.done $0x0  }
0x4f1: {  	[sflag:s23] =	ssyncadd.s32 $0xFFFFCF00  }
0x4f2: {  	_ =	swait.ge [sflag:s23], $0x3100  }
0x4f3: {  	[sflag:s23] =	ssyncset.done $0x0  }
0x4f4: {  	[sflag:s23] =	ssyncadd.s32 $0xFFFFCF00  }
0x4f5: {  	_ =	swait.ge [sflag:s23], $0x3000  }
0x4f6: {  	[sflag:s23] =	ssyncset.done $0x0  }
0x4f7: {  	[sflag:s23] =	ssyncadd.s32 $0xFFFFD000  }
0x4f8: {  	[tilespmem:s24], [sflag:$0x2] =	stream.linear.gather [hbm4b:s5+s0], $0x1000, $0x38;
	[tilespmem:$0x1C700] =	vst v63  }
0x4f9: {  	_ =	swait.ge [sflag:s25], $0x1000  }
0x4fa: {  	[sflag:s25] =	ssyncset.done $0x0  }
0x4fb: {  	[sflag:s25] =	ssyncadd.s32 $0xFFFFF000  }
0x4fc: {  	_ =	swait.ge [sflag:s30], $0x1000  }
0x4fd: {  	[sflag:s30] =	ssyncset.done $0x0  }
0x4fe: {  	s0 =	simm.s32 $0x0;
	[sflag:s30] =	ssyncadd.s32 $0xFFFFF000  }
0x4ff: {  	v0 =	vld [tilespmem:s0+$0x18700]  }
0x500: {  	v1 =	vld [tilespmem:s0+$0x18770]  }
0x501: {  	v2 =	vld [tilespmem:s0+$0x18710]  }
0x502: {  	v3 =	vld [tilespmem:s0+$0x18720]  }
0x503: {  	v4 =	vld [tilespmem:s0+$0x18730]  }
0x504: {  	v7 =	vld [tilespmem:s0+$0x18740]  }
0x505: {  	v8 =	vld [tilespmem:s0+$0x18750]  }
0x506: {  	v9 =	vld [tilespmem:s0+$0x18760]  }
0x507: {  	v10 =	vld.idx.msk [tilespmem:v0+s1+$0x0], $0xffff  }
0x508: {  	v0 =	vld.idx.msk [tilespmem:v1+s1+$0x0], $0xffff  }
0x509: {  	v6 =	vld.idx.msk [tilespmem:v2+s1+$0x0], $0xffff  }
0x50a: {  	v5 =	vld.idx.msk [tilespmem:v3+s1+$0x0], $0xffff  }
0x50b: {  	v4 =	vld.idx.msk [tilespmem:v4+s1+$0x0], $0xffff  }
0x50c: {  	v3 =	vld.idx.msk [tilespmem:v7+s1+$0x0], $0xffff  }
0x50d: {  	v2 =	vld.idx.msk [tilespmem:v8+s1+$0x0], $0xffff  }
0x50e: {  	s20 =	simm.s32 $0x80;
	v1 =	vld.idx.msk [tilespmem:v9+s1+$0x0], $0xffff;
	[tilespmem:s0+$0x1A770] =	vst v0  }
0x50f: {  	s21 =	simm.s32 $0x400;
	v0 =	vld [tilespmem:s20+$0x18700];
	[tilespmem:s0+$0x1A700] =	vst v10  }
.LBB2_34:
0x510: {  	p0 =	sne.s32 s21, $0x3E00;
	v7 =	vld [tilespmem:s20+$0x18770];
	[tilespmem:s0+$0x1A710] =	vst v6  }
0x511: {  	v6 =	vld [tilespmem:s20+$0x18710];
	[tilespmem:s0+$0x1A720] =	vst v5  }
0x512: {  	v5 =	vld [tilespmem:s20+$0x18720];
	[tilespmem:s0+$0x1A730] =	vst v4  }
0x513: {  	v4 =	vld [tilespmem:s20+$0x18730];
	[tilespmem:s0+$0x1A740] =	vst v3  }
0x514: {  	v3 =	vld [tilespmem:s20+$0x18740];
	[tilespmem:s0+$0x1A750] =	vst v2  }
0x515: {  	v2 =	vld [tilespmem:s20+$0x18750];
	[tilespmem:s0+$0x1A760] =	vst v1;
	s0 =	smov.u32 s20  }
0x516: {  	v1 =	vld [tilespmem:s0+$0x18760]  }
0x517: {  	v8 =	vld.idx.msk [tilespmem:v0+s1+$0x0], $0xffff  }
0x518: {  	v0 =	vld.idx.msk [tilespmem:v7+s1+$0x0], $0xffff  }
0x519: {  	v6 =	vld.idx.msk [tilespmem:v6+s1+$0x0], $0xffff  }
0x51a: {  	v5 =	vld.idx.msk [tilespmem:v5+s1+$0x0], $0xffff  }
.Ltmp16:
0x51b: {  	v4 =	vld.idx.msk [tilespmem:v4+s1+$0x0], $0xffff;
	(pc) =	sbr.rel @p0 .LBB2_34-.Ltmp16, $4  }
0x51c: {  	v3 =	vld.idx.msk [tilespmem:v3+s1+$0x0], $0xffff  }
0x51d: {  	v2 =	vld.idx.msk [tilespmem:v2+s1+$0x0], $0xffff  }
0x51e: {  	s20 =	sshra.s32 s21, $0x2;
	v1 =	vld.idx.msk [tilespmem:v1+s1+$0x0], $0xffff;
	[tilespmem:s0+$0x1A770] =	vst v0  }
0x51f: {  	s21 =	sadd.s32 $0x200, s21;
	v0 =	vld [tilespmem:s20+$0x18700];
	[tilespmem:s0+$0x1A700] =	vst v8  }
0x520: {  	_ = 	snop  }
0x521: {  	v7 =	vld [tilespmem:s20+$0x18770];
	[tilespmem:s0+$0x1A710] =	vst v6  }
0x522: {  	v6 =	vld [tilespmem:s20+$0x18710];
	[tilespmem:s0+$0x1A720] =	vst v5  }
0x523: {  	v5 =	vld [tilespmem:s20+$0x18720];
	[tilespmem:s0+$0x1A730] =	vst v4  }
0x524: {  	v4 =	vld [tilespmem:s20+$0x18730];
	[tilespmem:s0+$0x1A740] =	vst v3  }
0x525: {  	v3 =	vld [tilespmem:s20+$0x18740];
	[tilespmem:s0+$0x1A750] =	vst v2  }
0x526: {  	v2 =	vld [tilespmem:s20+$0x18750];
	[tilespmem:s0+$0x1A760] =	vst v1  }
0x527: {  	v1 =	vld [tilespmem:s20+$0x18760]  }
0x528: {  	v0 =	vld.idx.msk [tilespmem:v0+s1+$0x0], $0xffff  }
0x529: {  	v7 =	vld.idx.msk [tilespmem:v7+s1+$0x0], $0xffff  }
0x52a: {  	v6 =	vld.idx.msk [tilespmem:v6+s1+$0x0], $0xffff  }
0x52b: {  	v5 =	vld.idx.msk [tilespmem:v5+s1+$0x0], $0xffff  }
0x52c: {  	v4 =	vld.idx.msk [tilespmem:v4+s1+$0x0], $0xffff  }
0x52d: {  	v3 =	vld.idx.msk [tilespmem:v3+s1+$0x0], $0xffff  }
0x52e: {  	v2 =	vld.idx.msk [tilespmem:v2+s1+$0x0], $0xffff  }
0x52f: {  	v1 =	vld.idx.msk [tilespmem:v1+s1+$0x0], $0xffff;
	[tilespmem:s20+$0x1A770] =	vst v7  }
0x530: {  	[tilespmem:s20+$0x1A700] =	vst v0  }
0x531: {  	[tilespmem:s20+$0x1A710] =	vst v6  }
0x532: {  	[tilespmem:s20+$0x1A720] =	vst v5  }
0x533: {  	[tilespmem:s20+$0x1A730] =	vst v4  }
0x534: {  	[tilespmem:s20+$0x1A740] =	vst v3  }
0x535: {  	[tilespmem:s20+$0x1A750] =	vst v2  }
0x536: {  	[tilespmem:s20+$0x1A760] =	vst v1;
	s20 =	sld [smem:$0x7F5];
	_ =	sdelay $0x2  }
0x537: {  	[hbm4b:s20+s11] =	stream.strided.scatter [tilespmem:s28], [sflag:$0x3], $0x1000, s12, s11, $0x38;
	[tilespmem:$0x1C700] =	vst v63  }
0x538: {  	s21 =	simm.s32 $0x0  }
0x539: {  	[tilespmem:s22], [sflag:$0x2] =	stream.linear.gather [hbm4b:s6+s21], $0x1000, $0x38;
	[tilespmem:$0x1C700] =	vst v63  }
0x53a: {  	_ =	swait.ge [sflag:s25], $0x1000  }
0x53b: {  	[sflag:s25] =	ssyncset.done $0x0  }
0x53c: {  	[sflag:s25] =	ssyncadd.s32 $0xFFFFF000  }
0x53d: {  	_ =	swait.ge [sflag:s30], $0x1000  }
0x53e: {  	[sflag:s30] =	ssyncset.done $0x0  }
0x53f: {  	s0 =	simm.s32 $0x0;
	[sflag:s30] =	ssyncadd.s32 $0xFFFFF000  }
0x540: {  	v0 =	vld [tilespmem:s0+$0x19700]  }
0x541: {  	v1 =	vld [tilespmem:s0+$0x19770]  }
0x542: {  	v2 =	vld [tilespmem:s0+$0x19710]  }
0x543: {  	v3 =	vld [tilespmem:s0+$0x19720]  }
0x544: {  	v4 =	vld [tilespmem:s0+$0x19730]  }
0x545: {  	v7 =	vld [tilespmem:s0+$0x19740]  }
0x546: {  	v8 =	vld [tilespmem:s0+$0x19750]  }
0x547: {  	v9 =	vld [tilespmem:s0+$0x19760]  }
0x548: {  	v10 =	vld.idx.msk [tilespmem:v0+s1+$0x0], $0xffff  }
0x549: {  	v0 =	vld.idx.msk [tilespmem:v1+s1+$0x0], $0xffff  }
0x54a: {  	v6 =	vld.idx.msk [tilespmem:v2+s1+$0x0], $0xffff  }
0x54b: {  	v5 =	vld.idx.msk [tilespmem:v3+s1+$0x0], $0xffff  }
0x54c: {  	v4 =	vld.idx.msk [tilespmem:v4+s1+$0x0], $0xffff  }
0x54d: {  	v3 =	vld.idx.msk [tilespmem:v7+s1+$0x0], $0xffff  }
0x54e: {  	v2 =	vld.idx.msk [tilespmem:v8+s1+$0x0], $0xffff  }
0x54f: {  	s20 =	simm.s32 $0x80;
	v1 =	vld.idx.msk [tilespmem:v9+s1+$0x0], $0xffff;
	[tilespmem:s0+$0x1B770] =	vst v0  }
0x550: {  	s21 =	simm.s32 $0x400;
	v0 =	vld [tilespmem:s20+$0x19700];
	[tilespmem:s0+$0x1B700] =	vst v10  }
.LBB2_36:
0x551: {  	p0 =	sne.s32 s21, $0x3E00;
	v7 =	vld [tilespmem:s20+$0x19770];
	[tilespmem:s0+$0x1B710] =	vst v6  }
0x552: {  	v6 =	vld [tilespmem:s20+$0x19710];
	[tilespmem:s0+$0x1B720] =	vst v5  }
0x553: {  	v5 =	vld [tilespmem:s20+$0x19720];
	[tilespmem:s0+$0x1B730] =	vst v4  }
0x554: {  	v4 =	vld [tilespmem:s20+$0x19730];
	[tilespmem:s0+$0x1B740] =	vst v3  }
0x555: {  	v3 =	vld [tilespmem:s20+$0x19740];
	[tilespmem:s0+$0x1B750] =	vst v2  }
0x556: {  	v2 =	vld [tilespmem:s20+$0x19750];
	[tilespmem:s0+$0x1B760] =	vst v1;
	s0 =	smov.u32 s20  }
0x557: {  	v1 =	vld [tilespmem:s0+$0x19760]  }
0x558: {  	v8 =	vld.idx.msk [tilespmem:v0+s1+$0x0], $0xffff  }
0x559: {  	v0 =	vld.idx.msk [tilespmem:v7+s1+$0x0], $0xffff  }
0x55a: {  	v6 =	vld.idx.msk [tilespmem:v6+s1+$0x0], $0xffff  }
0x55b: {  	v5 =	vld.idx.msk [tilespmem:v5+s1+$0x0], $0xffff  }
.Ltmp17:
0x55c: {  	v4 =	vld.idx.msk [tilespmem:v4+s1+$0x0], $0xffff;
	(pc) =	sbr.rel @p0 .LBB2_36-.Ltmp17, $4  }
0x55d: {  	v3 =	vld.idx.msk [tilespmem:v3+s1+$0x0], $0xffff  }
0x55e: {  	v2 =	vld.idx.msk [tilespmem:v2+s1+$0x0], $0xffff  }
0x55f: {  	s20 =	sshra.s32 s21, $0x2;
	v1 =	vld.idx.msk [tilespmem:v1+s1+$0x0], $0xffff;
	[tilespmem:s0+$0x1B770] =	vst v0  }
0x560: {  	s21 =	sadd.s32 $0x200, s21;
	v0 =	vld [tilespmem:s20+$0x19700];
	[tilespmem:s0+$0x1B700] =	vst v8  }
0x561: {  	_ = 	snop  }
0x562: {  	v7 =	vld [tilespmem:s20+$0x19770];
	[tilespmem:s0+$0x1B710] =	vst v6  }
0x563: {  	v6 =	vld [tilespmem:s20+$0x19710];
	[tilespmem:s0+$0x1B720] =	vst v5  }
0x564: {  	v5 =	vld [tilespmem:s20+$0x19720];
	[tilespmem:s0+$0x1B730] =	vst v4  }
0x565: {  	v4 =	vld [tilespmem:s20+$0x19730];
	[tilespmem:s0+$0x1B740] =	vst v3  }
0x566: {  	v3 =	vld [tilespmem:s20+$0x19740];
	[tilespmem:s0+$0x1B750] =	vst v2  }
0x567: {  	v2 =	vld [tilespmem:s20+$0x19750];
	[tilespmem:s0+$0x1B760] =	vst v1  }
0x568: {  	v1 =	vld [tilespmem:s20+$0x19760]  }
0x569: {  	v0 =	vld.idx.msk [tilespmem:v0+s1+$0x0], $0xffff  }
0x56a: {  	v7 =	vld.idx.msk [tilespmem:v7+s1+$0x0], $0xffff  }
0x56b: {  	v6 =	vld.idx.msk [tilespmem:v6+s1+$0x0], $0xffff  }
0x56c: {  	v5 =	vld.idx.msk [tilespmem:v5+s1+$0x0], $0xffff  }
0x56d: {  	v4 =	vld.idx.msk [tilespmem:v4+s1+$0x0], $0xffff  }
0x56e: {  	v3 =	vld.idx.msk [tilespmem:v3+s1+$0x0], $0xffff  }
0x56f: {  	v2 =	vld.idx.msk [tilespmem:v2+s1+$0x0], $0xffff  }
0x570: {  	v1 =	vld.idx.msk [tilespmem:v1+s1+$0x0], $0xffff;
	[tilespmem:s20+$0x1B770] =	vst v7  }
0x571: {  	[tilespmem:s20+$0x1B700] =	vst v0  }
0x572: {  	[tilespmem:s20+$0x1B710] =	vst v6  }
0x573: {  	[tilespmem:s20+$0x1B720] =	vst v5  }
0x574: {  	[tilespmem:s20+$0x1B730] =	vst v4  }
0x575: {  	[tilespmem:s20+$0x1B740] =	vst v3  }
0x576: {  	[tilespmem:s20+$0x1B750] =	vst v2  }
0x577: {  	[tilespmem:s20+$0x1B760] =	vst v1;
	s20 =	sld [smem:$0x7F6];
	_ =	sdelay $0x2  }
0x578: {  	[hbm4b:s20+s11] =	stream.strided.scatter [tilespmem:s29], [sflag:$0x3], $0x1000, s12, s11, $0x38;
	[tilespmem:$0x1C700] =	vst v63  }
0x579: {  	s21 =	simm.s32 $0x0  }
0x57a: {  	[tilespmem:s24], [sflag:$0x2] =	stream.linear.gather [hbm4b:s7+s21], $0x1000, $0x38;
	[tilespmem:$0x1C700] =	vst v63  }
0x57b: {  	_ =	swait.ge [sflag:s25], $0x1000  }
0x57c: {  	[sflag:s25] =	ssyncset.done $0x0  }
0x57d: {  	[sflag:s25] =	ssyncadd.s32 $0xFFFFF000  }
0x57e: {  	_ =	swait.ge [sflag:s30], $0x1000  }
0x57f: {  	[sflag:s30] =	ssyncset.done $0x0  }
0x580: {  	s0 =	simm.s32 $0x0;
	[sflag:s30] =	ssyncadd.s32 $0xFFFFF000  }
0x581: {  	v0 =	vld [tilespmem:s0+$0x18700]  }
0x582: {  	v1 =	vld [tilespmem:s0+$0x18770]  }
0x583: {  	v2 =	vld [tilespmem:s0+$0x18710]  }
0x584: {  	v3 =	vld [tilespmem:s0+$0x18720]  }
0x585: {  	v4 =	vld [tilespmem:s0+$0x18730]  }
0x586: {  	v7 =	vld [tilespmem:s0+$0x18740]  }
0x587: {  	v8 =	vld [tilespmem:s0+$0x18750]  }
0x588: {  	v9 =	vld [tilespmem:s0+$0x18760]  }
0x589: {  	v10 =	vld.idx.msk [tilespmem:v0+s1+$0x0], $0xffff  }
0x58a: {  	v0 =	vld.idx.msk [tilespmem:v1+s1+$0x0], $0xffff  }
0x58b: {  	v6 =	vld.idx.msk [tilespmem:v2+s1+$0x0], $0xffff  }
0x58c: {  	v5 =	vld.idx.msk [tilespmem:v3+s1+$0x0], $0xffff  }
0x58d: {  	v4 =	vld.idx.msk [tilespmem:v4+s1+$0x0], $0xffff  }
0x58e: {  	v3 =	vld.idx.msk [tilespmem:v7+s1+$0x0], $0xffff  }
0x58f: {  	v2 =	vld.idx.msk [tilespmem:v8+s1+$0x0], $0xffff  }
0x590: {  	s20 =	simm.s32 $0x80;
	v1 =	vld.idx.msk [tilespmem:v9+s1+$0x0], $0xffff;
	[tilespmem:s0+$0x1A770] =	vst v0  }
0x591: {  	s21 =	simm.s32 $0x400;
	v0 =	vld [tilespmem:s20+$0x18700];
	[tilespmem:s0+$0x1A700] =	vst v10  }
.LBB2_38:
0x592: {  	p0 =	sne.s32 s21, $0x3E00;
	v7 =	vld [tilespmem:s20+$0x18770];
	[tilespmem:s0+$0x1A710] =	vst v6  }
0x593: {  	v6 =	vld [tilespmem:s20+$0x18710];
	[tilespmem:s0+$0x1A720] =	vst v5  }
0x594: {  	v5 =	vld [tilespmem:s20+$0x18720];
	[tilespmem:s0+$0x1A730] =	vst v4  }
0x595: {  	v4 =	vld [tilespmem:s20+$0x18730];
	[tilespmem:s0+$0x1A740] =	vst v3  }
0x596: {  	v3 =	vld [tilespmem:s20+$0x18740];
	[tilespmem:s0+$0x1A750] =	vst v2  }
0x597: {  	v2 =	vld [tilespmem:s20+$0x18750];
	[tilespmem:s0+$0x1A760] =	vst v1;
	s0 =	smov.u32 s20  }
0x598: {  	v1 =	vld [tilespmem:s0+$0x18760]  }
0x599: {  	v8 =	vld.idx.msk [tilespmem:v0+s1+$0x0], $0xffff  }
0x59a: {  	v0 =	vld.idx.msk [tilespmem:v7+s1+$0x0], $0xffff  }
0x59b: {  	v6 =	vld.idx.msk [tilespmem:v6+s1+$0x0], $0xffff  }
0x59c: {  	v5 =	vld.idx.msk [tilespmem:v5+s1+$0x0], $0xffff  }
.Ltmp18:
0x59d: {  	v4 =	vld.idx.msk [tilespmem:v4+s1+$0x0], $0xffff;
	(pc) =	sbr.rel @p0 .LBB2_38-.Ltmp18, $4  }
0x59e: {  	v3 =	vld.idx.msk [tilespmem:v3+s1+$0x0], $0xffff  }
0x59f: {  	v2 =	vld.idx.msk [tilespmem:v2+s1+$0x0], $0xffff  }
0x5a0: {  	s20 =	sshra.s32 s21, $0x2;
	v1 =	vld.idx.msk [tilespmem:v1+s1+$0x0], $0xffff;
	[tilespmem:s0+$0x1A770] =	vst v0  }
0x5a1: {  	s21 =	sadd.s32 $0x200, s21;
	v0 =	vld [tilespmem:s20+$0x18700];
	[tilespmem:s0+$0x1A700] =	vst v8  }
0x5a2: {  	_ = 	snop  }
0x5a3: {  	v7 =	vld [tilespmem:s20+$0x18770];
	[tilespmem:s0+$0x1A710] =	vst v6  }
0x5a4: {  	v6 =	vld [tilespmem:s20+$0x18710];
	[tilespmem:s0+$0x1A720] =	vst v5  }
0x5a5: {  	v5 =	vld [tilespmem:s20+$0x18720];
	[tilespmem:s0+$0x1A730] =	vst v4  }
0x5a6: {  	v4 =	vld [tilespmem:s20+$0x18730];
	[tilespmem:s0+$0x1A740] =	vst v3  }
0x5a7: {  	v3 =	vld [tilespmem:s20+$0x18740];
	[tilespmem:s0+$0x1A750] =	vst v2  }
0x5a8: {  	v2 =	vld [tilespmem:s20+$0x18750];
	[tilespmem:s0+$0x1A760] =	vst v1  }
0x5a9: {  	v1 =	vld [tilespmem:s20+$0x18760]  }
0x5aa: {  	v0 =	vld.idx.msk [tilespmem:v0+s1+$0x0], $0xffff  }
0x5ab: {  	v7 =	vld.idx.msk [tilespmem:v7+s1+$0x0], $0xffff  }
0x5ac: {  	v6 =	vld.idx.msk [tilespmem:v6+s1+$0x0], $0xffff  }
0x5ad: {  	v5 =	vld.idx.msk [tilespmem:v5+s1+$0x0], $0xffff  }
0x5ae: {  	v4 =	vld.idx.msk [tilespmem:v4+s1+$0x0], $0xffff  }
0x5af: {  	v3 =	vld.idx.msk [tilespmem:v3+s1+$0x0], $0xffff  }
0x5b0: {  	v2 =	vld.idx.msk [tilespmem:v2+s1+$0x0], $0xffff  }
0x5b1: {  	v1 =	vld.idx.msk [tilespmem:v1+s1+$0x0], $0xffff;
	[tilespmem:s20+$0x1A770] =	vst v7  }
0x5b2: {  	[tilespmem:s20+$0x1A700] =	vst v0  }
0x5b3: {  	[tilespmem:s20+$0x1A710] =	vst v6  }
0x5b4: {  	[tilespmem:s20+$0x1A720] =	vst v5  }
0x5b5: {  	[tilespmem:s20+$0x1A730] =	vst v4  }
0x5b6: {  	[tilespmem:s20+$0x1A740] =	vst v3  }
0x5b7: {  	[tilespmem:s20+$0x1A750] =	vst v2  }
0x5b8: {  	[tilespmem:s20+$0x1A760] =	vst v1;
	s20 =	sld [smem:$0x7F7];
	_ =	sdelay $0x2  }
0x5b9: {  	[hbm4b:s20+s11] =	stream.strided.scatter [tilespmem:s28], [sflag:$0x3], $0x1000, s12, s11, $0x38;
	[tilespmem:$0x1C700] =	vst v63  }
0x5ba: {  	s21 =	simm.s32 $0x0  }
0x5bb: {  	[tilespmem:s22], [sflag:$0x2] =	stream.linear.gather [hbm4b:s26+s21], $0x1000, $0x38;
	[tilespmem:$0x1C700] =	vst v63  }
0x5bc: {  	_ =	swait.ge [sflag:s25], $0x1000  }
0x5bd: {  	[sflag:s25] =	ssyncset.done $0x0  }
0x5be: {  	[sflag:s25] =	ssyncadd.s32 $0xFFFFF000  }
0x5bf: {  	_ =	swait.ge [sflag:s30], $0x1000  }
0x5c0: {  	[sflag:s30] =	ssyncset.done $0x0  }
0x5c1: {  	s0 =	simm.s32 $0x0;
	[sflag:s30] =	ssyncadd.s32 $0xFFFFF000  }
0x5c2: {  	v0 =	vld [tilespmem:s0+$0x19700]  }
0x5c3: {  	v1 =	vld [tilespmem:s0+$0x19770]  }
0x5c4: {  	v2 =	vld [tilespmem:s0+$0x19710]  }
0x5c5: {  	v3 =	vld [tilespmem:s0+$0x19720]  }
0x5c6: {  	v4 =	vld [tilespmem:s0+$0x19730]  }
0x5c7: {  	v7 =	vld [tilespmem:s0+$0x19740]  }
0x5c8: {  	v8 =	vld [tilespmem:s0+$0x19750]  }
0x5c9: {  	v9 =	vld [tilespmem:s0+$0x19760]  }
0x5ca: {  	v10 =	vld.idx.msk [tilespmem:v0+s1+$0x0], $0xffff  }
0x5cb: {  	v0 =	vld.idx.msk [tilespmem:v1+s1+$0x0], $0xffff  }
0x5cc: {  	v6 =	vld.idx.msk [tilespmem:v2+s1+$0x0], $0xffff  }
0x5cd: {  	v5 =	vld.idx.msk [tilespmem:v3+s1+$0x0], $0xffff  }
0x5ce: {  	v4 =	vld.idx.msk [tilespmem:v4+s1+$0x0], $0xffff  }
0x5cf: {  	v3 =	vld.idx.msk [tilespmem:v7+s1+$0x0], $0xffff  }
0x5d0: {  	v2 =	vld.idx.msk [tilespmem:v8+s1+$0x0], $0xffff  }
0x5d1: {  	s20 =	simm.s32 $0x80;
	v1 =	vld.idx.msk [tilespmem:v9+s1+$0x0], $0xffff;
	[tilespmem:s0+$0x1B770] =	vst v0  }
0x5d2: {  	s21 =	simm.s32 $0x400;
	v0 =	vld [tilespmem:s20+$0x19700];
	[tilespmem:s0+$0x1B700] =	vst v10  }
.LBB2_40:
0x5d3: {  	p0 =	sne.s32 s21, $0x3E00;
	v7 =	vld [tilespmem:s20+$0x19770];
	[tilespmem:s0+$0x1B710] =	vst v6  }
0x5d4: {  	v6 =	vld [tilespmem:s20+$0x19710];
	[tilespmem:s0+$0x1B720] =	vst v5  }
0x5d5: {  	v5 =	vld [tilespmem:s20+$0x19720];
	[tilespmem:s0+$0x1B730] =	vst v4  }
0x5d6: {  	v4 =	vld [tilespmem:s20+$0x19730];
	[tilespmem:s0+$0x1B740] =	vst v3  }
0x5d7: {  	v3 =	vld [tilespmem:s20+$0x19740];
	[tilespmem:s0+$0x1B750] =	vst v2  }
0x5d8: {  	v2 =	vld [tilespmem:s20+$0x19750];
	[tilespmem:s0+$0x1B760] =	vst v1;
	s0 =	smov.u32 s20  }
0x5d9: {  	v1 =	vld [tilespmem:s0+$0x19760]  }
0x5da: {  	v8 =	vld.idx.msk [tilespmem:v0+s1+$0x0], $0xffff  }
0x5db: {  	v0 =	vld.idx.msk [tilespmem:v7+s1+$0x0], $0xffff  }
0x5dc: {  	v6 =	vld.idx.msk [tilespmem:v6+s1+$0x0], $0xffff  }
0x5dd: {  	v5 =	vld.idx.msk [tilespmem:v5+s1+$0x0], $0xffff  }
.Ltmp19:
0x5de: {  	v4 =	vld.idx.msk [tilespmem:v4+s1+$0x0], $0xffff;
	(pc) =	sbr.rel @p0 .LBB2_40-.Ltmp19, $4  }
0x5df: {  	v3 =	vld.idx.msk [tilespmem:v3+s1+$0x0], $0xffff  }
0x5e0: {  	v2 =	vld.idx.msk [tilespmem:v2+s1+$0x0], $0xffff  }
0x5e1: {  	s20 =	sshra.s32 s21, $0x2;
	v1 =	vld.idx.msk [tilespmem:v1+s1+$0x0], $0xffff;
	[tilespmem:s0+$0x1B770] =	vst v0  }
0x5e2: {  	s21 =	sadd.s32 $0x200, s21;
	v0 =	vld [tilespmem:s20+$0x19700];
	[tilespmem:s0+$0x1B700] =	vst v8  }
0x5e3: {  	_ = 	snop  }
0x5e4: {  	v7 =	vld [tilespmem:s20+$0x19770];
	[tilespmem:s0+$0x1B710] =	vst v6  }
0x5e5: {  	v6 =	vld [tilespmem:s20+$0x19710];
	[tilespmem:s0+$0x1B720] =	vst v5  }
0x5e6: {  	v5 =	vld [tilespmem:s20+$0x19720];
	[tilespmem:s0+$0x1B730] =	vst v4  }
0x5e7: {  	v4 =	vld [tilespmem:s20+$0x19730];
	[tilespmem:s0+$0x1B740] =	vst v3  }
0x5e8: {  	v3 =	vld [tilespmem:s20+$0x19740];
	[tilespmem:s0+$0x1B750] =	vst v2  }
0x5e9: {  	v2 =	vld [tilespmem:s20+$0x19750];
	[tilespmem:s0+$0x1B760] =	vst v1  }
0x5ea: {  	v1 =	vld [tilespmem:s20+$0x19760]  }
0x5eb: {  	v0 =	vld.idx.msk [tilespmem:v0+s1+$0x0], $0xffff  }
0x5ec: {  	v7 =	vld.idx.msk [tilespmem:v7+s1+$0x0], $0xffff  }
0x5ed: {  	v6 =	vld.idx.msk [tilespmem:v6+s1+$0x0], $0xffff  }
0x5ee: {  	v5 =	vld.idx.msk [tilespmem:v5+s1+$0x0], $0xffff  }
0x5ef: {  	v4 =	vld.idx.msk [tilespmem:v4+s1+$0x0], $0xffff  }
0x5f0: {  	v3 =	vld.idx.msk [tilespmem:v3+s1+$0x0], $0xffff  }
0x5f1: {  	v2 =	vld.idx.msk [tilespmem:v2+s1+$0x0], $0xffff  }
0x5f2: {  	v1 =	vld.idx.msk [tilespmem:v1+s1+$0x0], $0xffff;
	[tilespmem:s20+$0x1B770] =	vst v7  }
0x5f3: {  	[tilespmem:s20+$0x1B700] =	vst v0  }
0x5f4: {  	[tilespmem:s20+$0x1B710] =	vst v6  }
0x5f5: {  	[tilespmem:s20+$0x1B720] =	vst v5  }
0x5f6: {  	[tilespmem:s20+$0x1B730] =	vst v4  }
0x5f7: {  	[tilespmem:s20+$0x1B740] =	vst v3  }
0x5f8: {  	[tilespmem:s20+$0x1B750] =	vst v2  }
0x5f9: {  	[tilespmem:s20+$0x1B760] =	vst v1;
	s20 =	sld [smem:$0x7F8];
	_ =	sdelay $0x2  }
0x5fa: {  	[hbm4b:s20+s11] =	stream.strided.scatter [tilespmem:s29], [sflag:$0x3], $0x1000, s12, s11, $0x38;
	[tilespmem:$0x1C700] =	vst v63  }
0x5fb: {  	s21 =	simm.s32 $0x0  }
0x5fc: {  	[tilespmem:s24], [sflag:$0x2] =	stream.linear.gather [hbm4b:s8+s21], $0x1000, $0x38;
	[tilespmem:$0x1C700] =	vst v63  }
0x5fd: {  	_ =	swait.ge [sflag:s25], $0x1000  }
0x5fe: {  	[sflag:s25] =	ssyncset.done $0x0  }
0x5ff: {  	[sflag:s25] =	ssyncadd.s32 $0xFFFFF000  }
0x600: {  	_ =	swait.ge [sflag:s30], $0x1000  }
0x601: {  	[sflag:s30] =	ssyncset.done $0x0  }
0x602: {  	s0 =	simm.s32 $0x0;
	[sflag:s30] =	ssyncadd.s32 $0xFFFFF000  }
0x603: {  	v0 =	vld [tilespmem:s0+$0x18700]  }
0x604: {  	v1 =	vld [tilespmem:s0+$0x18770]  }
0x605: {  	v2 =	vld [tilespmem:s0+$0x18710]  }
0x606: {  	v3 =	vld [tilespmem:s0+$0x18720]  }
0x607: {  	v4 =	vld [tilespmem:s0+$0x18730]  }
0x608: {  	v7 =	vld [tilespmem:s0+$0x18740]  }
0x609: {  	v8 =	vld [tilespmem:s0+$0x18750]  }
0x60a: {  	v9 =	vld [tilespmem:s0+$0x18760]  }
0x60b: {  	v10 =	vld.idx.msk [tilespmem:v0+s1+$0x0], $0xffff  }
0x60c: {  	v0 =	vld.idx.msk [tilespmem:v1+s1+$0x0], $0xffff  }
0x60d: {  	v6 =	vld.idx.msk [tilespmem:v2+s1+$0x0], $0xffff  }
0x60e: {  	v5 =	vld.idx.msk [tilespmem:v3+s1+$0x0], $0xffff  }
0x60f: {  	v4 =	vld.idx.msk [tilespmem:v4+s1+$0x0], $0xffff  }
0x610: {  	v3 =	vld.idx.msk [tilespmem:v7+s1+$0x0], $0xffff  }
0x611: {  	v2 =	vld.idx.msk [tilespmem:v8+s1+$0x0], $0xffff  }
0x612: {  	s20 =	simm.s32 $0x80;
	v1 =	vld.idx.msk [tilespmem:v9+s1+$0x0], $0xffff;
	[tilespmem:s0+$0x1A770] =	vst v0  }
0x613: {  	s21 =	simm.s32 $0x400;
	v0 =	vld [tilespmem:s20+$0x18700];
	[tilespmem:s0+$0x1A700] =	vst v10  }
.LBB2_42:
0x614: {  	p0 =	sne.s32 s21, $0x3E00;
	v7 =	vld [tilespmem:s20+$0x18770];
	[tilespmem:s0+$0x1A710] =	vst v6  }
0x615: {  	v6 =	vld [tilespmem:s20+$0x18710];
	[tilespmem:s0+$0x1A720] =	vst v5  }
0x616: {  	v5 =	vld [tilespmem:s20+$0x18720];
	[tilespmem:s0+$0x1A730] =	vst v4  }
0x617: {  	v4 =	vld [tilespmem:s20+$0x18730];
	[tilespmem:s0+$0x1A740] =	vst v3  }
0x618: {  	v3 =	vld [tilespmem:s20+$0x18740];
	[tilespmem:s0+$0x1A750] =	vst v2  }
0x619: {  	v2 =	vld [tilespmem:s20+$0x18750];
	[tilespmem:s0+$0x1A760] =	vst v1;
	s0 =	smov.u32 s20  }
0x61a: {  	v1 =	vld [tilespmem:s0+$0x18760]  }
0x61b: {  	v8 =	vld.idx.msk [tilespmem:v0+s1+$0x0], $0xffff  }
0x61c: {  	v0 =	vld.idx.msk [tilespmem:v7+s1+$0x0], $0xffff  }
0x61d: {  	v6 =	vld.idx.msk [tilespmem:v6+s1+$0x0], $0xffff  }
0x61e: {  	v5 =	vld.idx.msk [tilespmem:v5+s1+$0x0], $0xffff  }
.Ltmp20:
0x61f: {  	v4 =	vld.idx.msk [tilespmem:v4+s1+$0x0], $0xffff;
	(pc) =	sbr.rel @p0 .LBB2_42-.Ltmp20, $4  }
0x620: {  	v3 =	vld.idx.msk [tilespmem:v3+s1+$0x0], $0xffff  }
0x621: {  	v2 =	vld.idx.msk [tilespmem:v2+s1+$0x0], $0xffff  }
0x622: {  	s20 =	sshra.s32 s21, $0x2;
	v1 =	vld.idx.msk [tilespmem:v1+s1+$0x0], $0xffff;
	[tilespmem:s0+$0x1A770] =	vst v0  }
0x623: {  	s21 =	sadd.s32 $0x200, s21;
	v0 =	vld [tilespmem:s20+$0x18700];
	[tilespmem:s0+$0x1A700] =	vst v8  }
0x624: {  	_ = 	snop  }
0x625: {  	v7 =	vld [tilespmem:s20+$0x18770];
	[tilespmem:s0+$0x1A710] =	vst v6  }
0x626: {  	v6 =	vld [tilespmem:s20+$0x18710];
	[tilespmem:s0+$0x1A720] =	vst v5  }
0x627: {  	v5 =	vld [tilespmem:s20+$0x18720];
	[tilespmem:s0+$0x1A730] =	vst v4  }
0x628: {  	v4 =	vld [tilespmem:s20+$0x18730];
	[tilespmem:s0+$0x1A740] =	vst v3  }
0x629: {  	v3 =	vld [tilespmem:s20+$0x18740];
	[tilespmem:s0+$0x1A750] =	vst v2  }
0x62a: {  	v2 =	vld [tilespmem:s20+$0x18750];
	[tilespmem:s0+$0x1A760] =	vst v1  }
0x62b: {  	v1 =	vld [tilespmem:s20+$0x18760]  }
0x62c: {  	v0 =	vld.idx.msk [tilespmem:v0+s1+$0x0], $0xffff  }
0x62d: {  	v7 =	vld.idx.msk [tilespmem:v7+s1+$0x0], $0xffff  }
0x62e: {  	v6 =	vld.idx.msk [tilespmem:v6+s1+$0x0], $0xffff  }
0x62f: {  	v5 =	vld.idx.msk [tilespmem:v5+s1+$0x0], $0xffff  }
0x630: {  	v4 =	vld.idx.msk [tilespmem:v4+s1+$0x0], $0xffff  }
0x631: {  	v3 =	vld.idx.msk [tilespmem:v3+s1+$0x0], $0xffff  }
0x632: {  	v2 =	vld.idx.msk [tilespmem:v2+s1+$0x0], $0xffff  }
0x633: {  	v1 =	vld.idx.msk [tilespmem:v1+s1+$0x0], $0xffff;
	[tilespmem:s20+$0x1A770] =	vst v7  }
0x634: {  	[tilespmem:s20+$0x1A700] =	vst v0  }
0x635: {  	[tilespmem:s20+$0x1A710] =	vst v6  }
0x636: {  	[tilespmem:s20+$0x1A720] =	vst v5  }
0x637: {  	[tilespmem:s20+$0x1A730] =	vst v4  }
0x638: {  	[tilespmem:s20+$0x1A740] =	vst v3  }
0x639: {  	[tilespmem:s20+$0x1A750] =	vst v2  }
0x63a: {  	[tilespmem:s20+$0x1A760] =	vst v1;
	s20 =	sld [smem:$0x7F9];
	_ =	sdelay $0x2  }
0x63b: {  	[hbm4b:s20+s11] =	stream.strided.scatter [tilespmem:s28], [sflag:$0x3], $0x1000, s12, s11, $0x38;
	[tilespmem:$0x1C700] =	vst v63  }
0x63c: {  	s21 =	simm.s32 $0x0  }
0x63d: {  	[tilespmem:s22], [sflag:$0x2] =	stream.linear.gather [hbm4b:s9+s21], $0x1000, $0x38;
	[tilespmem:$0x1C700] =	vst v63  }
0x63e: {  	_ =	swait.ge [sflag:s25], $0x1000  }
0x63f: {  	[sflag:s25] =	ssyncset.done $0x0  }
0x640: {  	[sflag:s25] =	ssyncadd.s32 $0xFFFFF000  }
0x641: {  	_ =	swait.ge [sflag:s30], $0x1000  }
0x642: {  	[sflag:s30] =	ssyncset.done $0x0  }
0x643: {  	s0 =	simm.s32 $0x0;
	[sflag:s30] =	ssyncadd.s32 $0xFFFFF000  }
0x644: {  	v0 =	vld [tilespmem:s0+$0x19700]  }
0x645: {  	v1 =	vld [tilespmem:s0+$0x19770]  }
0x646: {  	v2 =	vld [tilespmem:s0+$0x19710]  }
0x647: {  	v3 =	vld [tilespmem:s0+$0x19720]  }
0x648: {  	v4 =	vld [tilespmem:s0+$0x19730]  }
0x649: {  	v7 =	vld [tilespmem:s0+$0x19740]  }
0x64a: {  	v8 =	vld [tilespmem:s0+$0x19750]  }
0x64b: {  	v9 =	vld [tilespmem:s0+$0x19760]  }
0x64c: {  	v10 =	vld.idx.msk [tilespmem:v0+s1+$0x0], $0xffff  }
0x64d: {  	v0 =	vld.idx.msk [tilespmem:v1+s1+$0x0], $0xffff  }
0x64e: {  	v6 =	vld.idx.msk [tilespmem:v2+s1+$0x0], $0xffff  }
0x64f: {  	v5 =	vld.idx.msk [tilespmem:v3+s1+$0x0], $0xffff  }
0x650: {  	v4 =	vld.idx.msk [tilespmem:v4+s1+$0x0], $0xffff  }
0x651: {  	v3 =	vld.idx.msk [tilespmem:v7+s1+$0x0], $0xffff  }
0x652: {  	v2 =	vld.idx.msk [tilespmem:v8+s1+$0x0], $0xffff  }
0x653: {  	s20 =	simm.s32 $0x80;
	v1 =	vld.idx.msk [tilespmem:v9+s1+$0x0], $0xffff;
	[tilespmem:s0+$0x1B770] =	vst v0  }
0x654: {  	s21 =	simm.s32 $0x400;
	v0 =	vld [tilespmem:s20+$0x19700];
	[tilespmem:s0+$0x1B700] =	vst v10  }
.LBB2_44:
0x655: {  	p0 =	sne.s32 s21, $0x3E00;
	v7 =	vld [tilespmem:s20+$0x19770];
	[tilespmem:s0+$0x1B710] =	vst v6  }
0x656: {  	v6 =	vld [tilespmem:s20+$0x19710];
	[tilespmem:s0+$0x1B720] =	vst v5  }
0x657: {  	v5 =	vld [tilespmem:s20+$0x19720];
	[tilespmem:s0+$0x1B730] =	vst v4  }
0x658: {  	v4 =	vld [tilespmem:s20+$0x19730];
	[tilespmem:s0+$0x1B740] =	vst v3  }
0x659: {  	v3 =	vld [tilespmem:s20+$0x19740];
	[tilespmem:s0+$0x1B750] =	vst v2  }
0x65a: {  	v2 =	vld [tilespmem:s20+$0x19750];
	[tilespmem:s0+$0x1B760] =	vst v1;
	s0 =	smov.u32 s20  }
0x65b: {  	v1 =	vld [tilespmem:s0+$0x19760]  }
0x65c: {  	v8 =	vld.idx.msk [tilespmem:v0+s1+$0x0], $0xffff  }
0x65d: {  	v0 =	vld.idx.msk [tilespmem:v7+s1+$0x0], $0xffff  }
0x65e: {  	v6 =	vld.idx.msk [tilespmem:v6+s1+$0x0], $0xffff  }
0x65f: {  	v5 =	vld.idx.msk [tilespmem:v5+s1+$0x0], $0xffff  }
.Ltmp21:
0x660: {  	v4 =	vld.idx.msk [tilespmem:v4+s1+$0x0], $0xffff;
	(pc) =	sbr.rel @p0 .LBB2_44-.Ltmp21, $4  }
0x661: {  	v3 =	vld.idx.msk [tilespmem:v3+s1+$0x0], $0xffff  }
0x662: {  	v2 =	vld.idx.msk [tilespmem:v2+s1+$0x0], $0xffff  }
0x663: {  	s20 =	sshra.s32 s21, $0x2;
	v1 =	vld.idx.msk [tilespmem:v1+s1+$0x0], $0xffff;
	[tilespmem:s0+$0x1B770] =	vst v0  }
0x664: {  	s21 =	sadd.s32 $0x200, s21;
	v0 =	vld [tilespmem:s20+$0x19700];
	[tilespmem:s0+$0x1B700] =	vst v8  }
0x665: {  	_ = 	snop  }
0x666: {  	v7 =	vld [tilespmem:s20+$0x19770];
	[tilespmem:s0+$0x1B710] =	vst v6  }
0x667: {  	v6 =	vld [tilespmem:s20+$0x19710];
	[tilespmem:s0+$0x1B720] =	vst v5  }
0x668: {  	v5 =	vld [tilespmem:s20+$0x19720];
	[tilespmem:s0+$0x1B730] =	vst v4  }
0x669: {  	v4 =	vld [tilespmem:s20+$0x19730];
	[tilespmem:s0+$0x1B740] =	vst v3  }
0x66a: {  	v3 =	vld [tilespmem:s20+$0x19740];
	[tilespmem:s0+$0x1B750] =	vst v2  }
0x66b: {  	v2 =	vld [tilespmem:s20+$0x19750];
	[tilespmem:s0+$0x1B760] =	vst v1  }
0x66c: {  	v1 =	vld [tilespmem:s20+$0x19760]  }
0x66d: {  	v0 =	vld.idx.msk [tilespmem:v0+s1+$0x0], $0xffff  }
0x66e: {  	v7 =	vld.idx.msk [tilespmem:v7+s1+$0x0], $0xffff  }
0x66f: {  	v6 =	vld.idx.msk [tilespmem:v6+s1+$0x0], $0xffff  }
0x670: {  	v5 =	vld.idx.msk [tilespmem:v5+s1+$0x0], $0xffff  }
0x671: {  	v4 =	vld.idx.msk [tilespmem:v4+s1+$0x0], $0xffff  }
0x672: {  	v3 =	vld.idx.msk [tilespmem:v3+s1+$0x0], $0xffff  }
0x673: {  	v2 =	vld.idx.msk [tilespmem:v2+s1+$0x0], $0xffff  }
0x674: {  	v1 =	vld.idx.msk [tilespmem:v1+s1+$0x0], $0xffff;
	[tilespmem:s20+$0x1B770] =	vst v7  }
0x675: {  	[tilespmem:s20+$0x1B700] =	vst v0  }
0x676: {  	[tilespmem:s20+$0x1B710] =	vst v6  }
0x677: {  	[tilespmem:s20+$0x1B720] =	vst v5  }
0x678: {  	[tilespmem:s20+$0x1B730] =	vst v4  }
0x679: {  	[tilespmem:s20+$0x1B740] =	vst v3  }
0x67a: {  	[tilespmem:s20+$0x1B750] =	vst v2  }
0x67b: {  	[tilespmem:s20+$0x1B760] =	vst v1;
	s20 =	sld [smem:$0x7FA];
	_ =	sdelay $0x2  }
0x67c: {  	[hbm4b:s20+s11] =	stream.strided.scatter [tilespmem:s29], [sflag:$0x3], $0x1000, s12, s11, $0x38;
	[tilespmem:$0x1C700] =	vst v63  }
0x67d: {  	s21 =	simm.s32 $0x0  }
0x67e: {  	[tilespmem:s24], [sflag:$0x2] =	stream.linear.gather [hbm4b:s10+s21], $0x1000, $0x38;
	[tilespmem:$0x1C700] =	vst v63  }
0x67f: {  	_ =	swait.ge [sflag:s25], $0x1000  }
0x680: {  	[sflag:s25] =	ssyncset.done $0x0  }
0x681: {  	[sflag:s25] =	ssyncadd.s32 $0xFFFFF000  }
0x682: {  	_ =	swait.ge [sflag:s30], $0x1000  }
0x683: {  	[sflag:s30] =	ssyncset.done $0x0  }
0x684: {  	s0 =	simm.s32 $0x0;
	[sflag:s30] =	ssyncadd.s32 $0xFFFFF000  }
0x685: {  	v0 =	vld [tilespmem:s0+$0x18700]  }
0x686: {  	v1 =	vld [tilespmem:s0+$0x18770]  }
0x687: {  	v2 =	vld [tilespmem:s0+$0x18710]  }
0x688: {  	v3 =	vld [tilespmem:s0+$0x18720]  }
0x689: {  	v4 =	vld [tilespmem:s0+$0x18730]  }
0x68a: {  	v7 =	vld [tilespmem:s0+$0x18740]  }
0x68b: {  	v8 =	vld [tilespmem:s0+$0x18750]  }
0x68c: {  	v9 =	vld [tilespmem:s0+$0x18760]  }
0x68d: {  	v10 =	vld.idx.msk [tilespmem:v0+s1+$0x0], $0xffff  }
0x68e: {  	v0 =	vld.idx.msk [tilespmem:v1+s1+$0x0], $0xffff  }
0x68f: {  	v6 =	vld.idx.msk [tilespmem:v2+s1+$0x0], $0xffff  }
0x690: {  	v5 =	vld.idx.msk [tilespmem:v3+s1+$0x0], $0xffff  }
0x691: {  	v4 =	vld.idx.msk [tilespmem:v4+s1+$0x0], $0xffff  }
0x692: {  	v3 =	vld.idx.msk [tilespmem:v7+s1+$0x0], $0xffff  }
0x693: {  	v2 =	vld.idx.msk [tilespmem:v8+s1+$0x0], $0xffff  }
0x694: {  	s20 =	simm.s32 $0x80;
	v1 =	vld.idx.msk [tilespmem:v9+s1+$0x0], $0xffff;
	[tilespmem:s0+$0x1A770] =	vst v0  }
0x695: {  	s21 =	simm.s32 $0x400;
	v0 =	vld [tilespmem:s20+$0x18700];
	[tilespmem:s0+$0x1A700] =	vst v10  }
.LBB2_46:
0x696: {  	p0 =	sne.s32 s21, $0x3E00;
	v7 =	vld [tilespmem:s20+$0x18770];
	[tilespmem:s0+$0x1A710] =	vst v6  }
0x697: {  	v6 =	vld [tilespmem:s20+$0x18710];
	[tilespmem:s0+$0x1A720] =	vst v5  }
0x698: {  	v5 =	vld [tilespmem:s20+$0x18720];
	[tilespmem:s0+$0x1A730] =	vst v4  }
0x699: {  	v4 =	vld [tilespmem:s20+$0x18730];
	[tilespmem:s0+$0x1A740] =	vst v3  }
0x69a: {  	v3 =	vld [tilespmem:s20+$0x18740];
	[tilespmem:s0+$0x1A750] =	vst v2  }
0x69b: {  	v2 =	vld [tilespmem:s20+$0x18750];
	[tilespmem:s0+$0x1A760] =	vst v1;
	s0 =	smov.u32 s20  }
0x69c: {  	v1 =	vld [tilespmem:s0+$0x18760]  }
0x69d: {  	v8 =	vld.idx.msk [tilespmem:v0+s1+$0x0], $0xffff  }
0x69e: {  	v0 =	vld.idx.msk [tilespmem:v7+s1+$0x0], $0xffff  }
0x69f: {  	v6 =	vld.idx.msk [tilespmem:v6+s1+$0x0], $0xffff  }
0x6a0: {  	v5 =	vld.idx.msk [tilespmem:v5+s1+$0x0], $0xffff  }
.Ltmp22:
0x6a1: {  	v4 =	vld.idx.msk [tilespmem:v4+s1+$0x0], $0xffff;
	(pc) =	sbr.rel @p0 .LBB2_46-.Ltmp22, $4  }
0x6a2: {  	v3 =	vld.idx.msk [tilespmem:v3+s1+$0x0], $0xffff  }
0x6a3: {  	v2 =	vld.idx.msk [tilespmem:v2+s1+$0x0], $0xffff  }
0x6a4: {  	s20 =	sshra.s32 s21, $0x2;
	v1 =	vld.idx.msk [tilespmem:v1+s1+$0x0], $0xffff;
	[tilespmem:s0+$0x1A770] =	vst v0  }
0x6a5: {  	s21 =	sadd.s32 $0x200, s21;
	v0 =	vld [tilespmem:s20+$0x18700];
	[tilespmem:s0+$0x1A700] =	vst v8  }
0x6a6: {  	_ = 	snop  }
0x6a7: {  	v7 =	vld [tilespmem:s20+$0x18770];
	[tilespmem:s0+$0x1A710] =	vst v6  }
0x6a8: {  	v6 =	vld [tilespmem:s20+$0x18710];
	[tilespmem:s0+$0x1A720] =	vst v5  }
0x6a9: {  	v5 =	vld [tilespmem:s20+$0x18720];
	[tilespmem:s0+$0x1A730] =	vst v4  }
0x6aa: {  	v4 =	vld [tilespmem:s20+$0x18730];
	[tilespmem:s0+$0x1A740] =	vst v3  }
0x6ab: {  	v3 =	vld [tilespmem:s20+$0x18740];
	[tilespmem:s0+$0x1A750] =	vst v2  }
0x6ac: {  	v2 =	vld [tilespmem:s20+$0x18750];
	[tilespmem:s0+$0x1A760] =	vst v1  }
0x6ad: {  	v1 =	vld [tilespmem:s20+$0x18760]  }
0x6ae: {  	v0 =	vld.idx.msk [tilespmem:v0+s1+$0x0], $0xffff  }
0x6af: {  	v7 =	vld.idx.msk [tilespmem:v7+s1+$0x0], $0xffff  }
0x6b0: {  	v6 =	vld.idx.msk [tilespmem:v6+s1+$0x0], $0xffff  }
0x6b1: {  	v5 =	vld.idx.msk [tilespmem:v5+s1+$0x0], $0xffff  }
0x6b2: {  	v4 =	vld.idx.msk [tilespmem:v4+s1+$0x0], $0xffff  }
0x6b3: {  	v3 =	vld.idx.msk [tilespmem:v3+s1+$0x0], $0xffff  }
0x6b4: {  	v2 =	vld.idx.msk [tilespmem:v2+s1+$0x0], $0xffff  }
0x6b5: {  	v1 =	vld.idx.msk [tilespmem:v1+s1+$0x0], $0xffff;
	[tilespmem:s20+$0x1A770] =	vst v7  }
0x6b6: {  	[tilespmem:s20+$0x1A700] =	vst v0  }
0x6b7: {  	[tilespmem:s20+$0x1A710] =	vst v6  }
0x6b8: {  	[tilespmem:s20+$0x1A720] =	vst v5  }
0x6b9: {  	[tilespmem:s20+$0x1A730] =	vst v4  }
0x6ba: {  	s21 =	sld [smem:$0x7FB];
	[tilespmem:s20+$0x1A740] =	vst v3  }
0x6bb: {  	[tilespmem:s20+$0x1A750] =	vst v2  }
0x6bc: {  	[tilespmem:s20+$0x1A760] =	vst v1  }
0x6bd: {  	[hbm4b:s21+s11] =	stream.strided.scatter [tilespmem:s28], [sflag:$0x3], $0x1000, s12, s11, $0x38;
	[tilespmem:$0x1C700] =	vst v63  }
0x6be: {  	_ =	swait.ge [sflag:s25], $0x1000  }
0x6bf: {  	[sflag:s25] =	ssyncset.done $0x0  }
0x6c0: {  	[sflag:s25] =	ssyncadd.s32 $0xFFFFF000  }
0x6c1: {  	_ =	swait.ge [sflag:s30], $0x1000  }
0x6c2: {  	[sflag:s30] =	ssyncset.done $0x0  }
0x6c3: {  	s0 =	simm.s32 $0x0;
	[sflag:s30] =	ssyncadd.s32 $0xFFFFF000  }
0x6c4: {  	v0 =	vld [tilespmem:s0+$0x19700]  }
0x6c5: {  	v1 =	vld [tilespmem:s0+$0x19770]  }
0x6c6: {  	v2 =	vld [tilespmem:s0+$0x19710]  }
0x6c7: {  	v3 =	vld [tilespmem:s0+$0x19720]  }
0x6c8: {  	v4 =	vld [tilespmem:s0+$0x19730]  }
0x6c9: {  	v7 =	vld [tilespmem:s0+$0x19740]  }
0x6ca: {  	v8 =	vld [tilespmem:s0+$0x19750]  }
0x6cb: {  	v9 =	vld [tilespmem:s0+$0x19760]  }
0x6cc: {  	v10 =	vld.idx.msk [tilespmem:v0+s1+$0x0], $0xffff  }
0x6cd: {  	v0 =	vld.idx.msk [tilespmem:v1+s1+$0x0], $0xffff  }
0x6ce: {  	v6 =	vld.idx.msk [tilespmem:v2+s1+$0x0], $0xffff  }
0x6cf: {  	v5 =	vld.idx.msk [tilespmem:v3+s1+$0x0], $0xffff  }
0x6d0: {  	v4 =	vld.idx.msk [tilespmem:v4+s1+$0x0], $0xffff  }
0x6d1: {  	v3 =	vld.idx.msk [tilespmem:v7+s1+$0x0], $0xffff  }
0x6d2: {  	v2 =	vld.idx.msk [tilespmem:v8+s1+$0x0], $0xffff  }
0x6d3: {  	s20 =	simm.s32 $0x80;
	v1 =	vld.idx.msk [tilespmem:v9+s1+$0x0], $0xffff;
	[tilespmem:s0+$0x1B770] =	vst v0  }
0x6d4: {  	s21 =	simm.s32 $0x400;
	v0 =	vld [tilespmem:s20+$0x19700];
	[tilespmem:s0+$0x1B700] =	vst v10  }
.LBB2_48:
0x6d5: {  	p0 =	sne.s32 s21, $0x3E00;
	v7 =	vld [tilespmem:s20+$0x19770];
	[tilespmem:s0+$0x1B710] =	vst v6  }
0x6d6: {  	v6 =	vld [tilespmem:s20+$0x19710];
	[tilespmem:s0+$0x1B720] =	vst v5  }
0x6d7: {  	v5 =	vld [tilespmem:s20+$0x19720];
	[tilespmem:s0+$0x1B730] =	vst v4  }
0x6d8: {  	v4 =	vld [tilespmem:s20+$0x19730];
	[tilespmem:s0+$0x1B740] =	vst v3  }
0x6d9: {  	v3 =	vld [tilespmem:s20+$0x19740];
	[tilespmem:s0+$0x1B750] =	vst v2  }
0x6da: {  	v2 =	vld [tilespmem:s20+$0x19750];
	[tilespmem:s0+$0x1B760] =	vst v1;
	s0 =	smov.u32 s20  }
0x6db: {  	v1 =	vld [tilespmem:s0+$0x19760]  }
0x6dc: {  	v8 =	vld.idx.msk [tilespmem:v0+s1+$0x0], $0xffff  }
0x6dd: {  	v0 =	vld.idx.msk [tilespmem:v7+s1+$0x0], $0xffff  }
0x6de: {  	v6 =	vld.idx.msk [tilespmem:v6+s1+$0x0], $0xffff  }
0x6df: {  	v5 =	vld.idx.msk [tilespmem:v5+s1+$0x0], $0xffff  }
.Ltmp23:
0x6e0: {  	v4 =	vld.idx.msk [tilespmem:v4+s1+$0x0], $0xffff;
	(pc) =	sbr.rel @p0 .LBB2_48-.Ltmp23, $4  }
0x6e1: {  	v3 =	vld.idx.msk [tilespmem:v3+s1+$0x0], $0xffff  }
0x6e2: {  	v2 =	vld.idx.msk [tilespmem:v2+s1+$0x0], $0xffff  }
0x6e3: {  	s20 =	sshra.s32 s21, $0x2;
	v1 =	vld.idx.msk [tilespmem:v1+s1+$0x0], $0xffff;
	[tilespmem:s0+$0x1B770] =	vst v0  }
0x6e4: {  	s21 =	sadd.s32 $0x200, s21;
	v0 =	vld [tilespmem:s20+$0x19700];
	[tilespmem:s0+$0x1B700] =	vst v8  }
0x6e5: {  	_ = 	snop  }
0x6e6: {  	v7 =	vld [tilespmem:s20+$0x19770];
	[tilespmem:s0+$0x1B710] =	vst v6  }
0x6e7: {  	v6 =	vld [tilespmem:s20+$0x19710];
	[tilespmem:s0+$0x1B720] =	vst v5  }
0x6e8: {  	v5 =	vld [tilespmem:s20+$0x19720];
	[tilespmem:s0+$0x1B730] =	vst v4  }
0x6e9: {  	v4 =	vld [tilespmem:s20+$0x19730];
	[tilespmem:s0+$0x1B740] =	vst v3  }
0x6ea: {  	v3 =	vld [tilespmem:s20+$0x19740];
	[tilespmem:s0+$0x1B750] =	vst v2  }
0x6eb: {  	v2 =	vld [tilespmem:s20+$0x19750];
	[tilespmem:s0+$0x1B760] =	vst v1  }
0x6ec: {  	v1 =	vld [tilespmem:s20+$0x19760]  }
0x6ed: {  	v0 =	vld.idx.msk [tilespmem:v0+s1+$0x0], $0xffff  }
0x6ee: {  	v7 =	vld.idx.msk [tilespmem:v7+s1+$0x0], $0xffff  }
0x6ef: {  	v6 =	vld.idx.msk [tilespmem:v6+s1+$0x0], $0xffff  }
0x6f0: {  	v5 =	vld.idx.msk [tilespmem:v5+s1+$0x0], $0xffff  }
0x6f1: {  	v4 =	vld.idx.msk [tilespmem:v4+s1+$0x0], $0xffff  }
0x6f2: {  	v3 =	vld.idx.msk [tilespmem:v3+s1+$0x0], $0xffff  }
0x6f3: {  	v2 =	vld.idx.msk [tilespmem:v2+s1+$0x0], $0xffff  }
0x6f4: {  	v1 =	vld.idx.msk [tilespmem:v1+s1+$0x0], $0xffff;
	[tilespmem:s20+$0x1B770] =	vst v7  }
0x6f5: {  	[tilespmem:s20+$0x1B700] =	vst v0  }
0x6f6: {  	[tilespmem:s20+$0x1B710] =	vst v6  }
0x6f7: {  	[tilespmem:s20+$0x1B720] =	vst v5  }
0x6f8: {  	[tilespmem:s20+$0x1B730] =	vst v4  }
0x6f9: {  	[tilespmem:s20+$0x1B740] =	vst v3  }
0x6fa: {  	[tilespmem:s20+$0x1B750] =	vst v2  }
0x6fb: {  	[tilespmem:s20+$0x1B760] =	vst v1;
	s20 =	sld [smem:$0x7FC];
	_ =	sdelay $0x2  }
0x6fc: {  	[hbm4b:s20+s11] =	stream.strided.scatter [tilespmem:s29], [sflag:$0x3], $0x1000, s12, s11, $0x38;
	[tilespmem:$0x1C700] =	vst v63  }
0x6fd: {  	_ =	swait.ge [sflag:s30], $0x1000  }
0x6fe: {  	[sflag:s30] =	ssyncset.done $0x0  }
0x6ff: {  	[sflag:s30] =	ssyncadd.s32 $0xFFFFF000  }
0x700: {  	_ =	swait.ge [sflag:s30], $0x1000  }
0x701: {  	s21 =	sld [smem:$0x7FD];
	_ =	sdelay $0x1  }
0x702: {  	s31 =	sadd.s32 $0x1, s31  }
0x703: {  	p0 =	sne.s32 s31, s21  }
.Ltmp24:
0x704: {  	_ = 	snop;
	(pc) =	sbr.rel @p0 .LBB2_1-.Ltmp24, $3  }
0x705: {  	_ =	sdelay $0x1  }
0x706: {  	[sflag:s30] =	ssyncset.done $0x0  }
0x707: {  	[sflag:s30] =	ssyncadd.s32 $0xFFFFF000  }
0x708: {  	_ =	sfence.sel $0x180000  }
0x709: {  	[bflag:$0x0] =	sbarrier.arrive $0xFFFF  }
0x70a: {  	_ =	strace $0x90000047  }
0x70b: {  	s0 =	stileid.u32;
	[bflag:$0x2] =	sbarrier.arrive $0xFFFF  }
0x70c: {  	p0 =	sne.s32 s0, $0x0;
	s0 =	rddreg [dreg:$0x8]  }
0x70d: {  	s0 =	sadd.s32 @!p0 $0x100000, s0  }
0x70e: {  	[sflag:s0] =	ssyncadd.tile.s32 @!p0 $0x1;
	_ =	shalt  }
.Lfunc_end2:
_tile_overlayer_lowered:
.L_overlay_start_2:
0x70f: {  	(tag) =	ssettag $0x2  }
0x710: {  	s0 =	rddreg [dreg:$0x0];
	s2 =	stileid.u32  }
0x711: {  	s1 =	rddreg [dreg:$0x1];
	p0 =	sne.s32 s2, $0x0  }
0x712: {  	s3 =	rddreg [dreg:$0x2];
	[bflag:$0x3] =	sbarrier.arrive $0xFFFF;
	s2 =	simm.s32 @!p0 $0x1C04  }
0x713: {  	[timem:s3], [sflag:s2] =	dma.local @!p0 [hbm:s0], s1  }
0x714: {  	s0 =	simm.s32 @!p0 $0x4  }
0x715: {  	_ =	swait.ge @!p0 [sflag:s0], s1  }
0x716: {  	s1 =	ssub.s32 @!p0 $0x0, s1;
	[sflag:s0] =	ssyncset.done @!p0 $0x0  }
0x717: {  	[sflag:s0] =	ssyncadd.s32 @!p0 s1  }
0x718: {  	[bflag:$0x3] =	sbarrier.arrive $0xFFFF  }
0x719: {  	_ =	shalt  }

</sc_bundles>
